<compile_context>
chip_gen: v7x
topology: tpu7x:2x2x1
jax: 0.10.2.dev20260603
libtpu: 0.0.44.dev20260713+nightly
codegen_flags: <defaults>
</compile_context>

<pallas_src>
import functools

import jax
import jax.numpy as jnp
from jax import lax
from jax.experimental import pallas as pl
from jax.experimental.pallas import tpu as pltpu
from jax.experimental.pallas import tpu_sc as plsc

N = 10000
E = 320000
H = 128
G = 128

_NC = 2
_NS = 16
_NW = _NC * _NS
_CH = 80
_NCK = 125
_RPS = 624
_RTAIL = N - _NS * _RPS


def _make_seg_sum():
    mesh = plsc.VectorSubcoreMesh(core_axis_name="c", subcore_axis_name="s")

    @functools.partial(
        pl.kernel,
        mesh=mesh,
        out_type=jax.ShapeDtypeStruct((_NC, N, H), jnp.float32),
        scratch_types=[
            pltpu.VMEM((_NCK * _CH,), jnp.int32),
            pltpu.VMEM((_CH,), jnp.int32),
            pltpu.VMEM((_CH,), jnp.int32),
            pltpu.VMEM((_CH,), jnp.int32),
            pltpu.VMEM((_CH, H), jnp.float32),
            pltpu.VMEM((_CH, H), jnp.float32),
            pltpu.VMEM((_CH, H), jnp.float32),
            pltpu.VMEM_SHARED((N, H), jnp.float32),
            pltpu.SemaphoreType.DMA,
            pltpu.SemaphoreType.DMA,
            pltpu.SemaphoreType.DMA,
            pltpu.SemaphoreType.DMA,
            pltpu.SemaphoreType.DMA,
            pltpu.SemaphoreType.DMA,
        ],
    )
    def seg(h_hbm, src3_hbm, dst3_hbm, out_hbm,
            sidx, didx0, didx1, didx2, rows0, rows1, rows2, acc,
            semg0, semg1, semg2, semd0, semd1, semd2):
        cid = lax.axis_index("c")
        sid = lax.axis_index("s")
        wid = cid * _NS + sid
        r0 = sid * _RPS
        c1 = pltpu.async_copy(src3_hbm.at[pl.ds(wid * _NCK * _CH, _NCK * _CH)],
                              sidx, semg0)
        c2 = pltpu.async_copy(dst3_hbm.at[pl.ds(wid * _NCK * _CH, _CH)],
                              didx0, semg1)
        c3 = pltpu.async_copy(h_hbm.at[pl.ds(r0, _RPS)],
                              acc.at[pl.ds(r0, _RPS)], semg0)

        @pl.when(sid == 0)
        def _():
            pltpu.async_copy(h_hbm.at[pl.ds(_NS * _RPS, _RTAIL)],
                             acc.at[pl.ds(_NS * _RPS, _RTAIL)], semg1).wait()

        c1.wait()
        c2.wait()
        c3.wait()
        plsc.subcore_barrier()

        ebase = wid * _NCK * _CH
        bufs = ((didx0, rows0, semg0, semd0),
                (didx1, rows1, semg1, semd1),
                (didx2, rows2, semg2, semd2))

        def issue(c, p):
            di, ro, sg, sd = bufs[p]
            pltpu.async_copy(dst3_hbm.at[pl.ds(ebase + c * _CH, _CH)], di, sd)
            pltpu.async_copy(h_hbm.at[sidx.at[pl.ds(c * _CH, _CH)]], ro, sg)

        def drain(c, p):
            di, ro, sg, sd = bufs[p]
            pltpu.make_async_copy(dst3_hbm.at[pl.ds(ebase + c * _CH, _CH)], di, sd).wait()
            pltpu.make_async_copy(h_hbm.at[sidx.at[pl.ds(c * _CH, _CH)]], ro, sg).wait()
            pltpu.sync_copy(ro, acc.at[di], add=True)

        for p in range(3):
            issue(p, p)

        def body(j, carry):
            c0 = 3 * j
            for p in range(3):
                drain(c0 + p, p)
                issue(c0 + p + 3, p)
            return carry

        lax.fori_loop(0, (_NCK - 5) // 3, body, 0)

        for i in range(5):
            c = _NCK - 5 + i
            drain(c, c % 3)
            if c + 3 <= _NCK - 1:
                issue(c + 3, (c + 3) % 3)

        plsc.subcore_barrier()
        pltpu.sync_copy(acc.at[pl.ds(r0, _RPS)], out_hbm.at[cid, pl.ds(r0, _RPS)])

        @pl.when(sid == 0)
        def _():
            pltpu.sync_copy(acc.at[pl.ds(_NS * _RPS, _RTAIL)],
                            out_hbm.at[cid, pl.ds(_NS * _RPS, _RTAIL)])

    return seg


_seg_sum = _make_seg_sum()


_R = 2000


def _proj_body(x_ref, w_ref, b_ref, o_ref):
    acc = jnp.dot(x_ref[...], w_ref[...], preferred_element_type=jnp.float32)
    o_ref[...] = jnp.maximum(acc + b_ref[...], 0.0)


def _proj(x, w, b):
    return pl.pallas_call(
        _proj_body,
        grid=(N // _R,),
        in_specs=[
            pl.BlockSpec((_R, H), lambda i: (i, 0)),
            pl.BlockSpec((H, H), lambda i: (0, 0)),
            pl.BlockSpec((1, H), lambda i: (0, 0)),
        ],
        out_specs=pl.BlockSpec((_R, H), lambda i: (i, 0)),
        out_shape=jax.ShapeDtypeStruct((N, H), jnp.float32),
    )(x, w, b)


def _mlp_body(eps_ref, h_ref, a_ref, w1_ref, b1_ref, w2_ref, b2_ref,
              w3_ref, b3_ref, o_ref, *, residual):
    h = h_ref[...]
    eps = eps_ref[0]
    m = (eps - 1.0) * h + a_ref[0] + a_ref[1]
    m = jnp.dot(m, w1_ref[...], preferred_element_type=jnp.float32) + b1_ref[...]
    m = jnp.maximum(m, 0.0)
    m = jnp.dot(m, w2_ref[...], preferred_element_type=jnp.float32) + b2_ref[...]
    m = jnp.maximum(m, 0.0)
    m = jnp.dot(m, w3_ref[...], preferred_element_type=jnp.float32) + b3_ref[...]
    hn = jnp.maximum(m, 0.0)
    o_ref[...] = h + hn if residual else hn


def _mlp(h, agg2, eps, w1, b1, w2, b2, w3, b3, residual):
    body = functools.partial(_mlp_body, residual=residual)
    return pl.pallas_call(
        body,
        grid=(N // _R,),
        in_specs=[
            pl.BlockSpec(memory_space=pltpu.SMEM),
            pl.BlockSpec((_R, H), lambda i: (i, 0)),
            pl.BlockSpec((_NC, _R, H), lambda i: (0, i, 0)),
            pl.BlockSpec((H, 3 * H), lambda i: (0, 0)),
            pl.BlockSpec((1, 3 * H), lambda i: (0, 0)),
            pl.BlockSpec((3 * H, 2 * H), lambda i: (0, 0)),
            pl.BlockSpec((1, 2 * H), lambda i: (0, 0)),
            pl.BlockSpec((2 * H, H), lambda i: (0, 0)),
            pl.BlockSpec((1, H), lambda i: (0, 0)),
        ],
        out_specs=pl.BlockSpec((_R, H), lambda i: (i, 0)),
        out_shape=jax.ShapeDtypeStruct((N, H), jnp.float32),
    )(eps, h, agg2, w1, b1, w2, b2, w3, b3)


def _pool_body(h_ref, b_ref, w1_ref, b1_ref, w2_ref, b2_ref, w3_ref, b3_ref,
               o_ref, pmax_ref):
    h = h_ref[...]
    bid = b_ref[...]
    gids = lax.broadcasted_iota(jnp.int32, (N, G), 1)
    oh = (bid == gids).astype(jnp.float32)
    psum = lax.dot_general(oh, h, (((0,), (0,)), ((), ())),
                           preferred_element_type=jnp.float32)
    cnt = jnp.sum(oh, axis=0)[:, None]
    pmean = psum / jnp.maximum(cnt, 1.0)

    def body(g, carry):
        mask = bid == g
        hm = jnp.where(mask, h, -jnp.inf)
        row = jnp.max(hm, axis=0)
        pmax_ref[pl.ds(g, 1), :] = row[None, :]
        return carry

    lax.fori_loop(0, G, body, 0)
    pmax = pmax_ref[...]
    pmax = jnp.where(jnp.isfinite(pmax), pmax, 0.0)
    ge = jnp.concatenate([psum, pmean, pmax], axis=1)
    f = jnp.dot(ge, w1_ref[...], preferred_element_type=jnp.float32) + b1_ref[...]
    f = jnp.maximum(f, 0.0)
    f = jnp.dot(f, w2_ref[...], preferred_element_type=jnp.float32) + b2_ref[...]
    f = jnp.maximum(f, 0.0)
    o_ref[...] = jnp.dot(f, w3_ref[...], preferred_element_type=jnp.float32) + b3_ref[...]


def _pool_cls(h, batch2d, w1, b1, w2, b2, w3, b3):
    return pl.pallas_call(
        _pool_body,
        out_shape=jax.ShapeDtypeStruct((G, 6), jnp.float32),
        scratch_shapes=[pltpu.VMEM((G, H), jnp.float32)],
    )(h, batch2d, w1, b1, w2, b2, w3, b3)


def kernel(x, edge_index, batch, params):
    inv_s = 1.0 / jnp.sqrt(jnp.float32(1.0) + 1e-5)

    def fold(w, b, g, be):
        scale = g * inv_s
        return w * scale[None, :], (b * scale + be)[None, :]

    src3 = edge_index[0]
    dst3 = edge_index[1]

    w_in, b_in = fold(params['in_W'], params['in_b'], params['in_g'], params['in_be'])
    h = _proj(x, w_in, b_in)

    for i in range(5):
        w1, b1 = fold(params['c%d_W1' % i], params['c%d_b1' % i],
                      params['c%d_g1' % i], params['c%d_be1' % i])
        w2, b2 = fold(params['c%d_W2' % i], params['c%d_b2' % i],
                      params['c%d_g2' % i], params['c%d_be2' % i])
        w3, b3 = fold(params['c%d_W3' % i], params['c%d_b3' % i],
                      params['n%d_g' % i], params['n%d_be' % i])
        eps = params['c%d_eps' % i].reshape(1)
        agg2 = _seg_sum(h, src3, dst3)
        h = _mlp(h, agg2, eps, w1, b1, w2, b2, w3, b3, residual=(i > 0))

    wc1, bc1 = fold(params['cl_W1'], params['cl_b1'], params['cl_g1'], params['cl_be1'])
    wc2, bc2 = fold(params['cl_W2'], params['cl_b2'], params['cl_g2'], params['cl_be2'])
    fw = params['f_W']
    fb = params['f_b'][None, :]
    return _pool_cls(h, batch.reshape(N, 1), wc1, bc1, wc2, bc2, fw, fb)

# --- scband reference (transcript-rebuilt; emitter-appended) ---
"""Pipeline reference for scband-noise-robust-ginclassifier-64536178590373 (READ-ONLY COPY).

The authoritative reference and input builder live on the scoring server;
editing this copy changes nothing except your own understanding.
"""

import jax, jax.numpy as jnp
import numpy as np

N = 10000
E = 320000
D = 128
H = 128
G = 128
L = 5

def _glorot(key, shape):
    lim = float(np.sqrt(6.0 / (shape[0] + shape[1])))
    return jax.random.uniform(key, shape, minval=-lim, maxval=lim, dtype=jnp.float32)

def _make_params(key):
    ks = iter(jax.random.split(key, 40))
    p = {}
    p['in_W'] = _glorot(next(ks), (D, H)); p['in_b'] = jnp.zeros((H,), jnp.float32)
    p['in_g'] = jnp.ones((H,), jnp.float32); p['in_be'] = jnp.zeros((H,), jnp.float32)
    for i in range(L):
        p['c%d_W1' % i] = _glorot(next(ks), (H, 3 * H)); p['c%d_b1' % i] = jnp.zeros((3 * H,), jnp.float32)
        p['c%d_g1' % i] = jnp.ones((3 * H,), jnp.float32); p['c%d_be1' % i] = jnp.zeros((3 * H,), jnp.float32)
        p['c%d_W2' % i] = _glorot(next(ks), (3 * H, 2 * H)); p['c%d_b2' % i] = jnp.zeros((2 * H,), jnp.float32)
        p['c%d_g2' % i] = jnp.ones((2 * H,), jnp.float32); p['c%d_be2' % i] = jnp.zeros((2 * H,), jnp.float32)
        p['c%d_W3' % i] = _glorot(next(ks), (2 * H, H)); p['c%d_b3' % i] = jnp.zeros((H,), jnp.float32)
        p['c%d_eps' % i] = jnp.zeros((), jnp.float32)
        p['n%d_g' % i] = jnp.ones((H,), jnp.float32); p['n%d_be' % i] = jnp.zeros((H,), jnp.float32)
    p['cl_W1'] = _glorot(next(ks), (3 * H, H)); p['cl_b1'] = jnp.zeros((H,), jnp.float32)
    p['cl_g1'] = jnp.ones((H,), jnp.float32); p['cl_be1'] = jnp.zeros((H,), jnp.float32)
    p['cl_W2'] = _glorot(next(ks), (H, H // 2)); p['cl_b2'] = jnp.zeros((H // 2,), jnp.float32)
    p['cl_g2'] = jnp.ones((H // 2,), jnp.float32); p['cl_be2'] = jnp.zeros((H // 2,), jnp.float32)
    p['f_W'] = _glorot(next(ks), (H // 2, 6)); p['f_b'] = jnp.zeros((6,), jnp.float32)
    return p

def setup_inputs(seed: int = 0):
    key = jax.random.key(seed)
    k1, k2, k3, k4 = jax.random.split(key, 4)
    x = jax.random.normal(k1, (N, D), dtype=jnp.float32)
    edge_index = jax.random.randint(k2, (2, E), 0, N, dtype=jnp.int32)
    batch = jnp.sort(jax.random.randint(k3, (N,), 0, G, dtype=jnp.int32))
    params = _make_params(k4)
    return {'x': x, 'edge_index': edge_index, 'batch': batch, 'params': params}

def _bn(h, g, b):
    # eval-mode BatchNorm with running_mean=0, running_var=1
    return g * (h / jnp.sqrt(1.0 + 1e-5)) + b

def _forward(x, edge_index, batch, params):
    src = edge_index[0]
    dst = edge_index[1]
    # input_proj (dropout inactive in eval)
    h = _bn(x @ params['in_W'] + params['in_b'], params['in_g'], params['in_be'])
    h = jax.nn.relu(h)
    for i in range(L):
        # GINConv: mlp((1+eps)*x + sum_{j in N(i)} x_j)
        agg = jax.ops.segment_sum(h[src], dst, num_segments=N)
        m = (1.0 + params['c%d_eps' % i]) * h + agg
        m = jax.nn.relu(_bn(m @ params['c%d_W1' % i] + params['c%d_b1' % i], params['c%d_g1' % i], params['c%d_be1' % i]))
        m = jax.nn.relu(_bn(m @ params['c%d_W2' % i] + params['c%d_b2' % i], params['c%d_g2' % i], params['c%d_be2' % i]))
        m = m @ params['c%d_W3' % i] + params['c%d_b3' % i]
        hn = jax.nn.relu(_bn(m, params['n%d_g' % i], params['n%d_be' % i]))
        h = h + hn if i > 0 else hn
    # triple pooling: add, mean, max per graph
    psum = jax.ops.segment_sum(h, batch, num_segments=G)
    cnt = jax.ops.segment_sum(jnp.ones((N, 1), dtype=h.dtype), batch, num_segments=G)
    pmean = psum / jnp.maximum(cnt, 1.0)
    pmax = jax.ops.segment_max(h, batch, num_segments=G)
    pmax = jnp.where(jnp.isfinite(pmax), pmax, 0.0)
    ge = jnp.concatenate([psum, pmean, pmax], axis=1)
    f = jax.nn.relu(_bn(ge @ params['cl_W1'] + params['cl_b1'], params['cl_g1'], params['cl_be1']))
    f = jax.nn.relu(_bn(f @ params['cl_W2'] + params['cl_b2'], params['cl_g2'], params['cl_be2']))
    logits = f @ params['f_W'] + params['f_b']
    return logits

def reference(x, edge_index, batch, params):
    return _forward(x, edge_index, batch, params)

if __name__ == "__main__":
    import jax
    _d = setup_inputs()
    print(jax.jit(kernel)(*tuple(_d.values())))

</pallas_src>

<mosaic_0001>
#map = affine_map<(d0, d1) -> (0, 0)>
#map1 = affine_map<(d0, d1) -> (0)>
#map2 = affine_map<(d0, d1) -> (0, 0, 0)>
module attributes {stable_mosaic.version = 14 : i64} {
  func.func @seg(%arg0: i32, %arg1: i32, %arg2: memref<10000x128xf32, #tpu.memory_space<hbm>>, %arg3: memref<320000xi32, #tpu.memory_space<hbm>>, %arg4: memref<320000xi32, #tpu.memory_space<hbm>>, %arg5: memref<2x10000x128xf32, #tpu.memory_space<hbm>>, %arg6: memref<10000xi32, #tpu.memory_space<vmem>>, %arg7: memref<80xi32, #tpu.memory_space<vmem>>, %arg8: memref<80xi32, #tpu.memory_space<vmem>>, %arg9: memref<80xi32, #tpu.memory_space<vmem>>, %arg10: memref<80x128xf32, #tpu.memory_space<vmem>>, %arg11: memref<80x128xf32, #tpu.memory_space<vmem>>, %arg12: memref<80x128xf32, #tpu.memory_space<vmem>>, %arg13: memref<10000x128xf32, #tpu.memory_space<vmem_shared>>, %arg14: memref<!tpu.dma_semaphore, #tpu.memory_space<semaphore_mem>>, %arg15: memref<!tpu.dma_semaphore, #tpu.memory_space<semaphore_mem>>, %arg16: memref<!tpu.dma_semaphore, #tpu.memory_space<semaphore_mem>>, %arg17: memref<!tpu.dma_semaphore, #tpu.memory_space<semaphore_mem>>, %arg18: memref<!tpu.dma_semaphore, #tpu.memory_space<semaphore_mem>>, %arg19: memref<!tpu.dma_semaphore, #tpu.memory_space<semaphore_mem>>) attributes {dimension_semantics = [#tpu.dimension_semantics<core_parallel>, #tpu.dimension_semantics<subcore_parallel>], iteration_bounds = array<i64: 2, 16>, scalar_prefetch = 0 : i64, scratch_operands = 14 : i64, tpu.core_type = #tpu.core_type<sc_vector_subcore>, window_params = [{transform_indices = #map}, {transform_indices = #map1}, {transform_indices = #map1}, {transform_indices = #map2}]} {
    %mul3A = arith.constant 16 : i32
    %mul3A_0 = arith.muli %arg0, %mul3A : i32
    %add3A = arith.addi %mul3A_0, %arg1 : i32
    %mul3A_1 = arith.constant 624 : i32
    %mul3A_2 = arith.muli %arg1, %mul3A_1 : i32
    %mul3A_3 = arith.constant 125 : i32
    %mul3A_4 = arith.muli %add3A, %mul3A_3 : i32
    %mul3A_5 = arith.constant 80 : i32
    %mul3A_6 = arith.muli %mul3A_4, %mul3A_5 : i32
    %dma_start3A = tpu.memref_slice %arg3[%mul3A_6] : memref<320000xi32, #tpu.memory_space<hbm>> -> memref<10000xi32, #tpu.memory_space<hbm>>
    %dma_start3A_7 = tpu.memref_slice %arg3[%mul3A_6] : memref<320000xi32, #tpu.memory_space<hbm>> -> memref<10000xi32, #tpu.memory_space<hbm>>
    tpu.enqueue_dma source(%dma_start3A_7 : memref<10000xi32, #tpu.memory_space<hbm>>) target(%arg6 : memref<10000xi32, #tpu.memory_space<vmem>>) target_semaphore(%arg14 : memref<!tpu.dma_semaphore, #tpu.memory_space<semaphore_mem>>)
    %mul3A_8 = arith.constant 125 : i32
    %mul3A_9 = arith.muli %add3A, %mul3A_8 : i32
    %mul3A_10 = arith.constant 80 : i32
    %mul3A_11 = arith.muli %mul3A_9, %mul3A_10 : i32
    %dma_start3A_12 = tpu.memref_slice %arg4[%mul3A_11] : memref<320000xi32, #tpu.memory_space<hbm>> -> memref<80xi32, #tpu.memory_space<hbm>>
    %dma_start3A_13 = tpu.memref_slice %arg4[%mul3A_11] : memref<320000xi32, #tpu.memory_space<hbm>> -> memref<80xi32, #tpu.memory_space<hbm>>
    tpu.enqueue_dma source(%dma_start3A_13 : memref<80xi32, #tpu.memory_space<hbm>>) target(%arg7 : memref<80xi32, #tpu.memory_space<vmem>>) target_semaphore(%arg15 : memref<!tpu.dma_semaphore, #tpu.memory_space<semaphore_mem>>)
    %dma_start3A_14 = arith.constant 0 : i32
    %dma_start3A_15 = tpu.memref_slice %arg13[%mul3A_2, %dma_start3A_14] : memref<10000x128xf32, #tpu.memory_space<vmem_shared>> -> memref<624x128xf32, #tpu.memory_space<vmem_shared>>
    %dma_start3A_16 = arith.constant 0 : i32
    %dma_start3A_17 = tpu.memref_slice %arg2[%mul3A_2, %dma_start3A_16] : memref<10000x128xf32, #tpu.memory_space<hbm>> -> memref<624x128xf32, #tpu.memory_space<hbm>>
    tpu.enqueue_dma source(%dma_start3A_17 : memref<624x128xf32, #tpu.memory_space<hbm>>) target(%dma_start3A_15 : memref<624x128xf32, #tpu.memory_space<vmem_shared>>) target_semaphore(%arg14 : memref<!tpu.dma_semaphore, #tpu.memory_space<semaphore_mem>>)
    %eq3A = arith.constant 0 : i32
    %eq3A_18 = arith.cmpi eq, %arg1, %eq3A : i32
    %convert_element_type3A = arith.extui %eq3A_18 : i1 to i32
    %cond3A = arith.constant 0 : i32
    %cond3A_19 = arith.cmpi ne, %convert_element_type3A, %cond3A : i32
    scf.if %cond3A_19 {
      %dma_start3A_132 = arith.constant 9984 : i32
      %dma_start3A_133 = arith.constant 0 : i32
      %dma_start3A_134 = tpu.memref_slice %arg13[%dma_start3A_132, %dma_start3A_133] : memref<10000x128xf32, #tpu.memory_space<vmem_shared>> -> memref<16x128xf32, #tpu.memory_space<vmem_shared>>
      %dma_start3A_135 = arith.constant 9984 : i32
      %dma_start3A_136 = arith.constant 0 : i32
      %dma_start3A_137 = tpu.memref_slice %arg2[%dma_start3A_135, %dma_start3A_136] : memref<10000x128xf32, #tpu.memory_space<hbm>> -> memref<16x128xf32, #tpu.memory_space<hbm>>
      tpu.enqueue_dma source(%dma_start3A_137 : memref<16x128xf32, #tpu.memory_space<hbm>>) target(%dma_start3A_134 : memref<16x128xf32, #tpu.memory_space<vmem_shared>>) target_semaphore(%arg15 : memref<!tpu.dma_semaphore, #tpu.memory_space<semaphore_mem>>)
      %dma_wait3A_138 = arith.constant 9984 : i32
      %dma_wait3A_139 = arith.constant 0 : i32
      %dma_wait3A_140 = tpu.memref_slice %arg13[%dma_wait3A_138, %dma_wait3A_139] : memref<10000x128xf32, #tpu.memory_space<vmem_shared>> -> memref<16x128xf32, #tpu.memory_space<vmem_shared>>
      %dma_wait3A_141 = arith.constant 9984 : i32
      %dma_wait3A_142 = arith.constant 0 : i32
      %dma_wait3A_143 = tpu.memref_slice %arg2[%dma_wait3A_141, %dma_wait3A_142] : memref<10000x128xf32, #tpu.memory_space<hbm>> -> memref<16x128xf32, #tpu.memory_space<hbm>>
      tpu.wait_dma2 semaphore(%arg15 : memref<!tpu.dma_semaphore, #tpu.memory_space<semaphore_mem>>) src(%dma_wait3A_143 : memref<16x128xf32, #tpu.memory_space<hbm>>) dst(%dma_wait3A_140 : memref<16x128xf32, #tpu.memory_space<vmem_shared>>)
    } else {
    }
    %dma_wait3A = tpu.memref_slice %arg3[%mul3A_6] : memref<320000xi32, #tpu.memory_space<hbm>> -> memref<10000xi32, #tpu.memory_space<hbm>>
    %dma_wait3A_20 = tpu.memref_slice %arg3[%mul3A_6] : memref<320000xi32, #tpu.memory_space<hbm>> -> memref<10000xi32, #tpu.memory_space<hbm>>
    tpu.wait_dma2 semaphore(%arg14 : memref<!tpu.dma_semaphore, #tpu.memory_space<semaphore_mem>>) src(%dma_wait3A_20 : memref<10000xi32, #tpu.memory_space<hbm>>) dst(%arg6 : memref<10000xi32, #tpu.memory_space<vmem>>)
    %dma_wait3A_21 = tpu.memref_slice %arg4[%mul3A_11] : memref<320000xi32, #tpu.memory_space<hbm>> -> memref<80xi32, #tpu.memory_space<hbm>>
    %dma_wait3A_22 = tpu.memref_slice %arg4[%mul3A_11] : memref<320000xi32, #tpu.memory_space<hbm>> -> memref<80xi32, #tpu.memory_space<hbm>>
    tpu.wait_dma2 semaphore(%arg15 : memref<!tpu.dma_semaphore, #tpu.memory_space<semaphore_mem>>) src(%dma_wait3A_22 : memref<80xi32, #tpu.memory_space<hbm>>) dst(%arg7 : memref<80xi32, #tpu.memory_space<vmem>>)
    %dma_wait3A_23 = arith.constant 0 : i32
    %dma_wait3A_24 = tpu.memref_slice %arg13[%mul3A_2, %dma_wait3A_23] : memref<10000x128xf32, #tpu.memory_space<vmem_shared>> -> memref<624x128xf32, #tpu.memory_space<vmem_shared>>
    %dma_wait3A_25 = arith.constant 0 : i32
    %dma_wait3A_26 = tpu.memref_slice %arg2[%mul3A_2, %dma_wait3A_25] : memref<10000x128xf32, #tpu.memory_space<hbm>> -> memref<624x128xf32, #tpu.memory_space<hbm>>
    tpu.wait_dma2 semaphore(%arg14 : memref<!tpu.dma_semaphore, #tpu.memory_space<semaphore_mem>>) src(%dma_wait3A_26 : memref<624x128xf32, #tpu.memory_space<hbm>>) dst(%dma_wait3A_24 : memref<624x128xf32, #tpu.memory_space<vmem_shared>>)
    %barrier3A = arith.constant 0 : index
    tpu.barrier barrier_id(%barrier3A)
    %mul3A_27 = arith.constant 125 : i32
    %mul3A_28 = arith.muli %add3A, %mul3A_27 : i32
    %mul3A_29 = arith.constant 80 : i32
    %mul3A_30 = arith.muli %mul3A_28, %mul3A_29 : i32
    %add3A_31 = arith.constant 0 : i32
    %add3A_32 = arith.addi %mul3A_30, %add3A_31 : i32
    %dma_start3A_33 = tpu.memref_slice %arg4[%add3A_32] : memref<320000xi32, #tpu.memory_space<hbm>> -> memref<80xi32, #tpu.memory_space<hbm>>
    %dma_start3A_34 = tpu.memref_slice %arg4[%add3A_32] : memref<320000xi32, #tpu.memory_space<hbm>> -> memref<80xi32, #tpu.memory_space<hbm>>
    tpu.enqueue_dma source(%dma_start3A_34 : memref<80xi32, #tpu.memory_space<hbm>>) target(%arg7 : memref<80xi32, #tpu.memory_space<vmem>>) target_semaphore(%arg17 : memref<!tpu.dma_semaphore, #tpu.memory_space<semaphore_mem>>)
    %dma_start3A_35 = arith.constant 0 : i32
    %dma_start3A_36 = tpu.memref_slice %arg6[%dma_start3A_35] : memref<10000xi32, #tpu.memory_space<vmem>> -> memref<80xi32, #tpu.memory_space<vmem>>
    %dma_start3A_37 = arith.constant 0 : i32
    %dma_start3A_38 = arith.constant 0 : i32
    %dma_start3A_39 = tpu.memref_slice %arg2[%dma_start3A_37, %dma_start3A_38] : memref<10000x128xf32, #tpu.memory_space<hbm>> -> memref<10000x128xf32, #tpu.memory_space<hbm>>
    tpu.enqueue_indirect_dma source(%dma_start3A_39 : memref<10000x128xf32, #tpu.memory_space<hbm>>) target(%arg10 : memref<80x128xf32, #tpu.memory_space<vmem>>) offsets(%dma_start3A_36 : memref<80xi32, #tpu.memory_space<vmem>>) semaphore(%arg14 : memref<!tpu.dma_semaphore, #tpu.memory_space<semaphore_mem>>)
    %add3A_40 = arith.constant 80 : i32
    %add3A_41 = arith.addi %mul3A_30, %add3A_40 : i32
    %dma_start3A_42 = tpu.memref_slice %arg4[%add3A_41] : memref<320000xi32, #tpu.memory_space<hbm>> -> memref<80xi32, #tpu.memory_space<hbm>>
    %dma_start3A_43 = tpu.memref_slice %arg4[%add3A_41] : memref<320000xi32, #tpu.memory_space<hbm>> -> memref<80xi32, #tpu.memory_space<hbm>>
    tpu.enqueue_dma source(%dma_start3A_43 : memref<80xi32, #tpu.memory_space<hbm>>) target(%arg8 : memref<80xi32, #tpu.memory_space<vmem>>) target_semaphore(%arg18 : memref<!tpu.dma_semaphore, #tpu.memory_space<semaphore_mem>>)
    %dma_start3A_44 = arith.constant 80 : i32
    %dma_start3A_45 = tpu.memref_slice %arg6[%dma_start3A_44] : memref<10000xi32, #tpu.memory_space<vmem>> -> memref<80xi32, #tpu.memory_space<vmem>>
    %dma_start3A_46 = arith.constant 0 : i32
    %dma_start3A_47 = arith.constant 0 : i32
    %dma_start3A_48 = tpu.memref_slice %arg2[%dma_start3A_46, %dma_start3A_47] : memref<10000x128xf32, #tpu.memory_space<hbm>> -> memref<10000x128xf32, #tpu.memory_space<hbm>>
    tpu.enqueue_indirect_dma source(%dma_start3A_48 : memref<10000x128xf32, #tpu.memory_space<hbm>>) target(%arg11 : memref<80x128xf32, #tpu.memory_space<vmem>>) offsets(%dma_start3A_45 : memref<80xi32, #tpu.memory_space<vmem>>) semaphore(%arg15 : memref<!tpu.dma_semaphore, #tpu.memory_space<semaphore_mem>>)
    %add3A_49 = arith.constant 160 : i32
    %add3A_50 = arith.addi %mul3A_30, %add3A_49 : i32
    %dma_start3A_51 = tpu.memref_slice %arg4[%add3A_50] : memref<320000xi32, #tpu.memory_space<hbm>> -> memref<80xi32, #tpu.memory_space<hbm>>
    %dma_start3A_52 = tpu.memref_slice %arg4[%add3A_50] : memref<320000xi32, #tpu.memory_space<hbm>> -> memref<80xi32, #tpu.memory_space<hbm>>
    tpu.enqueue_dma source(%dma_start3A_52 : memref<80xi32, #tpu.memory_space<hbm>>) target(%arg9 : memref<80xi32, #tpu.memory_space<vmem>>) target_semaphore(%arg19 : memref<!tpu.dma_semaphore, #tpu.memory_space<semaphore_mem>>)
    %dma_start3A_53 = arith.constant 160 : i32
    %dma_start3A_54 = tpu.memref_slice %arg6[%dma_start3A_53] : memref<10000xi32, #tpu.memory_space<vmem>> -> memref<80xi32, #tpu.memory_space<vmem>>
    %dma_start3A_55 = arith.constant 0 : i32
    %dma_start3A_56 = arith.constant 0 : i32
    %dma_start3A_57 = tpu.memref_slice %arg2[%dma_start3A_55, %dma_start3A_56] : memref<10000x128xf32, #tpu.memory_space<hbm>> -> memref<10000x128xf32, #tpu.memory_space<hbm>>
    tpu.enqueue_indirect_dma source(%dma_start3A_57 : memref<10000x128xf32, #tpu.memory_space<hbm>>) target(%arg12 : memref<80x128xf32, #tpu.memory_space<vmem>>) offsets(%dma_start3A_54 : memref<80xi32, #tpu.memory_space<vmem>>) semaphore(%arg16 : memref<!tpu.dma_semaphore, #tpu.memory_space<semaphore_mem>>)
    %scan3A = arith.constant 0 : i32
    %scan3A_58 = arith.constant 0 : i32
    %scan3A_59 = arith.constant 40 : i32
    %scan3A_60 = arith.addi %scan3A_58, %scan3A_59 : i32
    %scan3A_61 = arith.constant 1 : i32
    scf.for %scan3A_132 = %scan3A_58 to %scan3A_60 step %scan3A_61  : i32 {
      %mul3A_133 = arith.constant 3 : i32
      %mul3A_134 = arith.muli %mul3A_133, %scan3A_132 : i32
      %add3A_135 = arith.constant 0 : i32
      %add3A_136 = arith.addi %mul3A_134, %add3A_135 : i32
      %mul3A_137 = arith.constant 80 : i32
      %mul3A_138 = arith.muli %add3A_136, %mul3A_137 : i32
      %add3A_139 = arith.addi %mul3A_30, %mul3A_138 : i32
      %dma_wait3A_140 = tpu.memref_slice %arg4[%add3A_139] : memref<320000xi32, #tpu.memory_space<hbm>> -> memref<80xi32, #tpu.memory_space<hbm>>
      %dma_wait3A_141 = tpu.memref_slice %arg4[%add3A_139] : memref<320000xi32, #tpu.memory_space<hbm>> -> memref<80xi32, #tpu.memory_space<hbm>>
      tpu.wait_dma2 semaphore(%arg17 : memref<!tpu.dma_semaphore, #tpu.memory_space<semaphore_mem>>) src(%dma_wait3A_141 : memref<80xi32, #tpu.memory_space<hbm>>) dst(%arg7 : memref<80xi32, #tpu.memory_space<vmem>>)
      %mul3A_142 = arith.constant 80 : i32
      %mul3A_143 = arith.muli %add3A_136, %mul3A_142 : i32
      %dma_wait3A_144 = tpu.memref_slice %arg6[%mul3A_143] : memref<10000xi32, #tpu.memory_space<vmem>> -> memref<80xi32, #tpu.memory_space<vmem>>
      %dma_wait3A_145 = arith.constant 0 : i32
      %dma_wait3A_146 = arith.constant 0 : i32
      %dma_wait3A_147 = tpu.memref_slice %arg2[%dma_wait3A_145, %dma_wait3A_146] : memref<10000x128xf32, #tpu.memory_space<hbm>> -> memref<10000x128xf32, #tpu.memory_space<hbm>>
      tpu.wait_indirect_dma semaphore(%arg14 : memref<!tpu.dma_semaphore, #tpu.memory_space<semaphore_mem>>) src(%dma_wait3A_147 : memref<10000x128xf32, #tpu.memory_space<hbm>>) dst(%arg10 : memref<80x128xf32, #tpu.memory_space<vmem>>)
      "tpu.region"() ({
        %run_scoped3A = tpu.sem_alloc : memref<!tpu.dma_semaphore, #tpu.memory_space<semaphore_mem>>
        %dma_start3A_219 = arith.constant 0 : i32
        %dma_start3A_220 = arith.constant 0 : i32
        %dma_start3A_221 = tpu.memref_slice %arg13[%dma_start3A_219, %dma_start3A_220] : memref<10000x128xf32, #tpu.memory_space<vmem_shared>> -> memref<10000x128xf32, #tpu.memory_space<vmem_shared>>
        tpu.enqueue_indirect_dma source(%arg10 : memref<80x128xf32, #tpu.memory_space<vmem>>) target(%dma_start3A_221 : memref<10000x128xf32, #tpu.memory_space<vmem_shared>>) offsets(%arg7 : memref<80xi32, #tpu.memory_space<vmem>>) semaphore(%run_scoped3A : memref<!tpu.dma_semaphore, #tpu.memory_space<semaphore_mem>>) {add = true}
        %dma_wait3A_222 = arith.constant 0 : i32
        %dma_wait3A_223 = arith.constant 0 : i32
        %dma_wait3A_224 = tpu.memref_slice %arg13[%dma_wait3A_222, %dma_wait3A_223] : memref<10000x128xf32, #tpu.memory_space<vmem_shared>> -> memref<10000x128xf32, #tpu.memory_space<vmem_shared>>
        tpu.wait_indirect_dma semaphore(%run_scoped3A : memref<!tpu.dma_semaphore, #tpu.memory_space<semaphore_mem>>) src(%arg10 : memref<80x128xf32, #tpu.memory_space<vmem>>) dst(%dma_wait3A_224 : memref<10000x128xf32, #tpu.memory_space<vmem_shared>>)
        tpu.yield
      }) : () -> ()
      %add3A_148 = arith.constant 0 : i32
      %add3A_149 = arith.addi %mul3A_134, %add3A_148 : i32
      %add3A_150 = arith.constant 3 : i32
      %add3A_151 = arith.addi %add3A_149, %add3A_150 : i32
      %mul3A_152 = arith.constant 80 : i32
      %mul3A_153 = arith.muli %add3A_151, %mul3A_152 : i32
      %add3A_154 = arith.addi %mul3A_30, %mul3A_153 : i32
      %dma_start3A_155 = tpu.memref_slice %arg4[%add3A_154] : memref<320000xi32, #tpu.memory_space<hbm>> -> memref<80xi32, #tpu.memory_space<hbm>>
      %dma_start3A_156 = tpu.memref_slice %arg4[%add3A_154] : memref<320000xi32, #tpu.memory_space<hbm>> -> memref<80xi32, #tpu.memory_space<hbm>>
      tpu.enqueue_dma source(%dma_start3A_156 : memref<80xi32, #tpu.memory_space<hbm>>) target(%arg7 : memref<80xi32, #tpu.memory_space<vmem>>) target_semaphore(%arg17 : memref<!tpu.dma_semaphore, #tpu.memory_space<semaphore_mem>>)
      %mul3A_157 = arith.constant 80 : i32
      %mul3A_158 = arith.muli %add3A_151, %mul3A_157 : i32
      %dma_start3A_159 = tpu.memref_slice %arg6[%mul3A_158] : memref<10000xi32, #tpu.memory_space<vmem>> -> memref<80xi32, #tpu.memory_space<vmem>>
      %dma_start3A_160 = arith.constant 0 : i32
      %dma_start3A_161 = arith.constant 0 : i32
      %dma_start3A_162 = tpu.memref_slice %arg2[%dma_start3A_160, %dma_start3A_161] : memref<10000x128xf32, #tpu.memory_space<hbm>> -> memref<10000x128xf32, #tpu.memory_space<hbm>>
      tpu.enqueue_indirect_dma source(%dma_start3A_162 : memref<10000x128xf32, #tpu.memory_space<hbm>>) target(%arg10 : memref<80x128xf32, #tpu.memory_space<vmem>>) offsets(%dma_start3A_159 : memref<80xi32, #tpu.memory_space<vmem>>) semaphore(%arg14 : memref<!tpu.dma_semaphore, #tpu.memory_space<semaphore_mem>>)
      %add3A_163 = arith.constant 1 : i32
      %add3A_164 = arith.addi %mul3A_134, %add3A_163 : i32
      %mul3A_165 = arith.constant 80 : i32
      %mul3A_166 = arith.muli %add3A_164, %mul3A_165 : i32
      %add3A_167 = arith.addi %mul3A_30, %mul3A_166 : i32
      %dma_wait3A_168 = tpu.memref_slice %arg4[%add3A_167] : memref<320000xi32, #tpu.memory_space<hbm>> -> memref<80xi32, #tpu.memory_space<hbm>>
      %dma_wait3A_169 = tpu.memref_slice %arg4[%add3A_167] : memref<320000xi32, #tpu.memory_space<hbm>> -> memref<80xi32, #tpu.memory_space<hbm>>
      tpu.wait_dma2 semaphore(%arg18 : memref<!tpu.dma_semaphore, #tpu.memory_space<semaphore_mem>>) src(%dma_wait3A_169 : memref<80xi32, #tpu.memory_space<hbm>>) dst(%arg8 : memref<80xi32, #tpu.memory_space<vmem>>)
      %mul3A_170 = arith.constant 80 : i32
      %mul3A_171 = arith.muli %add3A_164, %mul3A_170 : i32
      %dma_wait3A_172 = tpu.memref_slice %arg6[%mul3A_171] : memref<10000xi32, #tpu.memory_space<vmem>> -> memref<80xi32, #tpu.memory_space<vmem>>
      %dma_wait3A_173 = arith.constant 0 : i32
      %dma_wait3A_174 = arith.constant 0 : i32
      %dma_wait3A_175 = tpu.memref_slice %arg2[%dma_wait3A_173, %dma_wait3A_174] : memref<10000x128xf32, #tpu.memory_space<hbm>> -> memref<10000x128xf32, #tpu.memory_space<hbm>>
      tpu.wait_indirect_dma semaphore(%arg15 : memref<!tpu.dma_semaphore, #tpu.memory_space<semaphore_mem>>) src(%dma_wait3A_175 : memref<10000x128xf32, #tpu.memory_space<hbm>>) dst(%arg11 : memref<80x128xf32, #tpu.memory_space<vmem>>)
      "tpu.region"() ({
        %run_scoped3A = tpu.sem_alloc : memref<!tpu.dma_semaphore, #tpu.memory_space<semaphore_mem>>
        %dma_start3A_219 = arith.constant 0 : i32
        %dma_start3A_220 = arith.constant 0 : i32
        %dma_start3A_221 = tpu.memref_slice %arg13[%dma_start3A_219, %dma_start3A_220] : memref<10000x128xf32, #tpu.memory_space<vmem_shared>> -> memref<10000x128xf32, #tpu.memory_space<vmem_shared>>
        tpu.enqueue_indirect_dma source(%arg11 : memref<80x128xf32, #tpu.memory_space<vmem>>) target(%dma_start3A_221 : memref<10000x128xf32, #tpu.memory_space<vmem_shared>>) offsets(%arg8 : memref<80xi32, #tpu.memory_space<vmem>>) semaphore(%run_scoped3A : memref<!tpu.dma_semaphore, #tpu.memory_space<semaphore_mem>>) {add = true}
        %dma_wait3A_222 = arith.constant 0 : i32
        %dma_wait3A_223 = arith.constant 0 : i32
        %dma_wait3A_224 = tpu.memref_slice %arg13[%dma_wait3A_222, %dma_wait3A_223] : memref<10000x128xf32, #tpu.memory_space<vmem_shared>> -> memref<10000x128xf32, #tpu.memory_space<vmem_shared>>
        tpu.wait_indirect_dma semaphore(%run_scoped3A : memref<!tpu.dma_semaphore, #tpu.memory_space<semaphore_mem>>) src(%arg11 : memref<80x128xf32, #tpu.memory_space<vmem>>) dst(%dma_wait3A_224 : memref<10000x128xf32, #tpu.memory_space<vmem_shared>>)
        tpu.yield
      }) : () -> ()
      %add3A_176 = arith.constant 1 : i32
      %add3A_177 = arith.addi %mul3A_134, %add3A_176 : i32
      %add3A_178 = arith.constant 3 : i32
      %add3A_179 = arith.addi %add3A_177, %add3A_178 : i32
      %mul3A_180 = arith.constant 80 : i32
      %mul3A_181 = arith.muli %add3A_179, %mul3A_180 : i32
      %add3A_182 = arith.addi %mul3A_30, %mul3A_181 : i32
      %dma_start3A_183 = tpu.memref_slice %arg4[%add3A_182] : memref<320000xi32, #tpu.memory_space<hbm>> -> memref<80xi32, #tpu.memory_space<hbm>>
      %dma_start3A_184 = tpu.memref_slice %arg4[%add3A_182] : memref<320000xi32, #tpu.memory_space<hbm>> -> memref<80xi32, #tpu.memory_space<hbm>>
      tpu.enqueue_dma source(%dma_start3A_184 : memref<80xi32, #tpu.memory_space<hbm>>) target(%arg8 : memref<80xi32, #tpu.memory_space<vmem>>) target_semaphore(%arg18 : memref<!tpu.dma_semaphore, #tpu.memory_space<semaphore_mem>>)
      %mul3A_185 = arith.constant 80 : i32
      %mul3A_186 = arith.muli %add3A_179, %mul3A_185 : i32
      %dma_start3A_187 = tpu.memref_slice %arg6[%mul3A_186] : memref<10000xi32, #tpu.memory_space<vmem>> -> memref<80xi32, #tpu.memory_space<vmem>>
      %dma_start3A_188 = arith.constant 0 : i32
      %dma_start3A_189 = arith.constant 0 : i32
      %dma_start3A_190 = tpu.memref_slice %arg2[%dma_start3A_188, %dma_start3A_189] : memref<10000x128xf32, #tpu.memory_space<hbm>> -> memref<10000x128xf32, #tpu.memory_space<hbm>>
      tpu.enqueue_indirect_dma source(%dma_start3A_190 : memref<10000x128xf32, #tpu.memory_space<hbm>>) target(%arg11 : memref<80x128xf32, #tpu.memory_space<vmem>>) offsets(%dma_start3A_187 : memref<80xi32, #tpu.memory_space<vmem>>) semaphore(%arg15 : memref<!tpu.dma_semaphore, #tpu.memory_space<semaphore_mem>>)
      %add3A_191 = arith.constant 2 : i32
      %add3A_192 = arith.addi %mul3A_134, %add3A_191 : i32
      %mul3A_193 = arith.constant 80 : i32
      %mul3A_194 = arith.muli %add3A_192, %mul3A_193 : i32
      %add3A_195 = arith.addi %mul3A_30, %mul3A_194 : i32
      %dma_wait3A_196 = tpu.memref_slice %arg4[%add3A_195] : memref<320000xi32, #tpu.memory_space<hbm>> -> memref<80xi32, #tpu.memory_space<hbm>>
      %dma_wait3A_197 = tpu.memref_slice %arg4[%add3A_195] : memref<320000xi32, #tpu.memory_space<hbm>> -> memref<80xi32, #tpu.memory_space<hbm>>
      tpu.wait_dma2 semaphore(%arg19 : memref<!tpu.dma_semaphore, #tpu.memory_space<semaphore_mem>>) src(%dma_wait3A_197 : memref<80xi32, #tpu.memory_space<hbm>>) dst(%arg9 : memref<80xi32, #tpu.memory_space<vmem>>)
      %mul3A_198 = arith.constant 80 : i32
      %mul3A_199 = arith.muli %add3A_192, %mul3A_198 : i32
      %dma_wait3A_200 = tpu.memref_slice %arg6[%mul3A_199] : memref<10000xi32, #tpu.memory_space<vmem>> -> memref<80xi32, #tpu.memory_space<vmem>>
      %dma_wait3A_201 = arith.constant 0 : i32
      %dma_wait3A_202 = arith.constant 0 : i32
      %dma_wait3A_203 = tpu.memref_slice %arg2[%dma_wait3A_201, %dma_wait3A_202] : memref<10000x128xf32, #tpu.memory_space<hbm>> -> memref<10000x128xf32, #tpu.memory_space<hbm>>
      tpu.wait_indirect_dma semaphore(%arg16 : memref<!tpu.dma_semaphore, #tpu.memory_space<semaphore_mem>>) src(%dma_wait3A_203 : memref<10000x128xf32, #tpu.memory_space<hbm>>) dst(%arg12 : memref<80x128xf32, #tpu.memory_space<vmem>>)
      "tpu.region"() ({
        %run_scoped3A = tpu.sem_alloc : memref<!tpu.dma_semaphore, #tpu.memory_space<semaphore_mem>>
        %dma_start3A_219 = arith.constant 0 : i32
        %dma_start3A_220 = arith.constant 0 : i32
        %dma_start3A_221 = tpu.memref_slice %arg13[%dma_start3A_219, %dma_start3A_220] : memref<10000x128xf32, #tpu.memory_space<vmem_shared>> -> memref<10000x128xf32, #tpu.memory_space<vmem_shared>>
        tpu.enqueue_indirect_dma source(%arg12 : memref<80x128xf32, #tpu.memory_space<vmem>>) target(%dma_start3A_221 : memref<10000x128xf32, #tpu.memory_space<vmem_shared>>) offsets(%arg9 : memref<80xi32, #tpu.memory_space<vmem>>) semaphore(%run_scoped3A : memref<!tpu.dma_semaphore, #tpu.memory_space<semaphore_mem>>) {add = true}
        %dma_wait3A_222 = arith.constant 0 : i32
        %dma_wait3A_223 = arith.constant 0 : i32
        %dma_wait3A_224 = tpu.memref_slice %arg13[%dma_wait3A_222, %dma_wait3A_223] : memref<10000x128xf32, #tpu.memory_space<vmem_shared>> -> memref<10000x128xf32, #tpu.memory_space<vmem_shared>>
        tpu.wait_indirect_dma semaphore(%run_scoped3A : memref<!tpu.dma_semaphore, #tpu.memory_space<semaphore_mem>>) src(%arg12 : memref<80x128xf32, #tpu.memory_space<vmem>>) dst(%dma_wait3A_224 : memref<10000x128xf32, #tpu.memory_space<vmem_shared>>)
        tpu.yield
      }) : () -> ()
      %add3A_204 = arith.constant 2 : i32
      %add3A_205 = arith.addi %mul3A_134, %add3A_204 : i32
      %add3A_206 = arith.constant 3 : i32
      %add3A_207 = arith.addi %add3A_205, %add3A_206 : i32
      %mul3A_208 = arith.constant 80 : i32
      %mul3A_209 = arith.muli %add3A_207, %mul3A_208 : i32
      %add3A_210 = arith.addi %mul3A_30, %mul3A_209 : i32
      %dma_start3A_211 = tpu.memref_slice %arg4[%add3A_210] : memref<320000xi32, #tpu.memory_space<hbm>> -> memref<80xi32, #tpu.memory_space<hbm>>
      %dma_start3A_212 = tpu.memref_slice %arg4[%add3A_210] : memref<320000xi32, #tpu.memory_space<hbm>> -> memref<80xi32, #tpu.memory_space<hbm>>
      tpu.enqueue_dma source(%dma_start3A_212 : memref<80xi32, #tpu.memory_space<hbm>>) target(%arg9 : memref<80xi32, #tpu.memory_space<vmem>>) target_semaphore(%arg19 : memref<!tpu.dma_semaphore, #tpu.memory_space<semaphore_mem>>)
      %mul3A_213 = arith.constant 80 : i32
      %mul3A_214 = arith.muli %add3A_207, %mul3A_213 : i32
      %dma_start3A_215 = tpu.memref_slice %arg6[%mul3A_214] : memref<10000xi32, #tpu.memory_space<vmem>> -> memref<80xi32, #tpu.memory_space<vmem>>
      %dma_start3A_216 = arith.constant 0 : i32
      %dma_start3A_217 = arith.constant 0 : i32
      %dma_start3A_218 = tpu.memref_slice %arg2[%dma_start3A_216, %dma_start3A_217] : memref<10000x128xf32, #tpu.memory_space<hbm>> -> memref<10000x128xf32, #tpu.memory_space<hbm>>
      tpu.enqueue_indirect_dma source(%dma_start3A_218 : memref<10000x128xf32, #tpu.memory_space<hbm>>) target(%arg12 : memref<80x128xf32, #tpu.memory_space<vmem>>) offsets(%dma_start3A_215 : memref<80xi32, #tpu.memory_space<vmem>>) semaphore(%arg16 : memref<!tpu.dma_semaphore, #tpu.memory_space<semaphore_mem>>)
    }
    %scan3A_62 = arith.constant 40 : i32
    %add3A_63 = arith.constant 9600 : i32
    %add3A_64 = arith.addi %mul3A_30, %add3A_63 : i32
    %dma_wait3A_65 = tpu.memref_slice %arg4[%add3A_64] : memref<320000xi32, #tpu.memory_space<hbm>> -> memref<80xi32, #tpu.memory_space<hbm>>
    %dma_wait3A_66 = tpu.memref_slice %arg4[%add3A_64] : memref<320000xi32, #tpu.memory_space<hbm>> -> memref<80xi32, #tpu.memory_space<hbm>>
    tpu.wait_dma2 semaphore(%arg17 : memref<!tpu.dma_semaphore, #tpu.memory_space<semaphore_mem>>) src(%dma_wait3A_66 : memref<80xi32, #tpu.memory_space<hbm>>) dst(%arg7 : memref<80xi32, #tpu.memory_space<vmem>>)
    %dma_wait3A_67 = arith.constant 9600 : i32
    %dma_wait3A_68 = tpu.memref_slice %arg6[%dma_wait3A_67] : memref<10000xi32, #tpu.memory_space<vmem>> -> memref<80xi32, #tpu.memory_space<vmem>>
    %dma_wait3A_69 = arith.constant 0 : i32
    %dma_wait3A_70 = arith.constant 0 : i32
    %dma_wait3A_71 = tpu.memref_slice %arg2[%dma_wait3A_69, %dma_wait3A_70] : memref<10000x128xf32, #tpu.memory_space<hbm>> -> memref<10000x128xf32, #tpu.memory_space<hbm>>
    tpu.wait_indirect_dma semaphore(%arg14 : memref<!tpu.dma_semaphore, #tpu.memory_space<semaphore_mem>>) src(%dma_wait3A_71 : memref<10000x128xf32, #tpu.memory_space<hbm>>) dst(%arg10 : memref<80x128xf32, #tpu.memory_space<vmem>>)
    "tpu.region"() ({
      %run_scoped3A = tpu.sem_alloc : memref<!tpu.dma_semaphore, #tpu.memory_space<semaphore_mem>>
      %dma_start3A_132 = arith.constant 0 : i32
      %dma_start3A_133 = arith.constant 0 : i32
      %dma_start3A_134 = tpu.memref_slice %arg13[%dma_start3A_132, %dma_start3A_133] : memref<10000x128xf32, #tpu.memory_space<vmem_shared>> -> memref<10000x128xf32, #tpu.memory_space<vmem_shared>>
      tpu.enqueue_indirect_dma source(%arg10 : memref<80x128xf32, #tpu.memory_space<vmem>>) target(%dma_start3A_134 : memref<10000x128xf32, #tpu.memory_space<vmem_shared>>) offsets(%arg7 : memref<80xi32, #tpu.memory_space<vmem>>) semaphore(%run_scoped3A : memref<!tpu.dma_semaphore, #tpu.memory_space<semaphore_mem>>) {add = true}
      %dma_wait3A_135 = arith.constant 0 : i32
      %dma_wait3A_136 = arith.constant 0 : i32
      %dma_wait3A_137 = tpu.memref_slice %arg13[%dma_wait3A_135, %dma_wait3A_136] : memref<10000x128xf32, #tpu.memory_space<vmem_shared>> -> memref<10000x128xf32, #tpu.memory_space<vmem_shared>>
      tpu.wait_indirect_dma semaphore(%run_scoped3A : memref<!tpu.dma_semaphore, #tpu.memory_space<semaphore_mem>>) src(%arg10 : memref<80x128xf32, #tpu.memory_space<vmem>>) dst(%dma_wait3A_137 : memref<10000x128xf32, #tpu.memory_space<vmem_shared>>)
      tpu.yield
    }) : () -> ()
    %add3A_72 = arith.constant 9840 : i32
    %add3A_73 = arith.addi %mul3A_30, %add3A_72 : i32
    %dma_start3A_74 = tpu.memref_slice %arg4[%add3A_73] : memref<320000xi32, #tpu.memory_space<hbm>> -> memref<80xi32, #tpu.memory_space<hbm>>
    %dma_start3A_75 = tpu.memref_slice %arg4[%add3A_73] : memref<320000xi32, #tpu.memory_space<hbm>> -> memref<80xi32, #tpu.memory_space<hbm>>
    tpu.enqueue_dma source(%dma_start3A_75 : memref<80xi32, #tpu.memory_space<hbm>>) target(%arg7 : memref<80xi32, #tpu.memory_space<vmem>>) target_semaphore(%arg17 : memref<!tpu.dma_semaphore, #tpu.memory_space<semaphore_mem>>)
    %dma_start3A_76 = arith.constant 9840 : i32
    %dma_start3A_77 = tpu.memref_slice %arg6[%dma_start3A_76] : memref<10000xi32, #tpu.memory_space<vmem>> -> memref<80xi32, #tpu.memory_space<vmem>>
    %dma_start3A_78 = arith.constant 0 : i32
    %dma_start3A_79 = arith.constant 0 : i32
    %dma_start3A_80 = tpu.memref_slice %arg2[%dma_start3A_78, %dma_start3A_79] : memref<10000x128xf32, #tpu.memory_space<hbm>> -> memref<10000x128xf32, #tpu.memory_space<hbm>>
    tpu.enqueue_indirect_dma source(%dma_start3A_80 : memref<10000x128xf32, #tpu.memory_space<hbm>>) target(%arg10 : memref<80x128xf32, #tpu.memory_space<vmem>>) offsets(%dma_start3A_77 : memref<80xi32, #tpu.memory_space<vmem>>) semaphore(%arg14 : memref<!tpu.dma_semaphore, #tpu.memory_space<semaphore_mem>>)
    %add3A_81 = arith.constant 9680 : i32
    %add3A_82 = arith.addi %mul3A_30, %add3A_81 : i32
    %dma_wait3A_83 = tpu.memref_slice %arg4[%add3A_82] : memref<320000xi32, #tpu.memory_space<hbm>> -> memref<80xi32, #tpu.memory_space<hbm>>
    %dma_wait3A_84 = tpu.memref_slice %arg4[%add3A_82] : memref<320000xi32, #tpu.memory_space<hbm>> -> memref<80xi32, #tpu.memory_space<hbm>>
    tpu.wait_dma2 semaphore(%arg18 : memref<!tpu.dma_semaphore, #tpu.memory_space<semaphore_mem>>) src(%dma_wait3A_84 : memref<80xi32, #tpu.memory_space<hbm>>) dst(%arg8 : memref<80xi32, #tpu.memory_space<vmem>>)
    %dma_wait3A_85 = arith.constant 9680 : i32
    %dma_wait3A_86 = tpu.memref_slice %arg6[%dma_wait3A_85] : memref<10000xi32, #tpu.memory_space<vmem>> -> memref<80xi32, #tpu.memory_space<vmem>>
    %dma_wait3A_87 = arith.constant 0 : i32
    %dma_wait3A_88 = arith.constant 0 : i32
    %dma_wait3A_89 = tpu.memref_slice %arg2[%dma_wait3A_87, %dma_wait3A_88] : memref<10000x128xf32, #tpu.memory_space<hbm>> -> memref<10000x128xf32, #tpu.memory_space<hbm>>
    tpu.wait_indirect_dma semaphore(%arg15 : memref<!tpu.dma_semaphore, #tpu.memory_space<semaphore_mem>>) src(%dma_wait3A_89 : memref<10000x128xf32, #tpu.memory_space<hbm>>) dst(%arg11 : memref<80x128xf32, #tpu.memory_space<vmem>>)
    "tpu.region"() ({
      %run_scoped3A = tpu.sem_alloc : memref<!tpu.dma_semaphore, #tpu.memory_space<semaphore_mem>>
      %dma_start3A_132 = arith.constant 0 : i32
      %dma_start3A_133 = arith.constant 0 : i32
      %dma_start3A_134 = tpu.memref_slice %arg13[%dma_start3A_132, %dma_start3A_133] : memref<10000x128xf32, #tpu.memory_space<vmem_shared>> -> memref<10000x128xf32, #tpu.memory_space<vmem_shared>>
      tpu.enqueue_indirect_dma source(%arg11 : memref<80x128xf32, #tpu.memory_space<vmem>>) target(%dma_start3A_134 : memref<10000x128xf32, #tpu.memory_space<vmem_shared>>) offsets(%arg8 : memref<80xi32, #tpu.memory_space<vmem>>) semaphore(%run_scoped3A : memref<!tpu.dma_semaphore, #tpu.memory_space<semaphore_mem>>) {add = true}
      %dma_wait3A_135 = arith.constant 0 : i32
      %dma_wait3A_136 = arith.constant 0 : i32
      %dma_wait3A_137 = tpu.memref_slice %arg13[%dma_wait3A_135, %dma_wait3A_136] : memref<10000x128xf32, #tpu.memory_space<vmem_shared>> -> memref<10000x128xf32, #tpu.memory_space<vmem_shared>>
      tpu.wait_indirect_dma semaphore(%run_scoped3A : memref<!tpu.dma_semaphore, #tpu.memory_space<semaphore_mem>>) src(%arg11 : memref<80x128xf32, #tpu.memory_space<vmem>>) dst(%dma_wait3A_137 : memref<10000x128xf32, #tpu.memory_space<vmem_shared>>)
      tpu.yield
    }) : () -> ()
    %add3A_90 = arith.constant 9920 : i32
    %add3A_91 = arith.addi %mul3A_30, %add3A_90 : i32
    %dma_start3A_92 = tpu.memref_slice %arg4[%add3A_91] : memref<320000xi32, #tpu.memory_space<hbm>> -> memref<80xi32, #tpu.memory_space<hbm>>
    %dma_start3A_93 = tpu.memref_slice %arg4[%add3A_91] : memref<320000xi32, #tpu.memory_space<hbm>> -> memref<80xi32, #tpu.memory_space<hbm>>
    tpu.enqueue_dma source(%dma_start3A_93 : memref<80xi32, #tpu.memory_space<hbm>>) target(%arg8 : memref<80xi32, #tpu.memory_space<vmem>>) target_semaphore(%arg18 : memref<!tpu.dma_semaphore, #tpu.memory_space<semaphore_mem>>)
    %dma_start3A_94 = arith.constant 9920 : i32
    %dma_start3A_95 = tpu.memref_slice %arg6[%dma_start3A_94] : memref<10000xi32, #tpu.memory_space<vmem>> -> memref<80xi32, #tpu.memory_space<vmem>>
    %dma_start3A_96 = arith.constant 0 : i32
    %dma_start3A_97 = arith.constant 0 : i32
    %dma_start3A_98 = tpu.memref_slice %arg2[%dma_start3A_96, %dma_start3A_97] : memref<10000x128xf32, #tpu.memory_space<hbm>> -> memref<10000x128xf32, #tpu.memory_space<hbm>>
    tpu.enqueue_indirect_dma source(%dma_start3A_98 : memref<10000x128xf32, #tpu.memory_space<hbm>>) target(%arg11 : memref<80x128xf32, #tpu.memory_space<vmem>>) offsets(%dma_start3A_95 : memref<80xi32, #tpu.memory_space<vmem>>) semaphore(%arg15 : memref<!tpu.dma_semaphore, #tpu.memory_space<semaphore_mem>>)
    %add3A_99 = arith.constant 9760 : i32
    %add3A_100 = arith.addi %mul3A_30, %add3A_99 : i32
    %dma_wait3A_101 = tpu.memref_slice %arg4[%add3A_100] : memref<320000xi32, #tpu.memory_space<hbm>> -> memref<80xi32, #tpu.memory_space<hbm>>
    %dma_wait3A_102 = tpu.memref_slice %arg4[%add3A_100] : memref<320000xi32, #tpu.memory_space<hbm>> -> memref<80xi32, #tpu.memory_space<hbm>>
    tpu.wait_dma2 semaphore(%arg19 : memref<!tpu.dma_semaphore, #tpu.memory_space<semaphore_mem>>) src(%dma_wait3A_102 : memref<80xi32, #tpu.memory_space<hbm>>) dst(%arg9 : memref<80xi32, #tpu.memory_space<vmem>>)
    %dma_wait3A_103 = arith.constant 9760 : i32
    %dma_wait3A_104 = tpu.memref_slice %arg6[%dma_wait3A_103] : memref<10000xi32, #tpu.memory_space<vmem>> -> memref<80xi32, #tpu.memory_space<vmem>>
    %dma_wait3A_105 = arith.constant 0 : i32
    %dma_wait3A_106 = arith.constant 0 : i32
    %dma_wait3A_107 = tpu.memref_slice %arg2[%dma_wait3A_105, %dma_wait3A_106] : memref<10000x128xf32, #tpu.memory_space<hbm>> -> memref<10000x128xf32, #tpu.memory_space<hbm>>
    tpu.wait_indirect_dma semaphore(%arg16 : memref<!tpu.dma_semaphore, #tpu.memory_space<semaphore_mem>>) src(%dma_wait3A_107 : memref<10000x128xf32, #tpu.memory_space<hbm>>) dst(%arg12 : memref<80x128xf32, #tpu.memory_space<vmem>>)
    "tpu.region"() ({
      %run_scoped3A = tpu.sem_alloc : memref<!tpu.dma_semaphore, #tpu.memory_space<semaphore_mem>>
      %dma_start3A_132 = arith.constant 0 : i32
      %dma_start3A_133 = arith.constant 0 : i32
      %dma_start3A_134 = tpu.memref_slice %arg13[%dma_start3A_132, %dma_start3A_133] : memref<10000x128xf32, #tpu.memory_space<vmem_shared>> -> memref<10000x128xf32, #tpu.memory_space<vmem_shared>>
      tpu.enqueue_indirect_dma source(%arg12 : memref<80x128xf32, #tpu.memory_space<vmem>>) target(%dma_start3A_134 : memref<10000x128xf32, #tpu.memory_space<vmem_shared>>) offsets(%arg9 : memref<80xi32, #tpu.memory_space<vmem>>) semaphore(%run_scoped3A : memref<!tpu.dma_semaphore, #tpu.memory_space<semaphore_mem>>) {add = true}
      %dma_wait3A_135 = arith.constant 0 : i32
      %dma_wait3A_136 = arith.constant 0 : i32
      %dma_wait3A_137 = tpu.memref_slice %arg13[%dma_wait3A_135, %dma_wait3A_136] : memref<10000x128xf32, #tpu.memory_space<vmem_shared>> -> memref<10000x128xf32, #tpu.memory_space<vmem_shared>>
      tpu.wait_indirect_dma semaphore(%run_scoped3A : memref<!tpu.dma_semaphore, #tpu.memory_space<semaphore_mem>>) src(%arg12 : memref<80x128xf32, #tpu.memory_space<vmem>>) dst(%dma_wait3A_137 : memref<10000x128xf32, #tpu.memory_space<vmem_shared>>)
      tpu.yield
    }) : () -> ()
    %add3A_108 = arith.constant 9840 : i32
    %add3A_109 = arith.addi %mul3A_30, %add3A_108 : i32
    %dma_wait3A_110 = tpu.memref_slice %arg4[%add3A_109] : memref<320000xi32, #tpu.memory_space<hbm>> -> memref<80xi32, #tpu.memory_space<hbm>>
    %dma_wait3A_111 = tpu.memref_slice %arg4[%add3A_109] : memref<320000xi32, #tpu.memory_space<hbm>> -> memref<80xi32, #tpu.memory_space<hbm>>
    tpu.wait_dma2 semaphore(%arg17 : memref<!tpu.dma_semaphore, #tpu.memory_space<semaphore_mem>>) src(%dma_wait3A_111 : memref<80xi32, #tpu.memory_space<hbm>>) dst(%arg7 : memref<80xi32, #tpu.memory_space<vmem>>)
    %dma_wait3A_112 = arith.constant 9840 : i32
    %dma_wait3A_113 = tpu.memref_slice %arg6[%dma_wait3A_112] : memref<10000xi32, #tpu.memory_space<vmem>> -> memref<80xi32, #tpu.memory_space<vmem>>
    %dma_wait3A_114 = arith.constant 0 : i32
    %dma_wait3A_115 = arith.constant 0 : i32
    %dma_wait3A_116 = tpu.memref_slice %arg2[%dma_wait3A_114, %dma_wait3A_115] : memref<10000x128xf32, #tpu.memory_space<hbm>> -> memref<10000x128xf32, #tpu.memory_space<hbm>>
    tpu.wait_indirect_dma semaphore(%arg14 : memref<!tpu.dma_semaphore, #tpu.memory_space<semaphore_mem>>) src(%dma_wait3A_116 : memref<10000x128xf32, #tpu.memory_space<hbm>>) dst(%arg10 : memref<80x128xf32, #tpu.memory_space<vmem>>)
    "tpu.region"() ({
      %run_scoped3A = tpu.sem_alloc : memref<!tpu.dma_semaphore, #tpu.memory_space<semaphore_mem>>
      %dma_start3A_132 = arith.constant 0 : i32
      %dma_start3A_133 = arith.constant 0 : i32
      %dma_start3A_134 = tpu.memref_slice %arg13[%dma_start3A_132, %dma_start3A_133] : memref<10000x128xf32, #tpu.memory_space<vmem_shared>> -> memref<10000x128xf32, #tpu.memory_space<vmem_shared>>
      tpu.enqueue_indirect_dma source(%arg10 : memref<80x128xf32, #tpu.memory_space<vmem>>) target(%dma_start3A_134 : memref<10000x128xf32, #tpu.memory_space<vmem_shared>>) offsets(%arg7 : memref<80xi32, #tpu.memory_space<vmem>>) semaphore(%run_scoped3A : memref<!tpu.dma_semaphore, #tpu.memory_space<semaphore_mem>>) {add = true}
      %dma_wait3A_135 = arith.constant 0 : i32
      %dma_wait3A_136 = arith.constant 0 : i32
      %dma_wait3A_137 = tpu.memref_slice %arg13[%dma_wait3A_135, %dma_wait3A_136] : memref<10000x128xf32, #tpu.memory_space<vmem_shared>> -> memref<10000x128xf32, #tpu.memory_space<vmem_shared>>
      tpu.wait_indirect_dma semaphore(%run_scoped3A : memref<!tpu.dma_semaphore, #tpu.memory_space<semaphore_mem>>) src(%arg10 : memref<80x128xf32, #tpu.memory_space<vmem>>) dst(%dma_wait3A_137 : memref<10000x128xf32, #tpu.memory_space<vmem_shared>>)
      tpu.yield
    }) : () -> ()
    %add3A_117 = arith.constant 9920 : i32
    %add3A_118 = arith.addi %mul3A_30, %add3A_117 : i32
    %dma_wait3A_119 = tpu.memref_slice %arg4[%add3A_118] : memref<320000xi32, #tpu.memory_space<hbm>> -> memref<80xi32, #tpu.memory_space<hbm>>
    %dma_wait3A_120 = tpu.memref_slice %arg4[%add3A_118] : memref<320000xi32, #tpu.memory_space<hbm>> -> memref<80xi32, #tpu.memory_space<hbm>>
    tpu.wait_dma2 semaphore(%arg18 : memref<!tpu.dma_semaphore, #tpu.memory_space<semaphore_mem>>) src(%dma_wait3A_120 : memref<80xi32, #tpu.memory_space<hbm>>) dst(%arg8 : memref<80xi32, #tpu.memory_space<vmem>>)
    %dma_wait3A_121 = arith.constant 9920 : i32
    %dma_wait3A_122 = tpu.memref_slice %arg6[%dma_wait3A_121] : memref<10000xi32, #tpu.memory_space<vmem>> -> memref<80xi32, #tpu.memory_space<vmem>>
    %dma_wait3A_123 = arith.constant 0 : i32
    %dma_wait3A_124 = arith.constant 0 : i32
    %dma_wait3A_125 = tpu.memref_slice %arg2[%dma_wait3A_123, %dma_wait3A_124] : memref<10000x128xf32, #tpu.memory_space<hbm>> -> memref<10000x128xf32, #tpu.memory_space<hbm>>
    tpu.wait_indirect_dma semaphore(%arg15 : memref<!tpu.dma_semaphore, #tpu.memory_space<semaphore_mem>>) src(%dma_wait3A_125 : memref<10000x128xf32, #tpu.memory_space<hbm>>) dst(%arg11 : memref<80x128xf32, #tpu.memory_space<vmem>>)
    "tpu.region"() ({
      %run_scoped3A = tpu.sem_alloc : memref<!tpu.dma_semaphore, #tpu.memory_space<semaphore_mem>>
      %dma_start3A_132 = arith.constant 0 : i32
      %dma_start3A_133 = arith.constant 0 : i32
      %dma_start3A_134 = tpu.memref_slice %arg13[%dma_start3A_132, %dma_start3A_133] : memref<10000x128xf32, #tpu.memory_space<vmem_shared>> -> memref<10000x128xf32, #tpu.memory_space<vmem_shared>>
      tpu.enqueue_indirect_dma source(%arg11 : memref<80x128xf32, #tpu.memory_space<vmem>>) target(%dma_start3A_134 : memref<10000x128xf32, #tpu.memory_space<vmem_shared>>) offsets(%arg8 : memref<80xi32, #tpu.memory_space<vmem>>) semaphore(%run_scoped3A : memref<!tpu.dma_semaphore, #tpu.memory_space<semaphore_mem>>) {add = true}
      %dma_wait3A_135 = arith.constant 0 : i32
      %dma_wait3A_136 = arith.constant 0 : i32
      %dma_wait3A_137 = tpu.memref_slice %arg13[%dma_wait3A_135, %dma_wait3A_136] : memref<10000x128xf32, #tpu.memory_space<vmem_shared>> -> memref<10000x128xf32, #tpu.memory_space<vmem_shared>>
      tpu.wait_indirect_dma semaphore(%run_scoped3A : memref<!tpu.dma_semaphore, #tpu.memory_space<semaphore_mem>>) src(%arg11 : memref<80x128xf32, #tpu.memory_space<vmem>>) dst(%dma_wait3A_137 : memref<10000x128xf32, #tpu.memory_space<vmem_shared>>)
      tpu.yield
    }) : () -> ()
    %barrier3A_126 = arith.constant 0 : index
    tpu.barrier barrier_id(%barrier3A_126)
    "tpu.region"() ({
      %run_scoped3A = tpu.sem_alloc : memref<!tpu.dma_semaphore, #tpu.memory_space<semaphore_mem>>
      %dma_start3A_132 = arith.constant 0 : i32
      %dma_start3A_133 = tpu.memref_slice %arg5[%arg0, %mul3A_2, %dma_start3A_132] : memref<2x10000x128xf32, #tpu.memory_space<hbm>> -> memref<1x624x128xf32, #tpu.memory_space<hbm>>
      %dma_start3A_134 = tpu.memref_squeeze %dma_start3A_133 : memref<1x624x128xf32, #tpu.memory_space<hbm>> -> memref<624x128xf32, #tpu.memory_space<hbm>>
      %dma_start3A_135 = arith.constant 0 : i32
      %dma_start3A_136 = tpu.memref_slice %arg13[%mul3A_2, %dma_start3A_135] : memref<10000x128xf32, #tpu.memory_space<vmem_shared>> -> memref<624x128xf32, #tpu.memory_space<vmem_shared>>
      tpu.enqueue_dma source(%dma_start3A_136 : memref<624x128xf32, #tpu.memory_space<vmem_shared>>) target(%dma_start3A_134 : memref<624x128xf32, #tpu.memory_space<hbm>>) target_semaphore(%run_scoped3A : memref<!tpu.dma_semaphore, #tpu.memory_space<semaphore_mem>>)
      %dma_wait3A_137 = arith.constant 0 : i32
      %dma_wait3A_138 = tpu.memref_slice %arg5[%arg0, %mul3A_2, %dma_wait3A_137] : memref<2x10000x128xf32, #tpu.memory_space<hbm>> -> memref<1x624x128xf32, #tpu.memory_space<hbm>>
      %dma_wait3A_139 = tpu.memref_squeeze %dma_wait3A_138 : memref<1x624x128xf32, #tpu.memory_space<hbm>> -> memref<624x128xf32, #tpu.memory_space<hbm>>
      %dma_wait3A_140 = arith.constant 0 : i32
      %dma_wait3A_141 = tpu.memref_slice %arg13[%mul3A_2, %dma_wait3A_140] : memref<10000x128xf32, #tpu.memory_space<vmem_shared>> -> memref<624x128xf32, #tpu.memory_space<vmem_shared>>
      tpu.wait_dma2 semaphore(%run_scoped3A : memref<!tpu.dma_semaphore, #tpu.memory_space<semaphore_mem>>) src(%dma_wait3A_141 : memref<624x128xf32, #tpu.memory_space<vmem_shared>>) dst(%dma_wait3A_139 : memref<624x128xf32, #tpu.memory_space<hbm>>)
      tpu.yield
    }) : () -> ()
    %eq3A_127 = arith.constant 0 : i32
    %eq3A_128 = arith.cmpi eq, %arg1, %eq3A_127 : i32
    %convert_element_type3A_129 = arith.extui %eq3A_128 : i1 to i32
    %cond3A_130 = arith.constant 0 : i32
    %cond3A_131 = arith.cmpi ne, %convert_element_type3A_129, %cond3A_130 : i32
    scf.if %cond3A_131 {
      "tpu.region"() ({
        %run_scoped3A = tpu.sem_alloc : memref<!tpu.dma_semaphore, #tpu.memory_space<semaphore_mem>>
        %dma_start3A_132 = arith.constant 9984 : i32
        %dma_start3A_133 = arith.constant 0 : i32
        %dma_start3A_134 = tpu.memref_slice %arg5[%arg0, %dma_start3A_132, %dma_start3A_133] : memref<2x10000x128xf32, #tpu.memory_space<hbm>> -> memref<1x16x128xf32, #tpu.memory_space<hbm>>
        %dma_start3A_135 = tpu.memref_squeeze %dma_start3A_134 : memref<1x16x128xf32, #tpu.memory_space<hbm>> -> memref<16x128xf32, #tpu.memory_space<hbm>>
        %dma_start3A_136 = arith.constant 9984 : i32
        %dma_start3A_137 = arith.constant 0 : i32
        %dma_start3A_138 = tpu.memref_slice %arg13[%dma_start3A_136, %dma_start3A_137] : memref<10000x128xf32, #tpu.memory_space<vmem_shared>> -> memref<16x128xf32, #tpu.memory_space<vmem_shared>>
        tpu.enqueue_dma source(%dma_start3A_138 : memref<16x128xf32, #tpu.memory_space<vmem_shared>>) target(%dma_start3A_135 : memref<16x128xf32, #tpu.memory_space<hbm>>) target_semaphore(%run_scoped3A : memref<!tpu.dma_semaphore, #tpu.memory_space<semaphore_mem>>)
        %dma_wait3A_139 = arith.constant 9984 : i32
        %dma_wait3A_140 = arith.constant 0 : i32
        %dma_wait3A_141 = tpu.memref_slice %arg5[%arg0, %dma_wait3A_139, %dma_wait3A_140] : memref<2x10000x128xf32, #tpu.memory_space<hbm>> -> memref<1x16x128xf32, #tpu.memory_space<hbm>>
        %dma_wait3A_142 = tpu.memref_squeeze %dma_wait3A_141 : memref<1x16x128xf32, #tpu.memory_space<hbm>> -> memref<16x128xf32, #tpu.memory_space<hbm>>
        %dma_wait3A_143 = arith.constant 9984 : i32
        %dma_wait3A_144 = arith.constant 0 : i32
        %dma_wait3A_145 = tpu.memref_slice %arg13[%dma_wait3A_143, %dma_wait3A_144] : memref<10000x128xf32, #tpu.memory_space<vmem_shared>> -> memref<16x128xf32, #tpu.memory_space<vmem_shared>>
        tpu.wait_dma2 semaphore(%run_scoped3A : memref<!tpu.dma_semaphore, #tpu.memory_space<semaphore_mem>>) src(%dma_wait3A_145 : memref<16x128xf32, #tpu.memory_space<vmem_shared>>) dst(%dma_wait3A_142 : memref<16x128xf32, #tpu.memory_space<hbm>>)
        tpu.yield
      }) : () -> ()
    } else {
    }
    return
  }
}

#map = affine_map<(d0, d1) -> (0, 0)>
#map1 = affine_map<(d0, d1) -> (0)>
#map2 = affine_map<(d0, d1) -> (0, 0, 0)>
module attributes {stable_mosaic.version = 14 : i64} {
  func.func @seg(%arg0: i32, %arg1: i32, %arg2: memref<10000x128xf32, #tpu.memory_space<hbm>>, %arg3: memref<320000xi32, #tpu.memory_space<hbm>>, %arg4: memref<320000xi32, #tpu.memory_space<hbm>>, %arg5: memref<2x10000x128xf32, #tpu.memory_space<hbm>>, %arg6: memref<10000xi32, #tpu.memory_space<vmem>>, %arg7: memref<80xi32, #tpu.memory_space<vmem>>, %arg8: memref<80xi32, #tpu.memory_space<vmem>>, %arg9: memref<80xi32, #tpu.memory_space<vmem>>, %arg10: memref<80x128xf32, #tpu.memory_space<vmem>>, %arg11: memref<80x128xf32, #tpu.memory_space<vmem>>, %arg12: memref<80x128xf32, #tpu.memory_space<vmem>>, %arg13: memref<10000x128xf32, #tpu.memory_space<vmem_shared>>, %arg14: memref<!tpu.dma_semaphore, #tpu.memory_space<semaphore_mem>>, %arg15: memref<!tpu.dma_semaphore, #tpu.memory_space<semaphore_mem>>, %arg16: memref<!tpu.dma_semaphore, #tpu.memory_space<semaphore_mem>>, %arg17: memref<!tpu.dma_semaphore, #tpu.memory_space<semaphore_mem>>, %arg18: memref<!tpu.dma_semaphore, #tpu.memory_space<semaphore_mem>>, %arg19: memref<!tpu.dma_semaphore, #tpu.memory_space<semaphore_mem>>) attributes {dimension_semantics = [#tpu.dimension_semantics<core_parallel>, #tpu.dimension_semantics<subcore_parallel>], iteration_bounds = array<i64: 2, 16>, scalar_prefetch = 0 : i64, scratch_operands = 14 : i64, tpu.core_type = #tpu.core_type<sc_vector_subcore>, window_params = [{transform_indices = #map}, {transform_indices = #map1}, {transform_indices = #map1}, {transform_indices = #map2}]} {
    %mul3A = arith.constant 16 : i32
    %mul3A_0 = arith.muli %arg0, %mul3A : i32
    %add3A = arith.addi %mul3A_0, %arg1 : i32
    %mul3A_1 = arith.constant 624 : i32
    %mul3A_2 = arith.muli %arg1, %mul3A_1 : i32
    %mul3A_3 = arith.constant 125 : i32
    %mul3A_4 = arith.muli %add3A, %mul3A_3 : i32
    %mul3A_5 = arith.constant 80 : i32
    %mul3A_6 = arith.muli %mul3A_4, %mul3A_5 : i32
    %dma_start3A = tpu.memref_slice %arg3[%mul3A_6] : memref<320000xi32, #tpu.memory_space<hbm>> -> memref<10000xi32, #tpu.memory_space<hbm>>
    %dma_start3A_7 = tpu.memref_slice %arg3[%mul3A_6] : memref<320000xi32, #tpu.memory_space<hbm>> -> memref<10000xi32, #tpu.memory_space<hbm>>
    tpu.enqueue_dma source(%dma_start3A_7 : memref<10000xi32, #tpu.memory_space<hbm>>) target(%arg6 : memref<10000xi32, #tpu.memory_space<vmem>>) target_semaphore(%arg14 : memref<!tpu.dma_semaphore, #tpu.memory_space<semaphore_mem>>)
    %mul3A_8 = arith.constant 125 : i32
    %mul3A_9 = arith.muli %add3A, %mul3A_8 : i32
    %mul3A_10 = arith.constant 80 : i32
    %mul3A_11 = arith.muli %mul3A_9, %mul3A_10 : i32
    %dma_start3A_12 = tpu.memref_slice %arg4[%mul3A_11] : memref<320000xi32, #tpu.memory_space<hbm>> -> memref<80xi32, #tpu.memory_space<hbm>>
    %dma_start3A_13 = tpu.memref_slice %arg4[%mul3A_11] : memref<320000xi32, #tpu.memory_space<hbm>> -> memref<80xi32, #tpu.memory_space<hbm>>
    tpu.enqueue_dma source(%dma_start3A_13 : memref<80xi32, #tpu.memory_space<hbm>>) target(%arg7 : memref<80xi32, #tpu.memory_space<vmem>>) target_semaphore(%arg15 : memref<!tpu.dma_semaphore, #tpu.memory_space<semaphore_mem>>)
    %dma_start3A_14 = arith.constant 0 : i32
    %dma_start3A_15 = tpu.memref_slice %arg13[%mul3A_2, %dma_start3A_14] : memref<10000x128xf32, #tpu.memory_space<vmem_shared>> -> memref<624x128xf32, #tpu.memory_space<vmem_shared>>
    %dma_start3A_16 = arith.constant 0 : i32
    %dma_start3A_17 = tpu.memref_slice %arg2[%mul3A_2, %dma_start3A_16] : memref<10000x128xf32, #tpu.memory_space<hbm>> -> memref<624x128xf32, #tpu.memory_space<hbm>>
    tpu.enqueue_dma source(%dma_start3A_17 : memref<624x128xf32, #tpu.memory_space<hbm>>) target(%dma_start3A_15 : memref<624x128xf32, #tpu.memory_space<vmem_shared>>) target_semaphore(%arg14 : memref<!tpu.dma_semaphore, #tpu.memory_space<semaphore_mem>>)
    %eq3A = arith.constant 0 : i32
    %eq3A_18 = arith.cmpi eq, %arg1, %eq3A : i32
    %convert_element_type3A = arith.extui %eq3A_18 : i1 to i32
    %cond3A = arith.constant 0 : i32
    %cond3A_19 = arith.cmpi ne, %convert_element_type3A, %cond3A : i32
    scf.if %cond3A_19 {
      %dma_start3A_132 = arith.constant 9984 : i32
      %dma_start3A_133 = arith.constant 0 : i32
      %dma_start3A_134 = tpu.memref_slice %arg13[%dma_start3A_132, %dma_start3A_133] : memref<10000x128xf32, #tpu.memory_space<vmem_shared>> -> memref<16x128xf32, #tpu.memory_space<vmem_shared>>
      %dma_start3A_135 = arith.constant 9984 : i32
      %dma_start3A_136 = arith.constant 0 : i32
      %dma_start3A_137 = tpu.memref_slice %arg2[%dma_start3A_135, %dma_start3A_136] : memref<10000x128xf32, #tpu.memory_space<hbm>> -> memref<16x128xf32, #tpu.memory_space<hbm>>
      tpu.enqueue_dma source(%dma_start3A_137 : memref<16x128xf32, #tpu.memory_space<hbm>>) target(%dma_start3A_134 : memref<16x128xf32, #tpu.memory_space<vmem_shared>>) target_semaphore(%arg15 : memref<!tpu.dma_semaphore, #tpu.memory_space<semaphore_mem>>)
      %dma_wait3A_138 = arith.constant 9984 : i32
      %dma_wait3A_139 = arith.constant 0 : i32
      %dma_wait3A_140 = tpu.memref_slice %arg13[%dma_wait3A_138, %dma_wait3A_139] : memref<10000x128xf32, #tpu.memory_space<vmem_shared>> -> memref<16x128xf32, #tpu.memory_space<vmem_shared>>
      %dma_wait3A_141 = arith.constant 9984 : i32
      %dma_wait3A_142 = arith.constant 0 : i32
      %dma_wait3A_143 = tpu.memref_slice %arg2[%dma_wait3A_141, %dma_wait3A_142] : memref<10000x128xf32, #tpu.memory_space<hbm>> -> memref<16x128xf32, #tpu.memory_space<hbm>>
      tpu.wait_dma2 semaphore(%arg15 : memref<!tpu.dma_semaphore, #tpu.memory_space<semaphore_mem>>) src(%dma_wait3A_143 : memref<16x128xf32, #tpu.memory_space<hbm>>) dst(%dma_wait3A_140 : memref<16x128xf32, #tpu.memory_space<vmem_shared>>)
    } else {
    }
    %dma_wait3A = tpu.memref_slice %arg3[%mul3A_6] : memref<320000xi32, #tpu.memory_space<hbm>> -> memref<10000xi32, #tpu.memory_space<hbm>>
    %dma_wait3A_20 = tpu.memref_slice %arg3[%mul3A_6] : memref<320000xi32, #tpu.memory_space<hbm>> -> memref<10000xi32, #tpu.memory_space<hbm>>
    tpu.wait_dma2 semaphore(%arg14 : memref<!tpu.dma_semaphore, #tpu.memory_space<semaphore_mem>>) src(%dma_wait3A_20 : memref<10000xi32, #tpu.memory_space<hbm>>) dst(%arg6 : memref<10000xi32, #tpu.memory_space<vmem>>)
    %dma_wait3A_21 = tpu.memref_slice %arg4[%mul3A_11] : memref<320000xi32, #tpu.memory_space<hbm>> -> memref<80xi32, #tpu.memory_space<hbm>>
    %dma_wait3A_22 = tpu.memref_slice %arg4[%mul3A_11] : memref<320000xi32, #tpu.memory_space<hbm>> -> memref<80xi32, #tpu.memory_space<hbm>>
    tpu.wait_dma2 semaphore(%arg15 : memref<!tpu.dma_semaphore, #tpu.memory_space<semaphore_mem>>) src(%dma_wait3A_22 : memref<80xi32, #tpu.memory_space<hbm>>) dst(%arg7 : memref<80xi32, #tpu.memory_space<vmem>>)
    %dma_wait3A_23 = arith.constant 0 : i32
    %dma_wait3A_24 = tpu.memref_slice %arg13[%mul3A_2, %dma_wait3A_23] : memref<10000x128xf32, #tpu.memory_space<vmem_shared>> -> memref<624x128xf32, #tpu.memory_space<vmem_shared>>
    %dma_wait3A_25 = arith.constant 0 : i32
    %dma_wait3A_26 = tpu.memref_slice %arg2[%mul3A_2, %dma_wait3A_25] : memref<10000x128xf32, #tpu.memory_space<hbm>> -> memref<624x128xf32, #tpu.memory_space<hbm>>
    tpu.wait_dma2 semaphore(%arg14 : memref<!tpu.dma_semaphore, #tpu.memory_space<semaphore_mem>>) src(%dma_wait3A_26 : memref<624x128xf32, #tpu.memory_space<hbm>>) dst(%dma_wait3A_24 : memref<624x128xf32, #tpu.memory_space<vmem_shared>>)
    %barrier3A = arith.constant 0 : index
    tpu.barrier barrier_id(%barrier3A)
    %mul3A_27 = arith.constant 125 : i32
    %mul3A_28 = arith.muli %add3A, %mul3A_27 : i32
    %mul3A_29 = arith.constant 80 : i32
    %mul3A_30 = arith.muli %mul3A_28, %mul3A_29 : i32
    %add3A_31 = arith.constant 0 : i32
    %add3A_32 = arith.addi %mul3A_30, %add3A_31 : i32
    %dma_start3A_33 = tpu.memref_slice %arg4[%add3A_32] : memref<320000xi32, #tpu.memory_space<hbm>> -> memref<80xi32, #tpu.memory_space<hbm>>
    %dma_start3A_34 = tpu.memref_slice %arg4[%add3A_32] : memref<320000xi32, #tpu.memory_space<hbm>> -> memref<80xi32, #tpu.memory_space<hbm>>
    tpu.enqueue_dma source(%dma_start3A_34 : memref<80xi32, #tpu.memory_space<hbm>>) target(%arg7 : memref<80xi32, #tpu.memory_space<vmem>>) target_semaphore(%arg17 : memref<!tpu.dma_semaphore, #tpu.memory_space<semaphore_mem>>)
    %dma_start3A_35 = arith.constant 0 : i32
    %dma_start3A_36 = tpu.memref_slice %arg6[%dma_start3A_35] : memref<10000xi32, #tpu.memory_space<vmem>> -> memref<80xi32, #tpu.memory_space<vmem>>
    %dma_start3A_37 = arith.constant 0 : i32
    %dma_start3A_38 = arith.constant 0 : i32
    %dma_start3A_39 = tpu.memref_slice %arg2[%dma_start3A_37, %dma_start3A_38] : memref<10000x128xf32, #tpu.memory_space<hbm>> -> memref<10000x128xf32, #tpu.memory_space<hbm>>
    tpu.enqueue_indirect_dma source(%dma_start3A_39 : memref<10000x128xf32, #tpu.memory_space<hbm>>) target(%arg10 : memref<80x128xf32, #tpu.memory_space<vmem>>) offsets(%dma_start3A_36 : memref<80xi32, #tpu.memory_space<vmem>>) semaphore(%arg14 : memref<!tpu.dma_semaphore, #tpu.memory_space<semaphore_mem>>)
    %add3A_40 = arith.constant 80 : i32
    %add3A_41 = arith.addi %mul3A_30, %add3A_40 : i32
    %dma_start3A_42 = tpu.memref_slice %arg4[%add3A_41] : memref<320000xi32, #tpu.memory_space<hbm>> -> memref<80xi32, #tpu.memory_space<hbm>>
    %dma_start3A_43 = tpu.memref_slice %arg4[%add3A_41] : memref<320000xi32, #tpu.memory_space<hbm>> -> memref<80xi32, #tpu.memory_space<hbm>>
    tpu.enqueue_dma source(%dma_start3A_43 : memref<80xi32, #tpu.memory_space<hbm>>) target(%arg8 : memref<80xi32, #tpu.memory_space<vmem>>) target_semaphore(%arg18 : memref<!tpu.dma_semaphore, #tpu.memory_space<semaphore_mem>>)
    %dma_start3A_44 = arith.constant 80 : i32
    %dma_start3A_45 = tpu.memref_slice %arg6[%dma_start3A_44] : memref<10000xi32, #tpu.memory_space<vmem>> -> memref<80xi32, #tpu.memory_space<vmem>>
    %dma_start3A_46 = arith.constant 0 : i32
    %dma_start3A_47 = arith.constant 0 : i32
    %dma_start3A_48 = tpu.memref_slice %arg2[%dma_start3A_46, %dma_start3A_47] : memref<10000x128xf32, #tpu.memory_space<hbm>> -> memref<10000x128xf32, #tpu.memory_space<hbm>>
    tpu.enqueue_indirect_dma source(%dma_start3A_48 : memref<10000x128xf32, #tpu.memory_space<hbm>>) target(%arg11 : memref<80x128xf32, #tpu.memory_space<vmem>>) offsets(%dma_start3A_45 : memref<80xi32, #tpu.memory_space<vmem>>) semaphore(%arg15 : memref<!tpu.dma_semaphore, #tpu.memory_space<semaphore_mem>>)
    %add3A_49 = arith.constant 160 : i32
    %add3A_50 = arith.addi %mul3A_30, %add3A_49 : i32
    %dma_start3A_51 = tpu.memref_slice %arg4[%add3A_50] : memref<320000xi32, #tpu.memory_space<hbm>> -> memref<80xi32, #tpu.memory_space<hbm>>
    %dma_start3A_52 = tpu.memref_slice %arg4[%add3A_50] : memref<320000xi32, #tpu.memory_space<hbm>> -> memref<80xi32, #tpu.memory_space<hbm>>
    tpu.enqueue_dma source(%dma_start3A_52 : memref<80xi32, #tpu.memory_space<hbm>>) target(%arg9 : memref<80xi32, #tpu.memory_space<vmem>>) target_semaphore(%arg19 : memref<!tpu.dma_semaphore, #tpu.memory_space<semaphore_mem>>)
    %dma_start3A_53 = arith.constant 160 : i32
    %dma_start3A_54 = tpu.memref_slice %arg6[%dma_start3A_53] : memref<10000xi32, #tpu.memory_space<vmem>> -> memref<80xi32, #tpu.memory_space<vmem>>
    %dma_start3A_55 = arith.constant 0 : i32
    %dma_start3A_56 = arith.constant 0 : i32
    %dma_start3A_57 = tpu.memref_slice %arg2[%dma_start3A_55, %dma_start3A_56] : memref<10000x128xf32, #tpu.memory_space<hbm>> -> memref<10000x128xf32, #tpu.memory_space<hbm>>
    tpu.enqueue_indirect_dma source(%dma_start3A_57 : memref<10000x128xf32, #tpu.memory_space<hbm>>) target(%arg12 : memref<80x128xf32, #tpu.memory_space<vmem>>) offsets(%dma_start3A_54 : memref<80xi32, #tpu.memory_space<vmem>>) semaphore(%arg16 : memref<!tpu.dma_semaphore, #tpu.memory_space<semaphore_mem>>)
    %scan3A = arith.constant 0 : i32
    %scan3A_58 = arith.constant 0 : i32
    %scan3A_59 = arith.constant 40 : i32
    %scan3A_60 = arith.addi %scan3A_58, %scan3A_59 : i32
    %scan3A_61 = arith.constant 1 : i32
    scf.for %scan3A_132 = %scan3A_58 to %scan3A_60 step %scan3A_61  : i32 {
      %mul3A_133 = arith.constant 3 : i32
      %mul3A_134 = arith.muli %mul3A_133, %scan3A_132 : i32
      %add3A_135 = arith.constant 0 : i32
      %add3A_136 = arith.addi %mul3A_134, %add3A_135 : i32
      %mul3A_137 = arith.constant 80 : i32
      %mul3A_138 = arith.muli %add3A_136, %mul3A_137 : i32
      %add3A_139 = arith.addi %mul3A_30, %mul3A_138 : i32
      %dma_wait3A_140 = tpu.memref_slice %arg4[%add3A_139] : memref<320000xi32, #tpu.memory_space<hbm>> -> memref<80xi32, #tpu.memory_space<hbm>>
      %dma_wait3A_141 = tpu.memref_slice %arg4[%add3A_139] : memref<320000xi32, #tpu.memory_space<hbm>> -> memref<80xi32, #tpu.memory_space<hbm>>
      tpu.wait_dma2 semaphore(%arg17 : memref<!tpu.dma_semaphore, #tpu.memory_space<semaphore_mem>>) src(%dma_wait3A_141 : memref<80xi32, #tpu.memory_space<hbm>>) dst(%arg7 : memref<80xi32, #tpu.memory_space<vmem>>)
      %mul3A_142 = arith.constant 80 : i32
      %mul3A_143 = arith.muli %add3A_136, %mul3A_142 : i32
      %dma_wait3A_144 = tpu.memref_slice %arg6[%mul3A_143] : memref<10000xi32, #tpu.memory_space<vmem>> -> memref<80xi32, #tpu.memory_space<vmem>>
      %dma_wait3A_145 = arith.constant 0 : i32
      %dma_wait3A_146 = arith.constant 0 : i32
      %dma_wait3A_147 = tpu.memref_slice %arg2[%dma_wait3A_145, %dma_wait3A_146] : memref<10000x128xf32, #tpu.memory_space<hbm>> -> memref<10000x128xf32, #tpu.memory_space<hbm>>
      tpu.wait_indirect_dma semaphore(%arg14 : memref<!tpu.dma_semaphore, #tpu.memory_space<semaphore_mem>>) src(%dma_wait3A_147 : memref<10000x128xf32, #tpu.memory_space<hbm>>) dst(%arg10 : memref<80x128xf32, #tpu.memory_space<vmem>>)
      "tpu.region"() ({
        %run_scoped3A = tpu.sem_alloc : memref<!tpu.dma_semaphore, #tpu.memory_space<semaphore_mem>>
        %dma_start3A_219 = arith.constant 0 : i32
        %dma_start3A_220 = arith.constant 0 : i32
        %dma_start3A_221 = tpu.memref_slice %arg13[%dma_start3A_219, %dma_start3A_220] : memref<10000x128xf32, #tpu.memory_space<vmem_shared>> -> memref<10000x128xf32, #tpu.memory_space<vmem_shared>>
        tpu.enqueue_indirect_dma source(%arg10 : memref<80x128xf32, #tpu.memory_space<vmem>>) target(%dma_start3A_221 : memref<10000x128xf32, #tpu.memory_space<vmem_shared>>) offsets(%arg7 : memref<80xi32, #tpu.memory_space<vmem>>) semaphore(%run_scoped3A : memref<!tpu.dma_semaphore, #tpu.memory_space<semaphore_mem>>) {add = true}
        %dma_wait3A_222 = arith.constant 0 : i32
        %dma_wait3A_223 = arith.constant 0 : i32
        %dma_wait3A_224 = tpu.memref_slice %arg13[%dma_wait3A_222, %dma_wait3A_223] : memref<10000x128xf32, #tpu.memory_space<vmem_shared>> -> memref<10000x128xf32, #tpu.memory_space<vmem_shared>>
        tpu.wait_indirect_dma semaphore(%run_scoped3A : memref<!tpu.dma_semaphore, #tpu.memory_space<semaphore_mem>>) src(%arg10 : memref<80x128xf32, #tpu.memory_space<vmem>>) dst(%dma_wait3A_224 : memref<10000x128xf32, #tpu.memory_space<vmem_shared>>)
        tpu.yield
      }) : () -> ()
      %add3A_148 = arith.constant 0 : i32
      %add3A_149 = arith.addi %mul3A_134, %add3A_148 : i32
      %add3A_150 = arith.constant 3 : i32
      %add3A_151 = arith.addi %add3A_149, %add3A_150 : i32
      %mul3A_152 = arith.constant 80 : i32
      %mul3A_153 = arith.muli %add3A_151, %mul3A_152 : i32
      %add3A_154 = arith.addi %mul3A_30, %mul3A_153 : i32
      %dma_start3A_155 = tpu.memref_slice %arg4[%add3A_154] : memref<320000xi32, #tpu.memory_space<hbm>> -> memref<80xi32, #tpu.memory_space<hbm>>
      %dma_start3A_156 = tpu.memref_slice %arg4[%add3A_154] : memref<320000xi32, #tpu.memory_space<hbm>> -> memref<80xi32, #tpu.memory_space<hbm>>
      tpu.enqueue_dma source(%dma_start3A_156 : memref<80xi32, #tpu.memory_space<hbm>>) target(%arg7 : memref<80xi32, #tpu.memory_space<vmem>>) target_semaphore(%arg17 : memref<!tpu.dma_semaphore, #tpu.memory_space<semaphore_mem>>)
      %mul3A_157 = arith.constant 80 : i32
      %mul3A_158 = arith.muli %add3A_151, %mul3A_157 : i32
      %dma_start3A_159 = tpu.memref_slice %arg6[%mul3A_158] : memref<10000xi32, #tpu.memory_space<vmem>> -> memref<80xi32, #tpu.memory_space<vmem>>
      %dma_start3A_160 = arith.constant 0 : i32
      %dma_start3A_161 = arith.constant 0 : i32
      %dma_start3A_162 = tpu.memref_slice %arg2[%dma_start3A_160, %dma_start3A_161] : memref<10000x128xf32, #tpu.memory_space<hbm>> -> memref<10000x128xf32, #tpu.memory_space<hbm>>
      tpu.enqueue_indirect_dma source(%dma_start3A_162 : memref<10000x128xf32, #tpu.memory_space<hbm>>) target(%arg10 : memref<80x128xf32, #tpu.memory_space<vmem>>) offsets(%dma_start3A_159 : memref<80xi32, #tpu.memory_space<vmem>>) semaphore(%arg14 : memref<!tpu.dma_semaphore, #tpu.memory_space<semaphore_mem>>)
      %add3A_163 = arith.constant 1 : i32
      %add3A_164 = arith.addi %mul3A_134, %add3A_163 : i32
      %mul3A_165 = arith.constant 80 : i32
      %mul3A_166 = arith.muli %add3A_164, %mul3A_165 : i32
      %add3A_167 = arith.addi %mul3A_30, %mul3A_166 : i32
      %dma_wait3A_168 = tpu.memref_slice %arg4[%add3A_167] : memref<320000xi32, #tpu.memory_space<hbm>> -> memref<80xi32, #tpu.memory_space<hbm>>
      %dma_wait3A_169 = tpu.memref_slice %arg4[%add3A_167] : memref<320000xi32, #tpu.memory_space<hbm>> -> memref<80xi32, #tpu.memory_space<hbm>>
      tpu.wait_dma2 semaphore(%arg18 : memref<!tpu.dma_semaphore, #tpu.memory_space<semaphore_mem>>) src(%dma_wait3A_169 : memref<80xi32, #tpu.memory_space<hbm>>) dst(%arg8 : memref<80xi32, #tpu.memory_space<vmem>>)
      %mul3A_170 = arith.constant 80 : i32
      %mul3A_171 = arith.muli %add3A_164, %mul3A_170 : i32
      %dma_wait3A_172 = tpu.memref_slice %arg6[%mul3A_171] : memref<10000xi32, #tpu.memory_space<vmem>> -> memref<80xi32, #tpu.memory_space<vmem>>
      %dma_wait3A_173 = arith.constant 0 : i32
      %dma_wait3A_174 = arith.constant 0 : i32
      %dma_wait3A_175 = tpu.memref_slice %arg2[%dma_wait3A_173, %dma_wait3A_174] : memref<10000x128xf32, #tpu.memory_space<hbm>> -> memref<10000x128xf32, #tpu.memory_space<hbm>>
      tpu.wait_indirect_dma semaphore(%arg15 : memref<!tpu.dma_semaphore, #tpu.memory_space<semaphore_mem>>) src(%dma_wait3A_175 : memref<10000x128xf32, #tpu.memory_space<hbm>>) dst(%arg11 : memref<80x128xf32, #tpu.memory_space<vmem>>)
      "tpu.region"() ({
        %run_scoped3A = tpu.sem_alloc : memref<!tpu.dma_semaphore, #tpu.memory_space<semaphore_mem>>
        %dma_start3A_219 = arith.constant 0 : i32
        %dma_start3A_220 = arith.constant 0 : i32
        %dma_start3A_221 = tpu.memref_slice %arg13[%dma_start3A_219, %dma_start3A_220] : memref<10000x128xf32, #tpu.memory_space<vmem_shared>> -> memref<10000x128xf32, #tpu.memory_space<vmem_shared>>
        tpu.enqueue_indirect_dma source(%arg11 : memref<80x128xf32, #tpu.memory_space<vmem>>) target(%dma_start3A_221 : memref<10000x128xf32, #tpu.memory_space<vmem_shared>>) offsets(%arg8 : memref<80xi32, #tpu.memory_space<vmem>>) semaphore(%run_scoped3A : memref<!tpu.dma_semaphore, #tpu.memory_space<semaphore_mem>>) {add = true}
        %dma_wait3A_222 = arith.constant 0 : i32
        %dma_wait3A_223 = arith.constant 0 : i32
        %dma_wait3A_224 = tpu.memref_slice %arg13[%dma_wait3A_222, %dma_wait3A_223] : memref<10000x128xf32, #tpu.memory_space<vmem_shared>> -> memref<10000x128xf32, #tpu.memory_space<vmem_shared>>
        tpu.wait_indirect_dma semaphore(%run_scoped3A : memref<!tpu.dma_semaphore, #tpu.memory_space<semaphore_mem>>) src(%arg11 : memref<80x128xf32, #tpu.memory_space<vmem>>) dst(%dma_wait3A_224 : memref<10000x128xf32, #tpu.memory_space<vmem_shared>>)
        tpu.yield
      }) : () -> ()
      %add3A_176 = arith.constant 1 : i32
      %add3A_177 = arith.addi %mul3A_134, %add3A_176 : i32
      %add3A_178 = arith.constant 3 : i32
      %add3A_179 = arith.addi %add3A_177, %add3A_178 : i32
      %mul3A_180 = arith.constant 80 : i32
      %mul3A_181 = arith.muli %add3A_179, %mul3A_180 : i32
      %add3A_182 = arith.addi %mul3A_30, %mul3A_181 : i32
      %dma_start3A_183 = tpu.memref_slice %arg4[%add3A_182] : memref<320000xi32, #tpu.memory_space<hbm>> -> memref<80xi32, #tpu.memory_space<hbm>>
      %dma_start3A_184 = tpu.memref_slice %arg4[%add3A_182] : memref<320000xi32, #tpu.memory_space<hbm>> -> memref<80xi32, #tpu.memory_space<hbm>>
      tpu.enqueue_dma source(%dma_start3A_184 : memref<80xi32, #tpu.memory_space<hbm>>) target(%arg8 : memref<80xi32, #tpu.memory_space<vmem>>) target_semaphore(%arg18 : memref<!tpu.dma_semaphore, #tpu.memory_space<semaphore_mem>>)
      %mul3A_185 = arith.constant 80 : i32
      %mul3A_186 = arith.muli %add3A_179, %mul3A_185 : i32
      %dma_start3A_187 = tpu.memref_slice %arg6[%mul3A_186] : memref<10000xi32, #tpu.memory_space<vmem>> -> memref<80xi32, #tpu.memory_space<vmem>>
      %dma_start3A_188 = arith.constant 0 : i32
      %dma_start3A_189 = arith.constant 0 : i32
      %dma_start3A_190 = tpu.memref_slice %arg2[%dma_start3A_188, %dma_start3A_189] : memref<10000x128xf32, #tpu.memory_space<hbm>> -> memref<10000x128xf32, #tpu.memory_space<hbm>>
      tpu.enqueue_indirect_dma source(%dma_start3A_190 : memref<10000x128xf32, #tpu.memory_space<hbm>>) target(%arg11 : memref<80x128xf32, #tpu.memory_space<vmem>>) offsets(%dma_start3A_187 : memref<80xi32, #tpu.memory_space<vmem>>) semaphore(%arg15 : memref<!tpu.dma_semaphore, #tpu.memory_space<semaphore_mem>>)
      %add3A_191 = arith.constant 2 : i32
      %add3A_192 = arith.addi %mul3A_134, %add3A_191 : i32
      %mul3A_193 = arith.constant 80 : i32
      %mul3A_194 = arith.muli %add3A_192, %mul3A_193 : i32
      %add3A_195 = arith.addi %mul3A_30, %mul3A_194 : i32
      %dma_wait3A_196 = tpu.memref_slice %arg4[%add3A_195] : memref<320000xi32, #tpu.memory_space<hbm>> -> memref<80xi32, #tpu.memory_space<hbm>>
      %dma_wait3A_197 = tpu.memref_slice %arg4[%add3A_195] : memref<320000xi32, #tpu.memory_space<hbm>> -> memref<80xi32, #tpu.memory_space<hbm>>
      tpu.wait_dma2 semaphore(%arg19 : memref<!tpu.dma_semaphore, #tpu.memory_space<semaphore_mem>>) src(%dma_wait3A_197 : memref<80xi32, #tpu.memory_space<hbm>>) dst(%arg9 : memref<80xi32, #tpu.memory_space<vmem>>)
      %mul3A_198 = arith.constant 80 : i32
      %mul3A_199 = arith.muli %add3A_192, %mul3A_198 : i32
      %dma_wait3A_200 = tpu.memref_slice %arg6[%mul3A_199] : memref<10000xi32, #tpu.memory_space<vmem>> -> memref<80xi32, #tpu.memory_space<vmem>>
      %dma_wait3A_201 = arith.constant 0 : i32
      %dma_wait3A_202 = arith.constant 0 : i32
      %dma_wait3A_203 = tpu.memref_slice %arg2[%dma_wait3A_201, %dma_wait3A_202] : memref<10000x128xf32, #tpu.memory_space<hbm>> -> memref<10000x128xf32, #tpu.memory_space<hbm>>
      tpu.wait_indirect_dma semaphore(%arg16 : memref<!tpu.dma_semaphore, #tpu.memory_space<semaphore_mem>>) src(%dma_wait3A_203 : memref<10000x128xf32, #tpu.memory_space<hbm>>) dst(%arg12 : memref<80x128xf32, #tpu.memory_space<vmem>>)
      "tpu.region"() ({
        %run_scoped3A = tpu.sem_alloc : memref<!tpu.dma_semaphore, #tpu.memory_space<semaphore_mem>>
        %dma_start3A_219 = arith.constant 0 : i32
        %dma_start3A_220 = arith.constant 0 : i32
        %dma_start3A_221 = tpu.memref_slice %arg13[%dma_start3A_219, %dma_start3A_220] : memref<10000x128xf32, #tpu.memory_space<vmem_shared>> -> memref<10000x128xf32, #tpu.memory_space<vmem_shared>>
        tpu.enqueue_indirect_dma source(%arg12 : memref<80x128xf32, #tpu.memory_space<vmem>>) target(%dma_start3A_221 : memref<10000x128xf32, #tpu.memory_space<vmem_shared>>) offsets(%arg9 : memref<80xi32, #tpu.memory_space<vmem>>) semaphore(%run_scoped3A : memref<!tpu.dma_semaphore, #tpu.memory_space<semaphore_mem>>) {add = true}
        %dma_wait3A_222 = arith.constant 0 : i32
        %dma_wait3A_223 = arith.constant 0 : i32
        %dma_wait3A_224 = tpu.memref_slice %arg13[%dma_wait3A_222, %dma_wait3A_223] : memref<10000x128xf32, #tpu.memory_space<vmem_shared>> -> memref<10000x128xf32, #tpu.memory_space<vmem_shared>>
        tpu.wait_indirect_dma semaphore(%run_scoped3A : memref<!tpu.dma_semaphore, #tpu.memory_space<semaphore_mem>>) src(%arg12 : memref<80x128xf32, #tpu.memory_space<vmem>>) dst(%dma_wait3A_224 : memref<10000x128xf32, #tpu.memory_space<vmem_shared>>)
        tpu.yield
      }) : () -> ()
      %add3A_204 = arith.constant 2 : i32
      %add3A_205 = arith.addi %mul3A_134, %add3A_204 : i32
      %add3A_206 = arith.constant 3 : i32
      %add3A_207 = arith.addi %add3A_205, %add3A_206 : i32
      %mul3A_208 = arith.constant 80 : i32
      %mul3A_209 = arith.muli %add3A_207, %mul3A_208 : i32
      %add3A_210 = arith.addi %mul3A_30, %mul3A_209 : i32
      %dma_start3A_211 = tpu.memref_slice %arg4[%add3A_210] : memref<320000xi32, #tpu.memory_space<hbm>> -> memref<80xi32, #tpu.memory_space<hbm>>
      %dma_start3A_212 = tpu.memref_slice %arg4[%add3A_210] : memref<320000xi32, #tpu.memory_space<hbm>> -> memref<80xi32, #tpu.memory_space<hbm>>
      tpu.enqueue_dma source(%dma_start3A_212 : memref<80xi32, #tpu.memory_space<hbm>>) target(%arg9 : memref<80xi32, #tpu.memory_space<vmem>>) target_semaphore(%arg19 : memref<!tpu.dma_semaphore, #tpu.memory_space<semaphore_mem>>)
      %mul3A_213 = arith.constant 80 : i32
      %mul3A_214 = arith.muli %add3A_207, %mul3A_213 : i32
      %dma_start3A_215 = tpu.memref_slice %arg6[%mul3A_214] : memref<10000xi32, #tpu.memory_space<vmem>> -> memref<80xi32, #tpu.memory_space<vmem>>
      %dma_start3A_216 = arith.constant 0 : i32
      %dma_start3A_217 = arith.constant 0 : i32
      %dma_start3A_218 = tpu.memref_slice %arg2[%dma_start3A_216, %dma_start3A_217] : memref<10000x128xf32, #tpu.memory_space<hbm>> -> memref<10000x128xf32, #tpu.memory_space<hbm>>
      tpu.enqueue_indirect_dma source(%dma_start3A_218 : memref<10000x128xf32, #tpu.memory_space<hbm>>) target(%arg12 : memref<80x128xf32, #tpu.memory_space<vmem>>) offsets(%dma_start3A_215 : memref<80xi32, #tpu.memory_space<vmem>>) semaphore(%arg16 : memref<!tpu.dma_semaphore, #tpu.memory_space<semaphore_mem>>)
    }
    %scan3A_62 = arith.constant 40 : i32
    %add3A_63 = arith.constant 9600 : i32
    %add3A_64 = arith.addi %mul3A_30, %add3A_63 : i32
    %dma_wait3A_65 = tpu.memref_slice %arg4[%add3A_64] : memref<320000xi32, #tpu.memory_space<hbm>> -> memref<80xi32, #tpu.memory_space<hbm>>
    %dma_wait3A_66 = tpu.memref_slice %arg4[%add3A_64] : memref<320000xi32, #tpu.memory_space<hbm>> -> memref<80xi32, #tpu.memory_space<hbm>>
    tpu.wait_dma2 semaphore(%arg17 : memref<!tpu.dma_semaphore, #tpu.memory_space<semaphore_mem>>) src(%dma_wait3A_66 : memref<80xi32, #tpu.memory_space<hbm>>) dst(%arg7 : memref<80xi32, #tpu.memory_space<vmem>>)
    %dma_wait3A_67 = arith.constant 9600 : i32
    %dma_wait3A_68 = tpu.memref_slice %arg6[%dma_wait3A_67] : memref<10000xi32, #tpu.memory_space<vmem>> -> memref<80xi32, #tpu.memory_space<vmem>>
    %dma_wait3A_69 = arith.constant 0 : i32
    %dma_wait3A_70 = arith.constant 0 : i32
    %dma_wait3A_71 = tpu.memref_slice %arg2[%dma_wait3A_69, %dma_wait3A_70] : memref<10000x128xf32, #tpu.memory_space<hbm>> -> memref<10000x128xf32, #tpu.memory_space<hbm>>
    tpu.wait_indirect_dma semaphore(%arg14 : memref<!tpu.dma_semaphore, #tpu.memory_space<semaphore_mem>>) src(%dma_wait3A_71 : memref<10000x128xf32, #tpu.memory_space<hbm>>) dst(%arg10 : memref<80x128xf32, #tpu.memory_space<vmem>>)
    "tpu.region"() ({
      %run_scoped3A = tpu.sem_alloc : memref<!tpu.dma_semaphore, #tpu.memory_space<semaphore_mem>>
      %dma_start3A_132 = arith.constant 0 : i32
      %dma_start3A_133 = arith.constant 0 : i32
      %dma_start3A_134 = tpu.memref_slice %arg13[%dma_start3A_132, %dma_start3A_133] : memref<10000x128xf32, #tpu.memory_space<vmem_shared>> -> memref<10000x128xf32, #tpu.memory_space<vmem_shared>>
      tpu.enqueue_indirect_dma source(%arg10 : memref<80x128xf32, #tpu.memory_space<vmem>>) target(%dma_start3A_134 : memref<10000x128xf32, #tpu.memory_space<vmem_shared>>) offsets(%arg7 : memref<80xi32, #tpu.memory_space<vmem>>) semaphore(%run_scoped3A : memref<!tpu.dma_semaphore, #tpu.memory_space<semaphore_mem>>) {add = true}
      %dma_wait3A_135 = arith.constant 0 : i32
      %dma_wait3A_136 = arith.constant 0 : i32
      %dma_wait3A_137 = tpu.memref_slice %arg13[%dma_wait3A_135, %dma_wait3A_136] : memref<10000x128xf32, #tpu.memory_space<vmem_shared>> -> memref<10000x128xf32, #tpu.memory_space<vmem_shared>>
      tpu.wait_indirect_dma semaphore(%run_scoped3A : memref<!tpu.dma_semaphore, #tpu.memory_space<semaphore_mem>>) src(%arg10 : memref<80x128xf32, #tpu.memory_space<vmem>>) dst(%dma_wait3A_137 : memref<10000x128xf32, #tpu.memory_space<vmem_shared>>)
      tpu.yield
    }) : () -> ()
    %add3A_72 = arith.constant 9840 : i32
    %add3A_73 = arith.addi %mul3A_30, %add3A_72 : i32
    %dma_start3A_74 = tpu.memref_slice %arg4[%add3A_73] : memref<320000xi32, #tpu.memory_space<hbm>> -> memref<80xi32, #tpu.memory_space<hbm>>
    %dma_start3A_75 = tpu.memref_slice %arg4[%add3A_73] : memref<320000xi32, #tpu.memory_space<hbm>> -> memref<80xi32, #tpu.memory_space<hbm>>
    tpu.enqueue_dma source(%dma_start3A_75 : memref<80xi32, #tpu.memory_space<hbm>>) target(%arg7 : memref<80xi32, #tpu.memory_space<vmem>>) target_semaphore(%arg17 : memref<!tpu.dma_semaphore, #tpu.memory_space<semaphore_mem>>)
    %dma_start3A_76 = arith.constant 9840 : i32
    %dma_start3A_77 = tpu.memref_slice %arg6[%dma_start3A_76] : memref<10000xi32, #tpu.memory_space<vmem>> -> memref<80xi32, #tpu.memory_space<vmem>>
    %dma_start3A_78 = arith.constant 0 : i32
    %dma_start3A_79 = arith.constant 0 : i32
    %dma_start3A_80 = tpu.memref_slice %arg2[%dma_start3A_78, %dma_start3A_79] : memref<10000x128xf32, #tpu.memory_space<hbm>> -> memref<10000x128xf32, #tpu.memory_space<hbm>>
    tpu.enqueue_indirect_dma source(%dma_start3A_80 : memref<10000x128xf32, #tpu.memory_space<hbm>>) target(%arg10 : memref<80x128xf32, #tpu.memory_space<vmem>>) offsets(%dma_start3A_77 : memref<80xi32, #tpu.memory_space<vmem>>) semaphore(%arg14 : memref<!tpu.dma_semaphore, #tpu.memory_space<semaphore_mem>>)
    %add3A_81 = arith.constant 9680 : i32
    %add3A_82 = arith.addi %mul3A_30, %add3A_81 : i32
    %dma_wait3A_83 = tpu.memref_slice %arg4[%add3A_82] : memref<320000xi32, #tpu.memory_space<hbm>> -> memref<80xi32, #tpu.memory_space<hbm>>
    %dma_wait3A_84 = tpu.memref_slice %arg4[%add3A_82] : memref<320000xi32, #tpu.memory_space<hbm>> -> memref<80xi32, #tpu.memory_space<hbm>>
    tpu.wait_dma2 semaphore(%arg18 : memref<!tpu.dma_semaphore, #tpu.memory_space<semaphore_mem>>) src(%dma_wait3A_84 : memref<80xi32, #tpu.memory_space<hbm>>) dst(%arg8 : memref<80xi32, #tpu.memory_space<vmem>>)
    %dma_wait3A_85 = arith.constant 9680 : i32
    %dma_wait3A_86 = tpu.memref_slice %arg6[%dma_wait3A_85] : memref<10000xi32, #tpu.memory_space<vmem>> -> memref<80xi32, #tpu.memory_space<vmem>>
    %dma_wait3A_87 = arith.constant 0 : i32
    %dma_wait3A_88 = arith.constant 0 : i32
    %dma_wait3A_89 = tpu.memref_slice %arg2[%dma_wait3A_87, %dma_wait3A_88] : memref<10000x128xf32, #tpu.memory_space<hbm>> -> memref<10000x128xf32, #tpu.memory_space<hbm>>
    tpu.wait_indirect_dma semaphore(%arg15 : memref<!tpu.dma_semaphore, #tpu.memory_space<semaphore_mem>>) src(%dma_wait3A_89 : memref<10000x128xf32, #tpu.memory_space<hbm>>) dst(%arg11 : memref<80x128xf32, #tpu.memory_space<vmem>>)
    "tpu.region"() ({
      %run_scoped3A = tpu.sem_alloc : memref<!tpu.dma_semaphore, #tpu.memory_space<semaphore_mem>>
      %dma_start3A_132 = arith.constant 0 : i32
      %dma_start3A_133 = arith.constant 0 : i32
      %dma_start3A_134 = tpu.memref_slice %arg13[%dma_start3A_132, %dma_start3A_133] : memref<10000x128xf32, #tpu.memory_space<vmem_shared>> -> memref<10000x128xf32, #tpu.memory_space<vmem_shared>>
      tpu.enqueue_indirect_dma source(%arg11 : memref<80x128xf32, #tpu.memory_space<vmem>>) target(%dma_start3A_134 : memref<10000x128xf32, #tpu.memory_space<vmem_shared>>) offsets(%arg8 : memref<80xi32, #tpu.memory_space<vmem>>) semaphore(%run_scoped3A : memref<!tpu.dma_semaphore, #tpu.memory_space<semaphore_mem>>) {add = true}
      %dma_wait3A_135 = arith.constant 0 : i32
      %dma_wait3A_136 = arith.constant 0 : i32
      %dma_wait3A_137 = tpu.memref_slice %arg13[%dma_wait3A_135, %dma_wait3A_136] : memref<10000x128xf32, #tpu.memory_space<vmem_shared>> -> memref<10000x128xf32, #tpu.memory_space<vmem_shared>>
      tpu.wait_indirect_dma semaphore(%run_scoped3A : memref<!tpu.dma_semaphore, #tpu.memory_space<semaphore_mem>>) src(%arg11 : memref<80x128xf32, #tpu.memory_space<vmem>>) dst(%dma_wait3A_137 : memref<10000x128xf32, #tpu.memory_space<vmem_shared>>)
      tpu.yield
    }) : () -> ()
    %add3A_90 = arith.constant 9920 : i32
    %add3A_91 = arith.addi %mul3A_30, %add3A_90 : i32
    %dma_start3A_92 = tpu.memref_slice %arg4[%add3A_91] : memref<320000xi32, #tpu.memory_space<hbm>> -> memref<80xi32, #tpu.memory_space<hbm>>
    %dma_start3A_93 = tpu.memref_slice %arg4[%add3A_91] : memref<320000xi32, #tpu.memory_space<hbm>> -> memref<80xi32, #tpu.memory_space<hbm>>
    tpu.enqueue_dma source(%dma_start3A_93 : memref<80xi32, #tpu.memory_space<hbm>>) target(%arg8 : memref<80xi32, #tpu.memory_space<vmem>>) target_semaphore(%arg18 : memref<!tpu.dma_semaphore, #tpu.memory_space<semaphore_mem>>)
    %dma_start3A_94 = arith.constant 9920 : i32
    %dma_start3A_95 = tpu.memref_slice %arg6[%dma_start3A_94] : memref<10000xi32, #tpu.memory_space<vmem>> -> memref<80xi32, #tpu.memory_space<vmem>>
    %dma_start3A_96 = arith.constant 0 : i32
    %dma_start3A_97 = arith.constant 0 : i32
    %dma_start3A_98 = tpu.memref_slice %arg2[%dma_start3A_96, %dma_start3A_97] : memref<10000x128xf32, #tpu.memory_space<hbm>> -> memref<10000x128xf32, #tpu.memory_space<hbm>>
    tpu.enqueue_indirect_dma source(%dma_start3A_98 : memref<10000x128xf32, #tpu.memory_space<hbm>>) target(%arg11 : memref<80x128xf32, #tpu.memory_space<vmem>>) offsets(%dma_start3A_95 : memref<80xi32, #tpu.memory_space<vmem>>) semaphore(%arg15 : memref<!tpu.dma_semaphore, #tpu.memory_space<semaphore_mem>>)
    %add3A_99 = arith.constant 9760 : i32
    %add3A_100 = arith.addi %mul3A_30, %add3A_99 : i32
    %dma_wait3A_101 = tpu.memref_slice %arg4[%add3A_100] : memref<320000xi32, #tpu.memory_space<hbm>> -> memref<80xi32, #tpu.memory_space<hbm>>
    %dma_wait3A_102 = tpu.memref_slice %arg4[%add3A_100] : memref<320000xi32, #tpu.memory_space<hbm>> -> memref<80xi32, #tpu.memory_space<hbm>>
    tpu.wait_dma2 semaphore(%arg19 : memref<!tpu.dma_semaphore, #tpu.memory_space<semaphore_mem>>) src(%dma_wait3A_102 : memref<80xi32, #tpu.memory_space<hbm>>) dst(%arg9 : memref<80xi32, #tpu.memory_space<vmem>>)
    %dma_wait3A_103 = arith.constant 9760 : i32
    %dma_wait3A_104 = tpu.memref_slice %arg6[%dma_wait3A_103] : memref<10000xi32, #tpu.memory_space<vmem>> -> memref<80xi32, #tpu.memory_space<vmem>>
    %dma_wait3A_105 = arith.constant 0 : i32
    %dma_wait3A_106 = arith.constant 0 : i32
    %dma_wait3A_107 = tpu.memref_slice %arg2[%dma_wait3A_105, %dma_wait3A_106] : memref<10000x128xf32, #tpu.memory_space<hbm>> -> memref<10000x128xf32, #tpu.memory_space<hbm>>
    tpu.wait_indirect_dma semaphore(%arg16 : memref<!tpu.dma_semaphore, #tpu.memory_space<semaphore_mem>>) src(%dma_wait3A_107 : memref<10000x128xf32, #tpu.memory_space<hbm>>) dst(%arg12 : memref<80x128xf32, #tpu.memory_space<vmem>>)
    "tpu.region"() ({
      %run_scoped3A = tpu.sem_alloc : memref<!tpu.dma_semaphore, #tpu.memory_space<semaphore_mem>>
      %dma_start3A_132 = arith.constant 0 : i32
      %dma_start3A_133 = arith.constant 0 : i32
      %dma_start3A_134 = tpu.memref_slice %arg13[%dma_start3A_132, %dma_start3A_133] : memref<10000x128xf32, #tpu.memory_space<vmem_shared>> -> memref<10000x128xf32, #tpu.memory_space<vmem_shared>>
      tpu.enqueue_indirect_dma source(%arg12 : memref<80x128xf32, #tpu.memory_space<vmem>>) target(%dma_start3A_134 : memref<10000x128xf32, #tpu.memory_space<vmem_shared>>) offsets(%arg9 : memref<80xi32, #tpu.memory_space<vmem>>) semaphore(%run_scoped3A : memref<!tpu.dma_semaphore, #tpu.memory_space<semaphore_mem>>) {add = true}
      %dma_wait3A_135 = arith.constant 0 : i32
      %dma_wait3A_136 = arith.constant 0 : i32
      %dma_wait3A_137 = tpu.memref_slice %arg13[%dma_wait3A_135, %dma_wait3A_136] : memref<10000x128xf32, #tpu.memory_space<vmem_shared>> -> memref<10000x128xf32, #tpu.memory_space<vmem_shared>>
      tpu.wait_indirect_dma semaphore(%run_scoped3A : memref<!tpu.dma_semaphore, #tpu.memory_space<semaphore_mem>>) src(%arg12 : memref<80x128xf32, #tpu.memory_space<vmem>>) dst(%dma_wait3A_137 : memref<10000x128xf32, #tpu.memory_space<vmem_shared>>)
      tpu.yield
    }) : () -> ()
    %add3A_108 = arith.constant 9840 : i32
    %add3A_109 = arith.addi %mul3A_30, %add3A_108 : i32
    %dma_wait3A_110 = tpu.memref_slice %arg4[%add3A_109] : memref<320000xi32, #tpu.memory_space<hbm>> -> memref<80xi32, #tpu.memory_space<hbm>>
    %dma_wait3A_111 = tpu.memref_slice %arg4[%add3A_109] : memref<320000xi32, #tpu.memory_space<hbm>> -> memref<80xi32, #tpu.memory_space<hbm>>
    tpu.wait_dma2 semaphore(%arg17 : memref<!tpu.dma_semaphore, #tpu.memory_space<semaphore_mem>>) src(%dma_wait3A_111 : memref<80xi32, #tpu.memory_space<hbm>>) dst(%arg7 : memref<80xi32, #tpu.memory_space<vmem>>)
    %dma_wait3A_112 = arith.constant 9840 : i32
    %dma_wait3A_113 = tpu.memref_slice %arg6[%dma_wait3A_112] : memref<10000xi32, #tpu.memory_space<vmem>> -> memref<80xi32, #tpu.memory_space<vmem>>
    %dma_wait3A_114 = arith.constant 0 : i32
    %dma_wait3A_115 = arith.constant 0 : i32
    %dma_wait3A_116 = tpu.memref_slice %arg2[%dma_wait3A_114, %dma_wait3A_115] : memref<10000x128xf32, #tpu.memory_space<hbm>> -> memref<10000x128xf32, #tpu.memory_space<hbm>>
    tpu.wait_indirect_dma semaphore(%arg14 : memref<!tpu.dma_semaphore, #tpu.memory_space<semaphore_mem>>) src(%dma_wait3A_116 : memref<10000x128xf32, #tpu.memory_space<hbm>>) dst(%arg10 : memref<80x128xf32, #tpu.memory_space<vmem>>)
    "tpu.region"() ({
      %run_scoped3A = tpu.sem_alloc : memref<!tpu.dma_semaphore, #tpu.memory_space<semaphore_mem>>
      %dma_start3A_132 = arith.constant 0 : i32
      %dma_start3A_133 = arith.constant 0 : i32
      %dma_start3A_134 = tpu.memref_slice %arg13[%dma_start3A_132, %dma_start3A_133] : memref<10000x128xf32, #tpu.memory_space<vmem_shared>> -> memref<10000x128xf32, #tpu.memory_space<vmem_shared>>
      tpu.enqueue_indirect_dma source(%arg10 : memref<80x128xf32, #tpu.memory_space<vmem>>) target(%dma_start3A_134 : memref<10000x128xf32, #tpu.memory_space<vmem_shared>>) offsets(%arg7 : memref<80xi32, #tpu.memory_space<vmem>>) semaphore(%run_scoped3A : memref<!tpu.dma_semaphore, #tpu.memory_space<semaphore_mem>>) {add = true}
      %dma_wait3A_135 = arith.constant 0 : i32
      %dma_wait3A_136 = arith.constant 0 : i32
      %dma_wait3A_137 = tpu.memref_slice %arg13[%dma_wait3A_135, %dma_wait3A_136] : memref<10000x128xf32, #tpu.memory_space<vmem_shared>> -> memref<10000x128xf32, #tpu.memory_space<vmem_shared>>
      tpu.wait_indirect_dma semaphore(%run_scoped3A : memref<!tpu.dma_semaphore, #tpu.memory_space<semaphore_mem>>) src(%arg10 : memref<80x128xf32, #tpu.memory_space<vmem>>) dst(%dma_wait3A_137 : memref<10000x128xf32, #tpu.memory_space<vmem_shared>>)
      tpu.yield
    }) : () -> ()
    %add3A_117 = arith.constant 9920 : i32
    %add3A_118 = arith.addi %mul3A_30, %add3A_117 : i32
    %dma_wait3A_119 = tpu.memref_slice %arg4[%add3A_118] : memref<320000xi32, #tpu.memory_space<hbm>> -> memref<80xi32, #tpu.memory_space<hbm>>
    %dma_wait3A_120 = tpu.memref_slice %arg4[%add3A_118] : memref<320000xi32, #tpu.memory_space<hbm>> -> memref<80xi32, #tpu.memory_space<hbm>>
    tpu.wait_dma2 semaphore(%arg18 : memref<!tpu.dma_semaphore, #tpu.memory_space<semaphore_mem>>) src(%dma_wait3A_120 : memref<80xi32, #tpu.memory_space<hbm>>) dst(%arg8 : memref<80xi32, #tpu.memory_space<vmem>>)
    %dma_wait3A_121 = arith.constant 9920 : i32
    %dma_wait3A_122 = tpu.memref_slice %arg6[%dma_wait3A_121] : memref<10000xi32, #tpu.memory_space<vmem>> -> memref<80xi32, #tpu.memory_space<vmem>>
    %dma_wait3A_123 = arith.constant 0 : i32
    %dma_wait3A_124 = arith.constant 0 : i32
    %dma_wait3A_125 = tpu.memref_slice %arg2[%dma_wait3A_123, %dma_wait3A_124] : memref<10000x128xf32, #tpu.memory_space<hbm>> -> memref<10000x128xf32, #tpu.memory_space<hbm>>
    tpu.wait_indirect_dma semaphore(%arg15 : memref<!tpu.dma_semaphore, #tpu.memory_space<semaphore_mem>>) src(%dma_wait3A_125 : memref<10000x128xf32, #tpu.memory_space<hbm>>) dst(%arg11 : memref<80x128xf32, #tpu.memory_space<vmem>>)
    "tpu.region"() ({
      %run_scoped3A = tpu.sem_alloc : memref<!tpu.dma_semaphore, #tpu.memory_space<semaphore_mem>>
      %dma_start3A_132 = arith.constant 0 : i32
      %dma_start3A_133 = arith.constant 0 : i32
      %dma_start3A_134 = tpu.memref_slice %arg13[%dma_start3A_132, %dma_start3A_133] : memref<10000x128xf32, #tpu.memory_space<vmem_shared>> -> memref<10000x128xf32, #tpu.memory_space<vmem_shared>>
      tpu.enqueue_indirect_dma source(%arg11 : memref<80x128xf32, #tpu.memory_space<vmem>>) target(%dma_start3A_134 : memref<10000x128xf32, #tpu.memory_space<vmem_shared>>) offsets(%arg8 : memref<80xi32, #tpu.memory_space<vmem>>) semaphore(%run_scoped3A : memref<!tpu.dma_semaphore, #tpu.memory_space<semaphore_mem>>) {add = true}
      %dma_wait3A_135 = arith.constant 0 : i32
      %dma_wait3A_136 = arith.constant 0 : i32
      %dma_wait3A_137 = tpu.memref_slice %arg13[%dma_wait3A_135, %dma_wait3A_136] : memref<10000x128xf32, #tpu.memory_space<vmem_shared>> -> memref<10000x128xf32, #tpu.memory_space<vmem_shared>>
      tpu.wait_indirect_dma semaphore(%run_scoped3A : memref<!tpu.dma_semaphore, #tpu.memory_space<semaphore_mem>>) src(%arg11 : memref<80x128xf32, #tpu.memory_space<vmem>>) dst(%dma_wait3A_137 : memref<10000x128xf32, #tpu.memory_space<vmem_shared>>)
      tpu.yield
    }) : () -> ()
    %barrier3A_126 = arith.constant 0 : index
    tpu.barrier barrier_id(%barrier3A_126)
    "tpu.region"() ({
      %run_scoped3A = tpu.sem_alloc : memref<!tpu.dma_semaphore, #tpu.memory_space<semaphore_mem>>
      %dma_start3A_132 = arith.constant 0 : i32
      %dma_start3A_133 = tpu.memref_slice %arg5[%arg0, %mul3A_2, %dma_start3A_132] : memref<2x10000x128xf32, #tpu.memory_space<hbm>> -> memref<1x624x128xf32, #tpu.memory_space<hbm>>
      %dma_start3A_134 = tpu.memref_squeeze %dma_start3A_133 : memref<1x624x128xf32, #tpu.memory_space<hbm>> -> memref<624x128xf32, #tpu.memory_space<hbm>>
      %dma_start3A_135 = arith.constant 0 : i32
      %dma_start3A_136 = tpu.memref_slice %arg13[%mul3A_2, %dma_start3A_135] : memref<10000x128xf32, #tpu.memory_space<vmem_shared>> -> memref<624x128xf32, #tpu.memory_space<vmem_shared>>
      tpu.enqueue_dma source(%dma_start3A_136 : memref<624x128xf32, #tpu.memory_space<vmem_shared>>) target(%dma_start3A_134 : memref<624x128xf32, #tpu.memory_space<hbm>>) target_semaphore(%run_scoped3A : memref<!tpu.dma_semaphore, #tpu.memory_space<semaphore_mem>>)
      %dma_wait3A_137 = arith.constant 0 : i32
      %dma_wait3A_138 = tpu.memref_slice %arg5[%arg0, %mul3A_2, %dma_wait3A_137] : memref<2x10000x128xf32, #tpu.memory_space<hbm>> -> memref<1x624x128xf32, #tpu.memory_space<hbm>>
      %dma_wait3A_139 = tpu.memref_squeeze %dma_wait3A_138 : memref<1x624x128xf32, #tpu.memory_space<hbm>> -> memref<624x128xf32, #tpu.memory_space<hbm>>
      %dma_wait3A_140 = arith.constant 0 : i32
      %dma_wait3A_141 = tpu.memref_slice %arg13[%mul3A_2, %dma_wait3A_140] : memref<10000x128xf32, #tpu.memory_space<vmem_shared>> -> memref<624x128xf32, #tpu.memory_space<vmem_shared>>
      tpu.wait_dma2 semaphore(%run_scoped3A : memref<!tpu.dma_semaphore, #tpu.memory_space<semaphore_mem>>) src(%dma_wait3A_141 : memref<624x128xf32, #tpu.memory_space<vmem_shared>>) dst(%dma_wait3A_139 : memref<624x128xf32, #tpu.memory_space<hbm>>)
      tpu.yield
    }) : () -> ()
    %eq3A_127 = arith.constant 0 : i32
    %eq3A_128 = arith.cmpi eq, %arg1, %eq3A_127 : i32
    %convert_element_type3A_129 = arith.extui %eq3A_128 : i1 to i32
    %cond3A_130 = arith.constant 0 : i32
    %cond3A_131 = arith.cmpi ne, %convert_element_type3A_129, %cond3A_130 : i32
    scf.if %cond3A_131 {
      "tpu.region"() ({
        %run_scoped3A = tpu.sem_alloc : memref<!tpu.dma_semaphore, #tpu.memory_space<semaphore_mem>>
        %dma_start3A_132 = arith.constant 9984 : i32
        %dma_start3A_133 = arith.constant 0 : i32
        %dma_start3A_134 = tpu.memref_slice %arg5[%arg0, %dma_start3A_132, %dma_start3A_133] : memref<2x10000x128xf32, #tpu.memory_space<hbm>> -> memref<1x16x128xf32, #tpu.memory_space<hbm>>
        %dma_start3A_135 = tpu.memref_squeeze %dma_start3A_134 : memref<1x16x128xf32, #tpu.memory_space<hbm>> -> memref<16x128xf32, #tpu.memory_space<hbm>>
        %dma_start3A_136 = arith.constant 9984 : i32
        %dma_start3A_137 = arith.constant 0 : i32
        %dma_start3A_138 = tpu.memref_slice %arg13[%dma_start3A_136, %dma_start3A_137] : memref<10000x128xf32, #tpu.memory_space<vmem_shared>> -> memref<16x128xf32, #tpu.memory_space<vmem_shared>>
        tpu.enqueue_dma source(%dma_start3A_138 : memref<16x128xf32, #tpu.memory_space<vmem_shared>>) target(%dma_start3A_135 : memref<16x128xf32, #tpu.memory_space<hbm>>) target_semaphore(%run_scoped3A : memref<!tpu.dma_semaphore, #tpu.memory_space<semaphore_mem>>)
        %dma_wait3A_139 = arith.constant 9984 : i32
        %dma_wait3A_140 = arith.constant 0 : i32
        %dma_wait3A_141 = tpu.memref_slice %arg5[%arg0, %dma_wait3A_139, %dma_wait3A_140] : memref<2x10000x128xf32, #tpu.memory_space<hbm>> -> memref<1x16x128xf32, #tpu.memory_space<hbm>>
        %dma_wait3A_142 = tpu.memref_squeeze %dma_wait3A_141 : memref<1x16x128xf32, #tpu.memory_space<hbm>> -> memref<16x128xf32, #tpu.memory_space<hbm>>
        %dma_wait3A_143 = arith.constant 9984 : i32
        %dma_wait3A_144 = arith.constant 0 : i32
        %dma_wait3A_145 = tpu.memref_slice %arg13[%dma_wait3A_143, %dma_wait3A_144] : memref<10000x128xf32, #tpu.memory_space<vmem_shared>> -> memref<16x128xf32, #tpu.memory_space<vmem_shared>>
        tpu.wait_dma2 semaphore(%run_scoped3A : memref<!tpu.dma_semaphore, #tpu.memory_space<semaphore_mem>>) src(%dma_wait3A_145 : memref<16x128xf32, #tpu.memory_space<vmem_shared>>) dst(%dma_wait3A_142 : memref<16x128xf32, #tpu.memory_space<hbm>>)
        tpu.yield
      }) : () -> ()
    } else {
    }
    return
  }
}

#map = affine_map<(d0, d1) -> (0, 0)>
#map1 = affine_map<(d0, d1) -> (0)>
#map2 = affine_map<(d0, d1) -> (0, 0, 0)>
module attributes {stable_mosaic.version = 14 : i64} {
  func.func @seg(%arg0: i32, %arg1: i32, %arg2: memref<10000x128xf32, #tpu.memory_space<hbm>>, %arg3: memref<320000xi32, #tpu.memory_space<hbm>>, %arg4: memref<320000xi32, #tpu.memory_space<hbm>>, %arg5: memref<2x10000x128xf32, #tpu.memory_space<hbm>>, %arg6: memref<10000xi32, #tpu.memory_space<vmem>>, %arg7: memref<80xi32, #tpu.memory_space<vmem>>, %arg8: memref<80xi32, #tpu.memory_space<vmem>>, %arg9: memref<80xi32, #tpu.memory_space<vmem>>, %arg10: memref<80x128xf32, #tpu.memory_space<vmem>>, %arg11: memref<80x128xf32, #tpu.memory_space<vmem>>, %arg12: memref<80x128xf32, #tpu.memory_space<vmem>>, %arg13: memref<10000x128xf32, #tpu.memory_space<vmem_shared>>, %arg14: memref<!tpu.dma_semaphore, #tpu.memory_space<semaphore_mem>>, %arg15: memref<!tpu.dma_semaphore, #tpu.memory_space<semaphore_mem>>, %arg16: memref<!tpu.dma_semaphore, #tpu.memory_space<semaphore_mem>>, %arg17: memref<!tpu.dma_semaphore, #tpu.memory_space<semaphore_mem>>, %arg18: memref<!tpu.dma_semaphore, #tpu.memory_space<semaphore_mem>>, %arg19: memref<!tpu.dma_semaphore, #tpu.memory_space<semaphore_mem>>) attributes {dimension_semantics = [#tpu.dimension_semantics<core_parallel>, #tpu.dimension_semantics<subcore_parallel>], iteration_bounds = array<i64: 2, 16>, scalar_prefetch = 0 : i64, scratch_operands = 14 : i64, tpu.core_type = #tpu.core_type<sc_vector_subcore>, window_params = [{transform_indices = #map}, {transform_indices = #map1}, {transform_indices = #map1}, {transform_indices = #map2}]} {
    %mul3A = arith.constant 16 : i32
    %mul3A_0 = arith.muli %arg0, %mul3A : i32
    %add3A = arith.addi %mul3A_0, %arg1 : i32
    %mul3A_1 = arith.constant 624 : i32
    %mul3A_2 = arith.muli %arg1, %mul3A_1 : i32
    %mul3A_3 = arith.constant 125 : i32
    %mul3A_4 = arith.muli %add3A, %mul3A_3 : i32
    %mul3A_5 = arith.constant 80 : i32
    %mul3A_6 = arith.muli %mul3A_4, %mul3A_5 : i32
    %dma_start3A = tpu.memref_slice %arg3[%mul3A_6] : memref<320000xi32, #tpu.memory_space<hbm>> -> memref<10000xi32, #tpu.memory_space<hbm>>
    %dma_start3A_7 = tpu.memref_slice %arg3[%mul3A_6] : memref<320000xi32, #tpu.memory_space<hbm>> -> memref<10000xi32, #tpu.memory_space<hbm>>
    tpu.enqueue_dma source(%dma_start3A_7 : memref<10000xi32, #tpu.memory_space<hbm>>) target(%arg6 : memref<10000xi32, #tpu.memory_space<vmem>>) target_semaphore(%arg14 : memref<!tpu.dma_semaphore, #tpu.memory_space<semaphore_mem>>)
    %mul3A_8 = arith.constant 125 : i32
    %mul3A_9 = arith.muli %add3A, %mul3A_8 : i32
    %mul3A_10 = arith.constant 80 : i32
    %mul3A_11 = arith.muli %mul3A_9, %mul3A_10 : i32
    %dma_start3A_12 = tpu.memref_slice %arg4[%mul3A_11] : memref<320000xi32, #tpu.memory_space<hbm>> -> memref<80xi32, #tpu.memory_space<hbm>>
    %dma_start3A_13 = tpu.memref_slice %arg4[%mul3A_11] : memref<320000xi32, #tpu.memory_space<hbm>> -> memref<80xi32, #tpu.memory_space<hbm>>
    tpu.enqueue_dma source(%dma_start3A_13 : memref<80xi32, #tpu.memory_space<hbm>>) target(%arg7 : memref<80xi32, #tpu.memory_space<vmem>>) target_semaphore(%arg15 : memref<!tpu.dma_semaphore, #tpu.memory_space<semaphore_mem>>)
    %dma_start3A_14 = arith.constant 0 : i32
    %dma_start3A_15 = tpu.memref_slice %arg13[%mul3A_2, %dma_start3A_14] : memref<10000x128xf32, #tpu.memory_space<vmem_shared>> -> memref<624x128xf32, #tpu.memory_space<vmem_shared>>
    %dma_start3A_16 = arith.constant 0 : i32
    %dma_start3A_17 = tpu.memref_slice %arg2[%mul3A_2, %dma_start3A_16] : memref<10000x128xf32, #tpu.memory_space<hbm>> -> memref<624x128xf32, #tpu.memory_space<hbm>>
    tpu.enqueue_dma source(%dma_start3A_17 : memref<624x128xf32, #tpu.memory_space<hbm>>) target(%dma_start3A_15 : memref<624x128xf32, #tpu.memory_space<vmem_shared>>) target_semaphore(%arg14 : memref<!tpu.dma_semaphore, #tpu.memory_space<semaphore_mem>>)
    %eq3A = arith.constant 0 : i32
    %eq3A_18 = arith.cmpi eq, %arg1, %eq3A : i32
    %convert_element_type3A = arith.extui %eq3A_18 : i1 to i32
    %cond3A = arith.constant 0 : i32
    %cond3A_19 = arith.cmpi ne, %convert_element_type3A, %cond3A : i32
    scf.if %cond3A_19 {
      %dma_start3A_132 = arith.constant 9984 : i32
      %dma_start3A_133 = arith.constant 0 : i32
      %dma_start3A_134 = tpu.memref_slice %arg13[%dma_start3A_132, %dma_start3A_133] : memref<10000x128xf32, #tpu.memory_space<vmem_shared>> -> memref<16x128xf32, #tpu.memory_space<vmem_shared>>
      %dma_start3A_135 = arith.constant 9984 : i32
      %dma_start3A_136 = arith.constant 0 : i32
      %dma_start3A_137 = tpu.memref_slice %arg2[%dma_start3A_135, %dma_start3A_136] : memref<10000x128xf32, #tpu.memory_space<hbm>> -> memref<16x128xf32, #tpu.memory_space<hbm>>
      tpu.enqueue_dma source(%dma_start3A_137 : memref<16x128xf32, #tpu.memory_space<hbm>>) target(%dma_start3A_134 : memref<16x128xf32, #tpu.memory_space<vmem_shared>>) target_semaphore(%arg15 : memref<!tpu.dma_semaphore, #tpu.memory_space<semaphore_mem>>)
      %dma_wait3A_138 = arith.constant 9984 : i32
      %dma_wait3A_139 = arith.constant 0 : i32
      %dma_wait3A_140 = tpu.memref_slice %arg13[%dma_wait3A_138, %dma_wait3A_139] : memref<10000x128xf32, #tpu.memory_space<vmem_shared>> -> memref<16x128xf32, #tpu.memory_space<vmem_shared>>
      %dma_wait3A_141 = arith.constant 9984 : i32
      %dma_wait3A_142 = arith.constant 0 : i32
      %dma_wait3A_143 = tpu.memref_slice %arg2[%dma_wait3A_141, %dma_wait3A_142] : memref<10000x128xf32, #tpu.memory_space<hbm>> -> memref<16x128xf32, #tpu.memory_space<hbm>>
      tpu.wait_dma2 semaphore(%arg15 : memref<!tpu.dma_semaphore, #tpu.memory_space<semaphore_mem>>) src(%dma_wait3A_143 : memref<16x128xf32, #tpu.memory_space<hbm>>) dst(%dma_wait3A_140 : memref<16x128xf32, #tpu.memory_space<vmem_shared>>)
    } else {
    }
    %dma_wait3A = tpu.memref_slice %arg3[%mul3A_6] : memref<320000xi32, #tpu.memory_space<hbm>> -> memref<10000xi32, #tpu.memory_space<hbm>>
    %dma_wait3A_20 = tpu.memref_slice %arg3[%mul3A_6] : memref<320000xi32, #tpu.memory_space<hbm>> -> memref<10000xi32, #tpu.memory_space<hbm>>
    tpu.wait_dma2 semaphore(%arg14 : memref<!tpu.dma_semaphore, #tpu.memory_space<semaphore_mem>>) src(%dma_wait3A_20 : memref<10000xi32, #tpu.memory_space<hbm>>) dst(%arg6 : memref<10000xi32, #tpu.memory_space<vmem>>)
    %dma_wait3A_21 = tpu.memref_slice %arg4[%mul3A_11] : memref<320000xi32, #tpu.memory_space<hbm>> -> memref<80xi32, #tpu.memory_space<hbm>>
    %dma_wait3A_22 = tpu.memref_slice %arg4[%mul3A_11] : memref<320000xi32, #tpu.memory_space<hbm>> -> memref<80xi32, #tpu.memory_space<hbm>>
    tpu.wait_dma2 semaphore(%arg15 : memref<!tpu.dma_semaphore, #tpu.memory_space<semaphore_mem>>) src(%dma_wait3A_22 : memref<80xi32, #tpu.memory_space<hbm>>) dst(%arg7 : memref<80xi32, #tpu.memory_space<vmem>>)
    %dma_wait3A_23 = arith.constant 0 : i32
    %dma_wait3A_24 = tpu.memref_slice %arg13[%mul3A_2, %dma_wait3A_23] : memref<10000x128xf32, #tpu.memory_space<vmem_shared>> -> memref<624x128xf32, #tpu.memory_space<vmem_shared>>
    %dma_wait3A_25 = arith.constant 0 : i32
    %dma_wait3A_26 = tpu.memref_slice %arg2[%mul3A_2, %dma_wait3A_25] : memref<10000x128xf32, #tpu.memory_space<hbm>> -> memref<624x128xf32, #tpu.memory_space<hbm>>
    tpu.wait_dma2 semaphore(%arg14 : memref<!tpu.dma_semaphore, #tpu.memory_space<semaphore_mem>>) src(%dma_wait3A_26 : memref<624x128xf32, #tpu.memory_space<hbm>>) dst(%dma_wait3A_24 : memref<624x128xf32, #tpu.memory_space<vmem_shared>>)
    %barrier3A = arith.constant 0 : index
    tpu.barrier barrier_id(%barrier3A)
    %mul3A_27 = arith.constant 125 : i32
    %mul3A_28 = arith.muli %add3A, %mul3A_27 : i32
    %mul3A_29 = arith.constant 80 : i32
    %mul3A_30 = arith.muli %mul3A_28, %mul3A_29 : i32
    %add3A_31 = arith.constant 0 : i32
    %add3A_32 = arith.addi %mul3A_30, %add3A_31 : i32
    %dma_start3A_33 = tpu.memref_slice %arg4[%add3A_32] : memref<320000xi32, #tpu.memory_space<hbm>> -> memref<80xi32, #tpu.memory_space<hbm>>
    %dma_start3A_34 = tpu.memref_slice %arg4[%add3A_32] : memref<320000xi32, #tpu.memory_space<hbm>> -> memref<80xi32, #tpu.memory_space<hbm>>
    tpu.enqueue_dma source(%dma_start3A_34 : memref<80xi32, #tpu.memory_space<hbm>>) target(%arg7 : memref<80xi32, #tpu.memory_space<vmem>>) target_semaphore(%arg17 : memref<!tpu.dma_semaphore, #tpu.memory_space<semaphore_mem>>)
    %dma_start3A_35 = arith.constant 0 : i32
    %dma_start3A_36 = tpu.memref_slice %arg6[%dma_start3A_35] : memref<10000xi32, #tpu.memory_space<vmem>> -> memref<80xi32, #tpu.memory_space<vmem>>
    %dma_start3A_37 = arith.constant 0 : i32
    %dma_start3A_38 = arith.constant 0 : i32
    %dma_start3A_39 = tpu.memref_slice %arg2[%dma_start3A_37, %dma_start3A_38] : memref<10000x128xf32, #tpu.memory_space<hbm>> -> memref<10000x128xf32, #tpu.memory_space<hbm>>
    tpu.enqueue_indirect_dma source(%dma_start3A_39 : memref<10000x128xf32, #tpu.memory_space<hbm>>) target(%arg10 : memref<80x128xf32, #tpu.memory_space<vmem>>) offsets(%dma_start3A_36 : memref<80xi32, #tpu.memory_space<vmem>>) semaphore(%arg14 : memref<!tpu.dma_semaphore, #tpu.memory_space<semaphore_mem>>)
    %add3A_40 = arith.constant 80 : i32
    %add3A_41 = arith.addi %mul3A_30, %add3A_40 : i32
    %dma_start3A_42 = tpu.memref_slice %arg4[%add3A_41] : memref<320000xi32, #tpu.memory_space<hbm>> -> memref<80xi32, #tpu.memory_space<hbm>>
    %dma_start3A_43 = tpu.memref_slice %arg4[%add3A_41] : memref<320000xi32, #tpu.memory_space<hbm>> -> memref<80xi32, #tpu.memory_space<hbm>>
    tpu.enqueue_dma source(%dma_start3A_43 : memref<80xi32, #tpu.memory_space<hbm>>) target(%arg8 : memref<80xi32, #tpu.memory_space<vmem>>) target_semaphore(%arg18 : memref<!tpu.dma_semaphore, #tpu.memory_space<semaphore_mem>>)
    %dma_start3A_44 = arith.constant 80 : i32
    %dma_start3A_45 = tpu.memref_slice %arg6[%dma_start3A_44] : memref<10000xi32, #tpu.memory_space<vmem>> -> memref<80xi32, #tpu.memory_space<vmem>>
    %dma_start3A_46 = arith.constant 0 : i32
    %dma_start3A_47 = arith.constant 0 : i32
    %dma_start3A_48 = tpu.memref_slice %arg2[%dma_start3A_46, %dma_start3A_47] : memref<10000x128xf32, #tpu.memory_space<hbm>> -> memref<10000x128xf32, #tpu.memory_space<hbm>>
    tpu.enqueue_indirect_dma source(%dma_start3A_48 : memref<10000x128xf32, #tpu.memory_space<hbm>>) target(%arg11 : memref<80x128xf32, #tpu.memory_space<vmem>>) offsets(%dma_start3A_45 : memref<80xi32, #tpu.memory_space<vmem>>) semaphore(%arg15 : memref<!tpu.dma_semaphore, #tpu.memory_space<semaphore_mem>>)
    %add3A_49 = arith.constant 160 : i32
    %add3A_50 = arith.addi %mul3A_30, %add3A_49 : i32
    %dma_start3A_51 = tpu.memref_slice %arg4[%add3A_50] : memref<320000xi32, #tpu.memory_space<hbm>> -> memref<80xi32, #tpu.memory_space<hbm>>
    %dma_start3A_52 = tpu.memref_slice %arg4[%add3A_50] : memref<320000xi32, #tpu.memory_space<hbm>> -> memref<80xi32, #tpu.memory_space<hbm>>
    tpu.enqueue_dma source(%dma_start3A_52 : memref<80xi32, #tpu.memory_space<hbm>>) target(%arg9 : memref<80xi32, #tpu.memory_space<vmem>>) target_semaphore(%arg19 : memref<!tpu.dma_semaphore, #tpu.memory_space<semaphore_mem>>)
    %dma_start3A_53 = arith.constant 160 : i32
    %dma_start3A_54 = tpu.memref_slice %arg6[%dma_start3A_53] : memref<10000xi32, #tpu.memory_space<vmem>> -> memref<80xi32, #tpu.memory_space<vmem>>
    %dma_start3A_55 = arith.constant 0 : i32
    %dma_start3A_56 = arith.constant 0 : i32
    %dma_start3A_57 = tpu.memref_slice %arg2[%dma_start3A_55, %dma_start3A_56] : memref<10000x128xf32, #tpu.memory_space<hbm>> -> memref<10000x128xf32, #tpu.memory_space<hbm>>
    tpu.enqueue_indirect_dma source(%dma_start3A_57 : memref<10000x128xf32, #tpu.memory_space<hbm>>) target(%arg12 : memref<80x128xf32, #tpu.memory_space<vmem>>) offsets(%dma_start3A_54 : memref<80xi32, #tpu.memory_space<vmem>>) semaphore(%arg16 : memref<!tpu.dma_semaphore, #tpu.memory_space<semaphore_mem>>)
    %scan3A = arith.constant 0 : i32
    %scan3A_58 = arith.constant 0 : i32
    %scan3A_59 = arith.constant 40 : i32
    %scan3A_60 = arith.addi %scan3A_58, %scan3A_59 : i32
    %scan3A_61 = arith.constant 1 : i32
    scf.for %scan3A_132 = %scan3A_58 to %scan3A_60 step %scan3A_61  : i32 {
      %mul3A_133 = arith.constant 3 : i32
      %mul3A_134 = arith.muli %mul3A_133, %scan3A_132 : i32
      %add3A_135 = arith.constant 0 : i32
      %add3A_136 = arith.addi %mul3A_134, %add3A_135 : i32
      %mul3A_137 = arith.constant 80 : i32
      %mul3A_138 = arith.muli %add3A_136, %mul3A_137 : i32
      %add3A_139 = arith.addi %mul3A_30, %mul3A_138 : i32
      %dma_wait3A_140 = tpu.memref_slice %arg4[%add3A_139] : memref<320000xi32, #tpu.memory_space<hbm>> -> memref<80xi32, #tpu.memory_space<hbm>>
      %dma_wait3A_141 = tpu.memref_slice %arg4[%add3A_139] : memref<320000xi32, #tpu.memory_space<hbm>> -> memref<80xi32, #tpu.memory_space<hbm>>
      tpu.wait_dma2 semaphore(%arg17 : memref<!tpu.dma_semaphore, #tpu.memory_space<semaphore_mem>>) src(%dma_wait3A_141 : memref<80xi32, #tpu.memory_space<hbm>>) dst(%arg7 : memref<80xi32, #tpu.memory_space<vmem>>)
      %mul3A_142 = arith.constant 80 : i32
      %mul3A_143 = arith.muli %add3A_136, %mul3A_142 : i32
      %dma_wait3A_144 = tpu.memref_slice %arg6[%mul3A_143] : memref<10000xi32, #tpu.memory_space<vmem>> -> memref<80xi32, #tpu.memory_space<vmem>>
      %dma_wait3A_145 = arith.constant 0 : i32
      %dma_wait3A_146 = arith.constant 0 : i32
      %dma_wait3A_147 = tpu.memref_slice %arg2[%dma_wait3A_145, %dma_wait3A_146] : memref<10000x128xf32, #tpu.memory_space<hbm>> -> memref<10000x128xf32, #tpu.memory_space<hbm>>
      tpu.wait_indirect_dma semaphore(%arg14 : memref<!tpu.dma_semaphore, #tpu.memory_space<semaphore_mem>>) src(%dma_wait3A_147 : memref<10000x128xf32, #tpu.memory_space<hbm>>) dst(%arg10 : memref<80x128xf32, #tpu.memory_space<vmem>>)
      "tpu.region"() ({
        %run_scoped3A = tpu.sem_alloc : memref<!tpu.dma_semaphore, #tpu.memory_space<semaphore_mem>>
        %dma_start3A_219 = arith.constant 0 : i32
        %dma_start3A_220 = arith.constant 0 : i32
        %dma_start3A_221 = tpu.memref_slice %arg13[%dma_start3A_219, %dma_start3A_220] : memref<10000x128xf32, #tpu.memory_space<vmem_shared>> -> memref<10000x128xf32, #tpu.memory_space<vmem_shared>>
        tpu.enqueue_indirect_dma source(%arg10 : memref<80x128xf32, #tpu.memory_space<vmem>>) target(%dma_start3A_221 : memref<10000x128xf32, #tpu.memory_space<vmem_shared>>) offsets(%arg7 : memref<80xi32, #tpu.memory_space<vmem>>) semaphore(%run_scoped3A : memref<!tpu.dma_semaphore, #tpu.memory_space<semaphore_mem>>) {add = true}
        %dma_wait3A_222 = arith.constant 0 : i32
        %dma_wait3A_223 = arith.constant 0 : i32
        %dma_wait3A_224 = tpu.memref_slice %arg13[%dma_wait3A_222, %dma_wait3A_223] : memref<10000x128xf32, #tpu.memory_space<vmem_shared>> -> memref<10000x128xf32, #tpu.memory_space<vmem_shared>>
        tpu.wait_indirect_dma semaphore(%run_scoped3A : memref<!tpu.dma_semaphore, #tpu.memory_space<semaphore_mem>>) src(%arg10 : memref<80x128xf32, #tpu.memory_space<vmem>>) dst(%dma_wait3A_224 : memref<10000x128xf32, #tpu.memory_space<vmem_shared>>)
        tpu.yield
      }) : () -> ()
      %add3A_148 = arith.constant 0 : i32
      %add3A_149 = arith.addi %mul3A_134, %add3A_148 : i32
      %add3A_150 = arith.constant 3 : i32
      %add3A_151 = arith.addi %add3A_149, %add3A_150 : i32
      %mul3A_152 = arith.constant 80 : i32
      %mul3A_153 = arith.muli %add3A_151, %mul3A_152 : i32
      %add3A_154 = arith.addi %mul3A_30, %mul3A_153 : i32
      %dma_start3A_155 = tpu.memref_slice %arg4[%add3A_154] : memref<320000xi32, #tpu.memory_space<hbm>> -> memref<80xi32, #tpu.memory_space<hbm>>
      %dma_start3A_156 = tpu.memref_slice %arg4[%add3A_154] : memref<320000xi32, #tpu.memory_space<hbm>> -> memref<80xi32, #tpu.memory_space<hbm>>
      tpu.enqueue_dma source(%dma_start3A_156 : memref<80xi32, #tpu.memory_space<hbm>>) target(%arg7 : memref<80xi32, #tpu.memory_space<vmem>>) target_semaphore(%arg17 : memref<!tpu.dma_semaphore, #tpu.memory_space<semaphore_mem>>)
      %mul3A_157 = arith.constant 80 : i32
      %mul3A_158 = arith.muli %add3A_151, %mul3A_157 : i32
      %dma_start3A_159 = tpu.memref_slice %arg6[%mul3A_158] : memref<10000xi32, #tpu.memory_space<vmem>> -> memref<80xi32, #tpu.memory_space<vmem>>
      %dma_start3A_160 = arith.constant 0 : i32
      %dma_start3A_161 = arith.constant 0 : i32
      %dma_start3A_162 = tpu.memref_slice %arg2[%dma_start3A_160, %dma_start3A_161] : memref<10000x128xf32, #tpu.memory_space<hbm>> -> memref<10000x128xf32, #tpu.memory_space<hbm>>
      tpu.enqueue_indirect_dma source(%dma_start3A_162 : memref<10000x128xf32, #tpu.memory_space<hbm>>) target(%arg10 : memref<80x128xf32, #tpu.memory_space<vmem>>) offsets(%dma_start3A_159 : memref<80xi32, #tpu.memory_space<vmem>>) semaphore(%arg14 : memref<!tpu.dma_semaphore, #tpu.memory_space<semaphore_mem>>)
      %add3A_163 = arith.constant 1 : i32
      %add3A_164 = arith.addi %mul3A_134, %add3A_163 : i32
      %mul3A_165 = arith.constant 80 : i32
      %mul3A_166 = arith.muli %add3A_164, %mul3A_165 : i32
      %add3A_167 = arith.addi %mul3A_30, %mul3A_166 : i32
      %dma_wait3A_168 = tpu.memref_slice %arg4[%add3A_167] : memref<320000xi32, #tpu.memory_space<hbm>> -> memref<80xi32, #tpu.memory_space<hbm>>
      %dma_wait3A_169 = tpu.memref_slice %arg4[%add3A_167] : memref<320000xi32, #tpu.memory_space<hbm>> -> memref<80xi32, #tpu.memory_space<hbm>>
      tpu.wait_dma2 semaphore(%arg18 : memref<!tpu.dma_semaphore, #tpu.memory_space<semaphore_mem>>) src(%dma_wait3A_169 : memref<80xi32, #tpu.memory_space<hbm>>) dst(%arg8 : memref<80xi32, #tpu.memory_space<vmem>>)
      %mul3A_170 = arith.constant 80 : i32
      %mul3A_171 = arith.muli %add3A_164, %mul3A_170 : i32
      %dma_wait3A_172 = tpu.memref_slice %arg6[%mul3A_171] : memref<10000xi32, #tpu.memory_space<vmem>> -> memref<80xi32, #tpu.memory_space<vmem>>
      %dma_wait3A_173 = arith.constant 0 : i32
      %dma_wait3A_174 = arith.constant 0 : i32
      %dma_wait3A_175 = tpu.memref_slice %arg2[%dma_wait3A_173, %dma_wait3A_174] : memref<10000x128xf32, #tpu.memory_space<hbm>> -> memref<10000x128xf32, #tpu.memory_space<hbm>>
      tpu.wait_indirect_dma semaphore(%arg15 : memref<!tpu.dma_semaphore, #tpu.memory_space<semaphore_mem>>) src(%dma_wait3A_175 : memref<10000x128xf32, #tpu.memory_space<hbm>>) dst(%arg11 : memref<80x128xf32, #tpu.memory_space<vmem>>)
      "tpu.region"() ({
        %run_scoped3A = tpu.sem_alloc : memref<!tpu.dma_semaphore, #tpu.memory_space<semaphore_mem>>
        %dma_start3A_219 = arith.constant 0 : i32
        %dma_start3A_220 = arith.constant 0 : i32
        %dma_start3A_221 = tpu.memref_slice %arg13[%dma_start3A_219, %dma_start3A_220] : memref<10000x128xf32, #tpu.memory_space<vmem_shared>> -> memref<10000x128xf32, #tpu.memory_space<vmem_shared>>
        tpu.enqueue_indirect_dma source(%arg11 : memref<80x128xf32, #tpu.memory_space<vmem>>) target(%dma_start3A_221 : memref<10000x128xf32, #tpu.memory_space<vmem_shared>>) offsets(%arg8 : memref<80xi32, #tpu.memory_space<vmem>>) semaphore(%run_scoped3A : memref<!tpu.dma_semaphore, #tpu.memory_space<semaphore_mem>>) {add = true}
        %dma_wait3A_222 = arith.constant 0 : i32
        %dma_wait3A_223 = arith.constant 0 : i32
        %dma_wait3A_224 = tpu.memref_slice %arg13[%dma_wait3A_222, %dma_wait3A_223] : memref<10000x128xf32, #tpu.memory_space<vmem_shared>> -> memref<10000x128xf32, #tpu.memory_space<vmem_shared>>
        tpu.wait_indirect_dma semaphore(%run_scoped3A : memref<!tpu.dma_semaphore, #tpu.memory_space<semaphore_mem>>) src(%arg11 : memref<80x128xf32, #tpu.memory_space<vmem>>) dst(%dma_wait3A_224 : memref<10000x128xf32, #tpu.memory_space<vmem_shared>>)
        tpu.yield
      }) : () -> ()
      %add3A_176 = arith.constant 1 : i32
      %add3A_177 = arith.addi %mul3A_134, %add3A_176 : i32
      %add3A_178 = arith.constant 3 : i32
      %add3A_179 = arith.addi %add3A_177, %add3A_178 : i32
      %mul3A_180 = arith.constant 80 : i32
      %mul3A_181 = arith.muli %add3A_179, %mul3A_180 : i32
      %add3A_182 = arith.addi %mul3A_30, %mul3A_181 : i32
      %dma_start3A_183 = tpu.memref_slice %arg4[%add3A_182] : memref<320000xi32, #tpu.memory_space<hbm>> -> memref<80xi32, #tpu.memory_space<hbm>>
      %dma_start3A_184 = tpu.memref_slice %arg4[%add3A_182] : memref<320000xi32, #tpu.memory_space<hbm>> -> memref<80xi32, #tpu.memory_space<hbm>>
      tpu.enqueue_dma source(%dma_start3A_184 : memref<80xi32, #tpu.memory_space<hbm>>) target(%arg8 : memref<80xi32, #tpu.memory_space<vmem>>) target_semaphore(%arg18 : memref<!tpu.dma_semaphore, #tpu.memory_space<semaphore_mem>>)
      %mul3A_185 = arith.constant 80 : i32
      %mul3A_186 = arith.muli %add3A_179, %mul3A_185 : i32
      %dma_start3A_187 = tpu.memref_slice %arg6[%mul3A_186] : memref<10000xi32, #tpu.memory_space<vmem>> -> memref<80xi32, #tpu.memory_space<vmem>>
      %dma_start3A_188 = arith.constant 0 : i32
      %dma_start3A_189 = arith.constant 0 : i32
      %dma_start3A_190 = tpu.memref_slice %arg2[%dma_start3A_188, %dma_start3A_189] : memref<10000x128xf32, #tpu.memory_space<hbm>> -> memref<10000x128xf32, #tpu.memory_space<hbm>>
      tpu.enqueue_indirect_dma source(%dma_start3A_190 : memref<10000x128xf32, #tpu.memory_space<hbm>>) target(%arg11 : memref<80x128xf32, #tpu.memory_space<vmem>>) offsets(%dma_start3A_187 : memref<80xi32, #tpu.memory_space<vmem>>) semaphore(%arg15 : memref<!tpu.dma_semaphore, #tpu.memory_space<semaphore_mem>>)
      %add3A_191 = arith.constant 2 : i32
      %add3A_192 = arith.addi %mul3A_134, %add3A_191 : i32
      %mul3A_193 = arith.constant 80 : i32
      %mul3A_194 = arith.muli %add3A_192, %mul3A_193 : i32
      %add3A_195 = arith.addi %mul3A_30, %mul3A_194 : i32
      %dma_wait3A_196 = tpu.memref_slice %arg4[%add3A_195] : memref<320000xi32, #tpu.memory_space<hbm>> -> memref<80xi32, #tpu.memory_space<hbm>>
      %dma_wait3A_197 = tpu.memref_slice %arg4[%add3A_195] : memref<320000xi32, #tpu.memory_space<hbm>> -> memref<80xi32, #tpu.memory_space<hbm>>
      tpu.wait_dma2 semaphore(%arg19 : memref<!tpu.dma_semaphore, #tpu.memory_space<semaphore_mem>>) src(%dma_wait3A_197 : memref<80xi32, #tpu.memory_space<hbm>>) dst(%arg9 : memref<80xi32, #tpu.memory_space<vmem>>)
      %mul3A_198 = arith.constant 80 : i32
      %mul3A_199 = arith.muli %add3A_192, %mul3A_198 : i32
      %dma_wait3A_200 = tpu.memref_slice %arg6[%mul3A_199] : memref<10000xi32, #tpu.memory_space<vmem>> -> memref<80xi32, #tpu.memory_space<vmem>>
      %dma_wait3A_201 = arith.constant 0 : i32
      %dma_wait3A_202 = arith.constant 0 : i32
      %dma_wait3A_203 = tpu.memref_slice %arg2[%dma_wait3A_201, %dma_wait3A_202] : memref<10000x128xf32, #tpu.memory_space<hbm>> -> memref<10000x128xf32, #tpu.memory_space<hbm>>
      tpu.wait_indirect_dma semaphore(%arg16 : memref<!tpu.dma_semaphore, #tpu.memory_space<semaphore_mem>>) src(%dma_wait3A_203 : memref<10000x128xf32, #tpu.memory_space<hbm>>) dst(%arg12 : memref<80x128xf32, #tpu.memory_space<vmem>>)
      "tpu.region"() ({
        %run_scoped3A = tpu.sem_alloc : memref<!tpu.dma_semaphore, #tpu.memory_space<semaphore_mem>>
        %dma_start3A_219 = arith.constant 0 : i32
        %dma_start3A_220 = arith.constant 0 : i32
        %dma_start3A_221 = tpu.memref_slice %arg13[%dma_start3A_219, %dma_start3A_220] : memref<10000x128xf32, #tpu.memory_space<vmem_shared>> -> memref<10000x128xf32, #tpu.memory_space<vmem_shared>>
        tpu.enqueue_indirect_dma source(%arg12 : memref<80x128xf32, #tpu.memory_space<vmem>>) target(%dma_start3A_221 : memref<10000x128xf32, #tpu.memory_space<vmem_shared>>) offsets(%arg9 : memref<80xi32, #tpu.memory_space<vmem>>) semaphore(%run_scoped3A : memref<!tpu.dma_semaphore, #tpu.memory_space<semaphore_mem>>) {add = true}
        %dma_wait3A_222 = arith.constant 0 : i32
        %dma_wait3A_223 = arith.constant 0 : i32
        %dma_wait3A_224 = tpu.memref_slice %arg13[%dma_wait3A_222, %dma_wait3A_223] : memref<10000x128xf32, #tpu.memory_space<vmem_shared>> -> memref<10000x128xf32, #tpu.memory_space<vmem_shared>>
        tpu.wait_indirect_dma semaphore(%run_scoped3A : memref<!tpu.dma_semaphore, #tpu.memory_space<semaphore_mem>>) src(%arg12 : memref<80x128xf32, #tpu.memory_space<vmem>>) dst(%dma_wait3A_224 : memref<10000x128xf32, #tpu.memory_space<vmem_shared>>)
        tpu.yield
      }) : () -> ()
      %add3A_204 = arith.constant 2 : i32
      %add3A_205 = arith.addi %mul3A_134, %add3A_204 : i32
      %add3A_206 = arith.constant 3 : i32
      %add3A_207 = arith.addi %add3A_205, %add3A_206 : i32
      %mul3A_208 = arith.constant 80 : i32
      %mul3A_209 = arith.muli %add3A_207, %mul3A_208 : i32
      %add3A_210 = arith.addi %mul3A_30, %mul3A_209 : i32
      %dma_start3A_211 = tpu.memref_slice %arg4[%add3A_210] : memref<320000xi32, #tpu.memory_space<hbm>> -> memref<80xi32, #tpu.memory_space<hbm>>
      %dma_start3A_212 = tpu.memref_slice %arg4[%add3A_210] : memref<320000xi32, #tpu.memory_space<hbm>> -> memref<80xi32, #tpu.memory_space<hbm>>
      tpu.enqueue_dma source(%dma_start3A_212 : memref<80xi32, #tpu.memory_space<hbm>>) target(%arg9 : memref<80xi32, #tpu.memory_space<vmem>>) target_semaphore(%arg19 : memref<!tpu.dma_semaphore, #tpu.memory_space<semaphore_mem>>)
      %mul3A_213 = arith.constant 80 : i32
      %mul3A_214 = arith.muli %add3A_207, %mul3A_213 : i32
      %dma_start3A_215 = tpu.memref_slice %arg6[%mul3A_214] : memref<10000xi32, #tpu.memory_space<vmem>> -> memref<80xi32, #tpu.memory_space<vmem>>
      %dma_start3A_216 = arith.constant 0 : i32
      %dma_start3A_217 = arith.constant 0 : i32
      %dma_start3A_218 = tpu.memref_slice %arg2[%dma_start3A_216, %dma_start3A_217] : memref<10000x128xf32, #tpu.memory_space<hbm>> -> memref<10000x128xf32, #tpu.memory_space<hbm>>
      tpu.enqueue_indirect_dma source(%dma_start3A_218 : memref<10000x128xf32, #tpu.memory_space<hbm>>) target(%arg12 : memref<80x128xf32, #tpu.memory_space<vmem>>) offsets(%dma_start3A_215 : memref<80xi32, #tpu.memory_space<vmem>>) semaphore(%arg16 : memref<!tpu.dma_semaphore, #tpu.memory_space<semaphore_mem>>)
    }
    %scan3A_62 = arith.constant 40 : i32
    %add3A_63 = arith.constant 9600 : i32
    %add3A_64 = arith.addi %mul3A_30, %add3A_63 : i32
    %dma_wait3A_65 = tpu.memref_slice %arg4[%add3A_64] : memref<320000xi32, #tpu.memory_space<hbm>> -> memref<80xi32, #tpu.memory_space<hbm>>
    %dma_wait3A_66 = tpu.memref_slice %arg4[%add3A_64] : memref<320000xi32, #tpu.memory_space<hbm>> -> memref<80xi32, #tpu.memory_space<hbm>>
    tpu.wait_dma2 semaphore(%arg17 : memref<!tpu.dma_semaphore, #tpu.memory_space<semaphore_mem>>) src(%dma_wait3A_66 : memref<80xi32, #tpu.memory_space<hbm>>) dst(%arg7 : memref<80xi32, #tpu.memory_space<vmem>>)
    %dma_wait3A_67 = arith.constant 9600 : i32
    %dma_wait3A_68 = tpu.memref_slice %arg6[%dma_wait3A_67] : memref<10000xi32, #tpu.memory_space<vmem>> -> memref<80xi32, #tpu.memory_space<vmem>>
    %dma_wait3A_69 = arith.constant 0 : i32
    %dma_wait3A_70 = arith.constant 0 : i32
    %dma_wait3A_71 = tpu.memref_slice %arg2[%dma_wait3A_69, %dma_wait3A_70] : memref<10000x128xf32, #tpu.memory_space<hbm>> -> memref<10000x128xf32, #tpu.memory_space<hbm>>
    tpu.wait_indirect_dma semaphore(%arg14 : memref<!tpu.dma_semaphore, #tpu.memory_space<semaphore_mem>>) src(%dma_wait3A_71 : memref<10000x128xf32, #tpu.memory_space<hbm>>) dst(%arg10 : memref<80x128xf32, #tpu.memory_space<vmem>>)
    "tpu.region"() ({
      %run_scoped3A = tpu.sem_alloc : memref<!tpu.dma_semaphore, #tpu.memory_space<semaphore_mem>>
      %dma_start3A_132 = arith.constant 0 : i32
      %dma_start3A_133 = arith.constant 0 : i32
      %dma_start3A_134 = tpu.memref_slice %arg13[%dma_start3A_132, %dma_start3A_133] : memref<10000x128xf32, #tpu.memory_space<vmem_shared>> -> memref<10000x128xf32, #tpu.memory_space<vmem_shared>>
      tpu.enqueue_indirect_dma source(%arg10 : memref<80x128xf32, #tpu.memory_space<vmem>>) target(%dma_start3A_134 : memref<10000x128xf32, #tpu.memory_space<vmem_shared>>) offsets(%arg7 : memref<80xi32, #tpu.memory_space<vmem>>) semaphore(%run_scoped3A : memref<!tpu.dma_semaphore, #tpu.memory_space<semaphore_mem>>) {add = true}
      %dma_wait3A_135 = arith.constant 0 : i32
      %dma_wait3A_136 = arith.constant 0 : i32
      %dma_wait3A_137 = tpu.memref_slice %arg13[%dma_wait3A_135, %dma_wait3A_136] : memref<10000x128xf32, #tpu.memory_space<vmem_shared>> -> memref<10000x128xf32, #tpu.memory_space<vmem_shared>>
      tpu.wait_indirect_dma semaphore(%run_scoped3A : memref<!tpu.dma_semaphore, #tpu.memory_space<semaphore_mem>>) src(%arg10 : memref<80x128xf32, #tpu.memory_space<vmem>>) dst(%dma_wait3A_137 : memref<10000x128xf32, #tpu.memory_space<vmem_shared>>)
      tpu.yield
    }) : () -> ()
    %add3A_72 = arith.constant 9840 : i32
    %add3A_73 = arith.addi %mul3A_30, %add3A_72 : i32
    %dma_start3A_74 = tpu.memref_slice %arg4[%add3A_73] : memref<320000xi32, #tpu.memory_space<hbm>> -> memref<80xi32, #tpu.memory_space<hbm>>
    %dma_start3A_75 = tpu.memref_slice %arg4[%add3A_73] : memref<320000xi32, #tpu.memory_space<hbm>> -> memref<80xi32, #tpu.memory_space<hbm>>
    tpu.enqueue_dma source(%dma_start3A_75 : memref<80xi32, #tpu.memory_space<hbm>>) target(%arg7 : memref<80xi32, #tpu.memory_space<vmem>>) target_semaphore(%arg17 : memref<!tpu.dma_semaphore, #tpu.memory_space<semaphore_mem>>)
    %dma_start3A_76 = arith.constant 9840 : i32
    %dma_start3A_77 = tpu.memref_slice %arg6[%dma_start3A_76] : memref<10000xi32, #tpu.memory_space<vmem>> -> memref<80xi32, #tpu.memory_space<vmem>>
    %dma_start3A_78 = arith.constant 0 : i32
    %dma_start3A_79 = arith.constant 0 : i32
    %dma_start3A_80 = tpu.memref_slice %arg2[%dma_start3A_78, %dma_start3A_79] : memref<10000x128xf32, #tpu.memory_space<hbm>> -> memref<10000x128xf32, #tpu.memory_space<hbm>>
    tpu.enqueue_indirect_dma source(%dma_start3A_80 : memref<10000x128xf32, #tpu.memory_space<hbm>>) target(%arg10 : memref<80x128xf32, #tpu.memory_space<vmem>>) offsets(%dma_start3A_77 : memref<80xi32, #tpu.memory_space<vmem>>) semaphore(%arg14 : memref<!tpu.dma_semaphore, #tpu.memory_space<semaphore_mem>>)
    %add3A_81 = arith.constant 9680 : i32
    %add3A_82 = arith.addi %mul3A_30, %add3A_81 : i32
    %dma_wait3A_83 = tpu.memref_slice %arg4[%add3A_82] : memref<320000xi32, #tpu.memory_space<hbm>> -> memref<80xi32, #tpu.memory_space<hbm>>
    %dma_wait3A_84 = tpu.memref_slice %arg4[%add3A_82] : memref<320000xi32, #tpu.memory_space<hbm>> -> memref<80xi32, #tpu.memory_space<hbm>>
    tpu.wait_dma2 semaphore(%arg18 : memref<!tpu.dma_semaphore, #tpu.memory_space<semaphore_mem>>) src(%dma_wait3A_84 : memref<80xi32, #tpu.memory_space<hbm>>) dst(%arg8 : memref<80xi32, #tpu.memory_space<vmem>>)
    %dma_wait3A_85 = arith.constant 9680 : i32
    %dma_wait3A_86 = tpu.memref_slice %arg6[%dma_wait3A_85] : memref<10000xi32, #tpu.memory_space<vmem>> -> memref<80xi32, #tpu.memory_space<vmem>>
    %dma_wait3A_87 = arith.constant 0 : i32
    %dma_wait3A_88 = arith.constant 0 : i32
    %dma_wait3A_89 = tpu.memref_slice %arg2[%dma_wait3A_87, %dma_wait3A_88] : memref<10000x128xf32, #tpu.memory_space<hbm>> -> memref<10000x128xf32, #tpu.memory_space<hbm>>
    tpu.wait_indirect_dma semaphore(%arg15 : memref<!tpu.dma_semaphore, #tpu.memory_space<semaphore_mem>>) src(%dma_wait3A_89 : memref<10000x128xf32, #tpu.memory_space<hbm>>) dst(%arg11 : memref<80x128xf32, #tpu.memory_space<vmem>>)
    "tpu.region"() ({
      %run_scoped3A = tpu.sem_alloc : memref<!tpu.dma_semaphore, #tpu.memory_space<semaphore_mem>>
      %dma_start3A_132 = arith.constant 0 : i32
      %dma_start3A_133 = arith.constant 0 : i32
      %dma_start3A_134 = tpu.memref_slice %arg13[%dma_start3A_132, %dma_start3A_133] : memref<10000x128xf32, #tpu.memory_space<vmem_shared>> -> memref<10000x128xf32, #tpu.memory_space<vmem_shared>>
      tpu.enqueue_indirect_dma source(%arg11 : memref<80x128xf32, #tpu.memory_space<vmem>>) target(%dma_start3A_134 : memref<10000x128xf32, #tpu.memory_space<vmem_shared>>) offsets(%arg8 : memref<80xi32, #tpu.memory_space<vmem>>) semaphore(%run_scoped3A : memref<!tpu.dma_semaphore, #tpu.memory_space<semaphore_mem>>) {add = true}
      %dma_wait3A_135 = arith.constant 0 : i32
      %dma_wait3A_136 = arith.constant 0 : i32
      %dma_wait3A_137 = tpu.memref_slice %arg13[%dma_wait3A_135, %dma_wait3A_136] : memref<10000x128xf32, #tpu.memory_space<vmem_shared>> -> memref<10000x128xf32, #tpu.memory_space<vmem_shared>>
      tpu.wait_indirect_dma semaphore(%run_scoped3A : memref<!tpu.dma_semaphore, #tpu.memory_space<semaphore_mem>>) src(%arg11 : memref<80x128xf32, #tpu.memory_space<vmem>>) dst(%dma_wait3A_137 : memref<10000x128xf32, #tpu.memory_space<vmem_shared>>)
      tpu.yield
    }) : () -> ()
    %add3A_90 = arith.constant 9920 : i32
    %add3A_91 = arith.addi %mul3A_30, %add3A_90 : i32
    %dma_start3A_92 = tpu.memref_slice %arg4[%add3A_91] : memref<320000xi32, #tpu.memory_space<hbm>> -> memref<80xi32, #tpu.memory_space<hbm>>
    %dma_start3A_93 = tpu.memref_slice %arg4[%add3A_91] : memref<320000xi32, #tpu.memory_space<hbm>> -> memref<80xi32, #tpu.memory_space<hbm>>
    tpu.enqueue_dma source(%dma_start3A_93 : memref<80xi32, #tpu.memory_space<hbm>>) target(%arg8 : memref<80xi32, #tpu.memory_space<vmem>>) target_semaphore(%arg18 : memref<!tpu.dma_semaphore, #tpu.memory_space<semaphore_mem>>)
    %dma_start3A_94 = arith.constant 9920 : i32
    %dma_start3A_95 = tpu.memref_slice %arg6[%dma_start3A_94] : memref<10000xi32, #tpu.memory_space<vmem>> -> memref<80xi32, #tpu.memory_space<vmem>>
    %dma_start3A_96 = arith.constant 0 : i32
    %dma_start3A_97 = arith.constant 0 : i32
    %dma_start3A_98 = tpu.memref_slice %arg2[%dma_start3A_96, %dma_start3A_97] : memref<10000x128xf32, #tpu.memory_space<hbm>> -> memref<10000x128xf32, #tpu.memory_space<hbm>>
    tpu.enqueue_indirect_dma source(%dma_start3A_98 : memref<10000x128xf32, #tpu.memory_space<hbm>>) target(%arg11 : memref<80x128xf32, #tpu.memory_space<vmem>>) offsets(%dma_start3A_95 : memref<80xi32, #tpu.memory_space<vmem>>) semaphore(%arg15 : memref<!tpu.dma_semaphore, #tpu.memory_space<semaphore_mem>>)
    %add3A_99 = arith.constant 9760 : i32
    %add3A_100 = arith.addi %mul3A_30, %add3A_99 : i32
    %dma_wait3A_101 = tpu.memref_slice %arg4[%add3A_100] : memref<320000xi32, #tpu.memory_space<hbm>> -> memref<80xi32, #tpu.memory_space<hbm>>
    %dma_wait3A_102 = tpu.memref_slice %arg4[%add3A_100] : memref<320000xi32, #tpu.memory_space<hbm>> -> memref<80xi32, #tpu.memory_space<hbm>>
    tpu.wait_dma2 semaphore(%arg19 : memref<!tpu.dma_semaphore, #tpu.memory_space<semaphore_mem>>) src(%dma_wait3A_102 : memref<80xi32, #tpu.memory_space<hbm>>) dst(%arg9 : memref<80xi32, #tpu.memory_space<vmem>>)
    %dma_wait3A_103 = arith.constant 9760 : i32
    %dma_wait3A_104 = tpu.memref_slice %arg6[%dma_wait3A_103] : memref<10000xi32, #tpu.memory_space<vmem>> -> memref<80xi32, #tpu.memory_space<vmem>>
    %dma_wait3A_105 = arith.constant 0 : i32
    %dma_wait3A_106 = arith.constant 0 : i32
    %dma_wait3A_107 = tpu.memref_slice %arg2[%dma_wait3A_105, %dma_wait3A_106] : memref<10000x128xf32, #tpu.memory_space<hbm>> -> memref<10000x128xf32, #tpu.memory_space<hbm>>
    tpu.wait_indirect_dma semaphore(%arg16 : memref<!tpu.dma_semaphore, #tpu.memory_space<semaphore_mem>>) src(%dma_wait3A_107 : memref<10000x128xf32, #tpu.memory_space<hbm>>) dst(%arg12 : memref<80x128xf32, #tpu.memory_space<vmem>>)
    "tpu.region"() ({
      %run_scoped3A = tpu.sem_alloc : memref<!tpu.dma_semaphore, #tpu.memory_space<semaphore_mem>>
      %dma_start3A_132 = arith.constant 0 : i32
      %dma_start3A_133 = arith.constant 0 : i32
      %dma_start3A_134 = tpu.memref_slice %arg13[%dma_start3A_132, %dma_start3A_133] : memref<10000x128xf32, #tpu.memory_space<vmem_shared>> -> memref<10000x128xf32, #tpu.memory_space<vmem_shared>>
      tpu.enqueue_indirect_dma source(%arg12 : memref<80x128xf32, #tpu.memory_space<vmem>>) target(%dma_start3A_134 : memref<10000x128xf32, #tpu.memory_space<vmem_shared>>) offsets(%arg9 : memref<80xi32, #tpu.memory_space<vmem>>) semaphore(%run_scoped3A : memref<!tpu.dma_semaphore, #tpu.memory_space<semaphore_mem>>) {add = true}
      %dma_wait3A_135 = arith.constant 0 : i32
      %dma_wait3A_136 = arith.constant 0 : i32
      %dma_wait3A_137 = tpu.memref_slice %arg13[%dma_wait3A_135, %dma_wait3A_136] : memref<10000x128xf32, #tpu.memory_space<vmem_shared>> -> memref<10000x128xf32, #tpu.memory_space<vmem_shared>>
      tpu.wait_indirect_dma semaphore(%run_scoped3A : memref<!tpu.dma_semaphore, #tpu.memory_space<semaphore_mem>>) src(%arg12 : memref<80x128xf32, #tpu.memory_space<vmem>>) dst(%dma_wait3A_137 : memref<10000x128xf32, #tpu.memory_space<vmem_shared>>)
      tpu.yield
    }) : () -> ()
    %add3A_108 = arith.constant 9840 : i32
    %add3A_109 = arith.addi %mul3A_30, %add3A_108 : i32
    %dma_wait3A_110 = tpu.memref_slice %arg4[%add3A_109] : memref<320000xi32, #tpu.memory_space<hbm>> -> memref<80xi32, #tpu.memory_space<hbm>>
    %dma_wait3A_111 = tpu.memref_slice %arg4[%add3A_109] : memref<320000xi32, #tpu.memory_space<hbm>> -> memref<80xi32, #tpu.memory_space<hbm>>
    tpu.wait_dma2 semaphore(%arg17 : memref<!tpu.dma_semaphore, #tpu.memory_space<semaphore_mem>>) src(%dma_wait3A_111 : memref<80xi32, #tpu.memory_space<hbm>>) dst(%arg7 : memref<80xi32, #tpu.memory_space<vmem>>)
    %dma_wait3A_112 = arith.constant 9840 : i32
    %dma_wait3A_113 = tpu.memref_slice %arg6[%dma_wait3A_112] : memref<10000xi32, #tpu.memory_space<vmem>> -> memref<80xi32, #tpu.memory_space<vmem>>
    %dma_wait3A_114 = arith.constant 0 : i32
    %dma_wait3A_115 = arith.constant 0 : i32
    %dma_wait3A_116 = tpu.memref_slice %arg2[%dma_wait3A_114, %dma_wait3A_115] : memref<10000x128xf32, #tpu.memory_space<hbm>> -> memref<10000x128xf32, #tpu.memory_space<hbm>>
    tpu.wait_indirect_dma semaphore(%arg14 : memref<!tpu.dma_semaphore, #tpu.memory_space<semaphore_mem>>) src(%dma_wait3A_116 : memref<10000x128xf32, #tpu.memory_space<hbm>>) dst(%arg10 : memref<80x128xf32, #tpu.memory_space<vmem>>)
    "tpu.region"() ({
      %run_scoped3A = tpu.sem_alloc : memref<!tpu.dma_semaphore, #tpu.memory_space<semaphore_mem>>
      %dma_start3A_132 = arith.constant 0 : i32
      %dma_start3A_133 = arith.constant 0 : i32
      %dma_start3A_134 = tpu.memref_slice %arg13[%dma_start3A_132, %dma_start3A_133] : memref<10000x128xf32, #tpu.memory_space<vmem_shared>> -> memref<10000x128xf32, #tpu.memory_space<vmem_shared>>
      tpu.enqueue_indirect_dma source(%arg10 : memref<80x128xf32, #tpu.memory_space<vmem>>) target(%dma_start3A_134 : memref<10000x128xf32, #tpu.memory_space<vmem_shared>>) offsets(%arg7 : memref<80xi32, #tpu.memory_space<vmem>>) semaphore(%run_scoped3A : memref<!tpu.dma_semaphore, #tpu.memory_space<semaphore_mem>>) {add = true}
      %dma_wait3A_135 = arith.constant 0 : i32
      %dma_wait3A_136 = arith.constant 0 : i32
      %dma_wait3A_137 = tpu.memref_slice %arg13[%dma_wait3A_135, %dma_wait3A_136] : memref<10000x128xf32, #tpu.memory_space<vmem_shared>> -> memref<10000x128xf32, #tpu.memory_space<vmem_shared>>
      tpu.wait_indirect_dma semaphore(%run_scoped3A : memref<!tpu.dma_semaphore, #tpu.memory_space<semaphore_mem>>) src(%arg10 : memref<80x128xf32, #tpu.memory_space<vmem>>) dst(%dma_wait3A_137 : memref<10000x128xf32, #tpu.memory_space<vmem_shared>>)
      tpu.yield
    }) : () -> ()
    %add3A_117 = arith.constant 9920 : i32
    %add3A_118 = arith.addi %mul3A_30, %add3A_117 : i32
    %dma_wait3A_119 = tpu.memref_slice %arg4[%add3A_118] : memref<320000xi32, #tpu.memory_space<hbm>> -> memref<80xi32, #tpu.memory_space<hbm>>
    %dma_wait3A_120 = tpu.memref_slice %arg4[%add3A_118] : memref<320000xi32, #tpu.memory_space<hbm>> -> memref<80xi32, #tpu.memory_space<hbm>>
    tpu.wait_dma2 semaphore(%arg18 : memref<!tpu.dma_semaphore, #tpu.memory_space<semaphore_mem>>) src(%dma_wait3A_120 : memref<80xi32, #tpu.memory_space<hbm>>) dst(%arg8 : memref<80xi32, #tpu.memory_space<vmem>>)
    %dma_wait3A_121 = arith.constant 9920 : i32
    %dma_wait3A_122 = tpu.memref_slice %arg6[%dma_wait3A_121] : memref<10000xi32, #tpu.memory_space<vmem>> -> memref<80xi32, #tpu.memory_space<vmem>>
    %dma_wait3A_123 = arith.constant 0 : i32
    %dma_wait3A_124 = arith.constant 0 : i32
    %dma_wait3A_125 = tpu.memref_slice %arg2[%dma_wait3A_123, %dma_wait3A_124] : memref<10000x128xf32, #tpu.memory_space<hbm>> -> memref<10000x128xf32, #tpu.memory_space<hbm>>
    tpu.wait_indirect_dma semaphore(%arg15 : memref<!tpu.dma_semaphore, #tpu.memory_space<semaphore_mem>>) src(%dma_wait3A_125 : memref<10000x128xf32, #tpu.memory_space<hbm>>) dst(%arg11 : memref<80x128xf32, #tpu.memory_space<vmem>>)
    "tpu.region"() ({
      %run_scoped3A = tpu.sem_alloc : memref<!tpu.dma_semaphore, #tpu.memory_space<semaphore_mem>>
      %dma_start3A_132 = arith.constant 0 : i32
      %dma_start3A_133 = arith.constant 0 : i32
      %dma_start3A_134 = tpu.memref_slice %arg13[%dma_start3A_132, %dma_start3A_133] : memref<10000x128xf32, #tpu.memory_space<vmem_shared>> -> memref<10000x128xf32, #tpu.memory_space<vmem_shared>>
      tpu.enqueue_indirect_dma source(%arg11 : memref<80x128xf32, #tpu.memory_space<vmem>>) target(%dma_start3A_134 : memref<10000x128xf32, #tpu.memory_space<vmem_shared>>) offsets(%arg8 : memref<80xi32, #tpu.memory_space<vmem>>) semaphore(%run_scoped3A : memref<!tpu.dma_semaphore, #tpu.memory_space<semaphore_mem>>) {add = true}
      %dma_wait3A_135 = arith.constant 0 : i32
      %dma_wait3A_136 = arith.constant 0 : i32
      %dma_wait3A_137 = tpu.memref_slice %arg13[%dma_wait3A_135, %dma_wait3A_136] : memref<10000x128xf32, #tpu.memory_space<vmem_shared>> -> memref<10000x128xf32, #tpu.memory_space<vmem_shared>>
      tpu.wait_indirect_dma semaphore(%run_scoped3A : memref<!tpu.dma_semaphore, #tpu.memory_space<semaphore_mem>>) src(%arg11 : memref<80x128xf32, #tpu.memory_space<vmem>>) dst(%dma_wait3A_137 : memref<10000x128xf32, #tpu.memory_space<vmem_shared>>)
      tpu.yield
    }) : () -> ()
    %barrier3A_126 = arith.constant 0 : index
    tpu.barrier barrier_id(%barrier3A_126)
    "tpu.region"() ({
      %run_scoped3A = tpu.sem_alloc : memref<!tpu.dma_semaphore, #tpu.memory_space<semaphore_mem>>
      %dma_start3A_132 = arith.constant 0 : i32
      %dma_start3A_133 = tpu.memref_slice %arg5[%arg0, %mul3A_2, %dma_start3A_132] : memref<2x10000x128xf32, #tpu.memory_space<hbm>> -> memref<1x624x128xf32, #tpu.memory_space<hbm>>
      %dma_start3A_134 = tpu.memref_squeeze %dma_start3A_133 : memref<1x624x128xf32, #tpu.memory_space<hbm>> -> memref<624x128xf32, #tpu.memory_space<hbm>>
      %dma_start3A_135 = arith.constant 0 : i32
      %dma_start3A_136 = tpu.memref_slice %arg13[%mul3A_2, %dma_start3A_135] : memref<10000x128xf32, #tpu.memory_space<vmem_shared>> -> memref<624x128xf32, #tpu.memory_space<vmem_shared>>
      tpu.enqueue_dma source(%dma_start3A_136 : memref<624x128xf32, #tpu.memory_space<vmem_shared>>) target(%dma_start3A_134 : memref<624x128xf32, #tpu.memory_space<hbm>>) target_semaphore(%run_scoped3A : memref<!tpu.dma_semaphore, #tpu.memory_space<semaphore_mem>>)
      %dma_wait3A_137 = arith.constant 0 : i32
      %dma_wait3A_138 = tpu.memref_slice %arg5[%arg0, %mul3A_2, %dma_wait3A_137] : memref<2x10000x128xf32, #tpu.memory_space<hbm>> -> memref<1x624x128xf32, #tpu.memory_space<hbm>>
      %dma_wait3A_139 = tpu.memref_squeeze %dma_wait3A_138 : memref<1x624x128xf32, #tpu.memory_space<hbm>> -> memref<624x128xf32, #tpu.memory_space<hbm>>
      %dma_wait3A_140 = arith.constant 0 : i32
      %dma_wait3A_141 = tpu.memref_slice %arg13[%mul3A_2, %dma_wait3A_140] : memref<10000x128xf32, #tpu.memory_space<vmem_shared>> -> memref<624x128xf32, #tpu.memory_space<vmem_shared>>
      tpu.wait_dma2 semaphore(%run_scoped3A : memref<!tpu.dma_semaphore, #tpu.memory_space<semaphore_mem>>) src(%dma_wait3A_141 : memref<624x128xf32, #tpu.memory_space<vmem_shared>>) dst(%dma_wait3A_139 : memref<624x128xf32, #tpu.memory_space<hbm>>)
      tpu.yield
    }) : () -> ()
    %eq3A_127 = arith.constant 0 : i32
    %eq3A_128 = arith.cmpi eq, %arg1, %eq3A_127 : i32
    %convert_element_type3A_129 = arith.extui %eq3A_128 : i1 to i32
    %cond3A_130 = arith.constant 0 : i32
    %cond3A_131 = arith.cmpi ne, %convert_element_type3A_129, %cond3A_130 : i32
    scf.if %cond3A_131 {
      "tpu.region"() ({
        %run_scoped3A = tpu.sem_alloc : memref<!tpu.dma_semaphore, #tpu.memory_space<semaphore_mem>>
        %dma_start3A_132 = arith.constant 9984 : i32
        %dma_start3A_133 = arith.constant 0 : i32
        %dma_start3A_134 = tpu.memref_slice %arg5[%arg0, %dma_start3A_132, %dma_start3A_133] : memref<2x10000x128xf32, #tpu.memory_space<hbm>> -> memref<1x16x128xf32, #tpu.memory_space<hbm>>
        %dma_start3A_135 = tpu.memref_squeeze %dma_start3A_134 : memref<1x16x128xf32, #tpu.memory_space<hbm>> -> memref<16x128xf32, #tpu.memory_space<hbm>>
        %dma_start3A_136 = arith.constant 9984 : i32
        %dma_start3A_137 = arith.constant 0 : i32
        %dma_start3A_138 = tpu.memref_slice %arg13[%dma_start3A_136, %dma_start3A_137] : memref<10000x128xf32, #tpu.memory_space<vmem_shared>> -> memref<16x128xf32, #tpu.memory_space<vmem_shared>>
        tpu.enqueue_dma source(%dma_start3A_138 : memref<16x128xf32, #tpu.memory_space<vmem_shared>>) target(%dma_start3A_135 : memref<16x128xf32, #tpu.memory_space<hbm>>) target_semaphore(%run_scoped3A : memref<!tpu.dma_semaphore, #tpu.memory_space<semaphore_mem>>)
        %dma_wait3A_139 = arith.constant 9984 : i32
        %dma_wait3A_140 = arith.constant 0 : i32
        %dma_wait3A_141 = tpu.memref_slice %arg5[%arg0, %dma_wait3A_139, %dma_wait3A_140] : memref<2x10000x128xf32, #tpu.memory_space<hbm>> -> memref<1x16x128xf32, #tpu.memory_space<hbm>>
        %dma_wait3A_142 = tpu.memref_squeeze %dma_wait3A_141 : memref<1x16x128xf32, #tpu.memory_space<hbm>> -> memref<16x128xf32, #tpu.memory_space<hbm>>
        %dma_wait3A_143 = arith.constant 9984 : i32
        %dma_wait3A_144 = arith.constant 0 : i32
        %dma_wait3A_145 = tpu.memref_slice %arg13[%dma_wait3A_143, %dma_wait3A_144] : memref<10000x128xf32, #tpu.memory_space<vmem_shared>> -> memref<16x128xf32, #tpu.memory_space<vmem_shared>>
        tpu.wait_dma2 semaphore(%run_scoped3A : memref<!tpu.dma_semaphore, #tpu.memory_space<semaphore_mem>>) src(%dma_wait3A_145 : memref<16x128xf32, #tpu.memory_space<vmem_shared>>) dst(%dma_wait3A_142 : memref<16x128xf32, #tpu.memory_space<hbm>>)
        tpu.yield
      }) : () -> ()
    } else {
    }
    return
  }
}

#map = affine_map<(d0, d1) -> (0, 0)>
#map1 = affine_map<(d0, d1) -> (0)>
#map2 = affine_map<(d0, d1) -> (0, 0, 0)>
module attributes {stable_mosaic.version = 14 : i64} {
  func.func @seg(%arg0: i32, %arg1: i32, %arg2: memref<10000x128xf32, #tpu.memory_space<hbm>>, %arg3: memref<320000xi32, #tpu.memory_space<hbm>>, %arg4: memref<320000xi32, #tpu.memory_space<hbm>>, %arg5: memref<2x10000x128xf32, #tpu.memory_space<hbm>>, %arg6: memref<10000xi32, #tpu.memory_space<vmem>>, %arg7: memref<80xi32, #tpu.memory_space<vmem>>, %arg8: memref<80xi32, #tpu.memory_space<vmem>>, %arg9: memref<80xi32, #tpu.memory_space<vmem>>, %arg10: memref<80x128xf32, #tpu.memory_space<vmem>>, %arg11: memref<80x128xf32, #tpu.memory_space<vmem>>, %arg12: memref<80x128xf32, #tpu.memory_space<vmem>>, %arg13: memref<10000x128xf32, #tpu.memory_space<vmem_shared>>, %arg14: memref<!tpu.dma_semaphore, #tpu.memory_space<semaphore_mem>>, %arg15: memref<!tpu.dma_semaphore, #tpu.memory_space<semaphore_mem>>, %arg16: memref<!tpu.dma_semaphore, #tpu.memory_space<semaphore_mem>>, %arg17: memref<!tpu.dma_semaphore, #tpu.memory_space<semaphore_mem>>, %arg18: memref<!tpu.dma_semaphore, #tpu.memory_space<semaphore_mem>>, %arg19: memref<!tpu.dma_semaphore, #tpu.memory_space<semaphore_mem>>) attributes {dimension_semantics = [#tpu.dimension_semantics<core_parallel>, #tpu.dimension_semantics<subcore_parallel>], iteration_bounds = array<i64: 2, 16>, scalar_prefetch = 0 : i64, scratch_operands = 14 : i64, tpu.core_type = #tpu.core_type<sc_vector_subcore>, window_params = [{transform_indices = #map}, {transform_indices = #map1}, {transform_indices = #map1}, {transform_indices = #map2}]} {
    %mul3A = arith.constant 16 : i32
    %mul3A_0 = arith.muli %arg0, %mul3A : i32
    %add3A = arith.addi %mul3A_0, %arg1 : i32
    %mul3A_1 = arith.constant 624 : i32
    %mul3A_2 = arith.muli %arg1, %mul3A_1 : i32
    %mul3A_3 = arith.constant 125 : i32
    %mul3A_4 = arith.muli %add3A, %mul3A_3 : i32
    %mul3A_5 = arith.constant 80 : i32
    %mul3A_6 = arith.muli %mul3A_4, %mul3A_5 : i32
    %dma_start3A = tpu.memref_slice %arg3[%mul3A_6] : memref<320000xi32, #tpu.memory_space<hbm>> -> memref<10000xi32, #tpu.memory_space<hbm>>
    %dma_start3A_7 = tpu.memref_slice %arg3[%mul3A_6] : memref<320000xi32, #tpu.memory_space<hbm>> -> memref<10000xi32, #tpu.memory_space<hbm>>
    tpu.enqueue_dma source(%dma_start3A_7 : memref<10000xi32, #tpu.memory_space<hbm>>) target(%arg6 : memref<10000xi32, #tpu.memory_space<vmem>>) target_semaphore(%arg14 : memref<!tpu.dma_semaphore, #tpu.memory_space<semaphore_mem>>)
    %mul3A_8 = arith.constant 125 : i32
    %mul3A_9 = arith.muli %add3A, %mul3A_8 : i32
    %mul3A_10 = arith.constant 80 : i32
    %mul3A_11 = arith.muli %mul3A_9, %mul3A_10 : i32
    %dma_start3A_12 = tpu.memref_slice %arg4[%mul3A_11] : memref<320000xi32, #tpu.memory_space<hbm>> -> memref<80xi32, #tpu.memory_space<hbm>>
    %dma_start3A_13 = tpu.memref_slice %arg4[%mul3A_11] : memref<320000xi32, #tpu.memory_space<hbm>> -> memref<80xi32, #tpu.memory_space<hbm>>
    tpu.enqueue_dma source(%dma_start3A_13 : memref<80xi32, #tpu.memory_space<hbm>>) target(%arg7 : memref<80xi32, #tpu.memory_space<vmem>>) target_semaphore(%arg15 : memref<!tpu.dma_semaphore, #tpu.memory_space<semaphore_mem>>)
    %dma_start3A_14 = arith.constant 0 : i32
    %dma_start3A_15 = tpu.memref_slice %arg13[%mul3A_2, %dma_start3A_14] : memref<10000x128xf32, #tpu.memory_space<vmem_shared>> -> memref<624x128xf32, #tpu.memory_space<vmem_shared>>
    %dma_start3A_16 = arith.constant 0 : i32
    %dma_start3A_17 = tpu.memref_slice %arg2[%mul3A_2, %dma_start3A_16] : memref<10000x128xf32, #tpu.memory_space<hbm>> -> memref<624x128xf32, #tpu.memory_space<hbm>>
    tpu.enqueue_dma source(%dma_start3A_17 : memref<624x128xf32, #tpu.memory_space<hbm>>) target(%dma_start3A_15 : memref<624x128xf32, #tpu.memory_space<vmem_shared>>) target_semaphore(%arg14 : memref<!tpu.dma_semaphore, #tpu.memory_space<semaphore_mem>>)
    %eq3A = arith.constant 0 : i32
    %eq3A_18 = arith.cmpi eq, %arg1, %eq3A : i32
    %convert_element_type3A = arith.extui %eq3A_18 : i1 to i32
    %cond3A = arith.constant 0 : i32
    %cond3A_19 = arith.cmpi ne, %convert_element_type3A, %cond3A : i32
    scf.if %cond3A_19 {
      %dma_start3A_132 = arith.constant 9984 : i32
      %dma_start3A_133 = arith.constant 0 : i32
      %dma_start3A_134 = tpu.memref_slice %arg13[%dma_start3A_132, %dma_start3A_133] : memref<10000x128xf32, #tpu.memory_space<vmem_shared>> -> memref<16x128xf32, #tpu.memory_space<vmem_shared>>
      %dma_start3A_135 = arith.constant 9984 : i32
      %dma_start3A_136 = arith.constant 0 : i32
      %dma_start3A_137 = tpu.memref_slice %arg2[%dma_start3A_135, %dma_start3A_136] : memref<10000x128xf32, #tpu.memory_space<hbm>> -> memref<16x128xf32, #tpu.memory_space<hbm>>
      tpu.enqueue_dma source(%dma_start3A_137 : memref<16x128xf32, #tpu.memory_space<hbm>>) target(%dma_start3A_134 : memref<16x128xf32, #tpu.memory_space<vmem_shared>>) target_semaphore(%arg15 : memref<!tpu.dma_semaphore, #tpu.memory_space<semaphore_mem>>)
      %dma_wait3A_138 = arith.constant 9984 : i32
      %dma_wait3A_139 = arith.constant 0 : i32
      %dma_wait3A_140 = tpu.memref_slice %arg13[%dma_wait3A_138, %dma_wait3A_139] : memref<10000x128xf32, #tpu.memory_space<vmem_shared>> -> memref<16x128xf32, #tpu.memory_space<vmem_shared>>
      %dma_wait3A_141 = arith.constant 9984 : i32
      %dma_wait3A_142 = arith.constant 0 : i32
      %dma_wait3A_143 = tpu.memref_slice %arg2[%dma_wait3A_141, %dma_wait3A_142] : memref<10000x128xf32, #tpu.memory_space<hbm>> -> memref<16x128xf32, #tpu.memory_space<hbm>>
      tpu.wait_dma2 semaphore(%arg15 : memref<!tpu.dma_semaphore, #tpu.memory_space<semaphore_mem>>) src(%dma_wait3A_143 : memref<16x128xf32, #tpu.memory_space<hbm>>) dst(%dma_wait3A_140 : memref<16x128xf32, #tpu.memory_space<vmem_shared>>)
    } else {
    }
    %dma_wait3A = tpu.memref_slice %arg3[%mul3A_6] : memref<320000xi32, #tpu.memory_space<hbm>> -> memref<10000xi32, #tpu.memory_space<hbm>>
    %dma_wait3A_20 = tpu.memref_slice %arg3[%mul3A_6] : memref<320000xi32, #tpu.memory_space<hbm>> -> memref<10000xi32, #tpu.memory_space<hbm>>
    tpu.wait_dma2 semaphore(%arg14 : memref<!tpu.dma_semaphore, #tpu.memory_space<semaphore_mem>>) src(%dma_wait3A_20 : memref<10000xi32, #tpu.memory_space<hbm>>) dst(%arg6 : memref<10000xi32, #tpu.memory_space<vmem>>)
    %dma_wait3A_21 = tpu.memref_slice %arg4[%mul3A_11] : memref<320000xi32, #tpu.memory_space<hbm>> -> memref<80xi32, #tpu.memory_space<hbm>>
    %dma_wait3A_22 = tpu.memref_slice %arg4[%mul3A_11] : memref<320000xi32, #tpu.memory_space<hbm>> -> memref<80xi32, #tpu.memory_space<hbm>>
    tpu.wait_dma2 semaphore(%arg15 : memref<!tpu.dma_semaphore, #tpu.memory_space<semaphore_mem>>) src(%dma_wait3A_22 : memref<80xi32, #tpu.memory_space<hbm>>) dst(%arg7 : memref<80xi32, #tpu.memory_space<vmem>>)
    %dma_wait3A_23 = arith.constant 0 : i32
    %dma_wait3A_24 = tpu.memref_slice %arg13[%mul3A_2, %dma_wait3A_23] : memref<10000x128xf32, #tpu.memory_space<vmem_shared>> -> memref<624x128xf32, #tpu.memory_space<vmem_shared>>
    %dma_wait3A_25 = arith.constant 0 : i32
    %dma_wait3A_26 = tpu.memref_slice %arg2[%mul3A_2, %dma_wait3A_25] : memref<10000x128xf32, #tpu.memory_space<hbm>> -> memref<624x128xf32, #tpu.memory_space<hbm>>
    tpu.wait_dma2 semaphore(%arg14 : memref<!tpu.dma_semaphore, #tpu.memory_space<semaphore_mem>>) src(%dma_wait3A_26 : memref<624x128xf32, #tpu.memory_space<hbm>>) dst(%dma_wait3A_24 : memref<624x128xf32, #tpu.memory_space<vmem_shared>>)
    %barrier3A = arith.constant 0 : index
    tpu.barrier barrier_id(%barrier3A)
    %mul3A_27 = arith.constant 125 : i32
    %mul3A_28 = arith.muli %add3A, %mul3A_27 : i32
    %mul3A_29 = arith.constant 80 : i32
    %mul3A_30 = arith.muli %mul3A_28, %mul3A_29 : i32
    %add3A_31 = arith.constant 0 : i32
    %add3A_32 = arith.addi %mul3A_30, %add3A_31 : i32
    %dma_start3A_33 = tpu.memref_slice %arg4[%add3A_32] : memref<320000xi32, #tpu.memory_space<hbm>> -> memref<80xi32, #tpu.memory_space<hbm>>
    %dma_start3A_34 = tpu.memref_slice %arg4[%add3A_32] : memref<320000xi32, #tpu.memory_space<hbm>> -> memref<80xi32, #tpu.memory_space<hbm>>
    tpu.enqueue_dma source(%dma_start3A_34 : memref<80xi32, #tpu.memory_space<hbm>>) target(%arg7 : memref<80xi32, #tpu.memory_space<vmem>>) target_semaphore(%arg17 : memref<!tpu.dma_semaphore, #tpu.memory_space<semaphore_mem>>)
    %dma_start3A_35 = arith.constant 0 : i32
    %dma_start3A_36 = tpu.memref_slice %arg6[%dma_start3A_35] : memref<10000xi32, #tpu.memory_space<vmem>> -> memref<80xi32, #tpu.memory_space<vmem>>
    %dma_start3A_37 = arith.constant 0 : i32
    %dma_start3A_38 = arith.constant 0 : i32
    %dma_start3A_39 = tpu.memref_slice %arg2[%dma_start3A_37, %dma_start3A_38] : memref<10000x128xf32, #tpu.memory_space<hbm>> -> memref<10000x128xf32, #tpu.memory_space<hbm>>
    tpu.enqueue_indirect_dma source(%dma_start3A_39 : memref<10000x128xf32, #tpu.memory_space<hbm>>) target(%arg10 : memref<80x128xf32, #tpu.memory_space<vmem>>) offsets(%dma_start3A_36 : memref<80xi32, #tpu.memory_space<vmem>>) semaphore(%arg14 : memref<!tpu.dma_semaphore, #tpu.memory_space<semaphore_mem>>)
    %add3A_40 = arith.constant 80 : i32
    %add3A_41 = arith.addi %mul3A_30, %add3A_40 : i32
    %dma_start3A_42 = tpu.memref_slice %arg4[%add3A_41] : memref<320000xi32, #tpu.memory_space<hbm>> -> memref<80xi32, #tpu.memory_space<hbm>>
    %dma_start3A_43 = tpu.memref_slice %arg4[%add3A_41] : memref<320000xi32, #tpu.memory_space<hbm>> -> memref<80xi32, #tpu.memory_space<hbm>>
    tpu.enqueue_dma source(%dma_start3A_43 : memref<80xi32, #tpu.memory_space<hbm>>) target(%arg8 : memref<80xi32, #tpu.memory_space<vmem>>) target_semaphore(%arg18 : memref<!tpu.dma_semaphore, #tpu.memory_space<semaphore_mem>>)
    %dma_start3A_44 = arith.constant 80 : i32
    %dma_start3A_45 = tpu.memref_slice %arg6[%dma_start3A_44] : memref<10000xi32, #tpu.memory_space<vmem>> -> memref<80xi32, #tpu.memory_space<vmem>>
    %dma_start3A_46 = arith.constant 0 : i32
    %dma_start3A_47 = arith.constant 0 : i32
    %dma_start3A_48 = tpu.memref_slice %arg2[%dma_start3A_46, %dma_start3A_47] : memref<10000x128xf32, #tpu.memory_space<hbm>> -> memref<10000x128xf32, #tpu.memory_space<hbm>>
    tpu.enqueue_indirect_dma source(%dma_start3A_48 : memref<10000x128xf32, #tpu.memory_space<hbm>>) target(%arg11 : memref<80x128xf32, #tpu.memory_space<vmem>>) offsets(%dma_start3A_45 : memref<80xi32, #tpu.memory_space<vmem>>) semaphore(%arg15 : memref<!tpu.dma_semaphore, #tpu.memory_space<semaphore_mem>>)
    %add3A_49 = arith.constant 160 : i32
    %add3A_50 = arith.addi %mul3A_30, %add3A_49 : i32
    %dma_start3A_51 = tpu.memref_slice %arg4[%add3A_50] : memref<320000xi32, #tpu.memory_space<hbm>> -> memref<80xi32, #tpu.memory_space<hbm>>
    %dma_start3A_52 = tpu.memref_slice %arg4[%add3A_50] : memref<320000xi32, #tpu.memory_space<hbm>> -> memref<80xi32, #tpu.memory_space<hbm>>
    tpu.enqueue_dma source(%dma_start3A_52 : memref<80xi32, #tpu.memory_space<hbm>>) target(%arg9 : memref<80xi32, #tpu.memory_space<vmem>>) target_semaphore(%arg19 : memref<!tpu.dma_semaphore, #tpu.memory_space<semaphore_mem>>)
    %dma_start3A_53 = arith.constant 160 : i32
    %dma_start3A_54 = tpu.memref_slice %arg6[%dma_start3A_53] : memref<10000xi32, #tpu.memory_space<vmem>> -> memref<80xi32, #tpu.memory_space<vmem>>
    %dma_start3A_55 = arith.constant 0 : i32
    %dma_start3A_56 = arith.constant 0 : i32
    %dma_start3A_57 = tpu.memref_slice %arg2[%dma_start3A_55, %dma_start3A_56] : memref<10000x128xf32, #tpu.memory_space<hbm>> -> memref<10000x128xf32, #tpu.memory_space<hbm>>
    tpu.enqueue_indirect_dma source(%dma_start3A_57 : memref<10000x128xf32, #tpu.memory_space<hbm>>) target(%arg12 : memref<80x128xf32, #tpu.memory_space<vmem>>) offsets(%dma_start3A_54 : memref<80xi32, #tpu.memory_space<vmem>>) semaphore(%arg16 : memref<!tpu.dma_semaphore, #tpu.memory_space<semaphore_mem>>)
    %scan3A = arith.constant 0 : i32
    %scan3A_58 = arith.constant 0 : i32
    %scan3A_59 = arith.constant 40 : i32
    %scan3A_60 = arith.addi %scan3A_58, %scan3A_59 : i32
    %scan3A_61 = arith.constant 1 : i32
    scf.for %scan3A_132 = %scan3A_58 to %scan3A_60 step %scan3A_61  : i32 {
      %mul3A_133 = arith.constant 3 : i32
      %mul3A_134 = arith.muli %mul3A_133, %scan3A_132 : i32
      %add3A_135 = arith.constant 0 : i32
      %add3A_136 = arith.addi %mul3A_134, %add3A_135 : i32
      %mul3A_137 = arith.constant 80 : i32
      %mul3A_138 = arith.muli %add3A_136, %mul3A_137 : i32
      %add3A_139 = arith.addi %mul3A_30, %mul3A_138 : i32
      %dma_wait3A_140 = tpu.memref_slice %arg4[%add3A_139] : memref<320000xi32, #tpu.memory_space<hbm>> -> memref<80xi32, #tpu.memory_space<hbm>>
      %dma_wait3A_141 = tpu.memref_slice %arg4[%add3A_139] : memref<320000xi32, #tpu.memory_space<hbm>> -> memref<80xi32, #tpu.memory_space<hbm>>
      tpu.wait_dma2 semaphore(%arg17 : memref<!tpu.dma_semaphore, #tpu.memory_space<semaphore_mem>>) src(%dma_wait3A_141 : memref<80xi32, #tpu.memory_space<hbm>>) dst(%arg7 : memref<80xi32, #tpu.memory_space<vmem>>)
      %mul3A_142 = arith.constant 80 : i32
      %mul3A_143 = arith.muli %add3A_136, %mul3A_142 : i32
      %dma_wait3A_144 = tpu.memref_slice %arg6[%mul3A_143] : memref<10000xi32, #tpu.memory_space<vmem>> -> memref<80xi32, #tpu.memory_space<vmem>>
      %dma_wait3A_145 = arith.constant 0 : i32
      %dma_wait3A_146 = arith.constant 0 : i32
      %dma_wait3A_147 = tpu.memref_slice %arg2[%dma_wait3A_145, %dma_wait3A_146] : memref<10000x128xf32, #tpu.memory_space<hbm>> -> memref<10000x128xf32, #tpu.memory_space<hbm>>
      tpu.wait_indirect_dma semaphore(%arg14 : memref<!tpu.dma_semaphore, #tpu.memory_space<semaphore_mem>>) src(%dma_wait3A_147 : memref<10000x128xf32, #tpu.memory_space<hbm>>) dst(%arg10 : memref<80x128xf32, #tpu.memory_space<vmem>>)
      "tpu.region"() ({
        %run_scoped3A = tpu.sem_alloc : memref<!tpu.dma_semaphore, #tpu.memory_space<semaphore_mem>>
        %dma_start3A_219 = arith.constant 0 : i32
        %dma_start3A_220 = arith.constant 0 : i32
        %dma_start3A_221 = tpu.memref_slice %arg13[%dma_start3A_219, %dma_start3A_220] : memref<10000x128xf32, #tpu.memory_space<vmem_shared>> -> memref<10000x128xf32, #tpu.memory_space<vmem_shared>>
        tpu.enqueue_indirect_dma source(%arg10 : memref<80x128xf32, #tpu.memory_space<vmem>>) target(%dma_start3A_221 : memref<10000x128xf32, #tpu.memory_space<vmem_shared>>) offsets(%arg7 : memref<80xi32, #tpu.memory_space<vmem>>) semaphore(%run_scoped3A : memref<!tpu.dma_semaphore, #tpu.memory_space<semaphore_mem>>) {add = true}
        %dma_wait3A_222 = arith.constant 0 : i32
        %dma_wait3A_223 = arith.constant 0 : i32
        %dma_wait3A_224 = tpu.memref_slice %arg13[%dma_wait3A_222, %dma_wait3A_223] : memref<10000x128xf32, #tpu.memory_space<vmem_shared>> -> memref<10000x128xf32, #tpu.memory_space<vmem_shared>>
        tpu.wait_indirect_dma semaphore(%run_scoped3A : memref<!tpu.dma_semaphore, #tpu.memory_space<semaphore_mem>>) src(%arg10 : memref<80x128xf32, #tpu.memory_space<vmem>>) dst(%dma_wait3A_224 : memref<10000x128xf32, #tpu.memory_space<vmem_shared>>)
        tpu.yield
      }) : () -> ()
      %add3A_148 = arith.constant 0 : i32
      %add3A_149 = arith.addi %mul3A_134, %add3A_148 : i32
      %add3A_150 = arith.constant 3 : i32
      %add3A_151 = arith.addi %add3A_149, %add3A_150 : i32
      %mul3A_152 = arith.constant 80 : i32
      %mul3A_153 = arith.muli %add3A_151, %mul3A_152 : i32
      %add3A_154 = arith.addi %mul3A_30, %mul3A_153 : i32
      %dma_start3A_155 = tpu.memref_slice %arg4[%add3A_154] : memref<320000xi32, #tpu.memory_space<hbm>> -> memref<80xi32, #tpu.memory_space<hbm>>
      %dma_start3A_156 = tpu.memref_slice %arg4[%add3A_154] : memref<320000xi32, #tpu.memory_space<hbm>> -> memref<80xi32, #tpu.memory_space<hbm>>
      tpu.enqueue_dma source(%dma_start3A_156 : memref<80xi32, #tpu.memory_space<hbm>>) target(%arg7 : memref<80xi32, #tpu.memory_space<vmem>>) target_semaphore(%arg17 : memref<!tpu.dma_semaphore, #tpu.memory_space<semaphore_mem>>)
      %mul3A_157 = arith.constant 80 : i32
      %mul3A_158 = arith.muli %add3A_151, %mul3A_157 : i32
      %dma_start3A_159 = tpu.memref_slice %arg6[%mul3A_158] : memref<10000xi32, #tpu.memory_space<vmem>> -> memref<80xi32, #tpu.memory_space<vmem>>
      %dma_start3A_160 = arith.constant 0 : i32
      %dma_start3A_161 = arith.constant 0 : i32
      %dma_start3A_162 = tpu.memref_slice %arg2[%dma_start3A_160, %dma_start3A_161] : memref<10000x128xf32, #tpu.memory_space<hbm>> -> memref<10000x128xf32, #tpu.memory_space<hbm>>
      tpu.enqueue_indirect_dma source(%dma_start3A_162 : memref<10000x128xf32, #tpu.memory_space<hbm>>) target(%arg10 : memref<80x128xf32, #tpu.memory_space<vmem>>) offsets(%dma_start3A_159 : memref<80xi32, #tpu.memory_space<vmem>>) semaphore(%arg14 : memref<!tpu.dma_semaphore, #tpu.memory_space<semaphore_mem>>)
      %add3A_163 = arith.constant 1 : i32
      %add3A_164 = arith.addi %mul3A_134, %add3A_163 : i32
      %mul3A_165 = arith.constant 80 : i32
      %mul3A_166 = arith.muli %add3A_164, %mul3A_165 : i32
      %add3A_167 = arith.addi %mul3A_30, %mul3A_166 : i32
      %dma_wait3A_168 = tpu.memref_slice %arg4[%add3A_167] : memref<320000xi32, #tpu.memory_space<hbm>> -> memref<80xi32, #tpu.memory_space<hbm>>
      %dma_wait3A_169 = tpu.memref_slice %arg4[%add3A_167] : memref<320000xi32, #tpu.memory_space<hbm>> -> memref<80xi32, #tpu.memory_space<hbm>>
      tpu.wait_dma2 semaphore(%arg18 : memref<!tpu.dma_semaphore, #tpu.memory_space<semaphore_mem>>) src(%dma_wait3A_169 : memref<80xi32, #tpu.memory_space<hbm>>) dst(%arg8 : memref<80xi32, #tpu.memory_space<vmem>>)
      %mul3A_170 = arith.constant 80 : i32
      %mul3A_171 = arith.muli %add3A_164, %mul3A_170 : i32
      %dma_wait3A_172 = tpu.memref_slice %arg6[%mul3A_171] : memref<10000xi32, #tpu.memory_space<vmem>> -> memref<80xi32, #tpu.memory_space<vmem>>
      %dma_wait3A_173 = arith.constant 0 : i32
      %dma_wait3A_174 = arith.constant 0 : i32
      %dma_wait3A_175 = tpu.memref_slice %arg2[%dma_wait3A_173, %dma_wait3A_174] : memref<10000x128xf32, #tpu.memory_space<hbm>> -> memref<10000x128xf32, #tpu.memory_space<hbm>>
      tpu.wait_indirect_dma semaphore(%arg15 : memref<!tpu.dma_semaphore, #tpu.memory_space<semaphore_mem>>) src(%dma_wait3A_175 : memref<10000x128xf32, #tpu.memory_space<hbm>>) dst(%arg11 : memref<80x128xf32, #tpu.memory_space<vmem>>)
      "tpu.region"() ({
        %run_scoped3A = tpu.sem_alloc : memref<!tpu.dma_semaphore, #tpu.memory_space<semaphore_mem>>
        %dma_start3A_219 = arith.constant 0 : i32
        %dma_start3A_220 = arith.constant 0 : i32
        %dma_start3A_221 = tpu.memref_slice %arg13[%dma_start3A_219, %dma_start3A_220] : memref<10000x128xf32, #tpu.memory_space<vmem_shared>> -> memref<10000x128xf32, #tpu.memory_space<vmem_shared>>
        tpu.enqueue_indirect_dma source(%arg11 : memref<80x128xf32, #tpu.memory_space<vmem>>) target(%dma_start3A_221 : memref<10000x128xf32, #tpu.memory_space<vmem_shared>>) offsets(%arg8 : memref<80xi32, #tpu.memory_space<vmem>>) semaphore(%run_scoped3A : memref<!tpu.dma_semaphore, #tpu.memory_space<semaphore_mem>>) {add = true}
        %dma_wait3A_222 = arith.constant 0 : i32
        %dma_wait3A_223 = arith.constant 0 : i32
        %dma_wait3A_224 = tpu.memref_slice %arg13[%dma_wait3A_222, %dma_wait3A_223] : memref<10000x128xf32, #tpu.memory_space<vmem_shared>> -> memref<10000x128xf32, #tpu.memory_space<vmem_shared>>
        tpu.wait_indirect_dma semaphore(%run_scoped3A : memref<!tpu.dma_semaphore, #tpu.memory_space<semaphore_mem>>) src(%arg11 : memref<80x128xf32, #tpu.memory_space<vmem>>) dst(%dma_wait3A_224 : memref<10000x128xf32, #tpu.memory_space<vmem_shared>>)
        tpu.yield
      }) : () -> ()
      %add3A_176 = arith.constant 1 : i32
      %add3A_177 = arith.addi %mul3A_134, %add3A_176 : i32
      %add3A_178 = arith.constant 3 : i32
      %add3A_179 = arith.addi %add3A_177, %add3A_178 : i32
      %mul3A_180 = arith.constant 80 : i32
      %mul3A_181 = arith.muli %add3A_179, %mul3A_180 : i32
      %add3A_182 = arith.addi %mul3A_30, %mul3A_181 : i32
      %dma_start3A_183 = tpu.memref_slice %arg4[%add3A_182] : memref<320000xi32, #tpu.memory_space<hbm>> -> memref<80xi32, #tpu.memory_space<hbm>>
      %dma_start3A_184 = tpu.memref_slice %arg4[%add3A_182] : memref<320000xi32, #tpu.memory_space<hbm>> -> memref<80xi32, #tpu.memory_space<hbm>>
      tpu.enqueue_dma source(%dma_start3A_184 : memref<80xi32, #tpu.memory_space<hbm>>) target(%arg8 : memref<80xi32, #tpu.memory_space<vmem>>) target_semaphore(%arg18 : memref<!tpu.dma_semaphore, #tpu.memory_space<semaphore_mem>>)
      %mul3A_185 = arith.constant 80 : i32
      %mul3A_186 = arith.muli %add3A_179, %mul3A_185 : i32
      %dma_start3A_187 = tpu.memref_slice %arg6[%mul3A_186] : memref<10000xi32, #tpu.memory_space<vmem>> -> memref<80xi32, #tpu.memory_space<vmem>>
      %dma_start3A_188 = arith.constant 0 : i32
      %dma_start3A_189 = arith.constant 0 : i32
      %dma_start3A_190 = tpu.memref_slice %arg2[%dma_start3A_188, %dma_start3A_189] : memref<10000x128xf32, #tpu.memory_space<hbm>> -> memref<10000x128xf32, #tpu.memory_space<hbm>>
      tpu.enqueue_indirect_dma source(%dma_start3A_190 : memref<10000x128xf32, #tpu.memory_space<hbm>>) target(%arg11 : memref<80x128xf32, #tpu.memory_space<vmem>>) offsets(%dma_start3A_187 : memref<80xi32, #tpu.memory_space<vmem>>) semaphore(%arg15 : memref<!tpu.dma_semaphore, #tpu.memory_space<semaphore_mem>>)
      %add3A_191 = arith.constant 2 : i32
      %add3A_192 = arith.addi %mul3A_134, %add3A_191 : i32
      %mul3A_193 = arith.constant 80 : i32
      %mul3A_194 = arith.muli %add3A_192, %mul3A_193 : i32
      %add3A_195 = arith.addi %mul3A_30, %mul3A_194 : i32
      %dma_wait3A_196 = tpu.memref_slice %arg4[%add3A_195] : memref<320000xi32, #tpu.memory_space<hbm>> -> memref<80xi32, #tpu.memory_space<hbm>>
      %dma_wait3A_197 = tpu.memref_slice %arg4[%add3A_195] : memref<320000xi32, #tpu.memory_space<hbm>> -> memref<80xi32, #tpu.memory_space<hbm>>
      tpu.wait_dma2 semaphore(%arg19 : memref<!tpu.dma_semaphore, #tpu.memory_space<semaphore_mem>>) src(%dma_wait3A_197 : memref<80xi32, #tpu.memory_space<hbm>>) dst(%arg9 : memref<80xi32, #tpu.memory_space<vmem>>)
      %mul3A_198 = arith.constant 80 : i32
      %mul3A_199 = arith.muli %add3A_192, %mul3A_198 : i32
      %dma_wait3A_200 = tpu.memref_slice %arg6[%mul3A_199] : memref<10000xi32, #tpu.memory_space<vmem>> -> memref<80xi32, #tpu.memory_space<vmem>>
      %dma_wait3A_201 = arith.constant 0 : i32
      %dma_wait3A_202 = arith.constant 0 : i32
      %dma_wait3A_203 = tpu.memref_slice %arg2[%dma_wait3A_201, %dma_wait3A_202] : memref<10000x128xf32, #tpu.memory_space<hbm>> -> memref<10000x128xf32, #tpu.memory_space<hbm>>
      tpu.wait_indirect_dma semaphore(%arg16 : memref<!tpu.dma_semaphore, #tpu.memory_space<semaphore_mem>>) src(%dma_wait3A_203 : memref<10000x128xf32, #tpu.memory_space<hbm>>) dst(%arg12 : memref<80x128xf32, #tpu.memory_space<vmem>>)
      "tpu.region"() ({
        %run_scoped3A = tpu.sem_alloc : memref<!tpu.dma_semaphore, #tpu.memory_space<semaphore_mem>>
        %dma_start3A_219 = arith.constant 0 : i32
        %dma_start3A_220 = arith.constant 0 : i32
        %dma_start3A_221 = tpu.memref_slice %arg13[%dma_start3A_219, %dma_start3A_220] : memref<10000x128xf32, #tpu.memory_space<vmem_shared>> -> memref<10000x128xf32, #tpu.memory_space<vmem_shared>>
        tpu.enqueue_indirect_dma source(%arg12 : memref<80x128xf32, #tpu.memory_space<vmem>>) target(%dma_start3A_221 : memref<10000x128xf32, #tpu.memory_space<vmem_shared>>) offsets(%arg9 : memref<80xi32, #tpu.memory_space<vmem>>) semaphore(%run_scoped3A : memref<!tpu.dma_semaphore, #tpu.memory_space<semaphore_mem>>) {add = true}
        %dma_wait3A_222 = arith.constant 0 : i32
        %dma_wait3A_223 = arith.constant 0 : i32
        %dma_wait3A_224 = tpu.memref_slice %arg13[%dma_wait3A_222, %dma_wait3A_223] : memref<10000x128xf32, #tpu.memory_space<vmem_shared>> -> memref<10000x128xf32, #tpu.memory_space<vmem_shared>>
        tpu.wait_indirect_dma semaphore(%run_scoped3A : memref<!tpu.dma_semaphore, #tpu.memory_space<semaphore_mem>>) src(%arg12 : memref<80x128xf32, #tpu.memory_space<vmem>>) dst(%dma_wait3A_224 : memref<10000x128xf32, #tpu.memory_space<vmem_shared>>)
        tpu.yield
      }) : () -> ()
      %add3A_204 = arith.constant 2 : i32
      %add3A_205 = arith.addi %mul3A_134, %add3A_204 : i32
      %add3A_206 = arith.constant 3 : i32
      %add3A_207 = arith.addi %add3A_205, %add3A_206 : i32
      %mul3A_208 = arith.constant 80 : i32
      %mul3A_209 = arith.muli %add3A_207, %mul3A_208 : i32
      %add3A_210 = arith.addi %mul3A_30, %mul3A_209 : i32
      %dma_start3A_211 = tpu.memref_slice %arg4[%add3A_210] : memref<320000xi32, #tpu.memory_space<hbm>> -> memref<80xi32, #tpu.memory_space<hbm>>
      %dma_start3A_212 = tpu.memref_slice %arg4[%add3A_210] : memref<320000xi32, #tpu.memory_space<hbm>> -> memref<80xi32, #tpu.memory_space<hbm>>
      tpu.enqueue_dma source(%dma_start3A_212 : memref<80xi32, #tpu.memory_space<hbm>>) target(%arg9 : memref<80xi32, #tpu.memory_space<vmem>>) target_semaphore(%arg19 : memref<!tpu.dma_semaphore, #tpu.memory_space<semaphore_mem>>)
      %mul3A_213 = arith.constant 80 : i32
      %mul3A_214 = arith.muli %add3A_207, %mul3A_213 : i32
      %dma_start3A_215 = tpu.memref_slice %arg6[%mul3A_214] : memref<10000xi32, #tpu.memory_space<vmem>> -> memref<80xi32, #tpu.memory_space<vmem>>
      %dma_start3A_216 = arith.constant 0 : i32
      %dma_start3A_217 = arith.constant 0 : i32
      %dma_start3A_218 = tpu.memref_slice %arg2[%dma_start3A_216, %dma_start3A_217] : memref<10000x128xf32, #tpu.memory_space<hbm>> -> memref<10000x128xf32, #tpu.memory_space<hbm>>
      tpu.enqueue_indirect_dma source(%dma_start3A_218 : memref<10000x128xf32, #tpu.memory_space<hbm>>) target(%arg12 : memref<80x128xf32, #tpu.memory_space<vmem>>) offsets(%dma_start3A_215 : memref<80xi32, #tpu.memory_space<vmem>>) semaphore(%arg16 : memref<!tpu.dma_semaphore, #tpu.memory_space<semaphore_mem>>)
    }
    %scan3A_62 = arith.constant 40 : i32
    %add3A_63 = arith.constant 9600 : i32
    %add3A_64 = arith.addi %mul3A_30, %add3A_63 : i32
    %dma_wait3A_65 = tpu.memref_slice %arg4[%add3A_64] : memref<320000xi32, #tpu.memory_space<hbm>> -> memref<80xi32, #tpu.memory_space<hbm>>
    %dma_wait3A_66 = tpu.memref_slice %arg4[%add3A_64] : memref<320000xi32, #tpu.memory_space<hbm>> -> memref<80xi32, #tpu.memory_space<hbm>>
    tpu.wait_dma2 semaphore(%arg17 : memref<!tpu.dma_semaphore, #tpu.memory_space<semaphore_mem>>) src(%dma_wait3A_66 : memref<80xi32, #tpu.memory_space<hbm>>) dst(%arg7 : memref<80xi32, #tpu.memory_space<vmem>>)
    %dma_wait3A_67 = arith.constant 9600 : i32
    %dma_wait3A_68 = tpu.memref_slice %arg6[%dma_wait3A_67] : memref<10000xi32, #tpu.memory_space<vmem>> -> memref<80xi32, #tpu.memory_space<vmem>>
    %dma_wait3A_69 = arith.constant 0 : i32
    %dma_wait3A_70 = arith.constant 0 : i32
    %dma_wait3A_71 = tpu.memref_slice %arg2[%dma_wait3A_69, %dma_wait3A_70] : memref<10000x128xf32, #tpu.memory_space<hbm>> -> memref<10000x128xf32, #tpu.memory_space<hbm>>
    tpu.wait_indirect_dma semaphore(%arg14 : memref<!tpu.dma_semaphore, #tpu.memory_space<semaphore_mem>>) src(%dma_wait3A_71 : memref<10000x128xf32, #tpu.memory_space<hbm>>) dst(%arg10 : memref<80x128xf32, #tpu.memory_space<vmem>>)
    "tpu.region"() ({
      %run_scoped3A = tpu.sem_alloc : memref<!tpu.dma_semaphore, #tpu.memory_space<semaphore_mem>>
      %dma_start3A_132 = arith.constant 0 : i32
      %dma_start3A_133 = arith.constant 0 : i32
      %dma_start3A_134 = tpu.memref_slice %arg13[%dma_start3A_132, %dma_start3A_133] : memref<10000x128xf32, #tpu.memory_space<vmem_shared>> -> memref<10000x128xf32, #tpu.memory_space<vmem_shared>>
      tpu.enqueue_indirect_dma source(%arg10 : memref<80x128xf32, #tpu.memory_space<vmem>>) target(%dma_start3A_134 : memref<10000x128xf32, #tpu.memory_space<vmem_shared>>) offsets(%arg7 : memref<80xi32, #tpu.memory_space<vmem>>) semaphore(%run_scoped3A : memref<!tpu.dma_semaphore, #tpu.memory_space<semaphore_mem>>) {add = true}
      %dma_wait3A_135 = arith.constant 0 : i32
      %dma_wait3A_136 = arith.constant 0 : i32
      %dma_wait3A_137 = tpu.memref_slice %arg13[%dma_wait3A_135, %dma_wait3A_136] : memref<10000x128xf32, #tpu.memory_space<vmem_shared>> -> memref<10000x128xf32, #tpu.memory_space<vmem_shared>>
      tpu.wait_indirect_dma semaphore(%run_scoped3A : memref<!tpu.dma_semaphore, #tpu.memory_space<semaphore_mem>>) src(%arg10 : memref<80x128xf32, #tpu.memory_space<vmem>>) dst(%dma_wait3A_137 : memref<10000x128xf32, #tpu.memory_space<vmem_shared>>)
      tpu.yield
    }) : () -> ()
    %add3A_72 = arith.constant 9840 : i32
    %add3A_73 = arith.addi %mul3A_30, %add3A_72 : i32
    %dma_start3A_74 = tpu.memref_slice %arg4[%add3A_73] : memref<320000xi32, #tpu.memory_space<hbm>> -> memref<80xi32, #tpu.memory_space<hbm>>
    %dma_start3A_75 = tpu.memref_slice %arg4[%add3A_73] : memref<320000xi32, #tpu.memory_space<hbm>> -> memref<80xi32, #tpu.memory_space<hbm>>
    tpu.enqueue_dma source(%dma_start3A_75 : memref<80xi32, #tpu.memory_space<hbm>>) target(%arg7 : memref<80xi32, #tpu.memory_space<vmem>>) target_semaphore(%arg17 : memref<!tpu.dma_semaphore, #tpu.memory_space<semaphore_mem>>)
    %dma_start3A_76 = arith.constant 9840 : i32
    %dma_start3A_77 = tpu.memref_slice %arg6[%dma_start3A_76] : memref<10000xi32, #tpu.memory_space<vmem>> -> memref<80xi32, #tpu.memory_space<vmem>>
    %dma_start3A_78 = arith.constant 0 : i32
    %dma_start3A_79 = arith.constant 0 : i32
    %dma_start3A_80 = tpu.memref_slice %arg2[%dma_start3A_78, %dma_start3A_79] : memref<10000x128xf32, #tpu.memory_space<hbm>> -> memref<10000x128xf32, #tpu.memory_space<hbm>>
    tpu.enqueue_indirect_dma source(%dma_start3A_80 : memref<10000x128xf32, #tpu.memory_space<hbm>>) target(%arg10 : memref<80x128xf32, #tpu.memory_space<vmem>>) offsets(%dma_start3A_77 : memref<80xi32, #tpu.memory_space<vmem>>) semaphore(%arg14 : memref<!tpu.dma_semaphore, #tpu.memory_space<semaphore_mem>>)
    %add3A_81 = arith.constant 9680 : i32
    %add3A_82 = arith.addi %mul3A_30, %add3A_81 : i32
    %dma_wait3A_83 = tpu.memref_slice %arg4[%add3A_82] : memref<320000xi32, #tpu.memory_space<hbm>> -> memref<80xi32, #tpu.memory_space<hbm>>
    %dma_wait3A_84 = tpu.memref_slice %arg4[%add3A_82] : memref<320000xi32, #tpu.memory_space<hbm>> -> memref<80xi32, #tpu.memory_space<hbm>>
    tpu.wait_dma2 semaphore(%arg18 : memref<!tpu.dma_semaphore, #tpu.memory_space<semaphore_mem>>) src(%dma_wait3A_84 : memref<80xi32, #tpu.memory_space<hbm>>) dst(%arg8 : memref<80xi32, #tpu.memory_space<vmem>>)
    %dma_wait3A_85 = arith.constant 9680 : i32
    %dma_wait3A_86 = tpu.memref_slice %arg6[%dma_wait3A_85] : memref<10000xi32, #tpu.memory_space<vmem>> -> memref<80xi32, #tpu.memory_space<vmem>>
    %dma_wait3A_87 = arith.constant 0 : i32
    %dma_wait3A_88 = arith.constant 0 : i32
    %dma_wait3A_89 = tpu.memref_slice %arg2[%dma_wait3A_87, %dma_wait3A_88] : memref<10000x128xf32, #tpu.memory_space<hbm>> -> memref<10000x128xf32, #tpu.memory_space<hbm>>
    tpu.wait_indirect_dma semaphore(%arg15 : memref<!tpu.dma_semaphore, #tpu.memory_space<semaphore_mem>>) src(%dma_wait3A_89 : memref<10000x128xf32, #tpu.memory_space<hbm>>) dst(%arg11 : memref<80x128xf32, #tpu.memory_space<vmem>>)
    "tpu.region"() ({
      %run_scoped3A = tpu.sem_alloc : memref<!tpu.dma_semaphore, #tpu.memory_space<semaphore_mem>>
      %dma_start3A_132 = arith.constant 0 : i32
      %dma_start3A_133 = arith.constant 0 : i32
      %dma_start3A_134 = tpu.memref_slice %arg13[%dma_start3A_132, %dma_start3A_133] : memref<10000x128xf32, #tpu.memory_space<vmem_shared>> -> memref<10000x128xf32, #tpu.memory_space<vmem_shared>>
      tpu.enqueue_indirect_dma source(%arg11 : memref<80x128xf32, #tpu.memory_space<vmem>>) target(%dma_start3A_134 : memref<10000x128xf32, #tpu.memory_space<vmem_shared>>) offsets(%arg8 : memref<80xi32, #tpu.memory_space<vmem>>) semaphore(%run_scoped3A : memref<!tpu.dma_semaphore, #tpu.memory_space<semaphore_mem>>) {add = true}
      %dma_wait3A_135 = arith.constant 0 : i32
      %dma_wait3A_136 = arith.constant 0 : i32
      %dma_wait3A_137 = tpu.memref_slice %arg13[%dma_wait3A_135, %dma_wait3A_136] : memref<10000x128xf32, #tpu.memory_space<vmem_shared>> -> memref<10000x128xf32, #tpu.memory_space<vmem_shared>>
      tpu.wait_indirect_dma semaphore(%run_scoped3A : memref<!tpu.dma_semaphore, #tpu.memory_space<semaphore_mem>>) src(%arg11 : memref<80x128xf32, #tpu.memory_space<vmem>>) dst(%dma_wait3A_137 : memref<10000x128xf32, #tpu.memory_space<vmem_shared>>)
      tpu.yield
    }) : () -> ()
    %add3A_90 = arith.constant 9920 : i32
    %add3A_91 = arith.addi %mul3A_30, %add3A_90 : i32
    %dma_start3A_92 = tpu.memref_slice %arg4[%add3A_91] : memref<320000xi32, #tpu.memory_space<hbm>> -> memref<80xi32, #tpu.memory_space<hbm>>
    %dma_start3A_93 = tpu.memref_slice %arg4[%add3A_91] : memref<320000xi32, #tpu.memory_space<hbm>> -> memref<80xi32, #tpu.memory_space<hbm>>
    tpu.enqueue_dma source(%dma_start3A_93 : memref<80xi32, #tpu.memory_space<hbm>>) target(%arg8 : memref<80xi32, #tpu.memory_space<vmem>>) target_semaphore(%arg18 : memref<!tpu.dma_semaphore, #tpu.memory_space<semaphore_mem>>)
    %dma_start3A_94 = arith.constant 9920 : i32
    %dma_start3A_95 = tpu.memref_slice %arg6[%dma_start3A_94] : memref<10000xi32, #tpu.memory_space<vmem>> -> memref<80xi32, #tpu.memory_space<vmem>>
    %dma_start3A_96 = arith.constant 0 : i32
    %dma_start3A_97 = arith.constant 0 : i32
    %dma_start3A_98 = tpu.memref_slice %arg2[%dma_start3A_96, %dma_start3A_97] : memref<10000x128xf32, #tpu.memory_space<hbm>> -> memref<10000x128xf32, #tpu.memory_space<hbm>>
    tpu.enqueue_indirect_dma source(%dma_start3A_98 : memref<10000x128xf32, #tpu.memory_space<hbm>>) target(%arg11 : memref<80x128xf32, #tpu.memory_space<vmem>>) offsets(%dma_start3A_95 : memref<80xi32, #tpu.memory_space<vmem>>) semaphore(%arg15 : memref<!tpu.dma_semaphore, #tpu.memory_space<semaphore_mem>>)
    %add3A_99 = arith.constant 9760 : i32
    %add3A_100 = arith.addi %mul3A_30, %add3A_99 : i32
    %dma_wait3A_101 = tpu.memref_slice %arg4[%add3A_100] : memref<320000xi32, #tpu.memory_space<hbm>> -> memref<80xi32, #tpu.memory_space<hbm>>
    %dma_wait3A_102 = tpu.memref_slice %arg4[%add3A_100] : memref<320000xi32, #tpu.memory_space<hbm>> -> memref<80xi32, #tpu.memory_space<hbm>>
    tpu.wait_dma2 semaphore(%arg19 : memref<!tpu.dma_semaphore, #tpu.memory_space<semaphore_mem>>) src(%dma_wait3A_102 : memref<80xi32, #tpu.memory_space<hbm>>) dst(%arg9 : memref<80xi32, #tpu.memory_space<vmem>>)
    %dma_wait3A_103 = arith.constant 9760 : i32
    %dma_wait3A_104 = tpu.memref_slice %arg6[%dma_wait3A_103] : memref<10000xi32, #tpu.memory_space<vmem>> -> memref<80xi32, #tpu.memory_space<vmem>>
    %dma_wait3A_105 = arith.constant 0 : i32
    %dma_wait3A_106 = arith.constant 0 : i32
    %dma_wait3A_107 = tpu.memref_slice %arg2[%dma_wait3A_105, %dma_wait3A_106] : memref<10000x128xf32, #tpu.memory_space<hbm>> -> memref<10000x128xf32, #tpu.memory_space<hbm>>
    tpu.wait_indirect_dma semaphore(%arg16 : memref<!tpu.dma_semaphore, #tpu.memory_space<semaphore_mem>>) src(%dma_wait3A_107 : memref<10000x128xf32, #tpu.memory_space<hbm>>) dst(%arg12 : memref<80x128xf32, #tpu.memory_space<vmem>>)
    "tpu.region"() ({
      %run_scoped3A = tpu.sem_alloc : memref<!tpu.dma_semaphore, #tpu.memory_space<semaphore_mem>>
      %dma_start3A_132 = arith.constant 0 : i32
      %dma_start3A_133 = arith.constant 0 : i32
      %dma_start3A_134 = tpu.memref_slice %arg13[%dma_start3A_132, %dma_start3A_133] : memref<10000x128xf32, #tpu.memory_space<vmem_shared>> -> memref<10000x128xf32, #tpu.memory_space<vmem_shared>>
      tpu.enqueue_indirect_dma source(%arg12 : memref<80x128xf32, #tpu.memory_space<vmem>>) target(%dma_start3A_134 : memref<10000x128xf32, #tpu.memory_space<vmem_shared>>) offsets(%arg9 : memref<80xi32, #tpu.memory_space<vmem>>) semaphore(%run_scoped3A : memref<!tpu.dma_semaphore, #tpu.memory_space<semaphore_mem>>) {add = true}
      %dma_wait3A_135 = arith.constant 0 : i32
      %dma_wait3A_136 = arith.constant 0 : i32
      %dma_wait3A_137 = tpu.memref_slice %arg13[%dma_wait3A_135, %dma_wait3A_136] : memref<10000x128xf32, #tpu.memory_space<vmem_shared>> -> memref<10000x128xf32, #tpu.memory_space<vmem_shared>>
      tpu.wait_indirect_dma semaphore(%run_scoped3A : memref<!tpu.dma_semaphore, #tpu.memory_space<semaphore_mem>>) src(%arg12 : memref<80x128xf32, #tpu.memory_space<vmem>>) dst(%dma_wait3A_137 : memref<10000x128xf32, #tpu.memory_space<vmem_shared>>)
      tpu.yield
    }) : () -> ()
    %add3A_108 = arith.constant 9840 : i32
    %add3A_109 = arith.addi %mul3A_30, %add3A_108 : i32
    %dma_wait3A_110 = tpu.memref_slice %arg4[%add3A_109] : memref<320000xi32, #tpu.memory_space<hbm>> -> memref<80xi32, #tpu.memory_space<hbm>>
    %dma_wait3A_111 = tpu.memref_slice %arg4[%add3A_109] : memref<320000xi32, #tpu.memory_space<hbm>> -> memref<80xi32, #tpu.memory_space<hbm>>
    tpu.wait_dma2 semaphore(%arg17 : memref<!tpu.dma_semaphore, #tpu.memory_space<semaphore_mem>>) src(%dma_wait3A_111 : memref<80xi32, #tpu.memory_space<hbm>>) dst(%arg7 : memref<80xi32, #tpu.memory_space<vmem>>)
    %dma_wait3A_112 = arith.constant 9840 : i32
    %dma_wait3A_113 = tpu.memref_slice %arg6[%dma_wait3A_112] : memref<10000xi32, #tpu.memory_space<vmem>> -> memref<80xi32, #tpu.memory_space<vmem>>
    %dma_wait3A_114 = arith.constant 0 : i32
    %dma_wait3A_115 = arith.constant 0 : i32
    %dma_wait3A_116 = tpu.memref_slice %arg2[%dma_wait3A_114, %dma_wait3A_115] : memref<10000x128xf32, #tpu.memory_space<hbm>> -> memref<10000x128xf32, #tpu.memory_space<hbm>>
    tpu.wait_indirect_dma semaphore(%arg14 : memref<!tpu.dma_semaphore, #tpu.memory_space<semaphore_mem>>) src(%dma_wait3A_116 : memref<10000x128xf32, #tpu.memory_space<hbm>>) dst(%arg10 : memref<80x128xf32, #tpu.memory_space<vmem>>)
    "tpu.region"() ({
      %run_scoped3A = tpu.sem_alloc : memref<!tpu.dma_semaphore, #tpu.memory_space<semaphore_mem>>
      %dma_start3A_132 = arith.constant 0 : i32
      %dma_start3A_133 = arith.constant 0 : i32
      %dma_start3A_134 = tpu.memref_slice %arg13[%dma_start3A_132, %dma_start3A_133] : memref<10000x128xf32, #tpu.memory_space<vmem_shared>> -> memref<10000x128xf32, #tpu.memory_space<vmem_shared>>
      tpu.enqueue_indirect_dma source(%arg10 : memref<80x128xf32, #tpu.memory_space<vmem>>) target(%dma_start3A_134 : memref<10000x128xf32, #tpu.memory_space<vmem_shared>>) offsets(%arg7 : memref<80xi32, #tpu.memory_space<vmem>>) semaphore(%run_scoped3A : memref<!tpu.dma_semaphore, #tpu.memory_space<semaphore_mem>>) {add = true}
      %dma_wait3A_135 = arith.constant 0 : i32
      %dma_wait3A_136 = arith.constant 0 : i32
      %dma_wait3A_137 = tpu.memref_slice %arg13[%dma_wait3A_135, %dma_wait3A_136] : memref<10000x128xf32, #tpu.memory_space<vmem_shared>> -> memref<10000x128xf32, #tpu.memory_space<vmem_shared>>
      tpu.wait_indirect_dma semaphore(%run_scoped3A : memref<!tpu.dma_semaphore, #tpu.memory_space<semaphore_mem>>) src(%arg10 : memref<80x128xf32, #tpu.memory_space<vmem>>) dst(%dma_wait3A_137 : memref<10000x128xf32, #tpu.memory_space<vmem_shared>>)
      tpu.yield
    }) : () -> ()
    %add3A_117 = arith.constant 9920 : i32
    %add3A_118 = arith.addi %mul3A_30, %add3A_117 : i32
    %dma_wait3A_119 = tpu.memref_slice %arg4[%add3A_118] : memref<320000xi32, #tpu.memory_space<hbm>> -> memref<80xi32, #tpu.memory_space<hbm>>
    %dma_wait3A_120 = tpu.memref_slice %arg4[%add3A_118] : memref<320000xi32, #tpu.memory_space<hbm>> -> memref<80xi32, #tpu.memory_space<hbm>>
    tpu.wait_dma2 semaphore(%arg18 : memref<!tpu.dma_semaphore, #tpu.memory_space<semaphore_mem>>) src(%dma_wait3A_120 : memref<80xi32, #tpu.memory_space<hbm>>) dst(%arg8 : memref<80xi32, #tpu.memory_space<vmem>>)
    %dma_wait3A_121 = arith.constant 9920 : i32
    %dma_wait3A_122 = tpu.memref_slice %arg6[%dma_wait3A_121] : memref<10000xi32, #tpu.memory_space<vmem>> -> memref<80xi32, #tpu.memory_space<vmem>>
    %dma_wait3A_123 = arith.constant 0 : i32
    %dma_wait3A_124 = arith.constant 0 : i32
    %dma_wait3A_125 = tpu.memref_slice %arg2[%dma_wait3A_123, %dma_wait3A_124] : memref<10000x128xf32, #tpu.memory_space<hbm>> -> memref<10000x128xf32, #tpu.memory_space<hbm>>
    tpu.wait_indirect_dma semaphore(%arg15 : memref<!tpu.dma_semaphore, #tpu.memory_space<semaphore_mem>>) src(%dma_wait3A_125 : memref<10000x128xf32, #tpu.memory_space<hbm>>) dst(%arg11 : memref<80x128xf32, #tpu.memory_space<vmem>>)
    "tpu.region"() ({
      %run_scoped3A = tpu.sem_alloc : memref<!tpu.dma_semaphore, #tpu.memory_space<semaphore_mem>>
      %dma_start3A_132 = arith.constant 0 : i32
      %dma_start3A_133 = arith.constant 0 : i32
      %dma_start3A_134 = tpu.memref_slice %arg13[%dma_start3A_132, %dma_start3A_133] : memref<10000x128xf32, #tpu.memory_space<vmem_shared>> -> memref<10000x128xf32, #tpu.memory_space<vmem_shared>>
      tpu.enqueue_indirect_dma source(%arg11 : memref<80x128xf32, #tpu.memory_space<vmem>>) target(%dma_start3A_134 : memref<10000x128xf32, #tpu.memory_space<vmem_shared>>) offsets(%arg8 : memref<80xi32, #tpu.memory_space<vmem>>) semaphore(%run_scoped3A : memref<!tpu.dma_semaphore, #tpu.memory_space<semaphore_mem>>) {add = true}
      %dma_wait3A_135 = arith.constant 0 : i32
      %dma_wait3A_136 = arith.constant 0 : i32
      %dma_wait3A_137 = tpu.memref_slice %arg13[%dma_wait3A_135, %dma_wait3A_136] : memref<10000x128xf32, #tpu.memory_space<vmem_shared>> -> memref<10000x128xf32, #tpu.memory_space<vmem_shared>>
      tpu.wait_indirect_dma semaphore(%run_scoped3A : memref<!tpu.dma_semaphore, #tpu.memory_space<semaphore_mem>>) src(%arg11 : memref<80x128xf32, #tpu.memory_space<vmem>>) dst(%dma_wait3A_137 : memref<10000x128xf32, #tpu.memory_space<vmem_shared>>)
      tpu.yield
    }) : () -> ()
    %barrier3A_126 = arith.constant 0 : index
    tpu.barrier barrier_id(%barrier3A_126)
    "tpu.region"() ({
      %run_scoped3A = tpu.sem_alloc : memref<!tpu.dma_semaphore, #tpu.memory_space<semaphore_mem>>
      %dma_start3A_132 = arith.constant 0 : i32
      %dma_start3A_133 = tpu.memref_slice %arg5[%arg0, %mul3A_2, %dma_start3A_132] : memref<2x10000x128xf32, #tpu.memory_space<hbm>> -> memref<1x624x128xf32, #tpu.memory_space<hbm>>
      %dma_start3A_134 = tpu.memref_squeeze %dma_start3A_133 : memref<1x624x128xf32, #tpu.memory_space<hbm>> -> memref<624x128xf32, #tpu.memory_space<hbm>>
      %dma_start3A_135 = arith.constant 0 : i32
      %dma_start3A_136 = tpu.memref_slice %arg13[%mul3A_2, %dma_start3A_135] : memref<10000x128xf32, #tpu.memory_space<vmem_shared>> -> memref<624x128xf32, #tpu.memory_space<vmem_shared>>
      tpu.enqueue_dma source(%dma_start3A_136 : memref<624x128xf32, #tpu.memory_space<vmem_shared>>) target(%dma_start3A_134 : memref<624x128xf32, #tpu.memory_space<hbm>>) target_semaphore(%run_scoped3A : memref<!tpu.dma_semaphore, #tpu.memory_space<semaphore_mem>>)
      %dma_wait3A_137 = arith.constant 0 : i32
      %dma_wait3A_138 = tpu.memref_slice %arg5[%arg0, %mul3A_2, %dma_wait3A_137] : memref<2x10000x128xf32, #tpu.memory_space<hbm>> -> memref<1x624x128xf32, #tpu.memory_space<hbm>>
      %dma_wait3A_139 = tpu.memref_squeeze %dma_wait3A_138 : memref<1x624x128xf32, #tpu.memory_space<hbm>> -> memref<624x128xf32, #tpu.memory_space<hbm>>
      %dma_wait3A_140 = arith.constant 0 : i32
      %dma_wait3A_141 = tpu.memref_slice %arg13[%mul3A_2, %dma_wait3A_140] : memref<10000x128xf32, #tpu.memory_space<vmem_shared>> -> memref<624x128xf32, #tpu.memory_space<vmem_shared>>
      tpu.wait_dma2 semaphore(%run_scoped3A : memref<!tpu.dma_semaphore, #tpu.memory_space<semaphore_mem>>) src(%dma_wait3A_141 : memref<624x128xf32, #tpu.memory_space<vmem_shared>>) dst(%dma_wait3A_139 : memref<624x128xf32, #tpu.memory_space<hbm>>)
      tpu.yield
    }) : () -> ()
    %eq3A_127 = arith.constant 0 : i32
    %eq3A_128 = arith.cmpi eq, %arg1, %eq3A_127 : i32
    %convert_element_type3A_129 = arith.extui %eq3A_128 : i1 to i32
    %cond3A_130 = arith.constant 0 : i32
    %cond3A_131 = arith.cmpi ne, %convert_element_type3A_129, %cond3A_130 : i32
    scf.if %cond3A_131 {
      "tpu.region"() ({
        %run_scoped3A = tpu.sem_alloc : memref<!tpu.dma_semaphore, #tpu.memory_space<semaphore_mem>>
        %dma_start3A_132 = arith.constant 9984 : i32
        %dma_start3A_133 = arith.constant 0 : i32
        %dma_start3A_134 = tpu.memref_slice %arg5[%arg0, %dma_start3A_132, %dma_start3A_133] : memref<2x10000x128xf32, #tpu.memory_space<hbm>> -> memref<1x16x128xf32, #tpu.memory_space<hbm>>
        %dma_start3A_135 = tpu.memref_squeeze %dma_start3A_134 : memref<1x16x128xf32, #tpu.memory_space<hbm>> -> memref<16x128xf32, #tpu.memory_space<hbm>>
        %dma_start3A_136 = arith.constant 9984 : i32
        %dma_start3A_137 = arith.constant 0 : i32
        %dma_start3A_138 = tpu.memref_slice %arg13[%dma_start3A_136, %dma_start3A_137] : memref<10000x128xf32, #tpu.memory_space<vmem_shared>> -> memref<16x128xf32, #tpu.memory_space<vmem_shared>>
        tpu.enqueue_dma source(%dma_start3A_138 : memref<16x128xf32, #tpu.memory_space<vmem_shared>>) target(%dma_start3A_135 : memref<16x128xf32, #tpu.memory_space<hbm>>) target_semaphore(%run_scoped3A : memref<!tpu.dma_semaphore, #tpu.memory_space<semaphore_mem>>)
        %dma_wait3A_139 = arith.constant 9984 : i32
        %dma_wait3A_140 = arith.constant 0 : i32
        %dma_wait3A_141 = tpu.memref_slice %arg5[%arg0, %dma_wait3A_139, %dma_wait3A_140] : memref<2x10000x128xf32, #tpu.memory_space<hbm>> -> memref<1x16x128xf32, #tpu.memory_space<hbm>>
        %dma_wait3A_142 = tpu.memref_squeeze %dma_wait3A_141 : memref<1x16x128xf32, #tpu.memory_space<hbm>> -> memref<16x128xf32, #tpu.memory_space<hbm>>
        %dma_wait3A_143 = arith.constant 9984 : i32
        %dma_wait3A_144 = arith.constant 0 : i32
        %dma_wait3A_145 = tpu.memref_slice %arg13[%dma_wait3A_143, %dma_wait3A_144] : memref<10000x128xf32, #tpu.memory_space<vmem_shared>> -> memref<16x128xf32, #tpu.memory_space<vmem_shared>>
        tpu.wait_dma2 semaphore(%run_scoped3A : memref<!tpu.dma_semaphore, #tpu.memory_space<semaphore_mem>>) src(%dma_wait3A_145 : memref<16x128xf32, #tpu.memory_space<vmem_shared>>) dst(%dma_wait3A_142 : memref<16x128xf32, #tpu.memory_space<hbm>>)
        tpu.yield
      }) : () -> ()
    } else {
    }
    return
  }
}

#map = affine_map<(d0, d1) -> (0, 0)>
#map1 = affine_map<(d0, d1) -> (0)>
#map2 = affine_map<(d0, d1) -> (0, 0, 0)>
module attributes {stable_mosaic.version = 14 : i64} {
  func.func @seg(%arg0: i32, %arg1: i32, %arg2: memref<10000x128xf32, #tpu.memory_space<hbm>>, %arg3: memref<320000xi32, #tpu.memory_space<hbm>>, %arg4: memref<320000xi32, #tpu.memory_space<hbm>>, %arg5: memref<2x10000x128xf32, #tpu.memory_space<hbm>>, %arg6: memref<10000xi32, #tpu.memory_space<vmem>>, %arg7: memref<80xi32, #tpu.memory_space<vmem>>, %arg8: memref<80xi32, #tpu.memory_space<vmem>>, %arg9: memref<80xi32, #tpu.memory_space<vmem>>, %arg10: memref<80x128xf32, #tpu.memory_space<vmem>>, %arg11: memref<80x128xf32, #tpu.memory_space<vmem>>, %arg12: memref<80x128xf32, #tpu.memory_space<vmem>>, %arg13: memref<10000x128xf32, #tpu.memory_space<vmem_shared>>, %arg14: memref<!tpu.dma_semaphore, #tpu.memory_space<semaphore_mem>>, %arg15: memref<!tpu.dma_semaphore, #tpu.memory_space<semaphore_mem>>, %arg16: memref<!tpu.dma_semaphore, #tpu.memory_space<semaphore_mem>>, %arg17: memref<!tpu.dma_semaphore, #tpu.memory_space<semaphore_mem>>, %arg18: memref<!tpu.dma_semaphore, #tpu.memory_space<semaphore_mem>>, %arg19: memref<!tpu.dma_semaphore, #tpu.memory_space<semaphore_mem>>) attributes {dimension_semantics = [#tpu.dimension_semantics<core_parallel>, #tpu.dimension_semantics<subcore_parallel>], iteration_bounds = array<i64: 2, 16>, scalar_prefetch = 0 : i64, scratch_operands = 14 : i64, tpu.core_type = #tpu.core_type<sc_vector_subcore>, window_params = [{transform_indices = #map}, {transform_indices = #map1}, {transform_indices = #map1}, {transform_indices = #map2}]} {
    %mul3A = arith.constant 16 : i32
    %mul3A_0 = arith.muli %arg0, %mul3A : i32
    %add3A = arith.addi %mul3A_0, %arg1 : i32
    %mul3A_1 = arith.constant 624 : i32
    %mul3A_2 = arith.muli %arg1, %mul3A_1 : i32
    %mul3A_3 = arith.constant 125 : i32
    %mul3A_4 = arith.muli %add3A, %mul3A_3 : i32
    %mul3A_5 = arith.constant 80 : i32
    %mul3A_6 = arith.muli %mul3A_4, %mul3A_5 : i32
    %dma_start3A = tpu.memref_slice %arg3[%mul3A_6] : memref<320000xi32, #tpu.memory_space<hbm>> -> memref<10000xi32, #tpu.memory_space<hbm>>
    %dma_start3A_7 = tpu.memref_slice %arg3[%mul3A_6] : memref<320000xi32, #tpu.memory_space<hbm>> -> memref<10000xi32, #tpu.memory_space<hbm>>
    tpu.enqueue_dma source(%dma_start3A_7 : memref<10000xi32, #tpu.memory_space<hbm>>) target(%arg6 : memref<10000xi32, #tpu.memory_space<vmem>>) target_semaphore(%arg14 : memref<!tpu.dma_semaphore, #tpu.memory_space<semaphore_mem>>)
    %mul3A_8 = arith.constant 125 : i32
    %mul3A_9 = arith.muli %add3A, %mul3A_8 : i32
    %mul3A_10 = arith.constant 80 : i32
    %mul3A_11 = arith.muli %mul3A_9, %mul3A_10 : i32
    %dma_start3A_12 = tpu.memref_slice %arg4[%mul3A_11] : memref<320000xi32, #tpu.memory_space<hbm>> -> memref<80xi32, #tpu.memory_space<hbm>>
    %dma_start3A_13 = tpu.memref_slice %arg4[%mul3A_11] : memref<320000xi32, #tpu.memory_space<hbm>> -> memref<80xi32, #tpu.memory_space<hbm>>
    tpu.enqueue_dma source(%dma_start3A_13 : memref<80xi32, #tpu.memory_space<hbm>>) target(%arg7 : memref<80xi32, #tpu.memory_space<vmem>>) target_semaphore(%arg15 : memref<!tpu.dma_semaphore, #tpu.memory_space<semaphore_mem>>)
    %dma_start3A_14 = arith.constant 0 : i32
    %dma_start3A_15 = tpu.memref_slice %arg13[%mul3A_2, %dma_start3A_14] : memref<10000x128xf32, #tpu.memory_space<vmem_shared>> -> memref<624x128xf32, #tpu.memory_space<vmem_shared>>
    %dma_start3A_16 = arith.constant 0 : i32
    %dma_start3A_17 = tpu.memref_slice %arg2[%mul3A_2, %dma_start3A_16] : memref<10000x128xf32, #tpu.memory_space<hbm>> -> memref<624x128xf32, #tpu.memory_space<hbm>>
    tpu.enqueue_dma source(%dma_start3A_17 : memref<624x128xf32, #tpu.memory_space<hbm>>) target(%dma_start3A_15 : memref<624x128xf32, #tpu.memory_space<vmem_shared>>) target_semaphore(%arg14 : memref<!tpu.dma_semaphore, #tpu.memory_space<semaphore_mem>>)
    %eq3A = arith.constant 0 : i32
    %eq3A_18 = arith.cmpi eq, %arg1, %eq3A : i32
    %convert_element_type3A = arith.extui %eq3A_18 : i1 to i32
    %cond3A = arith.constant 0 : i32
    %cond3A_19 = arith.cmpi ne, %convert_element_type3A, %cond3A : i32
    scf.if %cond3A_19 {
      %dma_start3A_132 = arith.constant 9984 : i32
      %dma_start3A_133 = arith.constant 0 : i32
      %dma_start3A_134 = tpu.memref_slice %arg13[%dma_start3A_132, %dma_start3A_133] : memref<10000x128xf32, #tpu.memory_space<vmem_shared>> -> memref<16x128xf32, #tpu.memory_space<vmem_shared>>
      %dma_start3A_135 = arith.constant 9984 : i32
      %dma_start3A_136 = arith.constant 0 : i32
      %dma_start3A_137 = tpu.memref_slice %arg2[%dma_start3A_135, %dma_start3A_136] : memref<10000x128xf32, #tpu.memory_space<hbm>> -> memref<16x128xf32, #tpu.memory_space<hbm>>
      tpu.enqueue_dma source(%dma_start3A_137 : memref<16x128xf32, #tpu.memory_space<hbm>>) target(%dma_start3A_134 : memref<16x128xf32, #tpu.memory_space<vmem_shared>>) target_semaphore(%arg15 : memref<!tpu.dma_semaphore, #tpu.memory_space<semaphore_mem>>)
      %dma_wait3A_138 = arith.constant 9984 : i32
      %dma_wait3A_139 = arith.constant 0 : i32
      %dma_wait3A_140 = tpu.memref_slice %arg13[%dma_wait3A_138, %dma_wait3A_139] : memref<10000x128xf32, #tpu.memory_space<vmem_shared>> -> memref<16x128xf32, #tpu.memory_space<vmem_shared>>
      %dma_wait3A_141 = arith.constant 9984 : i32
      %dma_wait3A_142 = arith.constant 0 : i32
      %dma_wait3A_143 = tpu.memref_slice %arg2[%dma_wait3A_141, %dma_wait3A_142] : memref<10000x128xf32, #tpu.memory_space<hbm>> -> memref<16x128xf32, #tpu.memory_space<hbm>>
      tpu.wait_dma2 semaphore(%arg15 : memref<!tpu.dma_semaphore, #tpu.memory_space<semaphore_mem>>) src(%dma_wait3A_143 : memref<16x128xf32, #tpu.memory_space<hbm>>) dst(%dma_wait3A_140 : memref<16x128xf32, #tpu.memory_space<vmem_shared>>)
    } else {
    }
    %dma_wait3A = tpu.memref_slice %arg3[%mul3A_6] : memref<320000xi32, #tpu.memory_space<hbm>> -> memref<10000xi32, #tpu.memory_space<hbm>>
    %dma_wait3A_20 = tpu.memref_slice %arg3[%mul3A_6] : memref<320000xi32, #tpu.memory_space<hbm>> -> memref<10000xi32, #tpu.memory_space<hbm>>
    tpu.wait_dma2 semaphore(%arg14 : memref<!tpu.dma_semaphore, #tpu.memory_space<semaphore_mem>>) src(%dma_wait3A_20 : memref<10000xi32, #tpu.memory_space<hbm>>) dst(%arg6 : memref<10000xi32, #tpu.memory_space<vmem>>)
    %dma_wait3A_21 = tpu.memref_slice %arg4[%mul3A_11] : memref<320000xi32, #tpu.memory_space<hbm>> -> memref<80xi32, #tpu.memory_space<hbm>>
    %dma_wait3A_22 = tpu.memref_slice %arg4[%mul3A_11] : memref<320000xi32, #tpu.memory_space<hbm>> -> memref<80xi32, #tpu.memory_space<hbm>>
    tpu.wait_dma2 semaphore(%arg15 : memref<!tpu.dma_semaphore, #tpu.memory_space<semaphore_mem>>) src(%dma_wait3A_22 : memref<80xi32, #tpu.memory_space<hbm>>) dst(%arg7 : memref<80xi32, #tpu.memory_space<vmem>>)
    %dma_wait3A_23 = arith.constant 0 : i32
    %dma_wait3A_24 = tpu.memref_slice %arg13[%mul3A_2, %dma_wait3A_23] : memref<10000x128xf32, #tpu.memory_space<vmem_shared>> -> memref<624x128xf32, #tpu.memory_space<vmem_shared>>
    %dma_wait3A_25 = arith.constant 0 : i32
    %dma_wait3A_26 = tpu.memref_slice %arg2[%mul3A_2, %dma_wait3A_25] : memref<10000x128xf32, #tpu.memory_space<hbm>> -> memref<624x128xf32, #tpu.memory_space<hbm>>
    tpu.wait_dma2 semaphore(%arg14 : memref<!tpu.dma_semaphore, #tpu.memory_space<semaphore_mem>>) src(%dma_wait3A_26 : memref<624x128xf32, #tpu.memory_space<hbm>>) dst(%dma_wait3A_24 : memref<624x128xf32, #tpu.memory_space<vmem_shared>>)
    %barrier3A = arith.constant 0 : index
    tpu.barrier barrier_id(%barrier3A)
    %mul3A_27 = arith.constant 125 : i32
    %mul3A_28 = arith.muli %add3A, %mul3A_27 : i32
    %mul3A_29 = arith.constant 80 : i32
    %mul3A_30 = arith.muli %mul3A_28, %mul3A_29 : i32
    %add3A_31 = arith.constant 0 : i32
    %add3A_32 = arith.addi %mul3A_30, %add3A_31 : i32
    %dma_start3A_33 = tpu.memref_slice %arg4[%add3A_32] : memref<320000xi32, #tpu.memory_space<hbm>> -> memref<80xi32, #tpu.memory_space<hbm>>
    %dma_start3A_34 = tpu.memref_slice %arg4[%add3A_32] : memref<320000xi32, #tpu.memory_space<hbm>> -> memref<80xi32, #tpu.memory_space<hbm>>
    tpu.enqueue_dma source(%dma_start3A_34 : memref<80xi32, #tpu.memory_space<hbm>>) target(%arg7 : memref<80xi32, #tpu.memory_space<vmem>>) target_semaphore(%arg17 : memref<!tpu.dma_semaphore, #tpu.memory_space<semaphore_mem>>)
    %dma_start3A_35 = arith.constant 0 : i32
    %dma_start3A_36 = tpu.memref_slice %arg6[%dma_start3A_35] : memref<10000xi32, #tpu.memory_space<vmem>> -> memref<80xi32, #tpu.memory_space<vmem>>
    %dma_start3A_37 = arith.constant 0 : i32
    %dma_start3A_38 = arith.constant 0 : i32
    %dma_start3A_39 = tpu.memref_slice %arg2[%dma_start3A_37, %dma_start3A_38] : memref<10000x128xf32, #tpu.memory_space<hbm>> -> memref<10000x128xf32, #tpu.memory_space<hbm>>
    tpu.enqueue_indirect_dma source(%dma_start3A_39 : memref<10000x128xf32, #tpu.memory_space<hbm>>) target(%arg10 : memref<80x128xf32, #tpu.memory_space<vmem>>) offsets(%dma_start3A_36 : memref<80xi32, #tpu.memory_space<vmem>>) semaphore(%arg14 : memref<!tpu.dma_semaphore, #tpu.memory_space<semaphore_mem>>)
    %add3A_40 = arith.constant 80 : i32
    %add3A_41 = arith.addi %mul3A_30, %add3A_40 : i32
    %dma_start3A_42 = tpu.memref_slice %arg4[%add3A_41] : memref<320000xi32, #tpu.memory_space<hbm>> -> memref<80xi32, #tpu.memory_space<hbm>>
    %dma_start3A_43 = tpu.memref_slice %arg4[%add3A_41] : memref<320000xi32, #tpu.memory_space<hbm>> -> memref<80xi32, #tpu.memory_space<hbm>>
    tpu.enqueue_dma source(%dma_start3A_43 : memref<80xi32, #tpu.memory_space<hbm>>) target(%arg8 : memref<80xi32, #tpu.memory_space<vmem>>) target_semaphore(%arg18 : memref<!tpu.dma_semaphore, #tpu.memory_space<semaphore_mem>>)
    %dma_start3A_44 = arith.constant 80 : i32
    %dma_start3A_45 = tpu.memref_slice %arg6[%dma_start3A_44] : memref<10000xi32, #tpu.memory_space<vmem>> -> memref<80xi32, #tpu.memory_space<vmem>>
    %dma_start3A_46 = arith.constant 0 : i32
    %dma_start3A_47 = arith.constant 0 : i32
    %dma_start3A_48 = tpu.memref_slice %arg2[%dma_start3A_46, %dma_start3A_47] : memref<10000x128xf32, #tpu.memory_space<hbm>> -> memref<10000x128xf32, #tpu.memory_space<hbm>>
    tpu.enqueue_indirect_dma source(%dma_start3A_48 : memref<10000x128xf32, #tpu.memory_space<hbm>>) target(%arg11 : memref<80x128xf32, #tpu.memory_space<vmem>>) offsets(%dma_start3A_45 : memref<80xi32, #tpu.memory_space<vmem>>) semaphore(%arg15 : memref<!tpu.dma_semaphore, #tpu.memory_space<semaphore_mem>>)
    %add3A_49 = arith.constant 160 : i32
    %add3A_50 = arith.addi %mul3A_30, %add3A_49 : i32
    %dma_start3A_51 = tpu.memref_slice %arg4[%add3A_50] : memref<320000xi32, #tpu.memory_space<hbm>> -> memref<80xi32, #tpu.memory_space<hbm>>
    %dma_start3A_52 = tpu.memref_slice %arg4[%add3A_50] : memref<320000xi32, #tpu.memory_space<hbm>> -> memref<80xi32, #tpu.memory_space<hbm>>
    tpu.enqueue_dma source(%dma_start3A_52 : memref<80xi32, #tpu.memory_space<hbm>>) target(%arg9 : memref<80xi32, #tpu.memory_space<vmem>>) target_semaphore(%arg19 : memref<!tpu.dma_semaphore, #tpu.memory_space<semaphore_mem>>)
    %dma_start3A_53 = arith.constant 160 : i32
    %dma_start3A_54 = tpu.memref_slice %arg6[%dma_start3A_53] : memref<10000xi32, #tpu.memory_space<vmem>> -> memref<80xi32, #tpu.memory_space<vmem>>
    %dma_start3A_55 = arith.constant 0 : i32
    %dma_start3A_56 = arith.constant 0 : i32
    %dma_start3A_57 = tpu.memref_slice %arg2[%dma_start3A_55, %dma_start3A_56] : memref<10000x128xf32, #tpu.memory_space<hbm>> -> memref<10000x128xf32, #tpu.memory_space<hbm>>
    tpu.enqueue_indirect_dma source(%dma_start3A_57 : memref<10000x128xf32, #tpu.memory_space<hbm>>) target(%arg12 : memref<80x128xf32, #tpu.memory_space<vmem>>) offsets(%dma_start3A_54 : memref<80xi32, #tpu.memory_space<vmem>>) semaphore(%arg16 : memref<!tpu.dma_semaphore, #tpu.memory_space<semaphore_mem>>)
    %scan3A = arith.constant 0 : i32
    %scan3A_58 = arith.constant 0 : i32
    %scan3A_59 = arith.constant 40 : i32
    %scan3A_60 = arith.addi %scan3A_58, %scan3A_59 : i32
    %scan3A_61 = arith.constant 1 : i32
    scf.for %scan3A_132 = %scan3A_58 to %scan3A_60 step %scan3A_61  : i32 {
      %mul3A_133 = arith.constant 3 : i32
      %mul3A_134 = arith.muli %mul3A_133, %scan3A_132 : i32
      %add3A_135 = arith.constant 0 : i32
      %add3A_136 = arith.addi %mul3A_134, %add3A_135 : i32
      %mul3A_137 = arith.constant 80 : i32
      %mul3A_138 = arith.muli %add3A_136, %mul3A_137 : i32
      %add3A_139 = arith.addi %mul3A_30, %mul3A_138 : i32
      %dma_wait3A_140 = tpu.memref_slice %arg4[%add3A_139] : memref<320000xi32, #tpu.memory_space<hbm>> -> memref<80xi32, #tpu.memory_space<hbm>>
      %dma_wait3A_141 = tpu.memref_slice %arg4[%add3A_139] : memref<320000xi32, #tpu.memory_space<hbm>> -> memref<80xi32, #tpu.memory_space<hbm>>
      tpu.wait_dma2 semaphore(%arg17 : memref<!tpu.dma_semaphore, #tpu.memory_space<semaphore_mem>>) src(%dma_wait3A_141 : memref<80xi32, #tpu.memory_space<hbm>>) dst(%arg7 : memref<80xi32, #tpu.memory_space<vmem>>)
      %mul3A_142 = arith.constant 80 : i32
      %mul3A_143 = arith.muli %add3A_136, %mul3A_142 : i32
      %dma_wait3A_144 = tpu.memref_slice %arg6[%mul3A_143] : memref<10000xi32, #tpu.memory_space<vmem>> -> memref<80xi32, #tpu.memory_space<vmem>>
      %dma_wait3A_145 = arith.constant 0 : i32
      %dma_wait3A_146 = arith.constant 0 : i32
      %dma_wait3A_147 = tpu.memref_slice %arg2[%dma_wait3A_145, %dma_wait3A_146] : memref<10000x128xf32, #tpu.memory_space<hbm>> -> memref<10000x128xf32, #tpu.memory_space<hbm>>
      tpu.wait_indirect_dma semaphore(%arg14 : memref<!tpu.dma_semaphore, #tpu.memory_space<semaphore_mem>>) src(%dma_wait3A_147 : memref<10000x128xf32, #tpu.memory_space<hbm>>) dst(%arg10 : memref<80x128xf32, #tpu.memory_space<vmem>>)
      "tpu.region"() ({
        %run_scoped3A = tpu.sem_alloc : memref<!tpu.dma_semaphore, #tpu.memory_space<semaphore_mem>>
        %dma_start3A_219 = arith.constant 0 : i32
        %dma_start3A_220 = arith.constant 0 : i32
        %dma_start3A_221 = tpu.memref_slice %arg13[%dma_start3A_219, %dma_start3A_220] : memref<10000x128xf32, #tpu.memory_space<vmem_shared>> -> memref<10000x128xf32, #tpu.memory_space<vmem_shared>>
        tpu.enqueue_indirect_dma source(%arg10 : memref<80x128xf32, #tpu.memory_space<vmem>>) target(%dma_start3A_221 : memref<10000x128xf32, #tpu.memory_space<vmem_shared>>) offsets(%arg7 : memref<80xi32, #tpu.memory_space<vmem>>) semaphore(%run_scoped3A : memref<!tpu.dma_semaphore, #tpu.memory_space<semaphore_mem>>) {add = true}
        %dma_wait3A_222 = arith.constant 0 : i32
        %dma_wait3A_223 = arith.constant 0 : i32
        %dma_wait3A_224 = tpu.memref_slice %arg13[%dma_wait3A_222, %dma_wait3A_223] : memref<10000x128xf32, #tpu.memory_space<vmem_shared>> -> memref<10000x128xf32, #tpu.memory_space<vmem_shared>>
        tpu.wait_indirect_dma semaphore(%run_scoped3A : memref<!tpu.dma_semaphore, #tpu.memory_space<semaphore_mem>>) src(%arg10 : memref<80x128xf32, #tpu.memory_space<vmem>>) dst(%dma_wait3A_224 : memref<10000x128xf32, #tpu.memory_space<vmem_shared>>)
        tpu.yield
      }) : () -> ()
      %add3A_148 = arith.constant 0 : i32
      %add3A_149 = arith.addi %mul3A_134, %add3A_148 : i32
      %add3A_150 = arith.constant 3 : i32
      %add3A_151 = arith.addi %add3A_149, %add3A_150 : i32
      %mul3A_152 = arith.constant 80 : i32
      %mul3A_153 = arith.muli %add3A_151, %mul3A_152 : i32
      %add3A_154 = arith.addi %mul3A_30, %mul3A_153 : i32
      %dma_start3A_155 = tpu.memref_slice %arg4[%add3A_154] : memref<320000xi32, #tpu.memory_space<hbm>> -> memref<80xi32, #tpu.memory_space<hbm>>
      %dma_start3A_156 = tpu.memref_slice %arg4[%add3A_154] : memref<320000xi32, #tpu.memory_space<hbm>> -> memref<80xi32, #tpu.memory_space<hbm>>
      tpu.enqueue_dma source(%dma_start3A_156 : memref<80xi32, #tpu.memory_space<hbm>>) target(%arg7 : memref<80xi32, #tpu.memory_space<vmem>>) target_semaphore(%arg17 : memref<!tpu.dma_semaphore, #tpu.memory_space<semaphore_mem>>)
      %mul3A_157 = arith.constant 80 : i32
      %mul3A_158 = arith.muli %add3A_151, %mul3A_157 : i32
      %dma_start3A_159 = tpu.memref_slice %arg6[%mul3A_158] : memref<10000xi32, #tpu.memory_space<vmem>> -> memref<80xi32, #tpu.memory_space<vmem>>
      %dma_start3A_160 = arith.constant 0 : i32
      %dma_start3A_161 = arith.constant 0 : i32
      %dma_start3A_162 = tpu.memref_slice %arg2[%dma_start3A_160, %dma_start3A_161] : memref<10000x128xf32, #tpu.memory_space<hbm>> -> memref<10000x128xf32, #tpu.memory_space<hbm>>
      tpu.enqueue_indirect_dma source(%dma_start3A_162 : memref<10000x128xf32, #tpu.memory_space<hbm>>) target(%arg10 : memref<80x128xf32, #tpu.memory_space<vmem>>) offsets(%dma_start3A_159 : memref<80xi32, #tpu.memory_space<vmem>>) semaphore(%arg14 : memref<!tpu.dma_semaphore, #tpu.memory_space<semaphore_mem>>)
      %add3A_163 = arith.constant 1 : i32
      %add3A_164 = arith.addi %mul3A_134, %add3A_163 : i32
      %mul3A_165 = arith.constant 80 : i32
      %mul3A_166 = arith.muli %add3A_164, %mul3A_165 : i32
      %add3A_167 = arith.addi %mul3A_30, %mul3A_166 : i32
      %dma_wait3A_168 = tpu.memref_slice %arg4[%add3A_167] : memref<320000xi32, #tpu.memory_space<hbm>> -> memref<80xi32, #tpu.memory_space<hbm>>
      %dma_wait3A_169 = tpu.memref_slice %arg4[%add3A_167] : memref<320000xi32, #tpu.memory_space<hbm>> -> memref<80xi32, #tpu.memory_space<hbm>>
      tpu.wait_dma2 semaphore(%arg18 : memref<!tpu.dma_semaphore, #tpu.memory_space<semaphore_mem>>) src(%dma_wait3A_169 : memref<80xi32, #tpu.memory_space<hbm>>) dst(%arg8 : memref<80xi32, #tpu.memory_space<vmem>>)
      %mul3A_170 = arith.constant 80 : i32
      %mul3A_171 = arith.muli %add3A_164, %mul3A_170 : i32
      %dma_wait3A_172 = tpu.memref_slice %arg6[%mul3A_171] : memref<10000xi32, #tpu.memory_space<vmem>> -> memref<80xi32, #tpu.memory_space<vmem>>
      %dma_wait3A_173 = arith.constant 0 : i32
      %dma_wait3A_174 = arith.constant 0 : i32
      %dma_wait3A_175 = tpu.memref_slice %arg2[%dma_wait3A_173, %dma_wait3A_174] : memref<10000x128xf32, #tpu.memory_space<hbm>> -> memref<10000x128xf32, #tpu.memory_space<hbm>>
      tpu.wait_indirect_dma semaphore(%arg15 : memref<!tpu.dma_semaphore, #tpu.memory_space<semaphore_mem>>) src(%dma_wait3A_175 : memref<10000x128xf32, #tpu.memory_space<hbm>>) dst(%arg11 : memref<80x128xf32, #tpu.memory_space<vmem>>)
      "tpu.region"() ({
        %run_scoped3A = tpu.sem_alloc : memref<!tpu.dma_semaphore, #tpu.memory_space<semaphore_mem>>
        %dma_start3A_219 = arith.constant 0 : i32
        %dma_start3A_220 = arith.constant 0 : i32
        %dma_start3A_221 = tpu.memref_slice %arg13[%dma_start3A_219, %dma_start3A_220] : memref<10000x128xf32, #tpu.memory_space<vmem_shared>> -> memref<10000x128xf32, #tpu.memory_space<vmem_shared>>
        tpu.enqueue_indirect_dma source(%arg11 : memref<80x128xf32, #tpu.memory_space<vmem>>) target(%dma_start3A_221 : memref<10000x128xf32, #tpu.memory_space<vmem_shared>>) offsets(%arg8 : memref<80xi32, #tpu.memory_space<vmem>>) semaphore(%run_scoped3A : memref<!tpu.dma_semaphore, #tpu.memory_space<semaphore_mem>>) {add = true}
        %dma_wait3A_222 = arith.constant 0 : i32
        %dma_wait3A_223 = arith.constant 0 : i32
        %dma_wait3A_224 = tpu.memref_slice %arg13[%dma_wait3A_222, %dma_wait3A_223] : memref<10000x128xf32, #tpu.memory_space<vmem_shared>> -> memref<10000x128xf32, #tpu.memory_space<vmem_shared>>
        tpu.wait_indirect_dma semaphore(%run_scoped3A : memref<!tpu.dma_semaphore, #tpu.memory_space<semaphore_mem>>) src(%arg11 : memref<80x128xf32, #tpu.memory_space<vmem>>) dst(%dma_wait3A_224 : memref<10000x128xf32, #tpu.memory_space<vmem_shared>>)
        tpu.yield
      }) : () -> ()
      %add3A_176 = arith.constant 1 : i32
      %add3A_177 = arith.addi %mul3A_134, %add3A_176 : i32
      %add3A_178 = arith.constant 3 : i32
      %add3A_179 = arith.addi %add3A_177, %add3A_178 : i32
      %mul3A_180 = arith.constant 80 : i32
      %mul3A_181 = arith.muli %add3A_179, %mul3A_180 : i32
      %add3A_182 = arith.addi %mul3A_30, %mul3A_181 : i32
      %dma_start3A_183 = tpu.memref_slice %arg4[%add3A_182] : memref<320000xi32, #tpu.memory_space<hbm>> -> memref<80xi32, #tpu.memory_space<hbm>>
      %dma_start3A_184 = tpu.memref_slice %arg4[%add3A_182] : memref<320000xi32, #tpu.memory_space<hbm>> -> memref<80xi32, #tpu.memory_space<hbm>>
      tpu.enqueue_dma source(%dma_start3A_184 : memref<80xi32, #tpu.memory_space<hbm>>) target(%arg8 : memref<80xi32, #tpu.memory_space<vmem>>) target_semaphore(%arg18 : memref<!tpu.dma_semaphore, #tpu.memory_space<semaphore_mem>>)
      %mul3A_185 = arith.constant 80 : i32
      %mul3A_186 = arith.muli %add3A_179, %mul3A_185 : i32
      %dma_start3A_187 = tpu.memref_slice %arg6[%mul3A_186] : memref<10000xi32, #tpu.memory_space<vmem>> -> memref<80xi32, #tpu.memory_space<vmem>>
      %dma_start3A_188 = arith.constant 0 : i32
      %dma_start3A_189 = arith.constant 0 : i32
      %dma_start3A_190 = tpu.memref_slice %arg2[%dma_start3A_188, %dma_start3A_189] : memref<10000x128xf32, #tpu.memory_space<hbm>> -> memref<10000x128xf32, #tpu.memory_space<hbm>>
      tpu.enqueue_indirect_dma source(%dma_start3A_190 : memref<10000x128xf32, #tpu.memory_space<hbm>>) target(%arg11 : memref<80x128xf32, #tpu.memory_space<vmem>>) offsets(%dma_start3A_187 : memref<80xi32, #tpu.memory_space<vmem>>) semaphore(%arg15 : memref<!tpu.dma_semaphore, #tpu.memory_space<semaphore_mem>>)
      %add3A_191 = arith.constant 2 : i32
      %add3A_192 = arith.addi %mul3A_134, %add3A_191 : i32
      %mul3A_193 = arith.constant 80 : i32
      %mul3A_194 = arith.muli %add3A_192, %mul3A_193 : i32
      %add3A_195 = arith.addi %mul3A_30, %mul3A_194 : i32
      %dma_wait3A_196 = tpu.memref_slice %arg4[%add3A_195] : memref<320000xi32, #tpu.memory_space<hbm>> -> memref<80xi32, #tpu.memory_space<hbm>>
      %dma_wait3A_197 = tpu.memref_slice %arg4[%add3A_195] : memref<320000xi32, #tpu.memory_space<hbm>> -> memref<80xi32, #tpu.memory_space<hbm>>
      tpu.wait_dma2 semaphore(%arg19 : memref<!tpu.dma_semaphore, #tpu.memory_space<semaphore_mem>>) src(%dma_wait3A_197 : memref<80xi32, #tpu.memory_space<hbm>>) dst(%arg9 : memref<80xi32, #tpu.memory_space<vmem>>)
      %mul3A_198 = arith.constant 80 : i32
      %mul3A_199 = arith.muli %add3A_192, %mul3A_198 : i32
      %dma_wait3A_200 = tpu.memref_slice %arg6[%mul3A_199] : memref<10000xi32, #tpu.memory_space<vmem>> -> memref<80xi32, #tpu.memory_space<vmem>>
      %dma_wait3A_201 = arith.constant 0 : i32
      %dma_wait3A_202 = arith.constant 0 : i32
      %dma_wait3A_203 = tpu.memref_slice %arg2[%dma_wait3A_201, %dma_wait3A_202] : memref<10000x128xf32, #tpu.memory_space<hbm>> -> memref<10000x128xf32, #tpu.memory_space<hbm>>
      tpu.wait_indirect_dma semaphore(%arg16 : memref<!tpu.dma_semaphore, #tpu.memory_space<semaphore_mem>>) src(%dma_wait3A_203 : memref<10000x128xf32, #tpu.memory_space<hbm>>) dst(%arg12 : memref<80x128xf32, #tpu.memory_space<vmem>>)
      "tpu.region"() ({
        %run_scoped3A = tpu.sem_alloc : memref<!tpu.dma_semaphore, #tpu.memory_space<semaphore_mem>>
        %dma_start3A_219 = arith.constant 0 : i32
        %dma_start3A_220 = arith.constant 0 : i32
        %dma_start3A_221 = tpu.memref_slice %arg13[%dma_start3A_219, %dma_start3A_220] : memref<10000x128xf32, #tpu.memory_space<vmem_shared>> -> memref<10000x128xf32, #tpu.memory_space<vmem_shared>>
        tpu.enqueue_indirect_dma source(%arg12 : memref<80x128xf32, #tpu.memory_space<vmem>>) target(%dma_start3A_221 : memref<10000x128xf32, #tpu.memory_space<vmem_shared>>) offsets(%arg9 : memref<80xi32, #tpu.memory_space<vmem>>) semaphore(%run_scoped3A : memref<!tpu.dma_semaphore, #tpu.memory_space<semaphore_mem>>) {add = true}
        %dma_wait3A_222 = arith.constant 0 : i32
        %dma_wait3A_223 = arith.constant 0 : i32
        %dma_wait3A_224 = tpu.memref_slice %arg13[%dma_wait3A_222, %dma_wait3A_223] : memref<10000x128xf32, #tpu.memory_space<vmem_shared>> -> memref<10000x128xf32, #tpu.memory_space<vmem_shared>>
        tpu.wait_indirect_dma semaphore(%run_scoped3A : memref<!tpu.dma_semaphore, #tpu.memory_space<semaphore_mem>>) src(%arg12 : memref<80x128xf32, #tpu.memory_space<vmem>>) dst(%dma_wait3A_224 : memref<10000x128xf32, #tpu.memory_space<vmem_shared>>)
        tpu.yield
      }) : () -> ()
      %add3A_204 = arith.constant 2 : i32
      %add3A_205 = arith.addi %mul3A_134, %add3A_204 : i32
      %add3A_206 = arith.constant 3 : i32
      %add3A_207 = arith.addi %add3A_205, %add3A_206 : i32
      %mul3A_208 = arith.constant 80 : i32
      %mul3A_209 = arith.muli %add3A_207, %mul3A_208 : i32
      %add3A_210 = arith.addi %mul3A_30, %mul3A_209 : i32
      %dma_start3A_211 = tpu.memref_slice %arg4[%add3A_210] : memref<320000xi32, #tpu.memory_space<hbm>> -> memref<80xi32, #tpu.memory_space<hbm>>
      %dma_start3A_212 = tpu.memref_slice %arg4[%add3A_210] : memref<320000xi32, #tpu.memory_space<hbm>> -> memref<80xi32, #tpu.memory_space<hbm>>
      tpu.enqueue_dma source(%dma_start3A_212 : memref<80xi32, #tpu.memory_space<hbm>>) target(%arg9 : memref<80xi32, #tpu.memory_space<vmem>>) target_semaphore(%arg19 : memref<!tpu.dma_semaphore, #tpu.memory_space<semaphore_mem>>)
      %mul3A_213 = arith.constant 80 : i32
      %mul3A_214 = arith.muli %add3A_207, %mul3A_213 : i32
      %dma_start3A_215 = tpu.memref_slice %arg6[%mul3A_214] : memref<10000xi32, #tpu.memory_space<vmem>> -> memref<80xi32, #tpu.memory_space<vmem>>
      %dma_start3A_216 = arith.constant 0 : i32
      %dma_start3A_217 = arith.constant 0 : i32
      %dma_start3A_218 = tpu.memref_slice %arg2[%dma_start3A_216, %dma_start3A_217] : memref<10000x128xf32, #tpu.memory_space<hbm>> -> memref<10000x128xf32, #tpu.memory_space<hbm>>
      tpu.enqueue_indirect_dma source(%dma_start3A_218 : memref<10000x128xf32, #tpu.memory_space<hbm>>) target(%arg12 : memref<80x128xf32, #tpu.memory_space<vmem>>) offsets(%dma_start3A_215 : memref<80xi32, #tpu.memory_space<vmem>>) semaphore(%arg16 : memref<!tpu.dma_semaphore, #tpu.memory_space<semaphore_mem>>)
    }
    %scan3A_62 = arith.constant 40 : i32
    %add3A_63 = arith.constant 9600 : i32
    %add3A_64 = arith.addi %mul3A_30, %add3A_63 : i32
    %dma_wait3A_65 = tpu.memref_slice %arg4[%add3A_64] : memref<320000xi32, #tpu.memory_space<hbm>> -> memref<80xi32, #tpu.memory_space<hbm>>
    %dma_wait3A_66 = tpu.memref_slice %arg4[%add3A_64] : memref<320000xi32, #tpu.memory_space<hbm>> -> memref<80xi32, #tpu.memory_space<hbm>>
    tpu.wait_dma2 semaphore(%arg17 : memref<!tpu.dma_semaphore, #tpu.memory_space<semaphore_mem>>) src(%dma_wait3A_66 : memref<80xi32, #tpu.memory_space<hbm>>) dst(%arg7 : memref<80xi32, #tpu.memory_space<vmem>>)
    %dma_wait3A_67 = arith.constant 9600 : i32
    %dma_wait3A_68 = tpu.memref_slice %arg6[%dma_wait3A_67] : memref<10000xi32, #tpu.memory_space<vmem>> -> memref<80xi32, #tpu.memory_space<vmem>>
    %dma_wait3A_69 = arith.constant 0 : i32
    %dma_wait3A_70 = arith.constant 0 : i32
    %dma_wait3A_71 = tpu.memref_slice %arg2[%dma_wait3A_69, %dma_wait3A_70] : memref<10000x128xf32, #tpu.memory_space<hbm>> -> memref<10000x128xf32, #tpu.memory_space<hbm>>
    tpu.wait_indirect_dma semaphore(%arg14 : memref<!tpu.dma_semaphore, #tpu.memory_space<semaphore_mem>>) src(%dma_wait3A_71 : memref<10000x128xf32, #tpu.memory_space<hbm>>) dst(%arg10 : memref<80x128xf32, #tpu.memory_space<vmem>>)
    "tpu.region"() ({
      %run_scoped3A = tpu.sem_alloc : memref<!tpu.dma_semaphore, #tpu.memory_space<semaphore_mem>>
      %dma_start3A_132 = arith.constant 0 : i32
      %dma_start3A_133 = arith.constant 0 : i32
      %dma_start3A_134 = tpu.memref_slice %arg13[%dma_start3A_132, %dma_start3A_133] : memref<10000x128xf32, #tpu.memory_space<vmem_shared>> -> memref<10000x128xf32, #tpu.memory_space<vmem_shared>>
      tpu.enqueue_indirect_dma source(%arg10 : memref<80x128xf32, #tpu.memory_space<vmem>>) target(%dma_start3A_134 : memref<10000x128xf32, #tpu.memory_space<vmem_shared>>) offsets(%arg7 : memref<80xi32, #tpu.memory_space<vmem>>) semaphore(%run_scoped3A : memref<!tpu.dma_semaphore, #tpu.memory_space<semaphore_mem>>) {add = true}
      %dma_wait3A_135 = arith.constant 0 : i32
      %dma_wait3A_136 = arith.constant 0 : i32
      %dma_wait3A_137 = tpu.memref_slice %arg13[%dma_wait3A_135, %dma_wait3A_136] : memref<10000x128xf32, #tpu.memory_space<vmem_shared>> -> memref<10000x128xf32, #tpu.memory_space<vmem_shared>>
      tpu.wait_indirect_dma semaphore(%run_scoped3A : memref<!tpu.dma_semaphore, #tpu.memory_space<semaphore_mem>>) src(%arg10 : memref<80x128xf32, #tpu.memory_space<vmem>>) dst(%dma_wait3A_137 : memref<10000x128xf32, #tpu.memory_space<vmem_shared>>)
      tpu.yield
    }) : () -> ()
    %add3A_72 = arith.constant 9840 : i32
    %add3A_73 = arith.addi %mul3A_30, %add3A_72 : i32
    %dma_start3A_74 = tpu.memref_slice %arg4[%add3A_73] : memref<320000xi32, #tpu.memory_space<hbm>> -> memref<80xi32, #tpu.memory_space<hbm>>
    %dma_start3A_75 = tpu.memref_slice %arg4[%add3A_73] : memref<320000xi32, #tpu.memory_space<hbm>> -> memref<80xi32, #tpu.memory_space<hbm>>
    tpu.enqueue_dma source(%dma_start3A_75 : memref<80xi32, #tpu.memory_space<hbm>>) target(%arg7 : memref<80xi32, #tpu.memory_space<vmem>>) target_semaphore(%arg17 : memref<!tpu.dma_semaphore, #tpu.memory_space<semaphore_mem>>)
    %dma_start3A_76 = arith.constant 9840 : i32
    %dma_start3A_77 = tpu.memref_slice %arg6[%dma_start3A_76] : memref<10000xi32, #tpu.memory_space<vmem>> -> memref<80xi32, #tpu.memory_space<vmem>>
    %dma_start3A_78 = arith.constant 0 : i32
    %dma_start3A_79 = arith.constant 0 : i32
    %dma_start3A_80 = tpu.memref_slice %arg2[%dma_start3A_78, %dma_start3A_79] : memref<10000x128xf32, #tpu.memory_space<hbm>> -> memref<10000x128xf32, #tpu.memory_space<hbm>>
    tpu.enqueue_indirect_dma source(%dma_start3A_80 : memref<10000x128xf32, #tpu.memory_space<hbm>>) target(%arg10 : memref<80x128xf32, #tpu.memory_space<vmem>>) offsets(%dma_start3A_77 : memref<80xi32, #tpu.memory_space<vmem>>) semaphore(%arg14 : memref<!tpu.dma_semaphore, #tpu.memory_space<semaphore_mem>>)
    %add3A_81 = arith.constant 9680 : i32
    %add3A_82 = arith.addi %mul3A_30, %add3A_81 : i32
    %dma_wait3A_83 = tpu.memref_slice %arg4[%add3A_82] : memref<320000xi32, #tpu.memory_space<hbm>> -> memref<80xi32, #tpu.memory_space<hbm>>
    %dma_wait3A_84 = tpu.memref_slice %arg4[%add3A_82] : memref<320000xi32, #tpu.memory_space<hbm>> -> memref<80xi32, #tpu.memory_space<hbm>>
    tpu.wait_dma2 semaphore(%arg18 : memref<!tpu.dma_semaphore, #tpu.memory_space<semaphore_mem>>) src(%dma_wait3A_84 : memref<80xi32, #tpu.memory_space<hbm>>) dst(%arg8 : memref<80xi32, #tpu.memory_space<vmem>>)
    %dma_wait3A_85 = arith.constant 9680 : i32
    %dma_wait3A_86 = tpu.memref_slice %arg6[%dma_wait3A_85] : memref<10000xi32, #tpu.memory_space<vmem>> -> memref<80xi32, #tpu.memory_space<vmem>>
    %dma_wait3A_87 = arith.constant 0 : i32
    %dma_wait3A_88 = arith.constant 0 : i32
    %dma_wait3A_89 = tpu.memref_slice %arg2[%dma_wait3A_87, %dma_wait3A_88] : memref<10000x128xf32, #tpu.memory_space<hbm>> -> memref<10000x128xf32, #tpu.memory_space<hbm>>
    tpu.wait_indirect_dma semaphore(%arg15 : memref<!tpu.dma_semaphore, #tpu.memory_space<semaphore_mem>>) src(%dma_wait3A_89 : memref<10000x128xf32, #tpu.memory_space<hbm>>) dst(%arg11 : memref<80x128xf32, #tpu.memory_space<vmem>>)
    "tpu.region"() ({
      %run_scoped3A = tpu.sem_alloc : memref<!tpu.dma_semaphore, #tpu.memory_space<semaphore_mem>>
      %dma_start3A_132 = arith.constant 0 : i32
      %dma_start3A_133 = arith.constant 0 : i32
      %dma_start3A_134 = tpu.memref_slice %arg13[%dma_start3A_132, %dma_start3A_133] : memref<10000x128xf32, #tpu.memory_space<vmem_shared>> -> memref<10000x128xf32, #tpu.memory_space<vmem_shared>>
      tpu.enqueue_indirect_dma source(%arg11 : memref<80x128xf32, #tpu.memory_space<vmem>>) target(%dma_start3A_134 : memref<10000x128xf32, #tpu.memory_space<vmem_shared>>) offsets(%arg8 : memref<80xi32, #tpu.memory_space<vmem>>) semaphore(%run_scoped3A : memref<!tpu.dma_semaphore, #tpu.memory_space<semaphore_mem>>) {add = true}
      %dma_wait3A_135 = arith.constant 0 : i32
      %dma_wait3A_136 = arith.constant 0 : i32
      %dma_wait3A_137 = tpu.memref_slice %arg13[%dma_wait3A_135, %dma_wait3A_136] : memref<10000x128xf32, #tpu.memory_space<vmem_shared>> -> memref<10000x128xf32, #tpu.memory_space<vmem_shared>>
      tpu.wait_indirect_dma semaphore(%run_scoped3A : memref<!tpu.dma_semaphore, #tpu.memory_space<semaphore_mem>>) src(%arg11 : memref<80x128xf32, #tpu.memory_space<vmem>>) dst(%dma_wait3A_137 : memref<10000x128xf32, #tpu.memory_space<vmem_shared>>)
      tpu.yield
    }) : () -> ()
    %add3A_90 = arith.constant 9920 : i32
    %add3A_91 = arith.addi %mul3A_30, %add3A_90 : i32
    %dma_start3A_92 = tpu.memref_slice %arg4[%add3A_91] : memref<320000xi32, #tpu.memory_space<hbm>> -> memref<80xi32, #tpu.memory_space<hbm>>
    %dma_start3A_93 = tpu.memref_slice %arg4[%add3A_91] : memref<320000xi32, #tpu.memory_space<hbm>> -> memref<80xi32, #tpu.memory_space<hbm>>
    tpu.enqueue_dma source(%dma_start3A_93 : memref<80xi32, #tpu.memory_space<hbm>>) target(%arg8 : memref<80xi32, #tpu.memory_space<vmem>>) target_semaphore(%arg18 : memref<!tpu.dma_semaphore, #tpu.memory_space<semaphore_mem>>)
    %dma_start3A_94 = arith.constant 9920 : i32
    %dma_start3A_95 = tpu.memref_slice %arg6[%dma_start3A_94] : memref<10000xi32, #tpu.memory_space<vmem>> -> memref<80xi32, #tpu.memory_space<vmem>>
    %dma_start3A_96 = arith.constant 0 : i32
    %dma_start3A_97 = arith.constant 0 : i32
    %dma_start3A_98 = tpu.memref_slice %arg2[%dma_start3A_96, %dma_start3A_97] : memref<10000x128xf32, #tpu.memory_space<hbm>> -> memref<10000x128xf32, #tpu.memory_space<hbm>>
    tpu.enqueue_indirect_dma source(%dma_start3A_98 : memref<10000x128xf32, #tpu.memory_space<hbm>>) target(%arg11 : memref<80x128xf32, #tpu.memory_space<vmem>>) offsets(%dma_start3A_95 : memref<80xi32, #tpu.memory_space<vmem>>) semaphore(%arg15 : memref<!tpu.dma_semaphore, #tpu.memory_space<semaphore_mem>>)
    %add3A_99 = arith.constant 9760 : i32
    %add3A_100 = arith.addi %mul3A_30, %add3A_99 : i32
    %dma_wait3A_101 = tpu.memref_slice %arg4[%add3A_100] : memref<320000xi32, #tpu.memory_space<hbm>> -> memref<80xi32, #tpu.memory_space<hbm>>
    %dma_wait3A_102 = tpu.memref_slice %arg4[%add3A_100] : memref<320000xi32, #tpu.memory_space<hbm>> -> memref<80xi32, #tpu.memory_space<hbm>>
    tpu.wait_dma2 semaphore(%arg19 : memref<!tpu.dma_semaphore, #tpu.memory_space<semaphore_mem>>) src(%dma_wait3A_102 : memref<80xi32, #tpu.memory_space<hbm>>) dst(%arg9 : memref<80xi32, #tpu.memory_space<vmem>>)
    %dma_wait3A_103 = arith.constant 9760 : i32
    %dma_wait3A_104 = tpu.memref_slice %arg6[%dma_wait3A_103] : memref<10000xi32, #tpu.memory_space<vmem>> -> memref<80xi32, #tpu.memory_space<vmem>>
    %dma_wait3A_105 = arith.constant 0 : i32
    %dma_wait3A_106 = arith.constant 0 : i32
    %dma_wait3A_107 = tpu.memref_slice %arg2[%dma_wait3A_105, %dma_wait3A_106] : memref<10000x128xf32, #tpu.memory_space<hbm>> -> memref<10000x128xf32, #tpu.memory_space<hbm>>
    tpu.wait_indirect_dma semaphore(%arg16 : memref<!tpu.dma_semaphore, #tpu.memory_space<semaphore_mem>>) src(%dma_wait3A_107 : memref<10000x128xf32, #tpu.memory_space<hbm>>) dst(%arg12 : memref<80x128xf32, #tpu.memory_space<vmem>>)
    "tpu.region"() ({
      %run_scoped3A = tpu.sem_alloc : memref<!tpu.dma_semaphore, #tpu.memory_space<semaphore_mem>>
      %dma_start3A_132 = arith.constant 0 : i32
      %dma_start3A_133 = arith.constant 0 : i32
      %dma_start3A_134 = tpu.memref_slice %arg13[%dma_start3A_132, %dma_start3A_133] : memref<10000x128xf32, #tpu.memory_space<vmem_shared>> -> memref<10000x128xf32, #tpu.memory_space<vmem_shared>>
      tpu.enqueue_indirect_dma source(%arg12 : memref<80x128xf32, #tpu.memory_space<vmem>>) target(%dma_start3A_134 : memref<10000x128xf32, #tpu.memory_space<vmem_shared>>) offsets(%arg9 : memref<80xi32, #tpu.memory_space<vmem>>) semaphore(%run_scoped3A : memref<!tpu.dma_semaphore, #tpu.memory_space<semaphore_mem>>) {add = true}
      %dma_wait3A_135 = arith.constant 0 : i32
      %dma_wait3A_136 = arith.constant 0 : i32
      %dma_wait3A_137 = tpu.memref_slice %arg13[%dma_wait3A_135, %dma_wait3A_136] : memref<10000x128xf32, #tpu.memory_space<vmem_shared>> -> memref<10000x128xf32, #tpu.memory_space<vmem_shared>>
      tpu.wait_indirect_dma semaphore(%run_scoped3A : memref<!tpu.dma_semaphore, #tpu.memory_space<semaphore_mem>>) src(%arg12 : memref<80x128xf32, #tpu.memory_space<vmem>>) dst(%dma_wait3A_137 : memref<10000x128xf32, #tpu.memory_space<vmem_shared>>)
      tpu.yield
    }) : () -> ()
    %add3A_108 = arith.constant 9840 : i32
    %add3A_109 = arith.addi %mul3A_30, %add3A_108 : i32
    %dma_wait3A_110 = tpu.memref_slice %arg4[%add3A_109] : memref<320000xi32, #tpu.memory_space<hbm>> -> memref<80xi32, #tpu.memory_space<hbm>>
    %dma_wait3A_111 = tpu.memref_slice %arg4[%add3A_109] : memref<320000xi32, #tpu.memory_space<hbm>> -> memref<80xi32, #tpu.memory_space<hbm>>
    tpu.wait_dma2 semaphore(%arg17 : memref<!tpu.dma_semaphore, #tpu.memory_space<semaphore_mem>>) src(%dma_wait3A_111 : memref<80xi32, #tpu.memory_space<hbm>>) dst(%arg7 : memref<80xi32, #tpu.memory_space<vmem>>)
    %dma_wait3A_112 = arith.constant 9840 : i32
    %dma_wait3A_113 = tpu.memref_slice %arg6[%dma_wait3A_112] : memref<10000xi32, #tpu.memory_space<vmem>> -> memref<80xi32, #tpu.memory_space<vmem>>
    %dma_wait3A_114 = arith.constant 0 : i32
    %dma_wait3A_115 = arith.constant 0 : i32
    %dma_wait3A_116 = tpu.memref_slice %arg2[%dma_wait3A_114, %dma_wait3A_115] : memref<10000x128xf32, #tpu.memory_space<hbm>> -> memref<10000x128xf32, #tpu.memory_space<hbm>>
    tpu.wait_indirect_dma semaphore(%arg14 : memref<!tpu.dma_semaphore, #tpu.memory_space<semaphore_mem>>) src(%dma_wait3A_116 : memref<10000x128xf32, #tpu.memory_space<hbm>>) dst(%arg10 : memref<80x128xf32, #tpu.memory_space<vmem>>)
    "tpu.region"() ({
      %run_scoped3A = tpu.sem_alloc : memref<!tpu.dma_semaphore, #tpu.memory_space<semaphore_mem>>
      %dma_start3A_132 = arith.constant 0 : i32
      %dma_start3A_133 = arith.constant 0 : i32
      %dma_start3A_134 = tpu.memref_slice %arg13[%dma_start3A_132, %dma_start3A_133] : memref<10000x128xf32, #tpu.memory_space<vmem_shared>> -> memref<10000x128xf32, #tpu.memory_space<vmem_shared>>
      tpu.enqueue_indirect_dma source(%arg10 : memref<80x128xf32, #tpu.memory_space<vmem>>) target(%dma_start3A_134 : memref<10000x128xf32, #tpu.memory_space<vmem_shared>>) offsets(%arg7 : memref<80xi32, #tpu.memory_space<vmem>>) semaphore(%run_scoped3A : memref<!tpu.dma_semaphore, #tpu.memory_space<semaphore_mem>>) {add = true}
      %dma_wait3A_135 = arith.constant 0 : i32
      %dma_wait3A_136 = arith.constant 0 : i32
      %dma_wait3A_137 = tpu.memref_slice %arg13[%dma_wait3A_135, %dma_wait3A_136] : memref<10000x128xf32, #tpu.memory_space<vmem_shared>> -> memref<10000x128xf32, #tpu.memory_space<vmem_shared>>
      tpu.wait_indirect_dma semaphore(%run_scoped3A : memref<!tpu.dma_semaphore, #tpu.memory_space<semaphore_mem>>) src(%arg10 : memref<80x128xf32, #tpu.memory_space<vmem>>) dst(%dma_wait3A_137 : memref<10000x128xf32, #tpu.memory_space<vmem_shared>>)
      tpu.yield
    }) : () -> ()
    %add3A_117 = arith.constant 9920 : i32
    %add3A_118 = arith.addi %mul3A_30, %add3A_117 : i32
    %dma_wait3A_119 = tpu.memref_slice %arg4[%add3A_118] : memref<320000xi32, #tpu.memory_space<hbm>> -> memref<80xi32, #tpu.memory_space<hbm>>
    %dma_wait3A_120 = tpu.memref_slice %arg4[%add3A_118] : memref<320000xi32, #tpu.memory_space<hbm>> -> memref<80xi32, #tpu.memory_space<hbm>>
    tpu.wait_dma2 semaphore(%arg18 : memref<!tpu.dma_semaphore, #tpu.memory_space<semaphore_mem>>) src(%dma_wait3A_120 : memref<80xi32, #tpu.memory_space<hbm>>) dst(%arg8 : memref<80xi32, #tpu.memory_space<vmem>>)
    %dma_wait3A_121 = arith.constant 9920 : i32
    %dma_wait3A_122 = tpu.memref_slice %arg6[%dma_wait3A_121] : memref<10000xi32, #tpu.memory_space<vmem>> -> memref<80xi32, #tpu.memory_space<vmem>>
    %dma_wait3A_123 = arith.constant 0 : i32
    %dma_wait3A_124 = arith.constant 0 : i32
    %dma_wait3A_125 = tpu.memref_slice %arg2[%dma_wait3A_123, %dma_wait3A_124] : memref<10000x128xf32, #tpu.memory_space<hbm>> -> memref<10000x128xf32, #tpu.memory_space<hbm>>
    tpu.wait_indirect_dma semaphore(%arg15 : memref<!tpu.dma_semaphore, #tpu.memory_space<semaphore_mem>>) src(%dma_wait3A_125 : memref<10000x128xf32, #tpu.memory_space<hbm>>) dst(%arg11 : memref<80x128xf32, #tpu.memory_space<vmem>>)
    "tpu.region"() ({
      %run_scoped3A = tpu.sem_alloc : memref<!tpu.dma_semaphore, #tpu.memory_space<semaphore_mem>>
      %dma_start3A_132 = arith.constant 0 : i32
      %dma_start3A_133 = arith.constant 0 : i32
      %dma_start3A_134 = tpu.memref_slice %arg13[%dma_start3A_132, %dma_start3A_133] : memref<10000x128xf32, #tpu.memory_space<vmem_shared>> -> memref<10000x128xf32, #tpu.memory_space<vmem_shared>>
      tpu.enqueue_indirect_dma source(%arg11 : memref<80x128xf32, #tpu.memory_space<vmem>>) target(%dma_start3A_134 : memref<10000x128xf32, #tpu.memory_space<vmem_shared>>) offsets(%arg8 : memref<80xi32, #tpu.memory_space<vmem>>) semaphore(%run_scoped3A : memref<!tpu.dma_semaphore, #tpu.memory_space<semaphore_mem>>) {add = true}
      %dma_wait3A_135 = arith.constant 0 : i32
      %dma_wait3A_136 = arith.constant 0 : i32
      %dma_wait3A_137 = tpu.memref_slice %arg13[%dma_wait3A_135, %dma_wait3A_136] : memref<10000x128xf32, #tpu.memory_space<vmem_shared>> -> memref<10000x128xf32, #tpu.memory_space<vmem_shared>>
      tpu.wait_indirect_dma semaphore(%run_scoped3A : memref<!tpu.dma_semaphore, #tpu.memory_space<semaphore_mem>>) src(%arg11 : memref<80x128xf32, #tpu.memory_space<vmem>>) dst(%dma_wait3A_137 : memref<10000x128xf32, #tpu.memory_space<vmem_shared>>)
      tpu.yield
    }) : () -> ()
    %barrier3A_126 = arith.constant 0 : index
    tpu.barrier barrier_id(%barrier3A_126)
    "tpu.region"() ({
      %run_scoped3A = tpu.sem_alloc : memref<!tpu.dma_semaphore, #tpu.memory_space<semaphore_mem>>
      %dma_start3A_132 = arith.constant 0 : i32
      %dma_start3A_133 = tpu.memref_slice %arg5[%arg0, %mul3A_2, %dma_start3A_132] : memref<2x10000x128xf32, #tpu.memory_space<hbm>> -> memref<1x624x128xf32, #tpu.memory_space<hbm>>
      %dma_start3A_134 = tpu.memref_squeeze %dma_start3A_133 : memref<1x624x128xf32, #tpu.memory_space<hbm>> -> memref<624x128xf32, #tpu.memory_space<hbm>>
      %dma_start3A_135 = arith.constant 0 : i32
      %dma_start3A_136 = tpu.memref_slice %arg13[%mul3A_2, %dma_start3A_135] : memref<10000x128xf32, #tpu.memory_space<vmem_shared>> -> memref<624x128xf32, #tpu.memory_space<vmem_shared>>
      tpu.enqueue_dma source(%dma_start3A_136 : memref<624x128xf32, #tpu.memory_space<vmem_shared>>) target(%dma_start3A_134 : memref<624x128xf32, #tpu.memory_space<hbm>>) target_semaphore(%run_scoped3A : memref<!tpu.dma_semaphore, #tpu.memory_space<semaphore_mem>>)
      %dma_wait3A_137 = arith.constant 0 : i32
      %dma_wait3A_138 = tpu.memref_slice %arg5[%arg0, %mul3A_2, %dma_wait3A_137] : memref<2x10000x128xf32, #tpu.memory_space<hbm>> -> memref<1x624x128xf32, #tpu.memory_space<hbm>>
      %dma_wait3A_139 = tpu.memref_squeeze %dma_wait3A_138 : memref<1x624x128xf32, #tpu.memory_space<hbm>> -> memref<624x128xf32, #tpu.memory_space<hbm>>
      %dma_wait3A_140 = arith.constant 0 : i32
      %dma_wait3A_141 = tpu.memref_slice %arg13[%mul3A_2, %dma_wait3A_140] : memref<10000x128xf32, #tpu.memory_space<vmem_shared>> -> memref<624x128xf32, #tpu.memory_space<vmem_shared>>
      tpu.wait_dma2 semaphore(%run_scoped3A : memref<!tpu.dma_semaphore, #tpu.memory_space<semaphore_mem>>) src(%dma_wait3A_141 : memref<624x128xf32, #tpu.memory_space<vmem_shared>>) dst(%dma_wait3A_139 : memref<624x128xf32, #tpu.memory_space<hbm>>)
      tpu.yield
    }) : () -> ()
    %eq3A_127 = arith.constant 0 : i32
    %eq3A_128 = arith.cmpi eq, %arg1, %eq3A_127 : i32
    %convert_element_type3A_129 = arith.extui %eq3A_128 : i1 to i32
    %cond3A_130 = arith.constant 0 : i32
    %cond3A_131 = arith.cmpi ne, %convert_element_type3A_129, %cond3A_130 : i32
    scf.if %cond3A_131 {
      "tpu.region"() ({
        %run_scoped3A = tpu.sem_alloc : memref<!tpu.dma_semaphore, #tpu.memory_space<semaphore_mem>>
        %dma_start3A_132 = arith.constant 9984 : i32
        %dma_start3A_133 = arith.constant 0 : i32
        %dma_start3A_134 = tpu.memref_slice %arg5[%arg0, %dma_start3A_132, %dma_start3A_133] : memref<2x10000x128xf32, #tpu.memory_space<hbm>> -> memref<1x16x128xf32, #tpu.memory_space<hbm>>
        %dma_start3A_135 = tpu.memref_squeeze %dma_start3A_134 : memref<1x16x128xf32, #tpu.memory_space<hbm>> -> memref<16x128xf32, #tpu.memory_space<hbm>>
        %dma_start3A_136 = arith.constant 9984 : i32
        %dma_start3A_137 = arith.constant 0 : i32
        %dma_start3A_138 = tpu.memref_slice %arg13[%dma_start3A_136, %dma_start3A_137] : memref<10000x128xf32, #tpu.memory_space<vmem_shared>> -> memref<16x128xf32, #tpu.memory_space<vmem_shared>>
        tpu.enqueue_dma source(%dma_start3A_138 : memref<16x128xf32, #tpu.memory_space<vmem_shared>>) target(%dma_start3A_135 : memref<16x128xf32, #tpu.memory_space<hbm>>) target_semaphore(%run_scoped3A : memref<!tpu.dma_semaphore, #tpu.memory_space<semaphore_mem>>)
        %dma_wait3A_139 = arith.constant 9984 : i32
        %dma_wait3A_140 = arith.constant 0 : i32
        %dma_wait3A_141 = tpu.memref_slice %arg5[%arg0, %dma_wait3A_139, %dma_wait3A_140] : memref<2x10000x128xf32, #tpu.memory_space<hbm>> -> memref<1x16x128xf32, #tpu.memory_space<hbm>>
        %dma_wait3A_142 = tpu.memref_squeeze %dma_wait3A_141 : memref<1x16x128xf32, #tpu.memory_space<hbm>> -> memref<16x128xf32, #tpu.memory_space<hbm>>
        %dma_wait3A_143 = arith.constant 9984 : i32
        %dma_wait3A_144 = arith.constant 0 : i32
        %dma_wait3A_145 = tpu.memref_slice %arg13[%dma_wait3A_143, %dma_wait3A_144] : memref<10000x128xf32, #tpu.memory_space<vmem_shared>> -> memref<16x128xf32, #tpu.memory_space<vmem_shared>>
        tpu.wait_dma2 semaphore(%run_scoped3A : memref<!tpu.dma_semaphore, #tpu.memory_space<semaphore_mem>>) src(%dma_wait3A_145 : memref<16x128xf32, #tpu.memory_space<vmem_shared>>) dst(%dma_wait3A_142 : memref<16x128xf32, #tpu.memory_space<hbm>>)
        tpu.yield
      }) : () -> ()
    } else {
    }
    return
  }
}

module attributes {stable_mosaic.version = 14 : i64} {
  func.func @_proj_body(%arg0: i32, %arg1: memref<2000x128xf32, #tpu.memory_space<vmem>>, %arg2: memref<128x128xf32, #tpu.memory_space<vmem>>, %arg3: memref<1x128xf32, #tpu.memory_space<vmem>>, %arg4: memref<2000x128xf32, #tpu.memory_space<vmem>>) attributes {dimension_semantics = [#tpu.dimension_semantics<arbitrary>], iteration_bounds = array<i64: 5>, scalar_prefetch = 0 : i64, scratch_operands = 0 : i64, tpu.core_type = #tpu.core_type<tc>, window_params = [{transform_indices = @transform_0, window_bounds = array<i64: 2000, 128>}, {pipeline_mode = #tpu.pipeline_mode<synchronous>, transform_indices = @transform_1, window_bounds = array<i64: 128, 128>}, {pipeline_mode = #tpu.pipeline_mode<synchronous>, transform_indices = @transform_2, window_bounds = array<i64: 1, 128>}, {transform_indices = @transform_3, window_bounds = array<i64: 2000, 128>}]} {
    %get3A = arith.constant 0 : index
    %get3A_0 = arith.constant 0 : index
    %get3A_1 = vector.load %arg1[%get3A, %get3A_0] : memref<2000x128xf32, #tpu.memory_space<vmem>>, vector<2000x128xf32>
    %get3A_2 = arith.constant 0 : index
    %get3A_3 = arith.constant 0 : index
    %get3A_4 = vector.load %arg2[%get3A_2, %get3A_3] : memref<128x128xf32, #tpu.memory_space<vmem>>, vector<128x128xf32>
    %dot_general3A = arith.constant dense<0.000000e+00> : vector<2000x128xf32>
    %dot_general3A_5 = tpu.matmul %get3A_1, %get3A_4, %dot_general3A {dimension_numbers = #tpu.dot_dimension_numbers<[1], [0], [0], [1], [0, 0, 1, 1], [], []>, transpose_lhs_hint = false} : vector<2000x128xf32>, vector<128x128xf32>, vector<2000x128xf32> -> vector<2000x128xf32>
    %get3A_6 = arith.constant 0 : index
    %get3A_7 = arith.constant 0 : index
    %get3A_8 = vector.load %arg3[%get3A_6, %get3A_7] : memref<1x128xf32, #tpu.memory_space<vmem>>, vector<1x128xf32>
    %add3A = vector.broadcast %get3A_8 : vector<1x128xf32> to vector<2000x128xf32>
    %add3A_9 = arith.addf %dot_general3A_5, %add3A : vector<2000x128xf32>
    %max3A = arith.constant 0.000000e+00 : f32
    %max3A_10 = vector.broadcast %max3A : f32 to vector<2000x128xf32>
    %max3A_11 = arith.maximumf %add3A_9, %max3A_10 : vector<2000x128xf32>
    %swap3A = arith.constant 0 : index
    %swap3A_12 = arith.constant 0 : index
    %swap3A_13 = vector.load %arg4[%swap3A, %swap3A_12] : memref<2000x128xf32, #tpu.memory_space<vmem>>, vector<2000x128xf32>
    tpu.vector_store %arg4[%swap3A, %swap3A_12], %max3A_11 {strides = array<i32>} : memref<2000x128xf32, #tpu.memory_space<vmem>>, vector<2000x128xf32>,
    return
  }
  func.func @transform_0(%arg0: i32) -> (i32, i32) {
    %c0_i32 = arith.constant 0 : i32
    %c0_i32_0 = arith.constant 0 : i32
    return %arg0, %c0_i32 : i32, i32
  }
  func.func @transform_1(%arg0: i32) -> (i32, i32) {
    %c0_i32 = arith.constant 0 : i32
    %c0_i32_0 = arith.constant 0 : i32
    %c0_i32_1 = arith.constant 0 : i32
    return %c0_i32, %c0_i32_0 : i32, i32
  }
  func.func @transform_2(%arg0: i32) -> (i32, i32) {
    %c0_i32 = arith.constant 0 : i32
    %c0_i32_0 = arith.constant 0 : i32
    %c0_i32_1 = arith.constant 0 : i32
    return %c0_i32, %c0_i32_0 : i32, i32
  }
  func.func @transform_3(%arg0: i32) -> (i32, i32) {
    %c0_i32 = arith.constant 0 : i32
    %c0_i32_0 = arith.constant 0 : i32
    return %arg0, %c0_i32 : i32, i32
  }
}

module attributes {stable_mosaic.version = 14 : i64} {
  func.func @_mlp_body(%arg0: i32, %arg1: memref<1xf32, #tpu.memory_space<smem>>, %arg2: memref<2000x128xf32, #tpu.memory_space<vmem>>, %arg3: memref<2x2000x128xf32, #tpu.memory_space<vmem>>, %arg4: memref<128x384xf32, #tpu.memory_space<vmem>>, %arg5: memref<1x384xf32, #tpu.memory_space<vmem>>, %arg6: memref<384x256xf32, #tpu.memory_space<vmem>>, %arg7: memref<1x256xf32, #tpu.memory_space<vmem>>, %arg8: memref<256x128xf32, #tpu.memory_space<vmem>>, %arg9: memref<1x128xf32, #tpu.memory_space<vmem>>, %arg10: memref<2000x128xf32, #tpu.memory_space<vmem>>) attributes {dimension_semantics = [#tpu.dimension_semantics<arbitrary>], iteration_bounds = array<i64: 5>, scalar_prefetch = 0 : i64, scratch_operands = 0 : i64, tpu.core_type = #tpu.core_type<tc>, window_params = [{transform_indices = @transform_0, window_bounds = array<i64: 1>}, {transform_indices = @transform_1, window_bounds = array<i64: 2000, 128>}, {transform_indices = @transform_2, window_bounds = array<i64: 2, 2000, 128>}, {pipeline_mode = #tpu.pipeline_mode<synchronous>, transform_indices = @transform_3, window_bounds = array<i64: 128, 384>}, {pipeline_mode = #tpu.pipeline_mode<synchronous>, transform_indices = @transform_4, window_bounds = array<i64: 1, 384>}, {pipeline_mode = #tpu.pipeline_mode<synchronous>, transform_indices = @transform_5, window_bounds = array<i64: 384, 256>}, {pipeline_mode = #tpu.pipeline_mode<synchronous>, transform_indices = @transform_6, window_bounds = array<i64: 1, 256>}, {pipeline_mode = #tpu.pipeline_mode<synchronous>, transform_indices = @transform_7, window_bounds = array<i64: 256, 128>}, {pipeline_mode = #tpu.pipeline_mode<synchronous>, transform_indices = @transform_8, window_bounds = array<i64: 1, 128>}, {transform_indices = @transform_9, window_bounds = array<i64: 2000, 128>}]} {
    %get3A = arith.constant 0 : index
    %get3A_0 = arith.constant 0 : index
    %get3A_1 = vector.load %arg2[%get3A, %get3A_0] : memref<2000x128xf32, #tpu.memory_space<vmem>>, vector<2000x128xf32>
    %get3A_2 = arith.constant 0 : index
    %get3A_3 = memref.load %arg1[%get3A_2] : memref<1xf32, #tpu.memory_space<smem>>
    %sub3A = arith.constant 1.000000e+00 : f32
    %sub3A_4 = arith.subf %get3A_3, %sub3A : f32
    %mul3A = vector.broadcast %sub3A_4 : f32 to vector<2000x128xf32>
    %mul3A_5 = arith.mulf %mul3A, %get3A_1 : vector<2000x128xf32>
    %get3A_6 = arith.constant 0 : index
    %get3A_7 = arith.constant 0 : index
    %get3A_8 = arith.constant 0 : index
    %get3A_9 = vector.load %arg3[%get3A_6, %get3A_7, %get3A_8] : memref<2x2000x128xf32, #tpu.memory_space<vmem>>, vector<1x2000x128xf32>
    %get3A_10 = vector.shape_cast %get3A_9 : vector<1x2000x128xf32> to vector<2000x128xf32>
    %add3A = arith.addf %mul3A_5, %get3A_10 : vector<2000x128xf32>
    %get3A_11 = arith.constant 1 : index
    %get3A_12 = arith.constant 0 : index
    %get3A_13 = arith.constant 0 : index
    %get3A_14 = vector.load %arg3[%get3A_11, %get3A_12, %get3A_13] : memref<2x2000x128xf32, #tpu.memory_space<vmem>>, vector<1x2000x128xf32>
    %get3A_15 = vector.shape_cast %get3A_14 : vector<1x2000x128xf32> to vector<2000x128xf32>
    %add3A_16 = arith.addf %add3A, %get3A_15 : vector<2000x128xf32>
    %get3A_17 = arith.constant 0 : index
    %get3A_18 = arith.constant 0 : index
    %get3A_19 = vector.load %arg4[%get3A_17, %get3A_18] : memref<128x384xf32, #tpu.memory_space<vmem>>, vector<128x384xf32>
    %dot_general3A = arith.constant dense<0.000000e+00> : vector<2000x384xf32>
    %dot_general3A_20 = tpu.matmul %add3A_16, %get3A_19, %dot_general3A {dimension_numbers = #tpu.dot_dimension_numbers<[1], [0], [0], [1], [0, 0, 1, 1], [], []>, transpose_lhs_hint = false} : vector<2000x128xf32>, vector<128x384xf32>, vector<2000x384xf32> -> vector<2000x384xf32>
    %get3A_21 = arith.constant 0 : index
    %get3A_22 = arith.constant 0 : index
    %get3A_23 = vector.load %arg5[%get3A_21, %get3A_22] : memref<1x384xf32, #tpu.memory_space<vmem>>, vector<1x384xf32>
    %add3A_24 = vector.broadcast %get3A_23 : vector<1x384xf32> to vector<2000x384xf32>
    %add3A_25 = arith.addf %dot_general3A_20, %add3A_24 : vector<2000x384xf32>
    %max3A = arith.constant 0.000000e+00 : f32
    %max3A_26 = vector.broadcast %max3A : f32 to vector<2000x384xf32>
    %max3A_27 = arith.maximumf %add3A_25, %max3A_26 : vector<2000x384xf32>
    %get3A_28 = arith.constant 0 : index
    %get3A_29 = arith.constant 0 : index
    %get3A_30 = vector.load %arg6[%get3A_28, %get3A_29] : memref<384x256xf32, #tpu.memory_space<vmem>>, vector<384x256xf32>
    %dot_general3A_31 = arith.constant dense<0.000000e+00> : vector<2000x256xf32>
    %dot_general3A_32 = tpu.matmul %max3A_27, %get3A_30, %dot_general3A_31 {dimension_numbers = #tpu.dot_dimension_numbers<[1], [0], [0], [1], [0, 0, 1, 1], [], []>, transpose_lhs_hint = false} : vector<2000x384xf32>, vector<384x256xf32>, vector<2000x256xf32> -> vector<2000x256xf32>
    %get3A_33 = arith.constant 0 : index
    %get3A_34 = arith.constant 0 : index
    %get3A_35 = vector.load %arg7[%get3A_33, %get3A_34] : memref<1x256xf32, #tpu.memory_space<vmem>>, vector<1x256xf32>
    %add3A_36 = vector.broadcast %get3A_35 : vector<1x256xf32> to vector<2000x256xf32>
    %add3A_37 = arith.addf %dot_general3A_32, %add3A_36 : vector<2000x256xf32>
    %max3A_38 = arith.constant 0.000000e+00 : f32
    %max3A_39 = vector.broadcast %max3A_38 : f32 to vector<2000x256xf32>
    %max3A_40 = arith.maximumf %add3A_37, %max3A_39 : vector<2000x256xf32>
    %get3A_41 = arith.constant 0 : index
    %get3A_42 = arith.constant 0 : index
    %get3A_43 = vector.load %arg8[%get3A_41, %get3A_42] : memref<256x128xf32, #tpu.memory_space<vmem>>, vector<256x128xf32>
    %dot_general3A_44 = arith.constant dense<0.000000e+00> : vector<2000x128xf32>
    %dot_general3A_45 = tpu.matmul %max3A_40, %get3A_43, %dot_general3A_44 {dimension_numbers = #tpu.dot_dimension_numbers<[1], [0], [0], [1], [0, 0, 1, 1], [], []>, transpose_lhs_hint = false} : vector<2000x256xf32>, vector<256x128xf32>, vector<2000x128xf32> -> vector<2000x128xf32>
    %get3A_46 = arith.constant 0 : index
    %get3A_47 = arith.constant 0 : index
    %get3A_48 = vector.load %arg9[%get3A_46, %get3A_47] : memref<1x128xf32, #tpu.memory_space<vmem>>, vector<1x128xf32>
    %add3A_49 = vector.broadcast %get3A_48 : vector<1x128xf32> to vector<2000x128xf32>
    %add3A_50 = arith.addf %dot_general3A_45, %add3A_49 : vector<2000x128xf32>
    %max3A_51 = arith.constant 0.000000e+00 : f32
    %max3A_52 = vector.broadcast %max3A_51 : f32 to vector<2000x128xf32>
    %max3A_53 = arith.maximumf %add3A_50, %max3A_52 : vector<2000x128xf32>
    %swap3A = arith.constant 0 : index
    %swap3A_54 = arith.constant 0 : index
    %swap3A_55 = vector.load %arg10[%swap3A, %swap3A_54] : memref<2000x128xf32, #tpu.memory_space<vmem>>, vector<2000x128xf32>
    tpu.vector_store %arg10[%swap3A, %swap3A_54], %max3A_53 {strides = array<i32>} : memref<2000x128xf32, #tpu.memory_space<vmem>>, vector<2000x128xf32>,
    return
  }
  func.func @transform_0(%arg0: i32) -> i32 {
    %c0_i32 = arith.constant 0 : i32
    %c0_i32_0 = arith.constant 0 : i32
    return %c0_i32 : i32
  }
  func.func @transform_1(%arg0: i32) -> (i32, i32) {
    %c0_i32 = arith.constant 0 : i32
    %c0_i32_0 = arith.constant 0 : i32
    return %arg0, %c0_i32 : i32, i32
  }
  func.func @transform_2(%arg0: i32) -> (i32, i32, i32) {
    %c0_i32 = arith.constant 0 : i32
    %c0_i32_0 = arith.constant 0 : i32
    %c0_i32_1 = arith.constant 0 : i32
    return %c0_i32, %arg0, %c0_i32_0 : i32, i32, i32
  }
  func.func @transform_3(%arg0: i32) -> (i32, i32) {
    %c0_i32 = arith.constant 0 : i32
    %c0_i32_0 = arith.constant 0 : i32
    %c0_i32_1 = arith.constant 0 : i32
    return %c0_i32, %c0_i32_0 : i32, i32
  }
  func.func @transform_4(%arg0: i32) -> (i32, i32) {
    %c0_i32 = arith.constant 0 : i32
    %c0_i32_0 = arith.constant 0 : i32
    %c0_i32_1 = arith.constant 0 : i32
    return %c0_i32, %c0_i32_0 : i32, i32
  }
  func.func @transform_5(%arg0: i32) -> (i32, i32) {
    %c0_i32 = arith.constant 0 : i32
    %c0_i32_0 = arith.constant 0 : i32
    %c0_i32_1 = arith.constant 0 : i32
    return %c0_i32, %c0_i32_0 : i32, i32
  }
  func.func @transform_6(%arg0: i32) -> (i32, i32) {
    %c0_i32 = arith.constant 0 : i32
    %c0_i32_0 = arith.constant 0 : i32
    %c0_i32_1 = arith.constant 0 : i32
    return %c0_i32, %c0_i32_0 : i32, i32
  }
  func.func @transform_7(%arg0: i32) -> (i32, i32) {
    %c0_i32 = arith.constant 0 : i32
    %c0_i32_0 = arith.constant 0 : i32
    %c0_i32_1 = arith.constant 0 : i32
    return %c0_i32, %c0_i32_0 : i32, i32
  }
  func.func @transform_8(%arg0: i32) -> (i32, i32) {
    %c0_i32 = arith.constant 0 : i32
    %c0_i32_0 = arith.constant 0 : i32
    %c0_i32_1 = arith.constant 0 : i32
    return %c0_i32, %c0_i32_0 : i32, i32
  }
  func.func @transform_9(%arg0: i32) -> (i32, i32) {
    %c0_i32 = arith.constant 0 : i32
    %c0_i32_0 = arith.constant 0 : i32
    return %arg0, %c0_i32 : i32, i32
  }
}

module attributes {stable_mosaic.version = 14 : i64} {
  func.func @_mlp_body(%arg0: i32, %arg1: memref<1xf32, #tpu.memory_space<smem>>, %arg2: memref<2000x128xf32, #tpu.memory_space<vmem>>, %arg3: memref<2x2000x128xf32, #tpu.memory_space<vmem>>, %arg4: memref<128x384xf32, #tpu.memory_space<vmem>>, %arg5: memref<1x384xf32, #tpu.memory_space<vmem>>, %arg6: memref<384x256xf32, #tpu.memory_space<vmem>>, %arg7: memref<1x256xf32, #tpu.memory_space<vmem>>, %arg8: memref<256x128xf32, #tpu.memory_space<vmem>>, %arg9: memref<1x128xf32, #tpu.memory_space<vmem>>, %arg10: memref<2000x128xf32, #tpu.memory_space<vmem>>) attributes {dimension_semantics = [#tpu.dimension_semantics<arbitrary>], iteration_bounds = array<i64: 5>, scalar_prefetch = 0 : i64, scratch_operands = 0 : i64, tpu.core_type = #tpu.core_type<tc>, window_params = [{transform_indices = @transform_0, window_bounds = array<i64: 1>}, {transform_indices = @transform_1, window_bounds = array<i64: 2000, 128>}, {transform_indices = @transform_2, window_bounds = array<i64: 2, 2000, 128>}, {pipeline_mode = #tpu.pipeline_mode<synchronous>, transform_indices = @transform_3, window_bounds = array<i64: 128, 384>}, {pipeline_mode = #tpu.pipeline_mode<synchronous>, transform_indices = @transform_4, window_bounds = array<i64: 1, 384>}, {pipeline_mode = #tpu.pipeline_mode<synchronous>, transform_indices = @transform_5, window_bounds = array<i64: 384, 256>}, {pipeline_mode = #tpu.pipeline_mode<synchronous>, transform_indices = @transform_6, window_bounds = array<i64: 1, 256>}, {pipeline_mode = #tpu.pipeline_mode<synchronous>, transform_indices = @transform_7, window_bounds = array<i64: 256, 128>}, {pipeline_mode = #tpu.pipeline_mode<synchronous>, transform_indices = @transform_8, window_bounds = array<i64: 1, 128>}, {transform_indices = @transform_9, window_bounds = array<i64: 2000, 128>}]} {
    %get3A = arith.constant 0 : index
    %get3A_0 = arith.constant 0 : index
    %get3A_1 = vector.load %arg2[%get3A, %get3A_0] : memref<2000x128xf32, #tpu.memory_space<vmem>>, vector<2000x128xf32>
    %get3A_2 = arith.constant 0 : index
    %get3A_3 = memref.load %arg1[%get3A_2] : memref<1xf32, #tpu.memory_space<smem>>
    %sub3A = arith.constant 1.000000e+00 : f32
    %sub3A_4 = arith.subf %get3A_3, %sub3A : f32
    %mul3A = vector.broadcast %sub3A_4 : f32 to vector<2000x128xf32>
    %mul3A_5 = arith.mulf %mul3A, %get3A_1 : vector<2000x128xf32>
    %get3A_6 = arith.constant 0 : index
    %get3A_7 = arith.constant 0 : index
    %get3A_8 = arith.constant 0 : index
    %get3A_9 = vector.load %arg3[%get3A_6, %get3A_7, %get3A_8] : memref<2x2000x128xf32, #tpu.memory_space<vmem>>, vector<1x2000x128xf32>
    %get3A_10 = vector.shape_cast %get3A_9 : vector<1x2000x128xf32> to vector<2000x128xf32>
    %add3A = arith.addf %mul3A_5, %get3A_10 : vector<2000x128xf32>
    %get3A_11 = arith.constant 1 : index
    %get3A_12 = arith.constant 0 : index
    %get3A_13 = arith.constant 0 : index
    %get3A_14 = vector.load %arg3[%get3A_11, %get3A_12, %get3A_13] : memref<2x2000x128xf32, #tpu.memory_space<vmem>>, vector<1x2000x128xf32>
    %get3A_15 = vector.shape_cast %get3A_14 : vector<1x2000x128xf32> to vector<2000x128xf32>
    %add3A_16 = arith.addf %add3A, %get3A_15 : vector<2000x128xf32>
    %get3A_17 = arith.constant 0 : index
    %get3A_18 = arith.constant 0 : index
    %get3A_19 = vector.load %arg4[%get3A_17, %get3A_18] : memref<128x384xf32, #tpu.memory_space<vmem>>, vector<128x384xf32>
    %dot_general3A = arith.constant dense<0.000000e+00> : vector<2000x384xf32>
    %dot_general3A_20 = tpu.matmul %add3A_16, %get3A_19, %dot_general3A {dimension_numbers = #tpu.dot_dimension_numbers<[1], [0], [0], [1], [0, 0, 1, 1], [], []>, transpose_lhs_hint = false} : vector<2000x128xf32>, vector<128x384xf32>, vector<2000x384xf32> -> vector<2000x384xf32>
    %get3A_21 = arith.constant 0 : index
    %get3A_22 = arith.constant 0 : index
    %get3A_23 = vector.load %arg5[%get3A_21, %get3A_22] : memref<1x384xf32, #tpu.memory_space<vmem>>, vector<1x384xf32>
    %add3A_24 = vector.broadcast %get3A_23 : vector<1x384xf32> to vector<2000x384xf32>
    %add3A_25 = arith.addf %dot_general3A_20, %add3A_24 : vector<2000x384xf32>
    %max3A = arith.constant 0.000000e+00 : f32
    %max3A_26 = vector.broadcast %max3A : f32 to vector<2000x384xf32>
    %max3A_27 = arith.maximumf %add3A_25, %max3A_26 : vector<2000x384xf32>
    %get3A_28 = arith.constant 0 : index
    %get3A_29 = arith.constant 0 : index
    %get3A_30 = vector.load %arg6[%get3A_28, %get3A_29] : memref<384x256xf32, #tpu.memory_space<vmem>>, vector<384x256xf32>
    %dot_general3A_31 = arith.constant dense<0.000000e+00> : vector<2000x256xf32>
    %dot_general3A_32 = tpu.matmul %max3A_27, %get3A_30, %dot_general3A_31 {dimension_numbers = #tpu.dot_dimension_numbers<[1], [0], [0], [1], [0, 0, 1, 1], [], []>, transpose_lhs_hint = false} : vector<2000x384xf32>, vector<384x256xf32>, vector<2000x256xf32> -> vector<2000x256xf32>
    %get3A_33 = arith.constant 0 : index
    %get3A_34 = arith.constant 0 : index
    %get3A_35 = vector.load %arg7[%get3A_33, %get3A_34] : memref<1x256xf32, #tpu.memory_space<vmem>>, vector<1x256xf32>
    %add3A_36 = vector.broadcast %get3A_35 : vector<1x256xf32> to vector<2000x256xf32>
    %add3A_37 = arith.addf %dot_general3A_32, %add3A_36 : vector<2000x256xf32>
    %max3A_38 = arith.constant 0.000000e+00 : f32
    %max3A_39 = vector.broadcast %max3A_38 : f32 to vector<2000x256xf32>
    %max3A_40 = arith.maximumf %add3A_37, %max3A_39 : vector<2000x256xf32>
    %get3A_41 = arith.constant 0 : index
    %get3A_42 = arith.constant 0 : index
    %get3A_43 = vector.load %arg8[%get3A_41, %get3A_42] : memref<256x128xf32, #tpu.memory_space<vmem>>, vector<256x128xf32>
    %dot_general3A_44 = arith.constant dense<0.000000e+00> : vector<2000x128xf32>
    %dot_general3A_45 = tpu.matmul %max3A_40, %get3A_43, %dot_general3A_44 {dimension_numbers = #tpu.dot_dimension_numbers<[1], [0], [0], [1], [0, 0, 1, 1], [], []>, transpose_lhs_hint = false} : vector<2000x256xf32>, vector<256x128xf32>, vector<2000x128xf32> -> vector<2000x128xf32>
    %get3A_46 = arith.constant 0 : index
    %get3A_47 = arith.constant 0 : index
    %get3A_48 = vector.load %arg9[%get3A_46, %get3A_47] : memref<1x128xf32, #tpu.memory_space<vmem>>, vector<1x128xf32>
    %add3A_49 = vector.broadcast %get3A_48 : vector<1x128xf32> to vector<2000x128xf32>
    %add3A_50 = arith.addf %dot_general3A_45, %add3A_49 : vector<2000x128xf32>
    %max3A_51 = arith.constant 0.000000e+00 : f32
    %max3A_52 = vector.broadcast %max3A_51 : f32 to vector<2000x128xf32>
    %max3A_53 = arith.maximumf %add3A_50, %max3A_52 : vector<2000x128xf32>
    %add3A_54 = arith.addf %get3A_1, %max3A_53 : vector<2000x128xf32>
    %swap3A = arith.constant 0 : index
    %swap3A_55 = arith.constant 0 : index
    %swap3A_56 = vector.load %arg10[%swap3A, %swap3A_55] : memref<2000x128xf32, #tpu.memory_space<vmem>>, vector<2000x128xf32>
    tpu.vector_store %arg10[%swap3A, %swap3A_55], %add3A_54 {strides = array<i32>} : memref<2000x128xf32, #tpu.memory_space<vmem>>, vector<2000x128xf32>,
    return
  }
  func.func @transform_0(%arg0: i32) -> i32 {
    %c0_i32 = arith.constant 0 : i32
    %c0_i32_0 = arith.constant 0 : i32
    return %c0_i32 : i32
  }
  func.func @transform_1(%arg0: i32) -> (i32, i32) {
    %c0_i32 = arith.constant 0 : i32
    %c0_i32_0 = arith.constant 0 : i32
    return %arg0, %c0_i32 : i32, i32
  }
  func.func @transform_2(%arg0: i32) -> (i32, i32, i32) {
    %c0_i32 = arith.constant 0 : i32
    %c0_i32_0 = arith.constant 0 : i32
    %c0_i32_1 = arith.constant 0 : i32
    return %c0_i32, %arg0, %c0_i32_0 : i32, i32, i32
  }
  func.func @transform_3(%arg0: i32) -> (i32, i32) {
    %c0_i32 = arith.constant 0 : i32
    %c0_i32_0 = arith.constant 0 : i32
    %c0_i32_1 = arith.constant 0 : i32
    return %c0_i32, %c0_i32_0 : i32, i32
  }
  func.func @transform_4(%arg0: i32) -> (i32, i32) {
    %c0_i32 = arith.constant 0 : i32
    %c0_i32_0 = arith.constant 0 : i32
    %c0_i32_1 = arith.constant 0 : i32
    return %c0_i32, %c0_i32_0 : i32, i32
  }
  func.func @transform_5(%arg0: i32) -> (i32, i32) {
    %c0_i32 = arith.constant 0 : i32
    %c0_i32_0 = arith.constant 0 : i32
    %c0_i32_1 = arith.constant 0 : i32
    return %c0_i32, %c0_i32_0 : i32, i32
  }
  func.func @transform_6(%arg0: i32) -> (i32, i32) {
    %c0_i32 = arith.constant 0 : i32
    %c0_i32_0 = arith.constant 0 : i32
    %c0_i32_1 = arith.constant 0 : i32
    return %c0_i32, %c0_i32_0 : i32, i32
  }
  func.func @transform_7(%arg0: i32) -> (i32, i32) {
    %c0_i32 = arith.constant 0 : i32
    %c0_i32_0 = arith.constant 0 : i32
    %c0_i32_1 = arith.constant 0 : i32
    return %c0_i32, %c0_i32_0 : i32, i32
  }
  func.func @transform_8(%arg0: i32) -> (i32, i32) {
    %c0_i32 = arith.constant 0 : i32
    %c0_i32_0 = arith.constant 0 : i32
    %c0_i32_1 = arith.constant 0 : i32
    return %c0_i32, %c0_i32_0 : i32, i32
  }
  func.func @transform_9(%arg0: i32) -> (i32, i32) {
    %c0_i32 = arith.constant 0 : i32
    %c0_i32_0 = arith.constant 0 : i32
    return %arg0, %c0_i32 : i32, i32
  }
}

module attributes {stable_mosaic.version = 14 : i64} {
  func.func @_pool_body(%arg0: memref<10000x128xf32, #tpu.memory_space<vmem>>, %arg1: memref<10000x1xi32, #tpu.memory_space<vmem>>, %arg2: memref<384x128xf32, #tpu.memory_space<vmem>>, %arg3: memref<1x128xf32, #tpu.memory_space<vmem>>, %arg4: memref<128x64xf32, #tpu.memory_space<vmem>>, %arg5: memref<1x64xf32, #tpu.memory_space<vmem>>, %arg6: memref<64x6xf32, #tpu.memory_space<vmem>>, %arg7: memref<1x6xf32, #tpu.memory_space<vmem>>, %arg8: memref<128x6xf32, #tpu.memory_space<vmem>>, %arg9: memref<128x128xf32, #tpu.memory_space<vmem>>) attributes {dimension_semantics = [], scalar_prefetch = 0 : i64, scratch_operands = 1 : i64, tpu.core_type = #tpu.core_type<tc>} {
    %get3A = arith.constant 0 : index
    %get3A_0 = arith.constant 0 : index
    %get3A_1 = vector.load %arg0[%get3A, %get3A_0] : memref<10000x128xf32, #tpu.memory_space<vmem>>, vector<10000x128xf32>
    %get3A_2 = arith.constant 0 : index
    %get3A_3 = arith.constant 0 : index
    %get3A_4 = vector.load %arg1[%get3A_2, %get3A_3] : memref<10000x1xi32, #tpu.memory_space<vmem>>, vector<10000x1xi32>
    %iota3A = tpu.iota {dimensions = array<i32: 1>} : vector<10000x128xi32>
    %eq3A = vector.broadcast %get3A_4 : vector<10000x1xi32> to vector<10000x128xi32>
    %eq3A_5 = arith.cmpi eq, %eq3A, %iota3A : vector<10000x128xi32>
    %convert_element_type3A = arith.extui %eq3A_5 : vector<10000x128xi1> to vector<10000x128xi32>
    %convert_element_type3A_6 = arith.sitofp %convert_element_type3A : vector<10000x128xi32> to vector<10000x128xf32>
    %dot_general3A = arith.constant dense<0.000000e+00> : vector<128x128xf32>
    %dot_general3A_7 = tpu.matmul %convert_element_type3A_6, %get3A_1, %dot_general3A {dimension_numbers = #tpu.dot_dimension_numbers<[0], [0], [1], [1], [0, 1, 1, 1], [], []>, transpose_lhs_hint = false} : vector<10000x128xf32>, vector<10000x128xf32>, vector<128x128xf32> -> vector<128x128xf32>
    %reduce_sum3A = arith.constant dense<0.000000e+00> : vector<128xf32>
    %reduce_sum3A_8 = vector.multi_reduction <add>, %convert_element_type3A_6, %reduce_sum3A [0] : vector<10000x128xf32> to vector<128xf32>
    %broadcast_in_dim3A = vector.shape_cast %reduce_sum3A_8 : vector<128xf32> to vector<128x1xf32>
    %max3A = arith.constant 1.000000e+00 : f32
    %max3A_9 = vector.broadcast %max3A : f32 to vector<128x1xf32>
    %max3A_10 = arith.maximumf %broadcast_in_dim3A, %max3A_9 : vector<128x1xf32>
    %div3A = vector.broadcast %max3A_10 : vector<128x1xf32> to vector<128x128xf32>
    %div3A_11 = arith.divf %dot_general3A_7, %div3A : vector<128x128xf32>
    %scan3A = arith.constant 0 : i32
    %scan3A_12 = arith.constant 128 : i32
    %scan3A_13 = arith.addi %scan3A, %scan3A_12 : i32
    %scan3A_14 = arith.constant 1 : i32
    scf.for %scan3A_59 = %scan3A to %scan3A_13 step %scan3A_14  : i32 {
      %eq3A_60 = vector.broadcast %scan3A_59 : i32 to vector<10000x1xi32>
      %eq3A_61 = arith.cmpi eq, %get3A_4, %eq3A_60 : vector<10000x1xi32>
      %jit3A_62 = arith.constant 0xFF800000 : f32
      %broadcast_in_dim3A_63 = vector.shape_cast %eq3A_61 : vector<10000x1xi1> to vector<10000x1xi1>
      %broadcast_in_dim3A_64 = vector.broadcast %broadcast_in_dim3A_63 : vector<10000x1xi1> to vector<10000x128xi1>
      %broadcast_in_dim3A_65 = vector.broadcast %jit3A_62 : f32 to vector<10000x128xf32>
      %select_n3A_66 = arith.select %broadcast_in_dim3A_64, %get3A_1, %broadcast_in_dim3A_65 : vector<10000x128xi1>, vector<10000x128xf32>
      %reduce_max3A = arith.constant dense<0xFF800000> : vector<128xf32>
      %reduce_max3A_67 = vector.multi_reduction <maximumf>, %select_n3A_66, %reduce_max3A [0] : vector<10000x128xf32> to vector<128xf32>
      %broadcast_in_dim3A_68 = vector.shape_cast %reduce_max3A_67 : vector<128xf32> to vector<1x128xf32>
      %swap3A_69 = arith.index_cast %scan3A_59 : i32 to index
      %swap3A_70 = arith.constant 0 : index
      %swap3A_71 = vector.load %arg9[%swap3A_69, %swap3A_70] : memref<128x128xf32, #tpu.memory_space<vmem>>, vector<1x128xf32>
      tpu.vector_store %arg9[%swap3A_69, %swap3A_70], %broadcast_in_dim3A_68 {strides = array<i32>} : memref<128x128xf32, #tpu.memory_space<vmem>>, vector<1x128xf32>,
    }
    %scan3A_15 = arith.constant 128 : i32
    %get3A_16 = arith.constant 0 : index
    %get3A_17 = arith.constant 0 : index
    %get3A_18 = vector.load %arg9[%get3A_16, %get3A_17] : memref<128x128xf32, #tpu.memory_space<vmem>>, vector<128x128xf32>
    %is_finite3A = tpu.weird %get3A_18 : vector<128x128xf32> -> vector<128x128xi1>
    %is_finite3A_19 = arith.constant dense<true> : vector<128x128xi1>
    %is_finite3A_20 = arith.xori %is_finite3A, %is_finite3A_19 : vector<128x128xi1>
    %jit3A = arith.constant 0.000000e+00 : f32
    %broadcast_in_dim3A_21 = vector.broadcast %jit3A : f32 to vector<128x128xf32>
    %select_n3A = arith.select %is_finite3A_20, %get3A_18, %broadcast_in_dim3A_21 : vector<128x128xi1>, vector<128x128xf32>
    %concatenate3A = tpu.concatenate %dot_general3A_7, %div3A_11, %select_n3A in 1 : vector<128x128xf32>, vector<128x128xf32>, vector<128x128xf32> -> vector<128x384xf32>
    %get3A_22 = arith.constant 0 : index
    %get3A_23 = arith.constant 0 : index
    %get3A_24 = vector.load %arg2[%get3A_22, %get3A_23] : memref<384x128xf32, #tpu.memory_space<vmem>>, vector<384x128xf32>
    %dot_general3A_25 = arith.constant dense<0.000000e+00> : vector<128x128xf32>
    %dot_general3A_26 = tpu.matmul %concatenate3A, %get3A_24, %dot_general3A_25 {dimension_numbers = #tpu.dot_dimension_numbers<[1], [0], [0], [1], [0, 0, 1, 1], [], []>, transpose_lhs_hint = false} : vector<128x384xf32>, vector<384x128xf32>, vector<128x128xf32> -> vector<128x128xf32>
    %get3A_27 = arith.constant 0 : index
    %get3A_28 = arith.constant 0 : index
    %get3A_29 = vector.load %arg3[%get3A_27, %get3A_28] : memref<1x128xf32, #tpu.memory_space<vmem>>, vector<1x128xf32>
    %add3A = vector.broadcast %get3A_29 : vector<1x128xf32> to vector<128x128xf32>
    %add3A_30 = arith.addf %dot_general3A_26, %add3A : vector<128x128xf32>
    %max3A_31 = arith.constant 0.000000e+00 : f32
    %max3A_32 = vector.broadcast %max3A_31 : f32 to vector<128x128xf32>
    %max3A_33 = arith.maximumf %add3A_30, %max3A_32 : vector<128x128xf32>
    %get3A_34 = arith.constant 0 : index
    %get3A_35 = arith.constant 0 : index
    %get3A_36 = vector.load %arg4[%get3A_34, %get3A_35] : memref<128x64xf32, #tpu.memory_space<vmem>>, vector<128x64xf32>
    %dot_general3A_37 = arith.constant dense<0.000000e+00> : vector<128x64xf32>
    %dot_general3A_38 = tpu.matmul %max3A_33, %get3A_36, %dot_general3A_37 {dimension_numbers = #tpu.dot_dimension_numbers<[1], [0], [0], [1], [0, 0, 1, 1], [], []>, transpose_lhs_hint = false} : vector<128x128xf32>, vector<128x64xf32>, vector<128x64xf32> -> vector<128x64xf32>
    %get3A_39 = arith.constant 0 : index
    %get3A_40 = arith.constant 0 : index
    %get3A_41 = vector.load %arg5[%get3A_39, %get3A_40] : memref<1x64xf32, #tpu.memory_space<vmem>>, vector<1x64xf32>
    %add3A_42 = vector.broadcast %get3A_41 : vector<1x64xf32> to vector<128x64xf32>
    %add3A_43 = arith.addf %dot_general3A_38, %add3A_42 : vector<128x64xf32>
    %max3A_44 = arith.constant 0.000000e+00 : f32
    %max3A_45 = vector.broadcast %max3A_44 : f32 to vector<128x64xf32>
    %max3A_46 = arith.maximumf %add3A_43, %max3A_45 : vector<128x64xf32>
    %get3A_47 = arith.constant 0 : index
    %get3A_48 = arith.constant 0 : index
    %get3A_49 = vector.load %arg6[%get3A_47, %get3A_48] : memref<64x6xf32, #tpu.memory_space<vmem>>, vector<64x6xf32>
    %dot_general3A_50 = arith.constant dense<0.000000e+00> : vector<128x6xf32>
    %dot_general3A_51 = tpu.matmul %max3A_46, %get3A_49, %dot_general3A_50 {dimension_numbers = #tpu.dot_dimension_numbers<[1], [0], [0], [1], [0, 0, 1, 1], [], []>, transpose_lhs_hint = false} : vector<128x64xf32>, vector<64x6xf32>, vector<128x6xf32> -> vector<128x6xf32>
    %get3A_52 = arith.constant 0 : index
    %get3A_53 = arith.constant 0 : index
    %get3A_54 = vector.load %arg7[%get3A_52, %get3A_53] : memref<1x6xf32, #tpu.memory_space<vmem>>, vector<1x6xf32>
    %add3A_55 = vector.broadcast %get3A_54 : vector<1x6xf32> to vector<128x6xf32>
    %add3A_56 = arith.addf %dot_general3A_51, %add3A_55 : vector<128x6xf32>
    %swap3A = arith.constant 0 : index
    %swap3A_57 = arith.constant 0 : index
    %swap3A_58 = vector.load %arg8[%swap3A, %swap3A_57] : memref<128x6xf32, #tpu.memory_space<vmem>>, vector<128x6xf32>
    tpu.vector_store %arg8[%swap3A, %swap3A_57], %add3A_56 {strides = array<i32>} : memref<128x6xf32, #tpu.memory_space<vmem>>, vector<128x6xf32>,
    return
  }
}

</mosaic_0001>

<sc_bundles>
// kernel: kernel.14.cloned.1.call-start
scs
__scs_entry_jumppad:
0x0: {  	(pc) =	sbr.rel $0x88, $3  }
0x1: {  	(tag) =	ssettag $0x0;
	lr =	simm.s32 $0x1  }
0x2: {  	[smem:$0x3F4F] =	sst lr;
	_ =	strace $0xD0000000  }
0x3: {  	_ = 	snop  }
0x4: {  	_ = 	snop  }
0x5: {  	_ = 	snop  }
0x6: {  	_ = 	snop  }
0x7: {  	_ = 	snop  }
__scs_overlays_trampoline_lowered:
0x8: {  	[smem:$0x3F5E] =	sst s0  }
0x9: {  	[smem:$0x3F5F] =	sst s1  }
0xa: {  	[smem:$0x3F60] =	sst s2  }
0xb: {  	[smem:$0x3F61] =	sst s3  }
0xc: {  	[smem:$0x3F62] =	sst s4  }
0xd: {  	[smem:$0x3F63] =	sst s5  }
0xe: {  	[smem:$0x3F64] =	sst s6  }
0xf: {  	[smem:$0x3F65] =	sst s7  }
0x10: {  	[smem:$0x3F66] =	sst s8  }
0x11: {  	[smem:$0x3F67] =	sst s9;
	s0 =	simm.s32 @!p0 $0x0  }
0x12: {  	s1 =	sld [smem:$0x3F4D];
	s0 =	simm.s32 @p0 $0x1  }
0x13: {  	[smem:$0x3F68] =	sst s0;
	s0 =	simm.s32 @!p1 $0x0  }
0x14: {  	s2 =	sld [smem:$0x3F4C];
	s0 =	simm.s32 @p1 $0x1  }
0x15: {  	[smem:$0x3F69] =	sst s0;
	s0 =	simm.s32 @!p2 $0x0  }
0x16: {  	s3 =	sld [smem:$0x3FDB];
	s0 =	simm.s32 @p2 $0x1  }
0x17: {  	s4 =	simm.s32 $0x1BF5;
	[smem:$0x3F6B] =	sst s0  }
0x18: {  	s0 =	sld [smem:$0x3F4E];
	_ =	swait.ge [sflag:s4], $0x0  }
0x19: {  	s7 =	sld [smem:$0x3F4F]  }
0x1a: {  	s8 =	sadd.s32 $0xFFFFE003, lr  }
0x1b: {  	s9 =	sadd.s32 $0xFFFFFEF7, lr;
	s5 =	simm.s32 $0xFFFFFFFF;
	p2 =	slt.u32 s8, $0xFFFFF086  }
0x1c: {  	p1 =	slt.u32 s9, $0xF7A;
	s5 =	simm.s32 @!p2 $0x0  }
0x1d: {  	s5 =	simm.s32 @p1 $0x1;
	p0 =	seq.s32 s7, s2  }
0x1e: {  	s7 =	smul.u32 @!p0 $0xF7A, s2;
	p2 =	seq.s32 @!p0 s5, $0x0  }
0x1f: {  	s9 =	smul.u32 $0xF7A, s1;
	s8 =	simm.s32 @!p0 $0x1BF5;
	p2 =	por !p2, p0  }
0x20: {  	[sflag:s8] =	ssyncset.s32 @!p0 $0xFFFFF086;
	s6 =	sadd.s32 @!p0 s3, s7;
	s7 =	simm.s32 @!p0 $0x108  }
0x21: {  	s3 =	sadd.s32 s3, s9;
	s6 =	sadd.s32 @!p0 $0x88, s6;
	s7 =	simm.s32 @p2 $0x1082  }
0x22: {  	[simem:s7], [sflag:s8] =	dma.local @!p0 [hbm:s6], $0xF7A  }
0x23: {  	s9 =	sor.u32 $0xD0000000, s2;
	s6 =	simm.s32 $0x108;
	_ =	swait.ge @!p0 [sflag:s8], $0x0  }
0x24: {  	s3 =	sadd.s32 $0x88, s3;
	s6 =	simm.s32 @!p1 $0x1082;
	[sflag:s4] =	ssyncset.s32 $0xFFFFF086  }
0x25: {  	[simem:s6], [sflag:s4] =	dma.local [hbm:s3], $0xF7A  }
0x26: {  	[smem:$0x3F4F] =	sst s1;
	(tag) =	ssettag s2;
	_ =	strace s9  }
0x27: {  	s1 =	sld [smem:$0x3F5F]  }
0x28: {  	s2 =	sld [smem:$0x3F60]  }
0x29: {  	s4 =	sld [smem:$0x3F62]  }
0x2a: {  	p0 =	seq.s32 s5, $0x0;
	s5 =	sld [smem:$0x3F63]  }
0x2b: {  	s6 =	sld [smem:$0x3F64]  }
0x2c: {  	s7 =	sld [smem:$0x3F65]  }
0x2d: {  	s3 =	simm.s32 $0x108;
	s8 =	sld [smem:$0x3F66]  }
0x2e: {  	s3 =	simm.s32 @!p0 $0x1082;
	s9 =	sld [smem:$0x3F67]  }
0x2f: {  	lr =	sadd.s32 s0, s3;
	s0 =	sld [smem:$0x3F5E]  }
0x30: {  	s3 =	sld [smem:$0x3F61]  }
0x31: {  	[smem:$0x3F6A] =	sst s10  }
0x32: {  	s10 =	sld [smem:$0x3F68];
	_ =	sdelay $0x3  }
0x33: {  	p0 =	seq.s32 s10, $0x1;
	s10 =	sld [smem:$0x3F6A];
	_ =	sdelay $0x3  }
0x34: {  	[smem:$0x3F6A] =	sst s10  }
0x35: {  	s10 =	sld [smem:$0x3F69];
	_ =	sdelay $0x3  }
0x36: {  	p1 =	seq.s32 s10, $0x1;
	s10 =	sld [smem:$0x3F6A];
	_ =	sdelay $0x3  }
0x37: {  	[smem:$0x3F6A] =	sst s10  }
0x38: {  	s10 =	sld [smem:$0x3F6B]  }
0x39: {  	_ = 	snop;
	(pc) =	sbr.ind lr, $3  }
0x3a: {  	_ = 	snop  }
0x3b: {  	_ = 	snop  }
0x3c: {  	p2 =	seq.s32 s10, $0x1;
	s10 =	sld [smem:$0x3F6A]  }
0x3d: {  	_ =	shalt  }
0x3e: {  	_ =	shalt  }
0x3f: {  	_ =	shalt  }
0x40: {  	_ =	shalt  }
0x41: {  	_ =	shalt  }
0x42: {  	_ =	shalt  }
0x43: {  	_ =	shalt  }
0x44: {  	_ =	shalt  }
0x45: {  	_ =	shalt  }
0x46: {  	_ =	shalt  }
0x47: {  	_ =	shalt  }
0x48: {  	_ =	shalt  }
0x49: {  	_ =	shalt  }
0x4a: {  	_ =	shalt  }
0x4b: {  	_ =	shalt  }
0x4c: {  	_ =	shalt  }
0x4d: {  	_ =	shalt  }
0x4e: {  	_ =	shalt  }
0x4f: {  	_ =	shalt  }
0x50: {  	_ =	shalt  }
0x51: {  	_ =	shalt  }
0x52: {  	_ =	shalt  }
0x53: {  	_ =	shalt  }
0x54: {  	_ =	shalt  }
0x55: {  	_ =	shalt  }
0x56: {  	_ =	shalt  }
0x57: {  	_ =	shalt  }
0x58: {  	_ =	shalt  }
0x59: {  	_ =	shalt  }
0x5a: {  	_ =	shalt  }
0x5b: {  	_ =	shalt  }
0x5c: {  	_ =	shalt  }
0x5d: {  	_ =	shalt  }
0x5e: {  	_ =	shalt  }
0x5f: {  	_ =	shalt  }
0x60: {  	_ =	shalt  }
0x61: {  	_ =	shalt  }
0x62: {  	_ =	shalt  }
0x63: {  	_ =	shalt  }
0x64: {  	_ =	shalt  }
0x65: {  	_ =	shalt  }
0x66: {  	_ =	shalt  }
0x67: {  	_ =	shalt  }
0x68: {  	_ =	shalt  }
0x69: {  	_ =	shalt  }
0x6a: {  	_ =	shalt  }
0x6b: {  	_ =	shalt  }
0x6c: {  	_ =	shalt  }
0x6d: {  	_ =	shalt  }
0x6e: {  	_ =	shalt  }
0x6f: {  	_ =	shalt  }
0x70: {  	_ =	shalt  }
0x71: {  	_ =	shalt  }
0x72: {  	_ =	shalt  }
0x73: {  	_ =	shalt  }
0x74: {  	_ =	shalt  }
0x75: {  	_ =	shalt  }
0x76: {  	_ =	shalt  }
0x77: {  	_ =	shalt  }
0x78: {  	_ =	shalt  }
0x79: {  	_ =	shalt  }
0x7a: {  	_ =	shalt  }
0x7b: {  	_ =	shalt  }
0x7c: {  	_ =	shalt  }
0x7d: {  	_ =	shalt  }
0x7e: {  	_ =	shalt  }
0x7f: {  	_ =	shalt  }
0x80: {  	_ =	shalt  }
0x81: {  	_ =	shalt  }
0x82: {  	_ =	shalt  }
0x83: {  	_ =	shalt  }
0x84: {  	_ =	shalt  }
0x85: {  	_ =	shalt  }
0x86: {  	_ =	shalt  }
0x87: {  	_ =	shalt  }
.Lfunc_end0:
.L_simem_size_0:
called_computation_lowered:
.L_overlay_start_0:
0x88: {  	s2 =	sld [smem:$0x3FD9]  }
0x89: {  	s3 =	sld [smem:$0x3FFE];
	_ =	sdelay $0x1  }
0x8a: {  	s1 =	srdreg.scid  }
0x8b: {  	s0 =	sand.u32 $0x1, s1  }
0x8c: {  	s16 =	sshll.u32 s0, $0xA;
	s2 =	sadd.s32 s3, s2  }
0x8d: {  	s2 =	sadd.s32 s2, s16  }
0x8e: {  	[smem:$0x3F76] =	sst s2  }
0x8f: {  	_ = 	snop  }
0x90: {  	(tm) =	ssettm $0x1  }
0x91: {  	s17 =	sld [smem:$0x3FFB];
	_ =	sdelay $0x3  }
0x92: {  	_ =	strace s17  }
0x93: {  	s2 =	sld [smem:$0x3FFC];
	_ =	sdelay $0x3  }
0x94: {  	_ =	strace s2  }
0x95: {  	s2 =	sld [smem:$0x3FFD];
	_ =	sdelay $0x3  }
0x96: {  	_ =	strace s2  }
0x97: {  	_ =	strace $0x8FFFFFFF  }
0x98: {  	s18 =	sld [smem:$0x3FDB];
	_ =	sdelay $0x1  }
0x99: {  	s19 =	simm.s32 $_scs_section_size  }
0x9a: {  	s4 =	simm.s32 $_size__tile_overlayer_lowered;
	s5 =	simm.s32 $_tile_overlayer_lowered  }
0x9b: {  	s22 =	simm.s32 $0x1BFF;
	s21 =	sshll.u32 s5, $0x1;
	s2 =	sadd.s32 s19, s18  }
0x9c: {  	s6 =	simm.s32 $0x0;
	s20 =	sshll.u32 s4, $0x1;
	s4 =	sadd.s32 s21, s2  }
0x9d: {  	[timem:s6], [sflag:s22] =	dma.local [hbm:s4], s20  }
0x9e: {  	_ =	swait.ge [sflag:s22], s20  }
0x9f: {  	s3 =	ssub.s32 $0x0, s20;
	[sflag:s22] =	ssyncset.done $0x0  }
0xa0: {  	[sflag:s22] =	ssyncadd.s32 s3;
	_ =	sdelay $0x1  }
0xa1: {  	s23 =	simm.s32 $0x1B8B  }
0xa2: {  	_ =	swait.ge [sflag:s23], $0x1  }
0xa3: {  	[sflag:s23] =	ssyncset.done $0x0  }
0xa4: {  	s25 =	simm.s32 $0x1B8E;
	s24 =	sld [smem:$0x3FFE];
	[sflag:s23] =	ssyncadd.s32 $0xFFFFFFFF  }
0xa5: {  	s26 =	simm.s32 $execute0_lowered;
	[smem:$0x3FD2] =	sst s25  }
0xa6: {  	s4 =	sshll.u32 s26, $0x1;
	_ =	strace $0x80000046;
	[dreg:$0x1] =	wrdreg $0xFFFFFFFF  }
0xa7: {  	s28 =	simm.s32 $_size_execute0_lowered;
	s2 =	sadd.s32 s2, s4;
	[dreg:$0x0] =	wrdreg $0x0  }
0xa8: {  	s4 =	sshll.u32 s28, $0x1;
	[dreg:$0x2] =	wrdreg s2  }
0xa9: {  	[dreg:$0x3] =	wrdreg s4  }
0xaa: {  	[dreg:$0x4] =	wrdreg $0xC0  }
0xab: {  	_ =	task [dreg:s6], $0x5FFFF  }
0xac: {  	[dreg:$0x1] =	wrdreg $0xFFFFFFFF  }
0xad: {  	[dreg:$0x0] =	wrdreg $0x60  }
0xae: {  	[dreg:$0x2] =	wrdreg s24  }
0xaf: {  	[dreg:$0x3] =	wrdreg $0xA1000  }
0xb0: {  	[dreg:$0x4] =	wrdreg $0x9  }
0xb1: {  	_ =	task.clear_ibuf [dreg:s6], $0x5FFFF;
	_ =	strace $0x90000046  }
0xb2: {  	s29 =	simm.s32 $0x9;
	_ =	strace $0x80000048  }
0xb3: {  	_ =	swait.ge [sflag:s29], $0x1  }
0xb4: {  	[sflag:s29] =	ssyncadd.s32 $0xFFFFFFFF  }
0xb5: {  	_ =	strace $0x90000048  }
0xb6: {  	_ =	sfence  }
0xb7: {  	s30 =	sld [smem:$0x0];
	_ =	sdelay $0x2  }
0xb8: {  	s31 =	sshll.u32 s1, $0xD;
	s1 =	sshrl.u32 s1, $0x2  }
0xb9: {  	s3 =	sand.u32 $0x4000, s31;
	s1 =	sadd.s32 s1, s30  }
0xba: {  	s0 =	sor.u32 s3, s0;
	s1 =	sshll.u32 s1, $0x11  }
0xbb: {  	s0 =	sor.u32 s1, s0  }
0xbc: {  	s0 =	sadd.s32 $0x8F2B, s0  }
0xbd: {  	[sflag:s0] =	ssyncadd.remote.s32 $0x1  }
0xbe: {  	_ =	sfence.sel $0xFFFF  }
0xbf: {  	[dreg:$0x0] =	wrdreg $0xFFFFFFFF;
	(pc) =	sbr.abs _section_cstart, $3  }
0xc0: {  	[dreg:$0x1] =	wrdreg $0xFFFFFFFF  }
0xc1: {  	_ =	task.clear_ibuf [dreg:s6], $0x2FFFF;
	_ =	strace $0x9FFFFFFF  }
0xc2: {  	(tm) =	ssettm $0x7FFFFFFF  }
0xc3: {  	_ =	shalt  }
tec
execute0_lowered:
.L_overlay_start_1:
0x0: {  	(tag) =	ssettag $0x1  }
0x1: {  	s0 =	srdreg.scid;
	s5 =	rddreg [dreg:$0x0]  }
0x2: {  	s7 =	stileid.u32;
	s1 =	rddreg [dreg:$0x1];
	s28 =	simm.s32 $0x2900  }
0x3: {  	s29 =	simm.s32 $0x2800;
	s30 =	simm.s32 $0x5100;
	s31 =	simm.s32 $0x2880  }
0x4: {  	s0 =	sand.u32 $0x1, s0;
	s4 =	sadd.s32 $0xE600, s5;
	s11 =	smul.u32 $0x4E000, s7  }
0x5: {  	s12 =	sadd.s32 $0x49400, s5;
	s23 =	smul.u32 $0x13800, s7;
	s26 =	sshll.u32 s7, $0x6  }
0x6: {  	s15 =	sadd.s32 $0x138000, s1;
	s18 =	smul.u32 $0x2710, s7;
	p0 =	sne.s32 s7, $0x0  }
0x7: {  	s2 =	sshll.u32 s0, $0x4;
	s9 =	ssub.s32 $0x2, s0;
	s14 =	smul.u32 $0x138800, s0  }
0x8: {  	s13 =	sor.u32 $0x1C01, s26;
	s0 =	smul.u32 $0x27100, s0;
	s3 =	sor.u32 s7, s2  }
0x9: {  	s2 =	simm.s32 $0x0;
	s10 =	sshrl.u32 s9, $0x1;
	s24 =	sshrl.u32 s11, $0x2  }
0xa: {  	s25 =	sshrl.u32 s23, $0x3;
	s7 =	simm.s32 $0x7;
	[smem:$0x7FF] =	sst s2  }
0xb: {  	s11 =	simm.s32 $0x3;
	_ =	strace $0x80000047;
	[dreg:$0x5] =	wrdreg s26  }
0xc: {  	s3 =	smul.u32 $0x2710, s3;
	s9 =	ssub.s32 s9, s10;
	[dreg:$0x7] =	wrdreg s13  }
0xd: {  	s10 =	sadd.s32 s23, s14;
	s0 =	sadd.s32 s18, s0;
	[dreg:$0x8] =	wrdreg s15  }
0xe: {  	s10 =	sshrl.u32 s10, $0x3;
	s9 =	smax.u32 s9, $0x1;
	s6 =	sshrl.u32 s3, $0x3  }
0xf: {  	s3 =	sadd.s32 $0x22200, s5;
	s21 =	sadd.s32 s12, s10;
	[dreg:$0x10] =	wrdreg s9  }
0x10: {  	s8 =	sadd.s32 s6, s5;
	s5 =	sadd.s32 $0x49200, s5;
	[dreg:$0xe] =	wrdreg s21  }
0x11: {  	s6 =	sadd.s32 s4, s6;
	s8 =	sadd.s32 $0x18400, s8;
	[dreg:$0x9] =	wrdreg s5  }
0x12: {  	s23 =	sadd.s32 $0x190, s0;
	s16 =	sadd.s32 $0xA, s6;
	[dreg:$0x3] =	wrdreg s8  }
0x13: {  	s9 =	simm.s32 $0x5;
	s17 =	sadd.s32 $0x14, s6;
	[dreg:$0xa] =	wrdreg s16  }
0x14: {  	s10 =	simm.s32 $0x6;
	s19 =	sadd.s32 $0x4CE, s6;
	[dreg:$0xb] =	wrdreg s17  }
0x15: {  	s20 =	sadd.s32 $0x4D8, s6;
	s8 =	sadd.s32 s24, s1;
	[dreg:$0xc] =	wrdreg s19  }
0x16: {  	[dreg:$0xd] =	wrdreg s20;
	s24 =	sshrl.u32 s23, $0x3;
	s23 =	simm.s32 $0x2780  }
0x17: {  	[dreg:$0x4] =	wrdreg s8;
	s8 =	sadd.s32 s3, s25;
	s25 =	sadd.s32 $0x140, s0  }
0x18: {  	s20 =	sadd.s32 s24, s4;
	s24 =	simm.s32 $0x1;
	[dreg:$0x6] =	wrdreg s8  }
0x19: {  	s8 =	sshrl.u32 s14, $0x3;
	s26 =	sshrl.u32 s25, $0x3;
	s25 =	simm.s32 $0x2  }
0x1a: {  	s22 =	sadd.s32 s12, s8;
	s21 =	sadd.s32 s26, s4;
	s26 =	simm.s32 $0x50  }
0x1b: {  	s12 =	simm.s32 $0x0;
	s5 =	sadd.s32 $0x27000, s22;
	s22 =	sadd.s32 $0xF0, s0  }
0x1c: {  	s0 =	simm.s32 $0x7900;
	[dreg:$0xf] =	wrdreg s5;
	s5 =	simm.s32 $0x4  }
.LBB2_1:
0x1d: {  	s8 =	rddreg [dreg:$0x3]  }
0x1e: {  	s17 =	rddreg [dreg:$0x4]  }
0x1f: {  	s18 =	rddreg [dreg:$0x6]  }
0x20: {  	[tilespmem:s2], [sflag:$0x1] =	stream.linear.gather [hbm4b:s8+s2], $0x2710, $0x38;
	[tilespmem:$0x1D980] =	vst v63  }
0x21: {  	s13 =	rddreg [dreg:$0x7];
	s14 =	sshrl.u32 s17, $0x3  }
0x22: {  	[tilespmem:s23], [sflag:$0x2] =	stream.linear.gather [hbm4b:s6+s2], $0x50, $0x38;
	[tilespmem:$0x1D980] =	vst v63  }
0x23: {  	[spmem:s14], [sflag:s13] =	dma.local [hbm:s18], $0x2700  }
0x24: {  	s8 =	rddreg [dreg:$0x8]  }
0x25: {  	s15 =	rddreg [dreg:$0x9];
	s13 =	sshrl.u32 @!p0 s8, $0x3;
	s8 =	simm.s32 @!p0 $0x1C02  }
0x26: {  	[spmem:s13], [sflag:s8] =	dma.local @!p0 [hbm:s15], $0x100  }
0x27: {  	s8 =	simm.s32 @!p0 $0x2  }
0x28: {  	_ =	swait.ge @!p0 [sflag:s8], $0x100  }
0x29: {  	[sflag:s8] =	ssyncset.done @!p0 $0x0  }
0x2a: {  	[sflag:s8] =	ssyncadd.s32 @!p0 $0xFFFFFF00  }
0x2b: {  	_ =	swait.ge [sflag:s24], $0x2710  }
0x2c: {  	[sflag:s24] =	ssyncset.done $0x0  }
0x2d: {  	[sflag:s24] =	ssyncadd.s32 $0xFFFFD8F0  }
0x2e: {  	_ =	swait.ge [sflag:s25], $0x50  }
0x2f: {  	[sflag:s25] =	ssyncset.done $0x0  }
0x30: {  	[sflag:s25] =	ssyncadd.s32 $0xFFFFFFB0  }
0x31: {  	_ =	swait.ge [sflag:s24], $0x2700  }
0x32: {  	[sflag:s24] =	ssyncset.done $0x0  }
0x33: {  	[sflag:s24] =	ssyncadd.s32 $0xFFFFD900  }
0x34: {  	[bflag:$0x0] =	sbarrier.arrive $0xFFFF  }
0x35: {  	[tilespmem:s23], [sflag:$0x4] =	stream.linear.gather [hbm4b:s6+s2], $0x50, $0x38;
	[tilespmem:$0x1D980] =	vst v63  }
0x36: {  	_ = 	snop  }
0x37: {  	[tilespmem:s28], [sflag:$0x1] =	stream.indirect.gather [hbm4b:s3+s26], $0x80, s2, s26, $0xb8;
	[tilespmem:$0x1D980] =	vst v63  }
0x38: {  	s19 =	rddreg [dreg:$0xa]  }
0x39: {  	[tilespmem:s29], [sflag:$0x5] =	stream.linear.gather [hbm4b:s19+s2], $0x50, $0x38;
	[tilespmem:$0x1D980] =	vst v63  }
0x3a: {  	_ = 	snop  }
0x3b: {  	[tilespmem:s30], [sflag:$0x2] =	stream.indirect.gather [hbm4b:s3+s26], $0x80, s26, s26, $0xb8;
	[tilespmem:$0x1D980] =	vst v63  }
0x3c: {  	s15 =	rddreg [dreg:$0xb]  }
0x3d: {  	[tilespmem:s31], [sflag:$0x6] =	stream.linear.gather [hbm4b:s15+s2], $0x50, $0x38;
	[tilespmem:$0x1D980] =	vst v63  }
0x3e: {  	s16 =	simm.s32 $0xA0  }
0x3f: {  	[tilespmem:s0], [sflag:$0x3] =	stream.indirect.gather [hbm4b:s3+s26], $0x80, s16, s26, $0xb8;
	[tilespmem:$0x1D980] =	vst v63  }
0x40: {  	_ =	swait.ge [sflag:s5], $0x50  }
0x41: {  	[sflag:s5] =	ssyncset.done $0x0  }
0x42: {  	[sflag:s5] =	ssyncadd.s32 $0xFFFFFFB0  }
0x43: {  	_ =	swait.ge [sflag:s24], $0x2800  }
0x44: {  	[sflag:s24] =	ssyncset.done $0x0  }
0x45: {  	[sflag:s24] =	ssyncadd.s32 $0xFFFFD800  }
0x46: {  	[spmem:s1] =	stream.indirect.scatter.add.f32 [tilespmem:s28], [sflag:$0x7], $0x80, s23, s26, $0xb8;
	[tilespmem:$0x1D980] =	vst v63  }
0x47: {  	_ =	swait.ge [sflag:s7], $0x2800  }
0x48: {  	s17 =	sshrl.u32 s22, $0x3;
	[sflag:s7] =	ssyncset.done $0x0  }
0x49: {  	s8 =	sadd.s32 s4, s17;
	[sflag:s7] =	ssyncadd.s32 $0xFFFFD800  }
0x4a: {  	[tilespmem:s23], [sflag:$0x4] =	stream.linear.gather [hbm4b:s8+s2], $0x50, $0x38;
	[tilespmem:$0x1D980] =	vst v63  }
0x4b: {  	s18 =	simm.s32 $0xF0  }
0x4c: {  	[tilespmem:s28], [sflag:$0x1] =	stream.indirect.gather [hbm4b:s3+s26], $0x80, s18, s26, $0xb8;
	[tilespmem:$0x1D980] =	vst v63  }
0x4d: {  	_ =	swait.ge [sflag:s9], $0x50  }
0x4e: {  	[sflag:s9] =	ssyncset.done $0x0  }
0x4f: {  	[sflag:s9] =	ssyncadd.s32 $0xFFFFFFB0  }
0x50: {  	_ =	swait.ge [sflag:s25], $0x2800  }
0x51: {  	[sflag:s25] =	ssyncset.done $0x0  }
0x52: {  	[sflag:s25] =	ssyncadd.s32 $0xFFFFD800  }
0x53: {  	[spmem:s1] =	stream.indirect.scatter.add.f32 [tilespmem:s30], [sflag:$0x7], $0x80, s29, s26, $0xb8;
	[tilespmem:$0x1D980] =	vst v63  }
0x54: {  	_ =	swait.ge [sflag:s7], $0x2800  }
0x55: {  	[sflag:s7] =	ssyncset.done $0x0  }
0x56: {  	[sflag:s7] =	ssyncadd.s32 $0xFFFFD800  }
0x57: {  	[tilespmem:s29], [sflag:$0x5] =	stream.linear.gather [hbm4b:s21+s2], $0x50, $0x38;
	[tilespmem:$0x1D980] =	vst v63  }
0x58: {  	s19 =	simm.s32 $0x140  }
0x59: {  	[tilespmem:s30], [sflag:$0x2] =	stream.indirect.gather [hbm4b:s3+s26], $0x80, s19, s26, $0xb8;
	[tilespmem:$0x1D980] =	vst v63  }
0x5a: {  	_ =	swait.ge [sflag:s10], $0x50  }
0x5b: {  	[sflag:s10] =	ssyncset.done $0x0  }
0x5c: {  	[sflag:s10] =	ssyncadd.s32 $0xFFFFFFB0  }
0x5d: {  	_ =	swait.ge [sflag:s11], $0x2800  }
0x5e: {  	[sflag:s11] =	ssyncset.done $0x0  }
0x5f: {  	[sflag:s11] =	ssyncadd.s32 $0xFFFFD800  }
0x60: {  	[spmem:s1] =	stream.indirect.scatter.add.f32 [tilespmem:s0], [sflag:$0x7], $0x80, s31, s26, $0xb8;
	[tilespmem:$0x1D980] =	vst v63  }
0x61: {  	s17 =	sadd.s32 $0x1E, s21;
	_ =	swait.ge [sflag:s7], $0x2800  }
0x62: {  	s15 =	sadd.s32 $0xF0, s22;
	s16 =	sadd.s32 $0x1E, s20;
	[sflag:s7] =	ssyncset.done $0x0  }
0x63: {  	s8 =	simm.s32 $0x3C0;
	s18 =	simm.s32 $0x190;
	[sflag:s7] =	ssyncadd.s32 $0xFFFFD800  }
0x64: {  	[tilespmem:s31], [sflag:$0x6] =	stream.linear.gather [hbm4b:s20+s2], $0x50, $0x38;
	[tilespmem:$0x1D980] =	vst v63  }
.LBB2_2:
0x65: {  	[tilespmem:s0], [sflag:$0x3] =	stream.indirect.gather [hbm4b:s3+s26], $0x80, s18, s26, $0xb8;
	[tilespmem:$0x1D980] =	vst v63  }
0x66: {  	s18 =	smov.u32 s8  }
0x67: {  	p1 =	sne.s32 s8, $0x9240;
	s8 =	sadd.s32 $0x3C0, s8;
	_ =	swait.ge [sflag:s5], $0x50  }
0x68: {  	[sflag:s5] =	ssyncset.done $0x0  }
0x69: {  	[sflag:s5] =	ssyncadd.s32 $0xFFFFFFB0  }
0x6a: {  	_ =	swait.ge [sflag:s24], $0x2800  }
0x6b: {  	[sflag:s24] =	ssyncset.done $0x0  }
0x6c: {  	[sflag:s24] =	ssyncadd.s32 $0xFFFFD800  }
0x6d: {  	[spmem:s1] =	stream.indirect.scatter.add.f32 [tilespmem:s28], [sflag:$0x7], $0x80, s23, s26, $0xb8;
	[tilespmem:$0x1D980] =	vst v63  }
0x6e: {  	_ =	swait.ge [sflag:s7], $0x2800  }
0x6f: {  	s19 =	sshrl.u32 s15, $0x3;
	[sflag:s7] =	ssyncset.done $0x0  }
0x70: {  	s19 =	sadd.s32 s4, s19;
	s18 =	sshra.s32 s18, $0x2;
	[sflag:s7] =	ssyncadd.s32 $0xFFFFD800  }
0x71: {  	[tilespmem:s23], [sflag:$0x4] =	stream.linear.gather [hbm4b:s19+s2], $0x50, $0x38;
	[tilespmem:$0x1D980] =	vst v63  }
0x72: {  	s19 =	sadd.s32 $0xF0, s18  }
0x73: {  	[tilespmem:s28], [sflag:$0x1] =	stream.indirect.gather [hbm4b:s3+s26], $0x80, s19, s26, $0xb8;
	[tilespmem:$0x1D980] =	vst v63  }
0x74: {  	_ =	swait.ge [sflag:s9], $0x50  }
0x75: {  	[sflag:s9] =	ssyncset.done $0x0  }
0x76: {  	[sflag:s9] =	ssyncadd.s32 $0xFFFFFFB0  }
0x77: {  	_ =	swait.ge [sflag:s25], $0x2800  }
0x78: {  	[sflag:s25] =	ssyncset.done $0x0  }
0x79: {  	[sflag:s25] =	ssyncadd.s32 $0xFFFFD800  }
0x7a: {  	[spmem:s1] =	stream.indirect.scatter.add.f32 [tilespmem:s30], [sflag:$0x7], $0x80, s29, s26, $0xb8;
	[tilespmem:$0x1D980] =	vst v63  }
0x7b: {  	_ =	swait.ge [sflag:s7], $0x2800  }
0x7c: {  	[sflag:s7] =	ssyncset.done $0x0  }
0x7d: {  	[sflag:s7] =	ssyncadd.s32 $0xFFFFD800  }
0x7e: {  	[tilespmem:s29], [sflag:$0x5] =	stream.linear.gather [hbm4b:s17+s2], $0x50, $0x38;
	[tilespmem:$0x1D980] =	vst v63  }
0x7f: {  	s19 =	sadd.s32 $0x140, s18  }
0x80: {  	[tilespmem:s30], [sflag:$0x2] =	stream.indirect.gather [hbm4b:s3+s26], $0x80, s19, s26, $0xb8;
	[tilespmem:$0x1D980] =	vst v63  }
0x81: {  	_ =	swait.ge [sflag:s10], $0x50  }
0x82: {  	[sflag:s10] =	ssyncset.done $0x0  }
0x83: {  	[sflag:s10] =	ssyncadd.s32 $0xFFFFFFB0  }
0x84: {  	_ =	swait.ge [sflag:s11], $0x2800  }
0x85: {  	[sflag:s11] =	ssyncset.done $0x0  }
0x86: {  	[sflag:s11] =	ssyncadd.s32 $0xFFFFD800  }
0x87: {  	[spmem:s1] =	stream.indirect.scatter.add.f32 [tilespmem:s0], [sflag:$0x7], $0x80, s31, s26, $0xb8;
	[tilespmem:$0x1D980] =	vst v63  }
.Ltmp0:
0x88: {  	_ =	swait.ge [sflag:s7], $0x2800;
	(pc) =	sbr.rel @p1 .LBB2_2-.Ltmp0, $4  }
0x89: {  	[sflag:s7] =	ssyncset.done $0x0  }
0x8a: {  	s15 =	sadd.s32 $0xF0, s15;
	[sflag:s7] =	ssyncadd.s32 $0xFFFFD800  }
0x8b: {  	[tilespmem:s31], [sflag:$0x6] =	stream.linear.gather [hbm4b:s16+s2], $0x50, $0x38;
	[tilespmem:$0x1D980] =	vst v63  }
0x8c: {  	s18 =	sadd.s32 $0x190, s18;
	s17 =	sadd.s32 $0x1E, s17;
	s16 =	sadd.s32 $0x1E, s16  }
0x8d: {  	[tilespmem:s0], [sflag:$0x3] =	stream.indirect.gather [hbm4b:s3+s26], $0x80, s18, s26, $0xb8;
	[tilespmem:$0x1D980] =	vst v63  }
0x8e: {  	_ =	swait.ge [sflag:s5], $0x50  }
0x8f: {  	[sflag:s5] =	ssyncset.done $0x0  }
0x90: {  	[sflag:s5] =	ssyncadd.s32 $0xFFFFFFB0  }
0x91: {  	_ =	swait.ge [sflag:s24], $0x2800  }
0x92: {  	[sflag:s24] =	ssyncset.done $0x0  }
0x93: {  	[sflag:s24] =	ssyncadd.s32 $0xFFFFD800  }
0x94: {  	[spmem:s1] =	stream.indirect.scatter.add.f32 [tilespmem:s28], [sflag:$0x7], $0x80, s23, s26, $0xb8;
	[tilespmem:$0x1D980] =	vst v63  }
0x95: {  	_ =	swait.ge [sflag:s7], $0x2800  }
0x96: {  	[sflag:s7] =	ssyncset.done $0x0  }
0x97: {  	s8 =	rddreg [dreg:$0xc];
	[sflag:s7] =	ssyncadd.s32 $0xFFFFD800  }
0x98: {  	[tilespmem:s23], [sflag:$0x4] =	stream.linear.gather [hbm4b:s8+s2], $0x50, $0x38;
	[tilespmem:$0x1D980] =	vst v63  }
0x99: {  	s15 =	simm.s32 $0x2670  }
0x9a: {  	[tilespmem:s28], [sflag:$0x1] =	stream.indirect.gather [hbm4b:s3+s26], $0x80, s15, s26, $0xb8;
	[tilespmem:$0x1D980] =	vst v63  }
0x9b: {  	_ =	swait.ge [sflag:s9], $0x50  }
0x9c: {  	[sflag:s9] =	ssyncset.done $0x0  }
0x9d: {  	[sflag:s9] =	ssyncadd.s32 $0xFFFFFFB0  }
0x9e: {  	_ =	swait.ge [sflag:s25], $0x2800  }
0x9f: {  	[sflag:s25] =	ssyncset.done $0x0  }
0xa0: {  	[sflag:s25] =	ssyncadd.s32 $0xFFFFD800  }
0xa1: {  	[spmem:s1] =	stream.indirect.scatter.add.f32 [tilespmem:s30], [sflag:$0x7], $0x80, s29, s26, $0xb8;
	[tilespmem:$0x1D980] =	vst v63  }
0xa2: {  	_ =	swait.ge [sflag:s7], $0x2800  }
0xa3: {  	[sflag:s7] =	ssyncset.done $0x0  }
0xa4: {  	s16 =	rddreg [dreg:$0xd];
	[sflag:s7] =	ssyncadd.s32 $0xFFFFD800  }
0xa5: {  	[tilespmem:s29], [sflag:$0x5] =	stream.linear.gather [hbm4b:s16+s2], $0x50, $0x38;
	[tilespmem:$0x1D980] =	vst v63  }
0xa6: {  	s17 =	simm.s32 $0x26C0  }
0xa7: {  	[tilespmem:s30], [sflag:$0x2] =	stream.indirect.gather [hbm4b:s3+s26], $0x80, s17, s26, $0xb8;
	[tilespmem:$0x1D980] =	vst v63  }
0xa8: {  	_ =	swait.ge [sflag:s10], $0x50  }
0xa9: {  	[sflag:s10] =	ssyncset.done $0x0  }
0xaa: {  	[sflag:s10] =	ssyncadd.s32 $0xFFFFFFB0  }
0xab: {  	_ =	swait.ge [sflag:s11], $0x2800  }
0xac: {  	[sflag:s11] =	ssyncset.done $0x0  }
0xad: {  	[sflag:s11] =	ssyncadd.s32 $0xFFFFD800  }
0xae: {  	[spmem:s1] =	stream.indirect.scatter.add.f32 [tilespmem:s0], [sflag:$0x7], $0x80, s31, s26, $0xb8;
	[tilespmem:$0x1D980] =	vst v63  }
0xaf: {  	_ =	swait.ge [sflag:s7], $0x2800  }
0xb0: {  	[sflag:s7] =	ssyncset.done $0x0  }
0xb1: {  	[sflag:s7] =	ssyncadd.s32 $0xFFFFD800  }
0xb2: {  	_ =	swait.ge [sflag:s5], $0x50  }
0xb3: {  	[sflag:s5] =	ssyncset.done $0x0  }
0xb4: {  	[sflag:s5] =	ssyncadd.s32 $0xFFFFFFB0  }
0xb5: {  	_ =	swait.ge [sflag:s24], $0x2800  }
0xb6: {  	[sflag:s24] =	ssyncset.done $0x0  }
0xb7: {  	[sflag:s24] =	ssyncadd.s32 $0xFFFFD800  }
0xb8: {  	[spmem:s1] =	stream.indirect.scatter.add.f32 [tilespmem:s28], [sflag:$0x7], $0x80, s23, s26, $0xb8;
	[tilespmem:$0x1D980] =	vst v63  }
0xb9: {  	_ =	swait.ge [sflag:s7], $0x2800  }
0xba: {  	[sflag:s7] =	ssyncset.done $0x0  }
0xbb: {  	[sflag:s7] =	ssyncadd.s32 $0xFFFFD800  }
0xbc: {  	_ =	swait.ge [sflag:s9], $0x50  }
0xbd: {  	[sflag:s9] =	ssyncset.done $0x0  }
0xbe: {  	[sflag:s9] =	ssyncadd.s32 $0xFFFFFFB0  }
0xbf: {  	_ =	swait.ge [sflag:s25], $0x2800  }
0xc0: {  	[sflag:s25] =	ssyncset.done $0x0  }
0xc1: {  	[sflag:s25] =	ssyncadd.s32 $0xFFFFD800  }
0xc2: {  	[spmem:s1] =	stream.indirect.scatter.add.f32 [tilespmem:s30], [sflag:$0x7], $0x80, s29, s26, $0xb8;
	[tilespmem:$0x1D980] =	vst v63  }
0xc3: {  	_ =	swait.ge [sflag:s7], $0x2800  }
0xc4: {  	[sflag:s7] =	ssyncset.done $0x0  }
0xc5: {  	[sflag:s7] =	ssyncadd.s32 $0xFFFFD800  }
0xc6: {  	[bflag:$0x0] =	sbarrier.arrive $0xFFFF  }
0xc7: {  	s18 =	rddreg [dreg:$0x5]  }
0xc8: {  	s15 =	rddreg [dreg:$0xe];
	s8 =	sor.u32 $0x1C07, s18  }
0xc9: {  	[hbm:s15], [sflag:s8] =	dma.local [spmem:s14], $0x2700  }
0xca: {  	_ =	swait.ge [sflag:s7], $0x2700  }
0xcb: {  	[sflag:s7] =	ssyncset.done $0x0  }
0xcc: {  	s14 =	rddreg [dreg:$0xf];
	[sflag:s7] =	ssyncadd.s32 $0xFFFFD900  }
0xcd: {  	[hbm:s14], [sflag:s8] =	dma.local @!p0 [spmem:s13], $0x100  }
0xce: {  	s8 =	simm.s32 @!p0 $0x7  }
0xcf: {  	_ =	swait.ge @!p0 [sflag:s8], $0x100  }
0xd0: {  	s12 =	sadd.s32 $0x1, s12;
	s19 =	rddreg [dreg:$0x10]  }
0xd1: {  	p1 =	sne.s32 s12, s19  }
.Ltmp1:
0xd2: {  	_ = 	snop;
	(pc) =	sbr.rel @p1 .LBB2_1-.Ltmp1, $3  }
0xd3: {  	_ =	sdelay $0x1  }
0xd4: {  	[sflag:s8] =	ssyncset.done @!p0 $0x0  }
0xd5: {  	[sflag:s8] =	ssyncadd.s32 @!p0 $0xFFFFFF00  }
0xd6: {  	_ =	sfence.sel $0x180000  }
0xd7: {  	[bflag:$0x0] =	sbarrier.arrive $0xFFFF  }
0xd8: {  	_ =	strace $0x90000047  }
0xd9: {  	[bflag:$0x2] =	sbarrier.arrive $0xFFFF  }
0xda: {  	s0 =	rddreg [dreg:$0x2]  }
0xdb: {  	s0 =	sadd.s32 @!p0 $0x100000, s0  }
0xdc: {  	[sflag:s0] =	ssyncadd.tile.s32 @!p0 $0x1;
	_ =	shalt  }
.Lfunc_end2:
_tile_overlayer_lowered:
.L_overlay_start_2:
0xdd: {  	(tag) =	ssettag $0x2  }
0xde: {  	s0 =	rddreg [dreg:$0x0];
	s2 =	stileid.u32  }
0xdf: {  	s1 =	rddreg [dreg:$0x1];
	p0 =	sne.s32 s2, $0x0  }
0xe0: {  	s3 =	rddreg [dreg:$0x2];
	[bflag:$0x3] =	sbarrier.arrive $0xFFFF;
	s2 =	simm.s32 @!p0 $0x1C07  }
0xe1: {  	[timem:s3], [sflag:s2] =	dma.local @!p0 [hbm:s0], s1  }
0xe2: {  	s0 =	simm.s32 @!p0 $0x7  }
0xe3: {  	_ =	swait.ge @!p0 [sflag:s0], s1  }
0xe4: {  	s1 =	ssub.s32 @!p0 $0x0, s1;
	[sflag:s0] =	ssyncset.done @!p0 $0x0  }
0xe5: {  	[sflag:s0] =	ssyncadd.s32 @!p0 s1  }
0xe6: {  	[bflag:$0x3] =	sbarrier.arrive $0xFFFF  }
0xe7: {  	_ =	shalt  }

// kernel: kernel.17.cloned.1.call-start
scs
__scs_entry_jumppad:
0x0: {  	(pc) =	sbr.rel $0x88, $3  }
0x1: {  	(tag) =	ssettag $0x0;
	lr =	simm.s32 $0x1  }
0x2: {  	[smem:$0x3F4F] =	sst lr;
	_ =	strace $0xD0000000  }
0x3: {  	_ = 	snop  }
0x4: {  	_ = 	snop  }
0x5: {  	_ = 	snop  }
0x6: {  	_ = 	snop  }
0x7: {  	_ = 	snop  }
__scs_overlays_trampoline_lowered:
0x8: {  	[smem:$0x3F5E] =	sst s0  }
0x9: {  	[smem:$0x3F5F] =	sst s1  }
0xa: {  	[smem:$0x3F60] =	sst s2  }
0xb: {  	[smem:$0x3F61] =	sst s3  }
0xc: {  	[smem:$0x3F62] =	sst s4  }
0xd: {  	[smem:$0x3F63] =	sst s5  }
0xe: {  	[smem:$0x3F64] =	sst s6  }
0xf: {  	[smem:$0x3F65] =	sst s7  }
0x10: {  	[smem:$0x3F66] =	sst s8  }
0x11: {  	[smem:$0x3F67] =	sst s9;
	s0 =	simm.s32 @!p0 $0x0  }
0x12: {  	s1 =	sld [smem:$0x3F4D];
	s0 =	simm.s32 @p0 $0x1  }
0x13: {  	[smem:$0x3F68] =	sst s0;
	s0 =	simm.s32 @!p1 $0x0  }
0x14: {  	s2 =	sld [smem:$0x3F4C];
	s0 =	simm.s32 @p1 $0x1  }
0x15: {  	[smem:$0x3F69] =	sst s0;
	s0 =	simm.s32 @!p2 $0x0  }
0x16: {  	s3 =	sld [smem:$0x3FDB];
	s0 =	simm.s32 @p2 $0x1  }
0x17: {  	s4 =	simm.s32 $0x1BF5;
	[smem:$0x3F6B] =	sst s0  }
0x18: {  	s0 =	sld [smem:$0x3F4E];
	_ =	swait.ge [sflag:s4], $0x0  }
0x19: {  	s7 =	sld [smem:$0x3F4F]  }
0x1a: {  	s8 =	sadd.s32 $0xFFFFE003, lr  }
0x1b: {  	s9 =	sadd.s32 $0xFFFFFEF7, lr;
	s5 =	simm.s32 $0xFFFFFFFF;
	p2 =	slt.u32 s8, $0xFFFFF086  }
0x1c: {  	p1 =	slt.u32 s9, $0xF7A;
	s5 =	simm.s32 @!p2 $0x0  }
0x1d: {  	s5 =	simm.s32 @p1 $0x1;
	p0 =	seq.s32 s7, s2  }
0x1e: {  	s7 =	smul.u32 @!p0 $0xF7A, s2;
	p2 =	seq.s32 @!p0 s5, $0x0  }
0x1f: {  	s9 =	smul.u32 $0xF7A, s1;
	s8 =	simm.s32 @!p0 $0x1BF5;
	p2 =	por !p2, p0  }
0x20: {  	[sflag:s8] =	ssyncset.s32 @!p0 $0xFFFFF086;
	s6 =	sadd.s32 @!p0 s3, s7;
	s7 =	simm.s32 @!p0 $0x108  }
0x21: {  	s3 =	sadd.s32 s3, s9;
	s6 =	sadd.s32 @!p0 $0x88, s6;
	s7 =	simm.s32 @p2 $0x1082  }
0x22: {  	[simem:s7], [sflag:s8] =	dma.local @!p0 [hbm:s6], $0xF7A  }
0x23: {  	s9 =	sor.u32 $0xD0000000, s2;
	s6 =	simm.s32 $0x108;
	_ =	swait.ge @!p0 [sflag:s8], $0x0  }
0x24: {  	s3 =	sadd.s32 $0x88, s3;
	s6 =	simm.s32 @!p1 $0x1082;
	[sflag:s4] =	ssyncset.s32 $0xFFFFF086  }
0x25: {  	[simem:s6], [sflag:s4] =	dma.local [hbm:s3], $0xF7A  }
0x26: {  	[smem:$0x3F4F] =	sst s1;
	(tag) =	ssettag s2;
	_ =	strace s9  }
0x27: {  	s1 =	sld [smem:$0x3F5F]  }
0x28: {  	s2 =	sld [smem:$0x3F60]  }
0x29: {  	s4 =	sld [smem:$0x3F62]  }
0x2a: {  	p0 =	seq.s32 s5, $0x0;
	s5 =	sld [smem:$0x3F63]  }
0x2b: {  	s6 =	sld [smem:$0x3F64]  }
0x2c: {  	s7 =	sld [smem:$0x3F65]  }
0x2d: {  	s3 =	simm.s32 $0x108;
	s8 =	sld [smem:$0x3F66]  }
0x2e: {  	s3 =	simm.s32 @!p0 $0x1082;
	s9 =	sld [smem:$0x3F67]  }
0x2f: {  	lr =	sadd.s32 s0, s3;
	s0 =	sld [smem:$0x3F5E]  }
0x30: {  	s3 =	sld [smem:$0x3F61]  }
0x31: {  	[smem:$0x3F6A] =	sst s10  }
0x32: {  	s10 =	sld [smem:$0x3F68];
	_ =	sdelay $0x3  }
0x33: {  	p0 =	seq.s32 s10, $0x1;
	s10 =	sld [smem:$0x3F6A];
	_ =	sdelay $0x3  }
0x34: {  	[smem:$0x3F6A] =	sst s10  }
0x35: {  	s10 =	sld [smem:$0x3F69];
	_ =	sdelay $0x3  }
0x36: {  	p1 =	seq.s32 s10, $0x1;
	s10 =	sld [smem:$0x3F6A];
	_ =	sdelay $0x3  }
0x37: {  	[smem:$0x3F6A] =	sst s10  }
0x38: {  	s10 =	sld [smem:$0x3F6B]  }
0x39: {  	_ = 	snop;
	(pc) =	sbr.ind lr, $3  }
0x3a: {  	_ = 	snop  }
0x3b: {  	_ = 	snop  }
0x3c: {  	p2 =	seq.s32 s10, $0x1;
	s10 =	sld [smem:$0x3F6A]  }
0x3d: {  	_ =	shalt  }
0x3e: {  	_ =	shalt  }
0x3f: {  	_ =	shalt  }
0x40: {  	_ =	shalt  }
0x41: {  	_ =	shalt  }
0x42: {  	_ =	shalt  }
0x43: {  	_ =	shalt  }
0x44: {  	_ =	shalt  }
0x45: {  	_ =	shalt  }
0x46: {  	_ =	shalt  }
0x47: {  	_ =	shalt  }
0x48: {  	_ =	shalt  }
0x49: {  	_ =	shalt  }
0x4a: {  	_ =	shalt  }
0x4b: {  	_ =	shalt  }
0x4c: {  	_ =	shalt  }
0x4d: {  	_ =	shalt  }
0x4e: {  	_ =	shalt  }
0x4f: {  	_ =	shalt  }
0x50: {  	_ =	shalt  }
0x51: {  	_ =	shalt  }
0x52: {  	_ =	shalt  }
0x53: {  	_ =	shalt  }
0x54: {  	_ =	shalt  }
0x55: {  	_ =	shalt  }
0x56: {  	_ =	shalt  }
0x57: {  	_ =	shalt  }
0x58: {  	_ =	shalt  }
0x59: {  	_ =	shalt  }
0x5a: {  	_ =	shalt  }
0x5b: {  	_ =	shalt  }
0x5c: {  	_ =	shalt  }
0x5d: {  	_ =	shalt  }
0x5e: {  	_ =	shalt  }
0x5f: {  	_ =	shalt  }
0x60: {  	_ =	shalt  }
0x61: {  	_ =	shalt  }
0x62: {  	_ =	shalt  }
0x63: {  	_ =	shalt  }
0x64: {  	_ =	shalt  }
0x65: {  	_ =	shalt  }
0x66: {  	_ =	shalt  }
0x67: {  	_ =	shalt  }
0x68: {  	_ =	shalt  }
0x69: {  	_ =	shalt  }
0x6a: {  	_ =	shalt  }
0x6b: {  	_ =	shalt  }
0x6c: {  	_ =	shalt  }
0x6d: {  	_ =	shalt  }
0x6e: {  	_ =	shalt  }
0x6f: {  	_ =	shalt  }
0x70: {  	_ =	shalt  }
0x71: {  	_ =	shalt  }
0x72: {  	_ =	shalt  }
0x73: {  	_ =	shalt  }
0x74: {  	_ =	shalt  }
0x75: {  	_ =	shalt  }
0x76: {  	_ =	shalt  }
0x77: {  	_ =	shalt  }
0x78: {  	_ =	shalt  }
0x79: {  	_ =	shalt  }
0x7a: {  	_ =	shalt  }
0x7b: {  	_ =	shalt  }
0x7c: {  	_ =	shalt  }
0x7d: {  	_ =	shalt  }
0x7e: {  	_ =	shalt  }
0x7f: {  	_ =	shalt  }
0x80: {  	_ =	shalt  }
0x81: {  	_ =	shalt  }
0x82: {  	_ =	shalt  }
0x83: {  	_ =	shalt  }
0x84: {  	_ =	shalt  }
0x85: {  	_ =	shalt  }
0x86: {  	_ =	shalt  }
0x87: {  	_ =	shalt  }
.Lfunc_end0:
.L_simem_size_0:
called_computation.1_lowered:
.L_overlay_start_0:
0x88: {  	s2 =	sld [smem:$0x3FD9]  }
0x89: {  	s3 =	sld [smem:$0x3FFE];
	_ =	sdelay $0x1  }
0x8a: {  	s1 =	srdreg.scid  }
0x8b: {  	s0 =	sand.u32 $0x1, s1  }
0x8c: {  	s16 =	sshll.u32 s0, $0xA;
	s2 =	sadd.s32 s3, s2  }
0x8d: {  	s2 =	sadd.s32 s2, s16  }
0x8e: {  	[smem:$0x3F76] =	sst s2  }
0x8f: {  	_ = 	snop  }
0x90: {  	(tm) =	ssettm $0x1  }
0x91: {  	s17 =	sld [smem:$0x3FFB];
	_ =	sdelay $0x3  }
0x92: {  	_ =	strace s17  }
0x93: {  	s2 =	sld [smem:$0x3FFC];
	_ =	sdelay $0x3  }
0x94: {  	_ =	strace s2  }
0x95: {  	s2 =	sld [smem:$0x3FFD];
	_ =	sdelay $0x3  }
0x96: {  	_ =	strace s2  }
0x97: {  	_ =	strace $0x8FFFFFFF  }
0x98: {  	s18 =	sld [smem:$0x3FDB];
	_ =	sdelay $0x1  }
0x99: {  	s19 =	simm.s32 $_scs_section_size  }
0x9a: {  	s4 =	simm.s32 $_size__tile_overlayer_lowered;
	s5 =	simm.s32 $_tile_overlayer_lowered  }
0x9b: {  	s22 =	simm.s32 $0x1BFF;
	s21 =	sshll.u32 s5, $0x1;
	s2 =	sadd.s32 s19, s18  }
0x9c: {  	s6 =	simm.s32 $0x0;
	s20 =	sshll.u32 s4, $0x1;
	s4 =	sadd.s32 s21, s2  }
0x9d: {  	[timem:s6], [sflag:s22] =	dma.local [hbm:s4], s20  }
0x9e: {  	_ =	swait.ge [sflag:s22], s20  }
0x9f: {  	s3 =	ssub.s32 $0x0, s20;
	[sflag:s22] =	ssyncset.done $0x0  }
0xa0: {  	[sflag:s22] =	ssyncadd.s32 s3;
	_ =	sdelay $0x1  }
0xa1: {  	s23 =	simm.s32 $0x1B8B  }
0xa2: {  	_ =	swait.ge [sflag:s23], $0x1  }
0xa3: {  	[sflag:s23] =	ssyncset.done $0x0  }
0xa4: {  	s25 =	simm.s32 $0x1B8E;
	s24 =	sld [smem:$0x3FFE];
	[sflag:s23] =	ssyncadd.s32 $0xFFFFFFFF  }
0xa5: {  	s26 =	simm.s32 $execute0_lowered;
	[smem:$0x3FD2] =	sst s25  }
0xa6: {  	s4 =	sshll.u32 s26, $0x1;
	_ =	strace $0x80000049;
	[dreg:$0x1] =	wrdreg $0xFFFFFFFF  }
0xa7: {  	s28 =	simm.s32 $_size_execute0_lowered;
	s2 =	sadd.s32 s2, s4;
	[dreg:$0x0] =	wrdreg $0x0  }
0xa8: {  	s4 =	sshll.u32 s28, $0x1;
	[dreg:$0x2] =	wrdreg s2  }
0xa9: {  	[dreg:$0x3] =	wrdreg s4  }
0xaa: {  	[dreg:$0x4] =	wrdreg $0xC0  }
0xab: {  	_ =	task [dreg:s6], $0x5FFFF  }
0xac: {  	[dreg:$0x1] =	wrdreg $0xFFFFFFFF  }
0xad: {  	[dreg:$0x0] =	wrdreg $0x60  }
0xae: {  	[dreg:$0x2] =	wrdreg s24  }
0xaf: {  	[dreg:$0x3] =	wrdreg $0xA1000  }
0xb0: {  	[dreg:$0x4] =	wrdreg $0x9  }
0xb1: {  	_ =	task.clear_ibuf [dreg:s6], $0x5FFFF;
	_ =	strace $0x90000049  }
0xb2: {  	s29 =	simm.s32 $0x9;
	_ =	strace $0x8000004B  }
0xb3: {  	_ =	swait.ge [sflag:s29], $0x1  }
0xb4: {  	[sflag:s29] =	ssyncadd.s32 $0xFFFFFFFF  }
0xb5: {  	_ =	strace $0x9000004B  }
0xb6: {  	_ =	sfence  }
0xb7: {  	s30 =	sld [smem:$0x0];
	_ =	sdelay $0x2  }
0xb8: {  	s31 =	sshll.u32 s1, $0xD;
	s1 =	sshrl.u32 s1, $0x2  }
0xb9: {  	s3 =	sand.u32 $0x4000, s31;
	s1 =	sadd.s32 s1, s30  }
0xba: {  	s0 =	sor.u32 s3, s0;
	s1 =	sshll.u32 s1, $0x11  }
0xbb: {  	s0 =	sor.u32 s1, s0  }
0xbc: {  	s0 =	sadd.s32 $0x8F2B, s0  }
0xbd: {  	[sflag:s0] =	ssyncadd.remote.s32 $0x1  }
0xbe: {  	_ =	sfence.sel $0xFFFF  }
0xbf: {  	[dreg:$0x0] =	wrdreg $0xFFFFFFFF;
	(pc) =	sbr.abs _section_cstart, $3  }
0xc0: {  	[dreg:$0x1] =	wrdreg $0xFFFFFFFF  }
0xc1: {  	_ =	task.clear_ibuf [dreg:s6], $0x2FFFF;
	_ =	strace $0x9FFFFFFF  }
0xc2: {  	(tm) =	ssettm $0x7FFFFFFF  }
0xc3: {  	_ =	shalt  }
tec
execute0_lowered:
.L_overlay_start_1:
0x0: {  	(tag) =	ssettag $0x1  }
0x1: {  	s0 =	srdreg.scid;
	s5 =	rddreg [dreg:$0x0]  }
0x2: {  	s7 =	stileid.u32;
	s1 =	rddreg [dreg:$0x1];
	s28 =	simm.s32 $0x2900  }
0x3: {  	s29 =	simm.s32 $0x2800;
	s30 =	simm.s32 $0x5100;
	s31 =	simm.s32 $0x2880  }
0x4: {  	s0 =	sand.u32 $0x1, s0;
	s4 =	sadd.s32 $0xE600, s5;
	s11 =	smul.u32 $0x4E000, s7  }
0x5: {  	s12 =	sadd.s32 $0x49400, s5;
	s23 =	smul.u32 $0x13800, s7;
	s26 =	sshll.u32 s7, $0x6  }
0x6: {  	s15 =	sadd.s32 $0x138000, s1;
	s18 =	smul.u32 $0x2710, s7;
	p0 =	sne.s32 s7, $0x0  }
0x7: {  	s2 =	sshll.u32 s0, $0x4;
	s9 =	ssub.s32 $0x2, s0;
	s14 =	smul.u32 $0x138800, s0  }
0x8: {  	s13 =	sor.u32 $0x1C01, s26;
	s0 =	smul.u32 $0x27100, s0;
	s3 =	sor.u32 s7, s2  }
0x9: {  	s2 =	simm.s32 $0x0;
	s10 =	sshrl.u32 s9, $0x1;
	s24 =	sshrl.u32 s11, $0x2  }
0xa: {  	s25 =	sshrl.u32 s23, $0x3;
	s7 =	simm.s32 $0x7;
	[smem:$0x7FF] =	sst s2  }
0xb: {  	s11 =	simm.s32 $0x3;
	_ =	strace $0x8000004A;
	[dreg:$0x5] =	wrdreg s26  }
0xc: {  	s3 =	smul.u32 $0x2710, s3;
	s9 =	ssub.s32 s9, s10;
	[dreg:$0x7] =	wrdreg s13  }
0xd: {  	s10 =	sadd.s32 s23, s14;
	s0 =	sadd.s32 s18, s0;
	[dreg:$0x8] =	wrdreg s15  }
0xe: {  	s10 =	sshrl.u32 s10, $0x3;
	s9 =	smax.u32 s9, $0x1;
	s6 =	sshrl.u32 s3, $0x3  }
0xf: {  	s3 =	sadd.s32 $0x22200, s5;
	s21 =	sadd.s32 s12, s10;
	[dreg:$0x10] =	wrdreg s9  }
0x10: {  	s8 =	sadd.s32 s6, s5;
	s5 =	sadd.s32 $0x49200, s5;
	[dreg:$0xe] =	wrdreg s21  }
0x11: {  	s6 =	sadd.s32 s4, s6;
	s8 =	sadd.s32 $0x18400, s8;
	[dreg:$0x9] =	wrdreg s5  }
0x12: {  	s23 =	sadd.s32 $0x190, s0;
	s16 =	sadd.s32 $0xA, s6;
	[dreg:$0x3] =	wrdreg s8  }
0x13: {  	s9 =	simm.s32 $0x5;
	s17 =	sadd.s32 $0x14, s6;
	[dreg:$0xa] =	wrdreg s16  }
0x14: {  	s10 =	simm.s32 $0x6;
	s19 =	sadd.s32 $0x4CE, s6;
	[dreg:$0xb] =	wrdreg s17  }
0x15: {  	s20 =	sadd.s32 $0x4D8, s6;
	s8 =	sadd.s32 s24, s1;
	[dreg:$0xc] =	wrdreg s19  }
0x16: {  	[dreg:$0xd] =	wrdreg s20;
	s24 =	sshrl.u32 s23, $0x3;
	s23 =	simm.s32 $0x2780  }
0x17: {  	[dreg:$0x4] =	wrdreg s8;
	s8 =	sadd.s32 s3, s25;
	s25 =	sadd.s32 $0x140, s0  }
0x18: {  	s20 =	sadd.s32 s24, s4;
	s24 =	simm.s32 $0x1;
	[dreg:$0x6] =	wrdreg s8  }
0x19: {  	s8 =	sshrl.u32 s14, $0x3;
	s26 =	sshrl.u32 s25, $0x3;
	s25 =	simm.s32 $0x2  }
0x1a: {  	s22 =	sadd.s32 s12, s8;
	s21 =	sadd.s32 s26, s4;
	s26 =	simm.s32 $0x50  }
0x1b: {  	s12 =	simm.s32 $0x0;
	s5 =	sadd.s32 $0x27000, s22;
	s22 =	sadd.s32 $0xF0, s0  }
0x1c: {  	s0 =	simm.s32 $0x7900;
	[dreg:$0xf] =	wrdreg s5;
	s5 =	simm.s32 $0x4  }
.LBB2_1:
0x1d: {  	s8 =	rddreg [dreg:$0x3]  }
0x1e: {  	s17 =	rddreg [dreg:$0x4]  }
0x1f: {  	s18 =	rddreg [dreg:$0x6]  }
0x20: {  	[tilespmem:s2], [sflag:$0x1] =	stream.linear.gather [hbm4b:s8+s2], $0x2710, $0x38;
	[tilespmem:$0x1D980] =	vst v63  }
0x21: {  	s13 =	rddreg [dreg:$0x7];
	s14 =	sshrl.u32 s17, $0x3  }
0x22: {  	[tilespmem:s23], [sflag:$0x2] =	stream.linear.gather [hbm4b:s6+s2], $0x50, $0x38;
	[tilespmem:$0x1D980] =	vst v63  }
0x23: {  	[spmem:s14], [sflag:s13] =	dma.local [hbm:s18], $0x2700  }
0x24: {  	s8 =	rddreg [dreg:$0x8]  }
0x25: {  	s15 =	rddreg [dreg:$0x9];
	s13 =	sshrl.u32 @!p0 s8, $0x3;
	s8 =	simm.s32 @!p0 $0x1C02  }
0x26: {  	[spmem:s13], [sflag:s8] =	dma.local @!p0 [hbm:s15], $0x100  }
0x27: {  	s8 =	simm.s32 @!p0 $0x2  }
0x28: {  	_ =	swait.ge @!p0 [sflag:s8], $0x100  }
0x29: {  	[sflag:s8] =	ssyncset.done @!p0 $0x0  }
0x2a: {  	[sflag:s8] =	ssyncadd.s32 @!p0 $0xFFFFFF00  }
0x2b: {  	_ =	swait.ge [sflag:s24], $0x2710  }
0x2c: {  	[sflag:s24] =	ssyncset.done $0x0  }
0x2d: {  	[sflag:s24] =	ssyncadd.s32 $0xFFFFD8F0  }
0x2e: {  	_ =	swait.ge [sflag:s25], $0x50  }
0x2f: {  	[sflag:s25] =	ssyncset.done $0x0  }
0x30: {  	[sflag:s25] =	ssyncadd.s32 $0xFFFFFFB0  }
0x31: {  	_ =	swait.ge [sflag:s24], $0x2700  }
0x32: {  	[sflag:s24] =	ssyncset.done $0x0  }
0x33: {  	[sflag:s24] =	ssyncadd.s32 $0xFFFFD900  }
0x34: {  	[bflag:$0x0] =	sbarrier.arrive $0xFFFF  }
0x35: {  	[tilespmem:s23], [sflag:$0x4] =	stream.linear.gather [hbm4b:s6+s2], $0x50, $0x38;
	[tilespmem:$0x1D980] =	vst v63  }
0x36: {  	_ = 	snop  }
0x37: {  	[tilespmem:s28], [sflag:$0x1] =	stream.indirect.gather [hbm4b:s3+s26], $0x80, s2, s26, $0xb8;
	[tilespmem:$0x1D980] =	vst v63  }
0x38: {  	s19 =	rddreg [dreg:$0xa]  }
0x39: {  	[tilespmem:s29], [sflag:$0x5] =	stream.linear.gather [hbm4b:s19+s2], $0x50, $0x38;
	[tilespmem:$0x1D980] =	vst v63  }
0x3a: {  	_ = 	snop  }
0x3b: {  	[tilespmem:s30], [sflag:$0x2] =	stream.indirect.gather [hbm4b:s3+s26], $0x80, s26, s26, $0xb8;
	[tilespmem:$0x1D980] =	vst v63  }
0x3c: {  	s15 =	rddreg [dreg:$0xb]  }
0x3d: {  	[tilespmem:s31], [sflag:$0x6] =	stream.linear.gather [hbm4b:s15+s2], $0x50, $0x38;
	[tilespmem:$0x1D980] =	vst v63  }
0x3e: {  	s16 =	simm.s32 $0xA0  }
0x3f: {  	[tilespmem:s0], [sflag:$0x3] =	stream.indirect.gather [hbm4b:s3+s26], $0x80, s16, s26, $0xb8;
	[tilespmem:$0x1D980] =	vst v63  }
0x40: {  	_ =	swait.ge [sflag:s5], $0x50  }
0x41: {  	[sflag:s5] =	ssyncset.done $0x0  }
0x42: {  	[sflag:s5] =	ssyncadd.s32 $0xFFFFFFB0  }
0x43: {  	_ =	swait.ge [sflag:s24], $0x2800  }
0x44: {  	[sflag:s24] =	ssyncset.done $0x0  }
0x45: {  	[sflag:s24] =	ssyncadd.s32 $0xFFFFD800  }
0x46: {  	[spmem:s1] =	stream.indirect.scatter.add.f32 [tilespmem:s28], [sflag:$0x7], $0x80, s23, s26, $0xb8;
	[tilespmem:$0x1D980] =	vst v63  }
0x47: {  	_ =	swait.ge [sflag:s7], $0x2800  }
0x48: {  	s17 =	sshrl.u32 s22, $0x3;
	[sflag:s7] =	ssyncset.done $0x0  }
0x49: {  	s8 =	sadd.s32 s4, s17;
	[sflag:s7] =	ssyncadd.s32 $0xFFFFD800  }
0x4a: {  	[tilespmem:s23], [sflag:$0x4] =	stream.linear.gather [hbm4b:s8+s2], $0x50, $0x38;
	[tilespmem:$0x1D980] =	vst v63  }
0x4b: {  	s18 =	simm.s32 $0xF0  }
0x4c: {  	[tilespmem:s28], [sflag:$0x1] =	stream.indirect.gather [hbm4b:s3+s26], $0x80, s18, s26, $0xb8;
	[tilespmem:$0x1D980] =	vst v63  }
0x4d: {  	_ =	swait.ge [sflag:s9], $0x50  }
0x4e: {  	[sflag:s9] =	ssyncset.done $0x0  }
0x4f: {  	[sflag:s9] =	ssyncadd.s32 $0xFFFFFFB0  }
0x50: {  	_ =	swait.ge [sflag:s25], $0x2800  }
0x51: {  	[sflag:s25] =	ssyncset.done $0x0  }
0x52: {  	[sflag:s25] =	ssyncadd.s32 $0xFFFFD800  }
0x53: {  	[spmem:s1] =	stream.indirect.scatter.add.f32 [tilespmem:s30], [sflag:$0x7], $0x80, s29, s26, $0xb8;
	[tilespmem:$0x1D980] =	vst v63  }
0x54: {  	_ =	swait.ge [sflag:s7], $0x2800  }
0x55: {  	[sflag:s7] =	ssyncset.done $0x0  }
0x56: {  	[sflag:s7] =	ssyncadd.s32 $0xFFFFD800  }
0x57: {  	[tilespmem:s29], [sflag:$0x5] =	stream.linear.gather [hbm4b:s21+s2], $0x50, $0x38;
	[tilespmem:$0x1D980] =	vst v63  }
0x58: {  	s19 =	simm.s32 $0x140  }
0x59: {  	[tilespmem:s30], [sflag:$0x2] =	stream.indirect.gather [hbm4b:s3+s26], $0x80, s19, s26, $0xb8;
	[tilespmem:$0x1D980] =	vst v63  }
0x5a: {  	_ =	swait.ge [sflag:s10], $0x50  }
0x5b: {  	[sflag:s10] =	ssyncset.done $0x0  }
0x5c: {  	[sflag:s10] =	ssyncadd.s32 $0xFFFFFFB0  }
0x5d: {  	_ =	swait.ge [sflag:s11], $0x2800  }
0x5e: {  	[sflag:s11] =	ssyncset.done $0x0  }
0x5f: {  	[sflag:s11] =	ssyncadd.s32 $0xFFFFD800  }
0x60: {  	[spmem:s1] =	stream.indirect.scatter.add.f32 [tilespmem:s0], [sflag:$0x7], $0x80, s31, s26, $0xb8;
	[tilespmem:$0x1D980] =	vst v63  }
0x61: {  	s17 =	sadd.s32 $0x1E, s21;
	_ =	swait.ge [sflag:s7], $0x2800  }
0x62: {  	s15 =	sadd.s32 $0xF0, s22;
	s16 =	sadd.s32 $0x1E, s20;
	[sflag:s7] =	ssyncset.done $0x0  }
0x63: {  	s8 =	simm.s32 $0x3C0;
	s18 =	simm.s32 $0x190;
	[sflag:s7] =	ssyncadd.s32 $0xFFFFD800  }
0x64: {  	[tilespmem:s31], [sflag:$0x6] =	stream.linear.gather [hbm4b:s20+s2], $0x50, $0x38;
	[tilespmem:$0x1D980] =	vst v63  }
.LBB2_2:
0x65: {  	[tilespmem:s0], [sflag:$0x3] =	stream.indirect.gather [hbm4b:s3+s26], $0x80, s18, s26, $0xb8;
	[tilespmem:$0x1D980] =	vst v63  }
0x66: {  	s18 =	smov.u32 s8  }
0x67: {  	p1 =	sne.s32 s8, $0x9240;
	s8 =	sadd.s32 $0x3C0, s8;
	_ =	swait.ge [sflag:s5], $0x50  }
0x68: {  	[sflag:s5] =	ssyncset.done $0x0  }
0x69: {  	[sflag:s5] =	ssyncadd.s32 $0xFFFFFFB0  }
0x6a: {  	_ =	swait.ge [sflag:s24], $0x2800  }
0x6b: {  	[sflag:s24] =	ssyncset.done $0x0  }
0x6c: {  	[sflag:s24] =	ssyncadd.s32 $0xFFFFD800  }
0x6d: {  	[spmem:s1] =	stream.indirect.scatter.add.f32 [tilespmem:s28], [sflag:$0x7], $0x80, s23, s26, $0xb8;
	[tilespmem:$0x1D980] =	vst v63  }
0x6e: {  	_ =	swait.ge [sflag:s7], $0x2800  }
0x6f: {  	s19 =	sshrl.u32 s15, $0x3;
	[sflag:s7] =	ssyncset.done $0x0  }
0x70: {  	s19 =	sadd.s32 s4, s19;
	s18 =	sshra.s32 s18, $0x2;
	[sflag:s7] =	ssyncadd.s32 $0xFFFFD800  }
0x71: {  	[tilespmem:s23], [sflag:$0x4] =	stream.linear.gather [hbm4b:s19+s2], $0x50, $0x38;
	[tilespmem:$0x1D980] =	vst v63  }
0x72: {  	s19 =	sadd.s32 $0xF0, s18  }
0x73: {  	[tilespmem:s28], [sflag:$0x1] =	stream.indirect.gather [hbm4b:s3+s26], $0x80, s19, s26, $0xb8;
	[tilespmem:$0x1D980] =	vst v63  }
0x74: {  	_ =	swait.ge [sflag:s9], $0x50  }
0x75: {  	[sflag:s9] =	ssyncset.done $0x0  }
0x76: {  	[sflag:s9] =	ssyncadd.s32 $0xFFFFFFB0  }
0x77: {  	_ =	swait.ge [sflag:s25], $0x2800  }
0x78: {  	[sflag:s25] =	ssyncset.done $0x0  }
0x79: {  	[sflag:s25] =	ssyncadd.s32 $0xFFFFD800  }
0x7a: {  	[spmem:s1] =	stream.indirect.scatter.add.f32 [tilespmem:s30], [sflag:$0x7], $0x80, s29, s26, $0xb8;
	[tilespmem:$0x1D980] =	vst v63  }
0x7b: {  	_ =	swait.ge [sflag:s7], $0x2800  }
0x7c: {  	[sflag:s7] =	ssyncset.done $0x0  }
0x7d: {  	[sflag:s7] =	ssyncadd.s32 $0xFFFFD800  }
0x7e: {  	[tilespmem:s29], [sflag:$0x5] =	stream.linear.gather [hbm4b:s17+s2], $0x50, $0x38;
	[tilespmem:$0x1D980] =	vst v63  }
0x7f: {  	s19 =	sadd.s32 $0x140, s18  }
0x80: {  	[tilespmem:s30], [sflag:$0x2] =	stream.indirect.gather [hbm4b:s3+s26], $0x80, s19, s26, $0xb8;
	[tilespmem:$0x1D980] =	vst v63  }
0x81: {  	_ =	swait.ge [sflag:s10], $0x50  }
0x82: {  	[sflag:s10] =	ssyncset.done $0x0  }
0x83: {  	[sflag:s10] =	ssyncadd.s32 $0xFFFFFFB0  }
0x84: {  	_ =	swait.ge [sflag:s11], $0x2800  }
0x85: {  	[sflag:s11] =	ssyncset.done $0x0  }
0x86: {  	[sflag:s11] =	ssyncadd.s32 $0xFFFFD800  }
0x87: {  	[spmem:s1] =	stream.indirect.scatter.add.f32 [tilespmem:s0], [sflag:$0x7], $0x80, s31, s26, $0xb8;
	[tilespmem:$0x1D980] =	vst v63  }
.Ltmp0:
0x88: {  	_ =	swait.ge [sflag:s7], $0x2800;
	(pc) =	sbr.rel @p1 .LBB2_2-.Ltmp0, $4  }
0x89: {  	[sflag:s7] =	ssyncset.done $0x0  }
0x8a: {  	s15 =	sadd.s32 $0xF0, s15;
	[sflag:s7] =	ssyncadd.s32 $0xFFFFD800  }
0x8b: {  	[tilespmem:s31], [sflag:$0x6] =	stream.linear.gather [hbm4b:s16+s2], $0x50, $0x38;
	[tilespmem:$0x1D980] =	vst v63  }
0x8c: {  	s18 =	sadd.s32 $0x190, s18;
	s17 =	sadd.s32 $0x1E, s17;
	s16 =	sadd.s32 $0x1E, s16  }
0x8d: {  	[tilespmem:s0], [sflag:$0x3] =	stream.indirect.gather [hbm4b:s3+s26], $0x80, s18, s26, $0xb8;
	[tilespmem:$0x1D980] =	vst v63  }
0x8e: {  	_ =	swait.ge [sflag:s5], $0x50  }
0x8f: {  	[sflag:s5] =	ssyncset.done $0x0  }
0x90: {  	[sflag:s5] =	ssyncadd.s32 $0xFFFFFFB0  }
0x91: {  	_ =	swait.ge [sflag:s24], $0x2800  }
0x92: {  	[sflag:s24] =	ssyncset.done $0x0  }
0x93: {  	[sflag:s24] =	ssyncadd.s32 $0xFFFFD800  }
0x94: {  	[spmem:s1] =	stream.indirect.scatter.add.f32 [tilespmem:s28], [sflag:$0x7], $0x80, s23, s26, $0xb8;
	[tilespmem:$0x1D980] =	vst v63  }
0x95: {  	_ =	swait.ge [sflag:s7], $0x2800  }
0x96: {  	[sflag:s7] =	ssyncset.done $0x0  }
0x97: {  	s8 =	rddreg [dreg:$0xc];
	[sflag:s7] =	ssyncadd.s32 $0xFFFFD800  }
0x98: {  	[tilespmem:s23], [sflag:$0x4] =	stream.linear.gather [hbm4b:s8+s2], $0x50, $0x38;
	[tilespmem:$0x1D980] =	vst v63  }
0x99: {  	s15 =	simm.s32 $0x2670  }
0x9a: {  	[tilespmem:s28], [sflag:$0x1] =	stream.indirect.gather [hbm4b:s3+s26], $0x80, s15, s26, $0xb8;
	[tilespmem:$0x1D980] =	vst v63  }
0x9b: {  	_ =	swait.ge [sflag:s9], $0x50  }
0x9c: {  	[sflag:s9] =	ssyncset.done $0x0  }
0x9d: {  	[sflag:s9] =	ssyncadd.s32 $0xFFFFFFB0  }
0x9e: {  	_ =	swait.ge [sflag:s25], $0x2800  }
0x9f: {  	[sflag:s25] =	ssyncset.done $0x0  }
0xa0: {  	[sflag:s25] =	ssyncadd.s32 $0xFFFFD800  }
0xa1: {  	[spmem:s1] =	stream.indirect.scatter.add.f32 [tilespmem:s30], [sflag:$0x7], $0x80, s29, s26, $0xb8;
	[tilespmem:$0x1D980] =	vst v63  }
0xa2: {  	_ =	swait.ge [sflag:s7], $0x2800  }
0xa3: {  	[sflag:s7] =	ssyncset.done $0x0  }
0xa4: {  	s16 =	rddreg [dreg:$0xd];
	[sflag:s7] =	ssyncadd.s32 $0xFFFFD800  }
0xa5: {  	[tilespmem:s29], [sflag:$0x5] =	stream.linear.gather [hbm4b:s16+s2], $0x50, $0x38;
	[tilespmem:$0x1D980] =	vst v63  }
0xa6: {  	s17 =	simm.s32 $0x26C0  }
0xa7: {  	[tilespmem:s30], [sflag:$0x2] =	stream.indirect.gather [hbm4b:s3+s26], $0x80, s17, s26, $0xb8;
	[tilespmem:$0x1D980] =	vst v63  }
0xa8: {  	_ =	swait.ge [sflag:s10], $0x50  }
0xa9: {  	[sflag:s10] =	ssyncset.done $0x0  }
0xaa: {  	[sflag:s10] =	ssyncadd.s32 $0xFFFFFFB0  }
0xab: {  	_ =	swait.ge [sflag:s11], $0x2800  }
0xac: {  	[sflag:s11] =	ssyncset.done $0x0  }
0xad: {  	[sflag:s11] =	ssyncadd.s32 $0xFFFFD800  }
0xae: {  	[spmem:s1] =	stream.indirect.scatter.add.f32 [tilespmem:s0], [sflag:$0x7], $0x80, s31, s26, $0xb8;
	[tilespmem:$0x1D980] =	vst v63  }
0xaf: {  	_ =	swait.ge [sflag:s7], $0x2800  }
0xb0: {  	[sflag:s7] =	ssyncset.done $0x0  }
0xb1: {  	[sflag:s7] =	ssyncadd.s32 $0xFFFFD800  }
0xb2: {  	_ =	swait.ge [sflag:s5], $0x50  }
0xb3: {  	[sflag:s5] =	ssyncset.done $0x0  }
0xb4: {  	[sflag:s5] =	ssyncadd.s32 $0xFFFFFFB0  }
0xb5: {  	_ =	swait.ge [sflag:s24], $0x2800  }
0xb6: {  	[sflag:s24] =	ssyncset.done $0x0  }
0xb7: {  	[sflag:s24] =	ssyncadd.s32 $0xFFFFD800  }
0xb8: {  	[spmem:s1] =	stream.indirect.scatter.add.f32 [tilespmem:s28], [sflag:$0x7], $0x80, s23, s26, $0xb8;
	[tilespmem:$0x1D980] =	vst v63  }
0xb9: {  	_ =	swait.ge [sflag:s7], $0x2800  }
0xba: {  	[sflag:s7] =	ssyncset.done $0x0  }
0xbb: {  	[sflag:s7] =	ssyncadd.s32 $0xFFFFD800  }
0xbc: {  	_ =	swait.ge [sflag:s9], $0x50  }
0xbd: {  	[sflag:s9] =	ssyncset.done $0x0  }
0xbe: {  	[sflag:s9] =	ssyncadd.s32 $0xFFFFFFB0  }
0xbf: {  	_ =	swait.ge [sflag:s25], $0x2800  }
0xc0: {  	[sflag:s25] =	ssyncset.done $0x0  }
0xc1: {  	[sflag:s25] =	ssyncadd.s32 $0xFFFFD800  }
0xc2: {  	[spmem:s1] =	stream.indirect.scatter.add.f32 [tilespmem:s30], [sflag:$0x7], $0x80, s29, s26, $0xb8;
	[tilespmem:$0x1D980] =	vst v63  }
0xc3: {  	_ =	swait.ge [sflag:s7], $0x2800  }
0xc4: {  	[sflag:s7] =	ssyncset.done $0x0  }
0xc5: {  	[sflag:s7] =	ssyncadd.s32 $0xFFFFD800  }
0xc6: {  	[bflag:$0x0] =	sbarrier.arrive $0xFFFF  }
0xc7: {  	s18 =	rddreg [dreg:$0x5]  }
0xc8: {  	s15 =	rddreg [dreg:$0xe];
	s8 =	sor.u32 $0x1C07, s18  }
0xc9: {  	[hbm:s15], [sflag:s8] =	dma.local [spmem:s14], $0x2700  }
0xca: {  	_ =	swait.ge [sflag:s7], $0x2700  }
0xcb: {  	[sflag:s7] =	ssyncset.done $0x0  }
0xcc: {  	s14 =	rddreg [dreg:$0xf];
	[sflag:s7] =	ssyncadd.s32 $0xFFFFD900  }
0xcd: {  	[hbm:s14], [sflag:s8] =	dma.local @!p0 [spmem:s13], $0x100  }
0xce: {  	s8 =	simm.s32 @!p0 $0x7  }
0xcf: {  	_ =	swait.ge @!p0 [sflag:s8], $0x100  }
0xd0: {  	s12 =	sadd.s32 $0x1, s12;
	s19 =	rddreg [dreg:$0x10]  }
0xd1: {  	p1 =	sne.s32 s12, s19  }
.Ltmp1:
0xd2: {  	_ = 	snop;
	(pc) =	sbr.rel @p1 .LBB2_1-.Ltmp1, $3  }
0xd3: {  	_ =	sdelay $0x1  }
0xd4: {  	[sflag:s8] =	ssyncset.done @!p0 $0x0  }
0xd5: {  	[sflag:s8] =	ssyncadd.s32 @!p0 $0xFFFFFF00  }
0xd6: {  	_ =	sfence.sel $0x180000  }
0xd7: {  	[bflag:$0x0] =	sbarrier.arrive $0xFFFF  }
0xd8: {  	_ =	strace $0x9000004A  }
0xd9: {  	[bflag:$0x2] =	sbarrier.arrive $0xFFFF  }
0xda: {  	s0 =	rddreg [dreg:$0x2]  }
0xdb: {  	s0 =	sadd.s32 @!p0 $0x100000, s0  }
0xdc: {  	[sflag:s0] =	ssyncadd.tile.s32 @!p0 $0x1;
	_ =	shalt  }
.Lfunc_end2:
_tile_overlayer_lowered:
.L_overlay_start_2:
0xdd: {  	(tag) =	ssettag $0x2  }
0xde: {  	s0 =	rddreg [dreg:$0x0];
	s2 =	stileid.u32  }
0xdf: {  	s1 =	rddreg [dreg:$0x1];
	p0 =	sne.s32 s2, $0x0  }
0xe0: {  	s3 =	rddreg [dreg:$0x2];
	[bflag:$0x3] =	sbarrier.arrive $0xFFFF;
	s2 =	simm.s32 @!p0 $0x1C07  }
0xe1: {  	[timem:s3], [sflag:s2] =	dma.local @!p0 [hbm:s0], s1  }
0xe2: {  	s0 =	simm.s32 @!p0 $0x7  }
0xe3: {  	_ =	swait.ge @!p0 [sflag:s0], s1  }
0xe4: {  	s1 =	ssub.s32 @!p0 $0x0, s1;
	[sflag:s0] =	ssyncset.done @!p0 $0x0  }
0xe5: {  	[sflag:s0] =	ssyncadd.s32 @!p0 s1  }
0xe6: {  	[bflag:$0x3] =	sbarrier.arrive $0xFFFF  }
0xe7: {  	_ =	shalt  }

// kernel: kernel.20.cloned.1.call-start
scs
__scs_entry_jumppad:
0x0: {  	(pc) =	sbr.rel $0x88, $3  }
0x1: {  	(tag) =	ssettag $0x0;
	lr =	simm.s32 $0x1  }
0x2: {  	[smem:$0x3F4F] =	sst lr;
	_ =	strace $0xD0000000  }
0x3: {  	_ = 	snop  }
0x4: {  	_ = 	snop  }
0x5: {  	_ = 	snop  }
0x6: {  	_ = 	snop  }
0x7: {  	_ = 	snop  }
__scs_overlays_trampoline_lowered:
0x8: {  	[smem:$0x3F5E] =	sst s0  }
0x9: {  	[smem:$0x3F5F] =	sst s1  }
0xa: {  	[smem:$0x3F60] =	sst s2  }
0xb: {  	[smem:$0x3F61] =	sst s3  }
0xc: {  	[smem:$0x3F62] =	sst s4  }
0xd: {  	[smem:$0x3F63] =	sst s5  }
0xe: {  	[smem:$0x3F64] =	sst s6  }
0xf: {  	[smem:$0x3F65] =	sst s7  }
0x10: {  	[smem:$0x3F66] =	sst s8  }
0x11: {  	[smem:$0x3F67] =	sst s9;
	s0 =	simm.s32 @!p0 $0x0  }
0x12: {  	s1 =	sld [smem:$0x3F4D];
	s0 =	simm.s32 @p0 $0x1  }
0x13: {  	[smem:$0x3F68] =	sst s0;
	s0 =	simm.s32 @!p1 $0x0  }
0x14: {  	s2 =	sld [smem:$0x3F4C];
	s0 =	simm.s32 @p1 $0x1  }
0x15: {  	[smem:$0x3F69] =	sst s0;
	s0 =	simm.s32 @!p2 $0x0  }
0x16: {  	s3 =	sld [smem:$0x3FDB];
	s0 =	simm.s32 @p2 $0x1  }
0x17: {  	s4 =	simm.s32 $0x1BF5;
	[smem:$0x3F6B] =	sst s0  }
0x18: {  	s0 =	sld [smem:$0x3F4E];
	_ =	swait.ge [sflag:s4], $0x0  }
0x19: {  	s7 =	sld [smem:$0x3F4F]  }
0x1a: {  	s8 =	sadd.s32 $0xFFFFE003, lr  }
0x1b: {  	s9 =	sadd.s32 $0xFFFFFEF7, lr;
	s5 =	simm.s32 $0xFFFFFFFF;
	p2 =	slt.u32 s8, $0xFFFFF086  }
0x1c: {  	p1 =	slt.u32 s9, $0xF7A;
	s5 =	simm.s32 @!p2 $0x0  }
0x1d: {  	s5 =	simm.s32 @p1 $0x1;
	p0 =	seq.s32 s7, s2  }
0x1e: {  	s7 =	smul.u32 @!p0 $0xF7A, s2;
	p2 =	seq.s32 @!p0 s5, $0x0  }
0x1f: {  	s9 =	smul.u32 $0xF7A, s1;
	s8 =	simm.s32 @!p0 $0x1BF5;
	p2 =	por !p2, p0  }
0x20: {  	[sflag:s8] =	ssyncset.s32 @!p0 $0xFFFFF086;
	s6 =	sadd.s32 @!p0 s3, s7;
	s7 =	simm.s32 @!p0 $0x108  }
0x21: {  	s3 =	sadd.s32 s3, s9;
	s6 =	sadd.s32 @!p0 $0x88, s6;
	s7 =	simm.s32 @p2 $0x1082  }
0x22: {  	[simem:s7], [sflag:s8] =	dma.local @!p0 [hbm:s6], $0xF7A  }
0x23: {  	s9 =	sor.u32 $0xD0000000, s2;
	s6 =	simm.s32 $0x108;
	_ =	swait.ge @!p0 [sflag:s8], $0x0  }
0x24: {  	s3 =	sadd.s32 $0x88, s3;
	s6 =	simm.s32 @!p1 $0x1082;
	[sflag:s4] =	ssyncset.s32 $0xFFFFF086  }
0x25: {  	[simem:s6], [sflag:s4] =	dma.local [hbm:s3], $0xF7A  }
0x26: {  	[smem:$0x3F4F] =	sst s1;
	(tag) =	ssettag s2;
	_ =	strace s9  }
0x27: {  	s1 =	sld [smem:$0x3F5F]  }
0x28: {  	s2 =	sld [smem:$0x3F60]  }
0x29: {  	s4 =	sld [smem:$0x3F62]  }
0x2a: {  	p0 =	seq.s32 s5, $0x0;
	s5 =	sld [smem:$0x3F63]  }
0x2b: {  	s6 =	sld [smem:$0x3F64]  }
0x2c: {  	s7 =	sld [smem:$0x3F65]  }
0x2d: {  	s3 =	simm.s32 $0x108;
	s8 =	sld [smem:$0x3F66]  }
0x2e: {  	s3 =	simm.s32 @!p0 $0x1082;
	s9 =	sld [smem:$0x3F67]  }
0x2f: {  	lr =	sadd.s32 s0, s3;
	s0 =	sld [smem:$0x3F5E]  }
0x30: {  	s3 =	sld [smem:$0x3F61]  }
0x31: {  	[smem:$0x3F6A] =	sst s10  }
0x32: {  	s10 =	sld [smem:$0x3F68];
	_ =	sdelay $0x3  }
0x33: {  	p0 =	seq.s32 s10, $0x1;
	s10 =	sld [smem:$0x3F6A];
	_ =	sdelay $0x3  }
0x34: {  	[smem:$0x3F6A] =	sst s10  }
0x35: {  	s10 =	sld [smem:$0x3F69];
	_ =	sdelay $0x3  }
0x36: {  	p1 =	seq.s32 s10, $0x1;
	s10 =	sld [smem:$0x3F6A];
	_ =	sdelay $0x3  }
0x37: {  	[smem:$0x3F6A] =	sst s10  }
0x38: {  	s10 =	sld [smem:$0x3F6B]  }
0x39: {  	_ = 	snop;
	(pc) =	sbr.ind lr, $3  }
0x3a: {  	_ = 	snop  }
0x3b: {  	_ = 	snop  }
0x3c: {  	p2 =	seq.s32 s10, $0x1;
	s10 =	sld [smem:$0x3F6A]  }
0x3d: {  	_ =	shalt  }
0x3e: {  	_ =	shalt  }
0x3f: {  	_ =	shalt  }
0x40: {  	_ =	shalt  }
0x41: {  	_ =	shalt  }
0x42: {  	_ =	shalt  }
0x43: {  	_ =	shalt  }
0x44: {  	_ =	shalt  }
0x45: {  	_ =	shalt  }
0x46: {  	_ =	shalt  }
0x47: {  	_ =	shalt  }
0x48: {  	_ =	shalt  }
0x49: {  	_ =	shalt  }
0x4a: {  	_ =	shalt  }
0x4b: {  	_ =	shalt  }
0x4c: {  	_ =	shalt  }
0x4d: {  	_ =	shalt  }
0x4e: {  	_ =	shalt  }
0x4f: {  	_ =	shalt  }
0x50: {  	_ =	shalt  }
0x51: {  	_ =	shalt  }
0x52: {  	_ =	shalt  }
0x53: {  	_ =	shalt  }
0x54: {  	_ =	shalt  }
0x55: {  	_ =	shalt  }
0x56: {  	_ =	shalt  }
0x57: {  	_ =	shalt  }
0x58: {  	_ =	shalt  }
0x59: {  	_ =	shalt  }
0x5a: {  	_ =	shalt  }
0x5b: {  	_ =	shalt  }
0x5c: {  	_ =	shalt  }
0x5d: {  	_ =	shalt  }
0x5e: {  	_ =	shalt  }
0x5f: {  	_ =	shalt  }
0x60: {  	_ =	shalt  }
0x61: {  	_ =	shalt  }
0x62: {  	_ =	shalt  }
0x63: {  	_ =	shalt  }
0x64: {  	_ =	shalt  }
0x65: {  	_ =	shalt  }
0x66: {  	_ =	shalt  }
0x67: {  	_ =	shalt  }
0x68: {  	_ =	shalt  }
0x69: {  	_ =	shalt  }
0x6a: {  	_ =	shalt  }
0x6b: {  	_ =	shalt  }
0x6c: {  	_ =	shalt  }
0x6d: {  	_ =	shalt  }
0x6e: {  	_ =	shalt  }
0x6f: {  	_ =	shalt  }
0x70: {  	_ =	shalt  }
0x71: {  	_ =	shalt  }
0x72: {  	_ =	shalt  }
0x73: {  	_ =	shalt  }
0x74: {  	_ =	shalt  }
0x75: {  	_ =	shalt  }
0x76: {  	_ =	shalt  }
0x77: {  	_ =	shalt  }
0x78: {  	_ =	shalt  }
0x79: {  	_ =	shalt  }
0x7a: {  	_ =	shalt  }
0x7b: {  	_ =	shalt  }
0x7c: {  	_ =	shalt  }
0x7d: {  	_ =	shalt  }
0x7e: {  	_ =	shalt  }
0x7f: {  	_ =	shalt  }
0x80: {  	_ =	shalt  }
0x81: {  	_ =	shalt  }
0x82: {  	_ =	shalt  }
0x83: {  	_ =	shalt  }
0x84: {  	_ =	shalt  }
0x85: {  	_ =	shalt  }
0x86: {  	_ =	shalt  }
0x87: {  	_ =	shalt  }
.Lfunc_end0:
.L_simem_size_0:
called_computation.2_lowered:
.L_overlay_start_0:
0x88: {  	s2 =	sld [smem:$0x3FD9]  }
0x89: {  	s3 =	sld [smem:$0x3FFE];
	_ =	sdelay $0x1  }
0x8a: {  	s1 =	srdreg.scid  }
0x8b: {  	s0 =	sand.u32 $0x1, s1  }
0x8c: {  	s16 =	sshll.u32 s0, $0xA;
	s2 =	sadd.s32 s3, s2  }
0x8d: {  	s2 =	sadd.s32 s2, s16  }
0x8e: {  	[smem:$0x3F76] =	sst s2  }
0x8f: {  	_ = 	snop  }
0x90: {  	(tm) =	ssettm $0x1  }
0x91: {  	s17 =	sld [smem:$0x3FFB];
	_ =	sdelay $0x3  }
0x92: {  	_ =	strace s17  }
0x93: {  	s2 =	sld [smem:$0x3FFC];
	_ =	sdelay $0x3  }
0x94: {  	_ =	strace s2  }
0x95: {  	s2 =	sld [smem:$0x3FFD];
	_ =	sdelay $0x3  }
0x96: {  	_ =	strace s2  }
0x97: {  	_ =	strace $0x8FFFFFFF  }
0x98: {  	s18 =	sld [smem:$0x3FDB];
	_ =	sdelay $0x1  }
0x99: {  	s19 =	simm.s32 $_scs_section_size  }
0x9a: {  	s4 =	simm.s32 $_size__tile_overlayer_lowered;
	s5 =	simm.s32 $_tile_overlayer_lowered  }
0x9b: {  	s22 =	simm.s32 $0x1BFF;
	s21 =	sshll.u32 s5, $0x1;
	s2 =	sadd.s32 s19, s18  }
0x9c: {  	s6 =	simm.s32 $0x0;
	s20 =	sshll.u32 s4, $0x1;
	s4 =	sadd.s32 s21, s2  }
0x9d: {  	[timem:s6], [sflag:s22] =	dma.local [hbm:s4], s20  }
0x9e: {  	_ =	swait.ge [sflag:s22], s20  }
0x9f: {  	s3 =	ssub.s32 $0x0, s20;
	[sflag:s22] =	ssyncset.done $0x0  }
0xa0: {  	[sflag:s22] =	ssyncadd.s32 s3;
	_ =	sdelay $0x1  }
0xa1: {  	s23 =	simm.s32 $0x1B8B  }
0xa2: {  	_ =	swait.ge [sflag:s23], $0x1  }
0xa3: {  	[sflag:s23] =	ssyncset.done $0x0  }
0xa4: {  	s25 =	simm.s32 $0x1B8E;
	s24 =	sld [smem:$0x3FFE];
	[sflag:s23] =	ssyncadd.s32 $0xFFFFFFFF  }
0xa5: {  	s26 =	simm.s32 $execute0_lowered;
	[smem:$0x3FD2] =	sst s25  }
0xa6: {  	s4 =	sshll.u32 s26, $0x1;
	_ =	strace $0x8000004C;
	[dreg:$0x1] =	wrdreg $0xFFFFFFFF  }
0xa7: {  	s28 =	simm.s32 $_size_execute0_lowered;
	s2 =	sadd.s32 s2, s4;
	[dreg:$0x0] =	wrdreg $0x0  }
0xa8: {  	s4 =	sshll.u32 s28, $0x1;
	[dreg:$0x2] =	wrdreg s2  }
0xa9: {  	[dreg:$0x3] =	wrdreg s4  }
0xaa: {  	[dreg:$0x4] =	wrdreg $0xC0  }
0xab: {  	_ =	task [dreg:s6], $0x5FFFF  }
0xac: {  	[dreg:$0x1] =	wrdreg $0xFFFFFFFF  }
0xad: {  	[dreg:$0x0] =	wrdreg $0x60  }
0xae: {  	[dreg:$0x2] =	wrdreg s24  }
0xaf: {  	[dreg:$0x3] =	wrdreg $0xA1000  }
0xb0: {  	[dreg:$0x4] =	wrdreg $0x9  }
0xb1: {  	_ =	task.clear_ibuf [dreg:s6], $0x5FFFF;
	_ =	strace $0x9000004C  }
0xb2: {  	s29 =	simm.s32 $0x9;
	_ =	strace $0x8000004E  }
0xb3: {  	_ =	swait.ge [sflag:s29], $0x1  }
0xb4: {  	[sflag:s29] =	ssyncadd.s32 $0xFFFFFFFF  }
0xb5: {  	_ =	strace $0x9000004E  }
0xb6: {  	_ =	sfence  }
0xb7: {  	s30 =	sld [smem:$0x0];
	_ =	sdelay $0x2  }
0xb8: {  	s31 =	sshll.u32 s1, $0xD;
	s1 =	sshrl.u32 s1, $0x2  }
0xb9: {  	s3 =	sand.u32 $0x4000, s31;
	s1 =	sadd.s32 s1, s30  }
0xba: {  	s0 =	sor.u32 s3, s0;
	s1 =	sshll.u32 s1, $0x11  }
0xbb: {  	s0 =	sor.u32 s1, s0  }
0xbc: {  	s0 =	sadd.s32 $0x8F2B, s0  }
0xbd: {  	[sflag:s0] =	ssyncadd.remote.s32 $0x1  }
0xbe: {  	_ =	sfence.sel $0xFFFF  }
0xbf: {  	[dreg:$0x0] =	wrdreg $0xFFFFFFFF;
	(pc) =	sbr.abs _section_cstart, $3  }
0xc0: {  	[dreg:$0x1] =	wrdreg $0xFFFFFFFF  }
0xc1: {  	_ =	task.clear_ibuf [dreg:s6], $0x2FFFF;
	_ =	strace $0x9FFFFFFF  }
0xc2: {  	(tm) =	ssettm $0x7FFFFFFF  }
0xc3: {  	_ =	shalt  }
tec
execute0_lowered:
.L_overlay_start_1:
0x0: {  	(tag) =	ssettag $0x1  }
0x1: {  	s0 =	srdreg.scid;
	s5 =	rddreg [dreg:$0x0]  }
0x2: {  	s7 =	stileid.u32;
	s1 =	rddreg [dreg:$0x1];
	s28 =	simm.s32 $0x2900  }
0x3: {  	s29 =	simm.s32 $0x2800;
	s30 =	simm.s32 $0x5100;
	s31 =	simm.s32 $0x2880  }
0x4: {  	s0 =	sand.u32 $0x1, s0;
	s4 =	sadd.s32 $0xE600, s5;
	s11 =	smul.u32 $0x4E000, s7  }
0x5: {  	s12 =	sadd.s32 $0x49400, s5;
	s23 =	smul.u32 $0x13800, s7;
	s26 =	sshll.u32 s7, $0x6  }
0x6: {  	s15 =	sadd.s32 $0x138000, s1;
	s18 =	smul.u32 $0x2710, s7;
	p0 =	sne.s32 s7, $0x0  }
0x7: {  	s2 =	sshll.u32 s0, $0x4;
	s9 =	ssub.s32 $0x2, s0;
	s14 =	smul.u32 $0x138800, s0  }
0x8: {  	s13 =	sor.u32 $0x1C01, s26;
	s0 =	smul.u32 $0x27100, s0;
	s3 =	sor.u32 s7, s2  }
0x9: {  	s2 =	simm.s32 $0x0;
	s10 =	sshrl.u32 s9, $0x1;
	s24 =	sshrl.u32 s11, $0x2  }
0xa: {  	s25 =	sshrl.u32 s23, $0x3;
	s7 =	simm.s32 $0x7;
	[smem:$0x7FF] =	sst s2  }
0xb: {  	s11 =	simm.s32 $0x3;
	_ =	strace $0x8000004D;
	[dreg:$0x5] =	wrdreg s26  }
0xc: {  	s3 =	smul.u32 $0x2710, s3;
	s9 =	ssub.s32 s9, s10;
	[dreg:$0x7] =	wrdreg s13  }
0xd: {  	s10 =	sadd.s32 s23, s14;
	s0 =	sadd.s32 s18, s0;
	[dreg:$0x8] =	wrdreg s15  }
0xe: {  	s10 =	sshrl.u32 s10, $0x3;
	s9 =	smax.u32 s9, $0x1;
	s6 =	sshrl.u32 s3, $0x3  }
0xf: {  	s3 =	sadd.s32 $0x22200, s5;
	s21 =	sadd.s32 s12, s10;
	[dreg:$0x10] =	wrdreg s9  }
0x10: {  	s8 =	sadd.s32 s6, s5;
	s5 =	sadd.s32 $0x49200, s5;
	[dreg:$0xe] =	wrdreg s21  }
0x11: {  	s6 =	sadd.s32 s4, s6;
	s8 =	sadd.s32 $0x18400, s8;
	[dreg:$0x9] =	wrdreg s5  }
0x12: {  	s23 =	sadd.s32 $0x190, s0;
	s16 =	sadd.s32 $0xA, s6;
	[dreg:$0x3] =	wrdreg s8  }
0x13: {  	s9 =	simm.s32 $0x5;
	s17 =	sadd.s32 $0x14, s6;
	[dreg:$0xa] =	wrdreg s16  }
0x14: {  	s10 =	simm.s32 $0x6;
	s19 =	sadd.s32 $0x4CE, s6;
	[dreg:$0xb] =	wrdreg s17  }
0x15: {  	s20 =	sadd.s32 $0x4D8, s6;
	s8 =	sadd.s32 s24, s1;
	[dreg:$0xc] =	wrdreg s19  }
0x16: {  	[dreg:$0xd] =	wrdreg s20;
	s24 =	sshrl.u32 s23, $0x3;
	s23 =	simm.s32 $0x2780  }
0x17: {  	[dreg:$0x4] =	wrdreg s8;
	s8 =	sadd.s32 s3, s25;
	s25 =	sadd.s32 $0x140, s0  }
0x18: {  	s20 =	sadd.s32 s24, s4;
	s24 =	simm.s32 $0x1;
	[dreg:$0x6] =	wrdreg s8  }
0x19: {  	s8 =	sshrl.u32 s14, $0x3;
	s26 =	sshrl.u32 s25, $0x3;
	s25 =	simm.s32 $0x2  }
0x1a: {  	s22 =	sadd.s32 s12, s8;
	s21 =	sadd.s32 s26, s4;
	s26 =	simm.s32 $0x50  }
0x1b: {  	s12 =	simm.s32 $0x0;
	s5 =	sadd.s32 $0x27000, s22;
	s22 =	sadd.s32 $0xF0, s0  }
0x1c: {  	s0 =	simm.s32 $0x7900;
	[dreg:$0xf] =	wrdreg s5;
	s5 =	simm.s32 $0x4  }
.LBB2_1:
0x1d: {  	s8 =	rddreg [dreg:$0x3]  }
0x1e: {  	s17 =	rddreg [dreg:$0x4]  }
0x1f: {  	s18 =	rddreg [dreg:$0x6]  }
0x20: {  	[tilespmem:s2], [sflag:$0x1] =	stream.linear.gather [hbm4b:s8+s2], $0x2710, $0x38;
	[tilespmem:$0x1D980] =	vst v63  }
0x21: {  	s13 =	rddreg [dreg:$0x7];
	s14 =	sshrl.u32 s17, $0x3  }
0x22: {  	[tilespmem:s23], [sflag:$0x2] =	stream.linear.gather [hbm4b:s6+s2], $0x50, $0x38;
	[tilespmem:$0x1D980] =	vst v63  }
0x23: {  	[spmem:s14], [sflag:s13] =	dma.local [hbm:s18], $0x2700  }
0x24: {  	s8 =	rddreg [dreg:$0x8]  }
0x25: {  	s15 =	rddreg [dreg:$0x9];
	s13 =	sshrl.u32 @!p0 s8, $0x3;
	s8 =	simm.s32 @!p0 $0x1C02  }
0x26: {  	[spmem:s13], [sflag:s8] =	dma.local @!p0 [hbm:s15], $0x100  }
0x27: {  	s8 =	simm.s32 @!p0 $0x2  }
0x28: {  	_ =	swait.ge @!p0 [sflag:s8], $0x100  }
0x29: {  	[sflag:s8] =	ssyncset.done @!p0 $0x0  }
0x2a: {  	[sflag:s8] =	ssyncadd.s32 @!p0 $0xFFFFFF00  }
0x2b: {  	_ =	swait.ge [sflag:s24], $0x2710  }
0x2c: {  	[sflag:s24] =	ssyncset.done $0x0  }
0x2d: {  	[sflag:s24] =	ssyncadd.s32 $0xFFFFD8F0  }
0x2e: {  	_ =	swait.ge [sflag:s25], $0x50  }
0x2f: {  	[sflag:s25] =	ssyncset.done $0x0  }
0x30: {  	[sflag:s25] =	ssyncadd.s32 $0xFFFFFFB0  }
0x31: {  	_ =	swait.ge [sflag:s24], $0x2700  }
0x32: {  	[sflag:s24] =	ssyncset.done $0x0  }
0x33: {  	[sflag:s24] =	ssyncadd.s32 $0xFFFFD900  }
0x34: {  	[bflag:$0x0] =	sbarrier.arrive $0xFFFF  }
0x35: {  	[tilespmem:s23], [sflag:$0x4] =	stream.linear.gather [hbm4b:s6+s2], $0x50, $0x38;
	[tilespmem:$0x1D980] =	vst v63  }
0x36: {  	_ = 	snop  }
0x37: {  	[tilespmem:s28], [sflag:$0x1] =	stream.indirect.gather [hbm4b:s3+s26], $0x80, s2, s26, $0xb8;
	[tilespmem:$0x1D980] =	vst v63  }
0x38: {  	s19 =	rddreg [dreg:$0xa]  }
0x39: {  	[tilespmem:s29], [sflag:$0x5] =	stream.linear.gather [hbm4b:s19+s2], $0x50, $0x38;
	[tilespmem:$0x1D980] =	vst v63  }
0x3a: {  	_ = 	snop  }
0x3b: {  	[tilespmem:s30], [sflag:$0x2] =	stream.indirect.gather [hbm4b:s3+s26], $0x80, s26, s26, $0xb8;
	[tilespmem:$0x1D980] =	vst v63  }
0x3c: {  	s15 =	rddreg [dreg:$0xb]  }
0x3d: {  	[tilespmem:s31], [sflag:$0x6] =	stream.linear.gather [hbm4b:s15+s2], $0x50, $0x38;
	[tilespmem:$0x1D980] =	vst v63  }
0x3e: {  	s16 =	simm.s32 $0xA0  }
0x3f: {  	[tilespmem:s0], [sflag:$0x3] =	stream.indirect.gather [hbm4b:s3+s26], $0x80, s16, s26, $0xb8;
	[tilespmem:$0x1D980] =	vst v63  }
0x40: {  	_ =	swait.ge [sflag:s5], $0x50  }
0x41: {  	[sflag:s5] =	ssyncset.done $0x0  }
0x42: {  	[sflag:s5] =	ssyncadd.s32 $0xFFFFFFB0  }
0x43: {  	_ =	swait.ge [sflag:s24], $0x2800  }
0x44: {  	[sflag:s24] =	ssyncset.done $0x0  }
0x45: {  	[sflag:s24] =	ssyncadd.s32 $0xFFFFD800  }
0x46: {  	[spmem:s1] =	stream.indirect.scatter.add.f32 [tilespmem:s28], [sflag:$0x7], $0x80, s23, s26, $0xb8;
	[tilespmem:$0x1D980] =	vst v63  }
0x47: {  	_ =	swait.ge [sflag:s7], $0x2800  }
0x48: {  	s17 =	sshrl.u32 s22, $0x3;
	[sflag:s7] =	ssyncset.done $0x0  }
0x49: {  	s8 =	sadd.s32 s4, s17;
	[sflag:s7] =	ssyncadd.s32 $0xFFFFD800  }
0x4a: {  	[tilespmem:s23], [sflag:$0x4] =	stream.linear.gather [hbm4b:s8+s2], $0x50, $0x38;
	[tilespmem:$0x1D980] =	vst v63  }
0x4b: {  	s18 =	simm.s32 $0xF0  }
0x4c: {  	[tilespmem:s28], [sflag:$0x1] =	stream.indirect.gather [hbm4b:s3+s26], $0x80, s18, s26, $0xb8;
	[tilespmem:$0x1D980] =	vst v63  }
0x4d: {  	_ =	swait.ge [sflag:s9], $0x50  }
0x4e: {  	[sflag:s9] =	ssyncset.done $0x0  }
0x4f: {  	[sflag:s9] =	ssyncadd.s32 $0xFFFFFFB0  }
0x50: {  	_ =	swait.ge [sflag:s25], $0x2800  }
0x51: {  	[sflag:s25] =	ssyncset.done $0x0  }
0x52: {  	[sflag:s25] =	ssyncadd.s32 $0xFFFFD800  }
0x53: {  	[spmem:s1] =	stream.indirect.scatter.add.f32 [tilespmem:s30], [sflag:$0x7], $0x80, s29, s26, $0xb8;
	[tilespmem:$0x1D980] =	vst v63  }
0x54: {  	_ =	swait.ge [sflag:s7], $0x2800  }
0x55: {  	[sflag:s7] =	ssyncset.done $0x0  }
0x56: {  	[sflag:s7] =	ssyncadd.s32 $0xFFFFD800  }
0x57: {  	[tilespmem:s29], [sflag:$0x5] =	stream.linear.gather [hbm4b:s21+s2], $0x50, $0x38;
	[tilespmem:$0x1D980] =	vst v63  }
0x58: {  	s19 =	simm.s32 $0x140  }
0x59: {  	[tilespmem:s30], [sflag:$0x2] =	stream.indirect.gather [hbm4b:s3+s26], $0x80, s19, s26, $0xb8;
	[tilespmem:$0x1D980] =	vst v63  }
0x5a: {  	_ =	swait.ge [sflag:s10], $0x50  }
0x5b: {  	[sflag:s10] =	ssyncset.done $0x0  }
0x5c: {  	[sflag:s10] =	ssyncadd.s32 $0xFFFFFFB0  }
0x5d: {  	_ =	swait.ge [sflag:s11], $0x2800  }
0x5e: {  	[sflag:s11] =	ssyncset.done $0x0  }
0x5f: {  	[sflag:s11] =	ssyncadd.s32 $0xFFFFD800  }
0x60: {  	[spmem:s1] =	stream.indirect.scatter.add.f32 [tilespmem:s0], [sflag:$0x7], $0x80, s31, s26, $0xb8;
	[tilespmem:$0x1D980] =	vst v63  }
0x61: {  	s17 =	sadd.s32 $0x1E, s21;
	_ =	swait.ge [sflag:s7], $0x2800  }
0x62: {  	s15 =	sadd.s32 $0xF0, s22;
	s16 =	sadd.s32 $0x1E, s20;
	[sflag:s7] =	ssyncset.done $0x0  }
0x63: {  	s8 =	simm.s32 $0x3C0;
	s18 =	simm.s32 $0x190;
	[sflag:s7] =	ssyncadd.s32 $0xFFFFD800  }
0x64: {  	[tilespmem:s31], [sflag:$0x6] =	stream.linear.gather [hbm4b:s20+s2], $0x50, $0x38;
	[tilespmem:$0x1D980] =	vst v63  }
.LBB2_2:
0x65: {  	[tilespmem:s0], [sflag:$0x3] =	stream.indirect.gather [hbm4b:s3+s26], $0x80, s18, s26, $0xb8;
	[tilespmem:$0x1D980] =	vst v63  }
0x66: {  	s18 =	smov.u32 s8  }
0x67: {  	p1 =	sne.s32 s8, $0x9240;
	s8 =	sadd.s32 $0x3C0, s8;
	_ =	swait.ge [sflag:s5], $0x50  }
0x68: {  	[sflag:s5] =	ssyncset.done $0x0  }
0x69: {  	[sflag:s5] =	ssyncadd.s32 $0xFFFFFFB0  }
0x6a: {  	_ =	swait.ge [sflag:s24], $0x2800  }
0x6b: {  	[sflag:s24] =	ssyncset.done $0x0  }
0x6c: {  	[sflag:s24] =	ssyncadd.s32 $0xFFFFD800  }
0x6d: {  	[spmem:s1] =	stream.indirect.scatter.add.f32 [tilespmem:s28], [sflag:$0x7], $0x80, s23, s26, $0xb8;
	[tilespmem:$0x1D980] =	vst v63  }
0x6e: {  	_ =	swait.ge [sflag:s7], $0x2800  }
0x6f: {  	s19 =	sshrl.u32 s15, $0x3;
	[sflag:s7] =	ssyncset.done $0x0  }
0x70: {  	s19 =	sadd.s32 s4, s19;
	s18 =	sshra.s32 s18, $0x2;
	[sflag:s7] =	ssyncadd.s32 $0xFFFFD800  }
0x71: {  	[tilespmem:s23], [sflag:$0x4] =	stream.linear.gather [hbm4b:s19+s2], $0x50, $0x38;
	[tilespmem:$0x1D980] =	vst v63  }
0x72: {  	s19 =	sadd.s32 $0xF0, s18  }
0x73: {  	[tilespmem:s28], [sflag:$0x1] =	stream.indirect.gather [hbm4b:s3+s26], $0x80, s19, s26, $0xb8;
	[tilespmem:$0x1D980] =	vst v63  }
0x74: {  	_ =	swait.ge [sflag:s9], $0x50  }
0x75: {  	[sflag:s9] =	ssyncset.done $0x0  }
0x76: {  	[sflag:s9] =	ssyncadd.s32 $0xFFFFFFB0  }
0x77: {  	_ =	swait.ge [sflag:s25], $0x2800  }
0x78: {  	[sflag:s25] =	ssyncset.done $0x0  }
0x79: {  	[sflag:s25] =	ssyncadd.s32 $0xFFFFD800  }
0x7a: {  	[spmem:s1] =	stream.indirect.scatter.add.f32 [tilespmem:s30], [sflag:$0x7], $0x80, s29, s26, $0xb8;
	[tilespmem:$0x1D980] =	vst v63  }
0x7b: {  	_ =	swait.ge [sflag:s7], $0x2800  }
0x7c: {  	[sflag:s7] =	ssyncset.done $0x0  }
0x7d: {  	[sflag:s7] =	ssyncadd.s32 $0xFFFFD800  }
0x7e: {  	[tilespmem:s29], [sflag:$0x5] =	stream.linear.gather [hbm4b:s17+s2], $0x50, $0x38;
	[tilespmem:$0x1D980] =	vst v63  }
0x7f: {  	s19 =	sadd.s32 $0x140, s18  }
0x80: {  	[tilespmem:s30], [sflag:$0x2] =	stream.indirect.gather [hbm4b:s3+s26], $0x80, s19, s26, $0xb8;
	[tilespmem:$0x1D980] =	vst v63  }
0x81: {  	_ =	swait.ge [sflag:s10], $0x50  }
0x82: {  	[sflag:s10] =	ssyncset.done $0x0  }
0x83: {  	[sflag:s10] =	ssyncadd.s32 $0xFFFFFFB0  }
0x84: {  	_ =	swait.ge [sflag:s11], $0x2800  }
0x85: {  	[sflag:s11] =	ssyncset.done $0x0  }
0x86: {  	[sflag:s11] =	ssyncadd.s32 $0xFFFFD800  }
0x87: {  	[spmem:s1] =	stream.indirect.scatter.add.f32 [tilespmem:s0], [sflag:$0x7], $0x80, s31, s26, $0xb8;
	[tilespmem:$0x1D980] =	vst v63  }
.Ltmp0:
0x88: {  	_ =	swait.ge [sflag:s7], $0x2800;
	(pc) =	sbr.rel @p1 .LBB2_2-.Ltmp0, $4  }
0x89: {  	[sflag:s7] =	ssyncset.done $0x0  }
0x8a: {  	s15 =	sadd.s32 $0xF0, s15;
	[sflag:s7] =	ssyncadd.s32 $0xFFFFD800  }
0x8b: {  	[tilespmem:s31], [sflag:$0x6] =	stream.linear.gather [hbm4b:s16+s2], $0x50, $0x38;
	[tilespmem:$0x1D980] =	vst v63  }
0x8c: {  	s18 =	sadd.s32 $0x190, s18;
	s17 =	sadd.s32 $0x1E, s17;
	s16 =	sadd.s32 $0x1E, s16  }
0x8d: {  	[tilespmem:s0], [sflag:$0x3] =	stream.indirect.gather [hbm4b:s3+s26], $0x80, s18, s26, $0xb8;
	[tilespmem:$0x1D980] =	vst v63  }
0x8e: {  	_ =	swait.ge [sflag:s5], $0x50  }
0x8f: {  	[sflag:s5] =	ssyncset.done $0x0  }
0x90: {  	[sflag:s5] =	ssyncadd.s32 $0xFFFFFFB0  }
0x91: {  	_ =	swait.ge [sflag:s24], $0x2800  }
0x92: {  	[sflag:s24] =	ssyncset.done $0x0  }
0x93: {  	[sflag:s24] =	ssyncadd.s32 $0xFFFFD800  }
0x94: {  	[spmem:s1] =	stream.indirect.scatter.add.f32 [tilespmem:s28], [sflag:$0x7], $0x80, s23, s26, $0xb8;
	[tilespmem:$0x1D980] =	vst v63  }
0x95: {  	_ =	swait.ge [sflag:s7], $0x2800  }
0x96: {  	[sflag:s7] =	ssyncset.done $0x0  }
0x97: {  	s8 =	rddreg [dreg:$0xc];
	[sflag:s7] =	ssyncadd.s32 $0xFFFFD800  }
0x98: {  	[tilespmem:s23], [sflag:$0x4] =	stream.linear.gather [hbm4b:s8+s2], $0x50, $0x38;
	[tilespmem:$0x1D980] =	vst v63  }
0x99: {  	s15 =	simm.s32 $0x2670  }
0x9a: {  	[tilespmem:s28], [sflag:$0x1] =	stream.indirect.gather [hbm4b:s3+s26], $0x80, s15, s26, $0xb8;
	[tilespmem:$0x1D980] =	vst v63  }
0x9b: {  	_ =	swait.ge [sflag:s9], $0x50  }
0x9c: {  	[sflag:s9] =	ssyncset.done $0x0  }
0x9d: {  	[sflag:s9] =	ssyncadd.s32 $0xFFFFFFB0  }
0x9e: {  	_ =	swait.ge [sflag:s25], $0x2800  }
0x9f: {  	[sflag:s25] =	ssyncset.done $0x0  }
0xa0: {  	[sflag:s25] =	ssyncadd.s32 $0xFFFFD800  }
0xa1: {  	[spmem:s1] =	stream.indirect.scatter.add.f32 [tilespmem:s30], [sflag:$0x7], $0x80, s29, s26, $0xb8;
	[tilespmem:$0x1D980] =	vst v63  }
0xa2: {  	_ =	swait.ge [sflag:s7], $0x2800  }
0xa3: {  	[sflag:s7] =	ssyncset.done $0x0  }
0xa4: {  	s16 =	rddreg [dreg:$0xd];
	[sflag:s7] =	ssyncadd.s32 $0xFFFFD800  }
0xa5: {  	[tilespmem:s29], [sflag:$0x5] =	stream.linear.gather [hbm4b:s16+s2], $0x50, $0x38;
	[tilespmem:$0x1D980] =	vst v63  }
0xa6: {  	s17 =	simm.s32 $0x26C0  }
0xa7: {  	[tilespmem:s30], [sflag:$0x2] =	stream.indirect.gather [hbm4b:s3+s26], $0x80, s17, s26, $0xb8;
	[tilespmem:$0x1D980] =	vst v63  }
0xa8: {  	_ =	swait.ge [sflag:s10], $0x50  }
0xa9: {  	[sflag:s10] =	ssyncset.done $0x0  }
0xaa: {  	[sflag:s10] =	ssyncadd.s32 $0xFFFFFFB0  }
0xab: {  	_ =	swait.ge [sflag:s11], $0x2800  }
0xac: {  	[sflag:s11] =	ssyncset.done $0x0  }
0xad: {  	[sflag:s11] =	ssyncadd.s32 $0xFFFFD800  }
0xae: {  	[spmem:s1] =	stream.indirect.scatter.add.f32 [tilespmem:s0], [sflag:$0x7], $0x80, s31, s26, $0xb8;
	[tilespmem:$0x1D980] =	vst v63  }
0xaf: {  	_ =	swait.ge [sflag:s7], $0x2800  }
0xb0: {  	[sflag:s7] =	ssyncset.done $0x0  }
0xb1: {  	[sflag:s7] =	ssyncadd.s32 $0xFFFFD800  }
0xb2: {  	_ =	swait.ge [sflag:s5], $0x50  }
0xb3: {  	[sflag:s5] =	ssyncset.done $0x0  }
0xb4: {  	[sflag:s5] =	ssyncadd.s32 $0xFFFFFFB0  }
0xb5: {  	_ =	swait.ge [sflag:s24], $0x2800  }
0xb6: {  	[sflag:s24] =	ssyncset.done $0x0  }
0xb7: {  	[sflag:s24] =	ssyncadd.s32 $0xFFFFD800  }
0xb8: {  	[spmem:s1] =	stream.indirect.scatter.add.f32 [tilespmem:s28], [sflag:$0x7], $0x80, s23, s26, $0xb8;
	[tilespmem:$0x1D980] =	vst v63  }
0xb9: {  	_ =	swait.ge [sflag:s7], $0x2800  }
0xba: {  	[sflag:s7] =	ssyncset.done $0x0  }
0xbb: {  	[sflag:s7] =	ssyncadd.s32 $0xFFFFD800  }
0xbc: {  	_ =	swait.ge [sflag:s9], $0x50  }
0xbd: {  	[sflag:s9] =	ssyncset.done $0x0  }
0xbe: {  	[sflag:s9] =	ssyncadd.s32 $0xFFFFFFB0  }
0xbf: {  	_ =	swait.ge [sflag:s25], $0x2800  }
0xc0: {  	[sflag:s25] =	ssyncset.done $0x0  }
0xc1: {  	[sflag:s25] =	ssyncadd.s32 $0xFFFFD800  }
0xc2: {  	[spmem:s1] =	stream.indirect.scatter.add.f32 [tilespmem:s30], [sflag:$0x7], $0x80, s29, s26, $0xb8;
	[tilespmem:$0x1D980] =	vst v63  }
0xc3: {  	_ =	swait.ge [sflag:s7], $0x2800  }
0xc4: {  	[sflag:s7] =	ssyncset.done $0x0  }
0xc5: {  	[sflag:s7] =	ssyncadd.s32 $0xFFFFD800  }
0xc6: {  	[bflag:$0x0] =	sbarrier.arrive $0xFFFF  }
0xc7: {  	s18 =	rddreg [dreg:$0x5]  }
0xc8: {  	s15 =	rddreg [dreg:$0xe];
	s8 =	sor.u32 $0x1C07, s18  }
0xc9: {  	[hbm:s15], [sflag:s8] =	dma.local [spmem:s14], $0x2700  }
0xca: {  	_ =	swait.ge [sflag:s7], $0x2700  }
0xcb: {  	[sflag:s7] =	ssyncset.done $0x0  }
0xcc: {  	s14 =	rddreg [dreg:$0xf];
	[sflag:s7] =	ssyncadd.s32 $0xFFFFD900  }
0xcd: {  	[hbm:s14], [sflag:s8] =	dma.local @!p0 [spmem:s13], $0x100  }
0xce: {  	s8 =	simm.s32 @!p0 $0x7  }
0xcf: {  	_ =	swait.ge @!p0 [sflag:s8], $0x100  }
0xd0: {  	s12 =	sadd.s32 $0x1, s12;
	s19 =	rddreg [dreg:$0x10]  }
0xd1: {  	p1 =	sne.s32 s12, s19  }
.Ltmp1:
0xd2: {  	_ = 	snop;
	(pc) =	sbr.rel @p1 .LBB2_1-.Ltmp1, $3  }
0xd3: {  	_ =	sdelay $0x1  }
0xd4: {  	[sflag:s8] =	ssyncset.done @!p0 $0x0  }
0xd5: {  	[sflag:s8] =	ssyncadd.s32 @!p0 $0xFFFFFF00  }
0xd6: {  	_ =	sfence.sel $0x180000  }
0xd7: {  	[bflag:$0x0] =	sbarrier.arrive $0xFFFF  }
0xd8: {  	_ =	strace $0x9000004D  }
0xd9: {  	[bflag:$0x2] =	sbarrier.arrive $0xFFFF  }
0xda: {  	s0 =	rddreg [dreg:$0x2]  }
0xdb: {  	s0 =	sadd.s32 @!p0 $0x100000, s0  }
0xdc: {  	[sflag:s0] =	ssyncadd.tile.s32 @!p0 $0x1;
	_ =	shalt  }
.Lfunc_end2:
_tile_overlayer_lowered:
.L_overlay_start_2:
0xdd: {  	(tag) =	ssettag $0x2  }
0xde: {  	s0 =	rddreg [dreg:$0x0];
	s2 =	stileid.u32  }
0xdf: {  	s1 =	rddreg [dreg:$0x1];
	p0 =	sne.s32 s2, $0x0  }
0xe0: {  	s3 =	rddreg [dreg:$0x2];
	[bflag:$0x3] =	sbarrier.arrive $0xFFFF;
	s2 =	simm.s32 @!p0 $0x1C07  }
0xe1: {  	[timem:s3], [sflag:s2] =	dma.local @!p0 [hbm:s0], s1  }
0xe2: {  	s0 =	simm.s32 @!p0 $0x7  }
0xe3: {  	_ =	swait.ge @!p0 [sflag:s0], s1  }
0xe4: {  	s1 =	ssub.s32 @!p0 $0x0, s1;
	[sflag:s0] =	ssyncset.done @!p0 $0x0  }
0xe5: {  	[sflag:s0] =	ssyncadd.s32 @!p0 s1  }
0xe6: {  	[bflag:$0x3] =	sbarrier.arrive $0xFFFF  }
0xe7: {  	_ =	shalt  }

// kernel: kernel.23.cloned.1.call-start
scs
__scs_entry_jumppad:
0x0: {  	(pc) =	sbr.rel $0x88, $3  }
0x1: {  	(tag) =	ssettag $0x0;
	lr =	simm.s32 $0x1  }
0x2: {  	[smem:$0x3F4F] =	sst lr;
	_ =	strace $0xD0000000  }
0x3: {  	_ = 	snop  }
0x4: {  	_ = 	snop  }
0x5: {  	_ = 	snop  }
0x6: {  	_ = 	snop  }
0x7: {  	_ = 	snop  }
__scs_overlays_trampoline_lowered:
0x8: {  	[smem:$0x3F5E] =	sst s0  }
0x9: {  	[smem:$0x3F5F] =	sst s1  }
0xa: {  	[smem:$0x3F60] =	sst s2  }
0xb: {  	[smem:$0x3F61] =	sst s3  }
0xc: {  	[smem:$0x3F62] =	sst s4  }
0xd: {  	[smem:$0x3F63] =	sst s5  }
0xe: {  	[smem:$0x3F64] =	sst s6  }
0xf: {  	[smem:$0x3F65] =	sst s7  }
0x10: {  	[smem:$0x3F66] =	sst s8  }
0x11: {  	[smem:$0x3F67] =	sst s9;
	s0 =	simm.s32 @!p0 $0x0  }
0x12: {  	s1 =	sld [smem:$0x3F4D];
	s0 =	simm.s32 @p0 $0x1  }
0x13: {  	[smem:$0x3F68] =	sst s0;
	s0 =	simm.s32 @!p1 $0x0  }
0x14: {  	s2 =	sld [smem:$0x3F4C];
	s0 =	simm.s32 @p1 $0x1  }
0x15: {  	[smem:$0x3F69] =	sst s0;
	s0 =	simm.s32 @!p2 $0x0  }
0x16: {  	s3 =	sld [smem:$0x3FDB];
	s0 =	simm.s32 @p2 $0x1  }
0x17: {  	s4 =	simm.s32 $0x1BF5;
	[smem:$0x3F6B] =	sst s0  }
0x18: {  	s0 =	sld [smem:$0x3F4E];
	_ =	swait.ge [sflag:s4], $0x0  }
0x19: {  	s7 =	sld [smem:$0x3F4F]  }
0x1a: {  	s8 =	sadd.s32 $0xFFFFE003, lr  }
0x1b: {  	s9 =	sadd.s32 $0xFFFFFEF7, lr;
	s5 =	simm.s32 $0xFFFFFFFF;
	p2 =	slt.u32 s8, $0xFFFFF086  }
0x1c: {  	p1 =	slt.u32 s9, $0xF7A;
	s5 =	simm.s32 @!p2 $0x0  }
0x1d: {  	s5 =	simm.s32 @p1 $0x1;
	p0 =	seq.s32 s7, s2  }
0x1e: {  	s7 =	smul.u32 @!p0 $0xF7A, s2;
	p2 =	seq.s32 @!p0 s5, $0x0  }
0x1f: {  	s9 =	smul.u32 $0xF7A, s1;
	s8 =	simm.s32 @!p0 $0x1BF5;
	p2 =	por !p2, p0  }
0x20: {  	[sflag:s8] =	ssyncset.s32 @!p0 $0xFFFFF086;
	s6 =	sadd.s32 @!p0 s3, s7;
	s7 =	simm.s32 @!p0 $0x108  }
0x21: {  	s3 =	sadd.s32 s3, s9;
	s6 =	sadd.s32 @!p0 $0x88, s6;
	s7 =	simm.s32 @p2 $0x1082  }
0x22: {  	[simem:s7], [sflag:s8] =	dma.local @!p0 [hbm:s6], $0xF7A  }
0x23: {  	s9 =	sor.u32 $0xD0000000, s2;
	s6 =	simm.s32 $0x108;
	_ =	swait.ge @!p0 [sflag:s8], $0x0  }
0x24: {  	s3 =	sadd.s32 $0x88, s3;
	s6 =	simm.s32 @!p1 $0x1082;
	[sflag:s4] =	ssyncset.s32 $0xFFFFF086  }
0x25: {  	[simem:s6], [sflag:s4] =	dma.local [hbm:s3], $0xF7A  }
0x26: {  	[smem:$0x3F4F] =	sst s1;
	(tag) =	ssettag s2;
	_ =	strace s9  }
0x27: {  	s1 =	sld [smem:$0x3F5F]  }
0x28: {  	s2 =	sld [smem:$0x3F60]  }
0x29: {  	s4 =	sld [smem:$0x3F62]  }
0x2a: {  	p0 =	seq.s32 s5, $0x0;
	s5 =	sld [smem:$0x3F63]  }
0x2b: {  	s6 =	sld [smem:$0x3F64]  }
0x2c: {  	s7 =	sld [smem:$0x3F65]  }
0x2d: {  	s3 =	simm.s32 $0x108;
	s8 =	sld [smem:$0x3F66]  }
0x2e: {  	s3 =	simm.s32 @!p0 $0x1082;
	s9 =	sld [smem:$0x3F67]  }
0x2f: {  	lr =	sadd.s32 s0, s3;
	s0 =	sld [smem:$0x3F5E]  }
0x30: {  	s3 =	sld [smem:$0x3F61]  }
0x31: {  	[smem:$0x3F6A] =	sst s10  }
0x32: {  	s10 =	sld [smem:$0x3F68];
	_ =	sdelay $0x3  }
0x33: {  	p0 =	seq.s32 s10, $0x1;
	s10 =	sld [smem:$0x3F6A];
	_ =	sdelay $0x3  }
0x34: {  	[smem:$0x3F6A] =	sst s10  }
0x35: {  	s10 =	sld [smem:$0x3F69];
	_ =	sdelay $0x3  }
0x36: {  	p1 =	seq.s32 s10, $0x1;
	s10 =	sld [smem:$0x3F6A];
	_ =	sdelay $0x3  }
0x37: {  	[smem:$0x3F6A] =	sst s10  }
0x38: {  	s10 =	sld [smem:$0x3F6B]  }
0x39: {  	_ = 	snop;
	(pc) =	sbr.ind lr, $3  }
0x3a: {  	_ = 	snop  }
0x3b: {  	_ = 	snop  }
0x3c: {  	p2 =	seq.s32 s10, $0x1;
	s10 =	sld [smem:$0x3F6A]  }
0x3d: {  	_ =	shalt  }
0x3e: {  	_ =	shalt  }
0x3f: {  	_ =	shalt  }
0x40: {  	_ =	shalt  }
0x41: {  	_ =	shalt  }
0x42: {  	_ =	shalt  }
0x43: {  	_ =	shalt  }
0x44: {  	_ =	shalt  }
0x45: {  	_ =	shalt  }
0x46: {  	_ =	shalt  }
0x47: {  	_ =	shalt  }
0x48: {  	_ =	shalt  }
0x49: {  	_ =	shalt  }
0x4a: {  	_ =	shalt  }
0x4b: {  	_ =	shalt  }
0x4c: {  	_ =	shalt  }
0x4d: {  	_ =	shalt  }
0x4e: {  	_ =	shalt  }
0x4f: {  	_ =	shalt  }
0x50: {  	_ =	shalt  }
0x51: {  	_ =	shalt  }
0x52: {  	_ =	shalt  }
0x53: {  	_ =	shalt  }
0x54: {  	_ =	shalt  }
0x55: {  	_ =	shalt  }
0x56: {  	_ =	shalt  }
0x57: {  	_ =	shalt  }
0x58: {  	_ =	shalt  }
0x59: {  	_ =	shalt  }
0x5a: {  	_ =	shalt  }
0x5b: {  	_ =	shalt  }
0x5c: {  	_ =	shalt  }
0x5d: {  	_ =	shalt  }
0x5e: {  	_ =	shalt  }
0x5f: {  	_ =	shalt  }
0x60: {  	_ =	shalt  }
0x61: {  	_ =	shalt  }
0x62: {  	_ =	shalt  }
0x63: {  	_ =	shalt  }
0x64: {  	_ =	shalt  }
0x65: {  	_ =	shalt  }
0x66: {  	_ =	shalt  }
0x67: {  	_ =	shalt  }
0x68: {  	_ =	shalt  }
0x69: {  	_ =	shalt  }
0x6a: {  	_ =	shalt  }
0x6b: {  	_ =	shalt  }
0x6c: {  	_ =	shalt  }
0x6d: {  	_ =	shalt  }
0x6e: {  	_ =	shalt  }
0x6f: {  	_ =	shalt  }
0x70: {  	_ =	shalt  }
0x71: {  	_ =	shalt  }
0x72: {  	_ =	shalt  }
0x73: {  	_ =	shalt  }
0x74: {  	_ =	shalt  }
0x75: {  	_ =	shalt  }
0x76: {  	_ =	shalt  }
0x77: {  	_ =	shalt  }
0x78: {  	_ =	shalt  }
0x79: {  	_ =	shalt  }
0x7a: {  	_ =	shalt  }
0x7b: {  	_ =	shalt  }
0x7c: {  	_ =	shalt  }
0x7d: {  	_ =	shalt  }
0x7e: {  	_ =	shalt  }
0x7f: {  	_ =	shalt  }
0x80: {  	_ =	shalt  }
0x81: {  	_ =	shalt  }
0x82: {  	_ =	shalt  }
0x83: {  	_ =	shalt  }
0x84: {  	_ =	shalt  }
0x85: {  	_ =	shalt  }
0x86: {  	_ =	shalt  }
0x87: {  	_ =	shalt  }
.Lfunc_end0:
.L_simem_size_0:
called_computation.3_lowered:
.L_overlay_start_0:
0x88: {  	s2 =	sld [smem:$0x3FD9]  }
0x89: {  	s3 =	sld [smem:$0x3FFE];
	_ =	sdelay $0x1  }
0x8a: {  	s1 =	srdreg.scid  }
0x8b: {  	s0 =	sand.u32 $0x1, s1  }
0x8c: {  	s16 =	sshll.u32 s0, $0xA;
	s2 =	sadd.s32 s3, s2  }
0x8d: {  	s2 =	sadd.s32 s2, s16  }
0x8e: {  	[smem:$0x3F76] =	sst s2  }
0x8f: {  	_ = 	snop  }
0x90: {  	(tm) =	ssettm $0x1  }
0x91: {  	s17 =	sld [smem:$0x3FFB];
	_ =	sdelay $0x3  }
0x92: {  	_ =	strace s17  }
0x93: {  	s2 =	sld [smem:$0x3FFC];
	_ =	sdelay $0x3  }
0x94: {  	_ =	strace s2  }
0x95: {  	s2 =	sld [smem:$0x3FFD];
	_ =	sdelay $0x3  }
0x96: {  	_ =	strace s2  }
0x97: {  	_ =	strace $0x8FFFFFFF  }
0x98: {  	s18 =	sld [smem:$0x3FDB];
	_ =	sdelay $0x1  }
0x99: {  	s19 =	simm.s32 $_scs_section_size  }
0x9a: {  	s4 =	simm.s32 $_size__tile_overlayer_lowered;
	s5 =	simm.s32 $_tile_overlayer_lowered  }
0x9b: {  	s22 =	simm.s32 $0x1BFF;
	s21 =	sshll.u32 s5, $0x1;
	s2 =	sadd.s32 s19, s18  }
0x9c: {  	s6 =	simm.s32 $0x0;
	s20 =	sshll.u32 s4, $0x1;
	s4 =	sadd.s32 s21, s2  }
0x9d: {  	[timem:s6], [sflag:s22] =	dma.local [hbm:s4], s20  }
0x9e: {  	_ =	swait.ge [sflag:s22], s20  }
0x9f: {  	s3 =	ssub.s32 $0x0, s20;
	[sflag:s22] =	ssyncset.done $0x0  }
0xa0: {  	[sflag:s22] =	ssyncadd.s32 s3;
	_ =	sdelay $0x1  }
0xa1: {  	s23 =	simm.s32 $0x1B8B  }
0xa2: {  	_ =	swait.ge [sflag:s23], $0x1  }
0xa3: {  	[sflag:s23] =	ssyncset.done $0x0  }
0xa4: {  	s25 =	simm.s32 $0x1B8E;
	s24 =	sld [smem:$0x3FFE];
	[sflag:s23] =	ssyncadd.s32 $0xFFFFFFFF  }
0xa5: {  	s26 =	simm.s32 $execute0_lowered;
	[smem:$0x3FD2] =	sst s25  }
0xa6: {  	s4 =	sshll.u32 s26, $0x1;
	_ =	strace $0x8000004F;
	[dreg:$0x1] =	wrdreg $0xFFFFFFFF  }
0xa7: {  	s28 =	simm.s32 $_size_execute0_lowered;
	s2 =	sadd.s32 s2, s4;
	[dreg:$0x0] =	wrdreg $0x0  }
0xa8: {  	s4 =	sshll.u32 s28, $0x1;
	[dreg:$0x2] =	wrdreg s2  }
0xa9: {  	[dreg:$0x3] =	wrdreg s4  }
0xaa: {  	[dreg:$0x4] =	wrdreg $0xC0  }
0xab: {  	_ =	task [dreg:s6], $0x5FFFF  }
0xac: {  	[dreg:$0x1] =	wrdreg $0xFFFFFFFF  }
0xad: {  	[dreg:$0x0] =	wrdreg $0x60  }
0xae: {  	[dreg:$0x2] =	wrdreg s24  }
0xaf: {  	[dreg:$0x3] =	wrdreg $0xA1000  }
0xb0: {  	[dreg:$0x4] =	wrdreg $0x9  }
0xb1: {  	_ =	task.clear_ibuf [dreg:s6], $0x5FFFF;
	_ =	strace $0x9000004F  }
0xb2: {  	s29 =	simm.s32 $0x9;
	_ =	strace $0x80000051  }
0xb3: {  	_ =	swait.ge [sflag:s29], $0x1  }
0xb4: {  	[sflag:s29] =	ssyncadd.s32 $0xFFFFFFFF  }
0xb5: {  	_ =	strace $0x90000051  }
0xb6: {  	_ =	sfence  }
0xb7: {  	s30 =	sld [smem:$0x0];
	_ =	sdelay $0x2  }
0xb8: {  	s31 =	sshll.u32 s1, $0xD;
	s1 =	sshrl.u32 s1, $0x2  }
0xb9: {  	s3 =	sand.u32 $0x4000, s31;
	s1 =	sadd.s32 s1, s30  }
0xba: {  	s0 =	sor.u32 s3, s0;
	s1 =	sshll.u32 s1, $0x11  }
0xbb: {  	s0 =	sor.u32 s1, s0  }
0xbc: {  	s0 =	sadd.s32 $0x8F2B, s0  }
0xbd: {  	[sflag:s0] =	ssyncadd.remote.s32 $0x1  }
0xbe: {  	_ =	sfence.sel $0xFFFF  }
0xbf: {  	[dreg:$0x0] =	wrdreg $0xFFFFFFFF;
	(pc) =	sbr.abs _section_cstart, $3  }
0xc0: {  	[dreg:$0x1] =	wrdreg $0xFFFFFFFF  }
0xc1: {  	_ =	task.clear_ibuf [dreg:s6], $0x2FFFF;
	_ =	strace $0x9FFFFFFF  }
0xc2: {  	(tm) =	ssettm $0x7FFFFFFF  }
0xc3: {  	_ =	shalt  }
tec
execute0_lowered:
.L_overlay_start_1:
0x0: {  	(tag) =	ssettag $0x1  }
0x1: {  	s0 =	srdreg.scid;
	s5 =	rddreg [dreg:$0x0]  }
0x2: {  	s7 =	stileid.u32;
	s1 =	rddreg [dreg:$0x1];
	s28 =	simm.s32 $0x2900  }
0x3: {  	s29 =	simm.s32 $0x2800;
	s30 =	simm.s32 $0x5100;
	s31 =	simm.s32 $0x2880  }
0x4: {  	s0 =	sand.u32 $0x1, s0;
	s4 =	sadd.s32 $0xE600, s5;
	s11 =	smul.u32 $0x4E000, s7  }
0x5: {  	s12 =	sadd.s32 $0x49400, s5;
	s23 =	smul.u32 $0x13800, s7;
	s26 =	sshll.u32 s7, $0x6  }
0x6: {  	s15 =	sadd.s32 $0x138000, s1;
	s18 =	smul.u32 $0x2710, s7;
	p0 =	sne.s32 s7, $0x0  }
0x7: {  	s2 =	sshll.u32 s0, $0x4;
	s9 =	ssub.s32 $0x2, s0;
	s14 =	smul.u32 $0x138800, s0  }
0x8: {  	s13 =	sor.u32 $0x1C01, s26;
	s0 =	smul.u32 $0x27100, s0;
	s3 =	sor.u32 s7, s2  }
0x9: {  	s2 =	simm.s32 $0x0;
	s10 =	sshrl.u32 s9, $0x1;
	s24 =	sshrl.u32 s11, $0x2  }
0xa: {  	s25 =	sshrl.u32 s23, $0x3;
	s7 =	simm.s32 $0x7;
	[smem:$0x7FF] =	sst s2  }
0xb: {  	s11 =	simm.s32 $0x3;
	_ =	strace $0x80000050;
	[dreg:$0x5] =	wrdreg s26  }
0xc: {  	s3 =	smul.u32 $0x2710, s3;
	s9 =	ssub.s32 s9, s10;
	[dreg:$0x7] =	wrdreg s13  }
0xd: {  	s10 =	sadd.s32 s23, s14;
	s0 =	sadd.s32 s18, s0;
	[dreg:$0x8] =	wrdreg s15  }
0xe: {  	s10 =	sshrl.u32 s10, $0x3;
	s9 =	smax.u32 s9, $0x1;
	s6 =	sshrl.u32 s3, $0x3  }
0xf: {  	s3 =	sadd.s32 $0x22200, s5;
	s21 =	sadd.s32 s12, s10;
	[dreg:$0x10] =	wrdreg s9  }
0x10: {  	s8 =	sadd.s32 s6, s5;
	s5 =	sadd.s32 $0x49200, s5;
	[dreg:$0xe] =	wrdreg s21  }
0x11: {  	s6 =	sadd.s32 s4, s6;
	s8 =	sadd.s32 $0x18400, s8;
	[dreg:$0x9] =	wrdreg s5  }
0x12: {  	s23 =	sadd.s32 $0x190, s0;
	s16 =	sadd.s32 $0xA, s6;
	[dreg:$0x3] =	wrdreg s8  }
0x13: {  	s9 =	simm.s32 $0x5;
	s17 =	sadd.s32 $0x14, s6;
	[dreg:$0xa] =	wrdreg s16  }
0x14: {  	s10 =	simm.s32 $0x6;
	s19 =	sadd.s32 $0x4CE, s6;
	[dreg:$0xb] =	wrdreg s17  }
0x15: {  	s20 =	sadd.s32 $0x4D8, s6;
	s8 =	sadd.s32 s24, s1;
	[dreg:$0xc] =	wrdreg s19  }
0x16: {  	[dreg:$0xd] =	wrdreg s20;
	s24 =	sshrl.u32 s23, $0x3;
	s23 =	simm.s32 $0x2780  }
0x17: {  	[dreg:$0x4] =	wrdreg s8;
	s8 =	sadd.s32 s3, s25;
	s25 =	sadd.s32 $0x140, s0  }
0x18: {  	s20 =	sadd.s32 s24, s4;
	s24 =	simm.s32 $0x1;
	[dreg:$0x6] =	wrdreg s8  }
0x19: {  	s8 =	sshrl.u32 s14, $0x3;
	s26 =	sshrl.u32 s25, $0x3;
	s25 =	simm.s32 $0x2  }
0x1a: {  	s22 =	sadd.s32 s12, s8;
	s21 =	sadd.s32 s26, s4;
	s26 =	simm.s32 $0x50  }
0x1b: {  	s12 =	simm.s32 $0x0;
	s5 =	sadd.s32 $0x27000, s22;
	s22 =	sadd.s32 $0xF0, s0  }
0x1c: {  	s0 =	simm.s32 $0x7900;
	[dreg:$0xf] =	wrdreg s5;
	s5 =	simm.s32 $0x4  }
.LBB2_1:
0x1d: {  	s8 =	rddreg [dreg:$0x3]  }
0x1e: {  	s17 =	rddreg [dreg:$0x4]  }
0x1f: {  	s18 =	rddreg [dreg:$0x6]  }
0x20: {  	[tilespmem:s2], [sflag:$0x1] =	stream.linear.gather [hbm4b:s8+s2], $0x2710, $0x38;
	[tilespmem:$0x1D980] =	vst v63  }
0x21: {  	s13 =	rddreg [dreg:$0x7];
	s14 =	sshrl.u32 s17, $0x3  }
0x22: {  	[tilespmem:s23], [sflag:$0x2] =	stream.linear.gather [hbm4b:s6+s2], $0x50, $0x38;
	[tilespmem:$0x1D980] =	vst v63  }
0x23: {  	[spmem:s14], [sflag:s13] =	dma.local [hbm:s18], $0x2700  }
0x24: {  	s8 =	rddreg [dreg:$0x8]  }
0x25: {  	s15 =	rddreg [dreg:$0x9];
	s13 =	sshrl.u32 @!p0 s8, $0x3;
	s8 =	simm.s32 @!p0 $0x1C02  }
0x26: {  	[spmem:s13], [sflag:s8] =	dma.local @!p0 [hbm:s15], $0x100  }
0x27: {  	s8 =	simm.s32 @!p0 $0x2  }
0x28: {  	_ =	swait.ge @!p0 [sflag:s8], $0x100  }
0x29: {  	[sflag:s8] =	ssyncset.done @!p0 $0x0  }
0x2a: {  	[sflag:s8] =	ssyncadd.s32 @!p0 $0xFFFFFF00  }
0x2b: {  	_ =	swait.ge [sflag:s24], $0x2710  }
0x2c: {  	[sflag:s24] =	ssyncset.done $0x0  }
0x2d: {  	[sflag:s24] =	ssyncadd.s32 $0xFFFFD8F0  }
0x2e: {  	_ =	swait.ge [sflag:s25], $0x50  }
0x2f: {  	[sflag:s25] =	ssyncset.done $0x0  }
0x30: {  	[sflag:s25] =	ssyncadd.s32 $0xFFFFFFB0  }
0x31: {  	_ =	swait.ge [sflag:s24], $0x2700  }
0x32: {  	[sflag:s24] =	ssyncset.done $0x0  }
0x33: {  	[sflag:s24] =	ssyncadd.s32 $0xFFFFD900  }
0x34: {  	[bflag:$0x0] =	sbarrier.arrive $0xFFFF  }
0x35: {  	[tilespmem:s23], [sflag:$0x4] =	stream.linear.gather [hbm4b:s6+s2], $0x50, $0x38;
	[tilespmem:$0x1D980] =	vst v63  }
0x36: {  	_ = 	snop  }
0x37: {  	[tilespmem:s28], [sflag:$0x1] =	stream.indirect.gather [hbm4b:s3+s26], $0x80, s2, s26, $0xb8;
	[tilespmem:$0x1D980] =	vst v63  }
0x38: {  	s19 =	rddreg [dreg:$0xa]  }
0x39: {  	[tilespmem:s29], [sflag:$0x5] =	stream.linear.gather [hbm4b:s19+s2], $0x50, $0x38;
	[tilespmem:$0x1D980] =	vst v63  }
0x3a: {  	_ = 	snop  }
0x3b: {  	[tilespmem:s30], [sflag:$0x2] =	stream.indirect.gather [hbm4b:s3+s26], $0x80, s26, s26, $0xb8;
	[tilespmem:$0x1D980] =	vst v63  }
0x3c: {  	s15 =	rddreg [dreg:$0xb]  }
0x3d: {  	[tilespmem:s31], [sflag:$0x6] =	stream.linear.gather [hbm4b:s15+s2], $0x50, $0x38;
	[tilespmem:$0x1D980] =	vst v63  }
0x3e: {  	s16 =	simm.s32 $0xA0  }
0x3f: {  	[tilespmem:s0], [sflag:$0x3] =	stream.indirect.gather [hbm4b:s3+s26], $0x80, s16, s26, $0xb8;
	[tilespmem:$0x1D980] =	vst v63  }
0x40: {  	_ =	swait.ge [sflag:s5], $0x50  }
0x41: {  	[sflag:s5] =	ssyncset.done $0x0  }
0x42: {  	[sflag:s5] =	ssyncadd.s32 $0xFFFFFFB0  }
0x43: {  	_ =	swait.ge [sflag:s24], $0x2800  }
0x44: {  	[sflag:s24] =	ssyncset.done $0x0  }
0x45: {  	[sflag:s24] =	ssyncadd.s32 $0xFFFFD800  }
0x46: {  	[spmem:s1] =	stream.indirect.scatter.add.f32 [tilespmem:s28], [sflag:$0x7], $0x80, s23, s26, $0xb8;
	[tilespmem:$0x1D980] =	vst v63  }
0x47: {  	_ =	swait.ge [sflag:s7], $0x2800  }
0x48: {  	s17 =	sshrl.u32 s22, $0x3;
	[sflag:s7] =	ssyncset.done $0x0  }
0x49: {  	s8 =	sadd.s32 s4, s17;
	[sflag:s7] =	ssyncadd.s32 $0xFFFFD800  }
0x4a: {  	[tilespmem:s23], [sflag:$0x4] =	stream.linear.gather [hbm4b:s8+s2], $0x50, $0x38;
	[tilespmem:$0x1D980] =	vst v63  }
0x4b: {  	s18 =	simm.s32 $0xF0  }
0x4c: {  	[tilespmem:s28], [sflag:$0x1] =	stream.indirect.gather [hbm4b:s3+s26], $0x80, s18, s26, $0xb8;
	[tilespmem:$0x1D980] =	vst v63  }
0x4d: {  	_ =	swait.ge [sflag:s9], $0x50  }
0x4e: {  	[sflag:s9] =	ssyncset.done $0x0  }
0x4f: {  	[sflag:s9] =	ssyncadd.s32 $0xFFFFFFB0  }
0x50: {  	_ =	swait.ge [sflag:s25], $0x2800  }
0x51: {  	[sflag:s25] =	ssyncset.done $0x0  }
0x52: {  	[sflag:s25] =	ssyncadd.s32 $0xFFFFD800  }
0x53: {  	[spmem:s1] =	stream.indirect.scatter.add.f32 [tilespmem:s30], [sflag:$0x7], $0x80, s29, s26, $0xb8;
	[tilespmem:$0x1D980] =	vst v63  }
0x54: {  	_ =	swait.ge [sflag:s7], $0x2800  }
0x55: {  	[sflag:s7] =	ssyncset.done $0x0  }
0x56: {  	[sflag:s7] =	ssyncadd.s32 $0xFFFFD800  }
0x57: {  	[tilespmem:s29], [sflag:$0x5] =	stream.linear.gather [hbm4b:s21+s2], $0x50, $0x38;
	[tilespmem:$0x1D980] =	vst v63  }
0x58: {  	s19 =	simm.s32 $0x140  }
0x59: {  	[tilespmem:s30], [sflag:$0x2] =	stream.indirect.gather [hbm4b:s3+s26], $0x80, s19, s26, $0xb8;
	[tilespmem:$0x1D980] =	vst v63  }
0x5a: {  	_ =	swait.ge [sflag:s10], $0x50  }
0x5b: {  	[sflag:s10] =	ssyncset.done $0x0  }
0x5c: {  	[sflag:s10] =	ssyncadd.s32 $0xFFFFFFB0  }
0x5d: {  	_ =	swait.ge [sflag:s11], $0x2800  }
0x5e: {  	[sflag:s11] =	ssyncset.done $0x0  }
0x5f: {  	[sflag:s11] =	ssyncadd.s32 $0xFFFFD800  }
0x60: {  	[spmem:s1] =	stream.indirect.scatter.add.f32 [tilespmem:s0], [sflag:$0x7], $0x80, s31, s26, $0xb8;
	[tilespmem:$0x1D980] =	vst v63  }
0x61: {  	s17 =	sadd.s32 $0x1E, s21;
	_ =	swait.ge [sflag:s7], $0x2800  }
0x62: {  	s15 =	sadd.s32 $0xF0, s22;
	s16 =	sadd.s32 $0x1E, s20;
	[sflag:s7] =	ssyncset.done $0x0  }
0x63: {  	s8 =	simm.s32 $0x3C0;
	s18 =	simm.s32 $0x190;
	[sflag:s7] =	ssyncadd.s32 $0xFFFFD800  }
0x64: {  	[tilespmem:s31], [sflag:$0x6] =	stream.linear.gather [hbm4b:s20+s2], $0x50, $0x38;
	[tilespmem:$0x1D980] =	vst v63  }
.LBB2_2:
0x65: {  	[tilespmem:s0], [sflag:$0x3] =	stream.indirect.gather [hbm4b:s3+s26], $0x80, s18, s26, $0xb8;
	[tilespmem:$0x1D980] =	vst v63  }
0x66: {  	s18 =	smov.u32 s8  }
0x67: {  	p1 =	sne.s32 s8, $0x9240;
	s8 =	sadd.s32 $0x3C0, s8;
	_ =	swait.ge [sflag:s5], $0x50  }
0x68: {  	[sflag:s5] =	ssyncset.done $0x0  }
0x69: {  	[sflag:s5] =	ssyncadd.s32 $0xFFFFFFB0  }
0x6a: {  	_ =	swait.ge [sflag:s24], $0x2800  }
0x6b: {  	[sflag:s24] =	ssyncset.done $0x0  }
0x6c: {  	[sflag:s24] =	ssyncadd.s32 $0xFFFFD800  }
0x6d: {  	[spmem:s1] =	stream.indirect.scatter.add.f32 [tilespmem:s28], [sflag:$0x7], $0x80, s23, s26, $0xb8;
	[tilespmem:$0x1D980] =	vst v63  }
0x6e: {  	_ =	swait.ge [sflag:s7], $0x2800  }
0x6f: {  	s19 =	sshrl.u32 s15, $0x3;
	[sflag:s7] =	ssyncset.done $0x0  }
0x70: {  	s19 =	sadd.s32 s4, s19;
	s18 =	sshra.s32 s18, $0x2;
	[sflag:s7] =	ssyncadd.s32 $0xFFFFD800  }
0x71: {  	[tilespmem:s23], [sflag:$0x4] =	stream.linear.gather [hbm4b:s19+s2], $0x50, $0x38;
	[tilespmem:$0x1D980] =	vst v63  }
0x72: {  	s19 =	sadd.s32 $0xF0, s18  }
0x73: {  	[tilespmem:s28], [sflag:$0x1] =	stream.indirect.gather [hbm4b:s3+s26], $0x80, s19, s26, $0xb8;
	[tilespmem:$0x1D980] =	vst v63  }
0x74: {  	_ =	swait.ge [sflag:s9], $0x50  }
0x75: {  	[sflag:s9] =	ssyncset.done $0x0  }
0x76: {  	[sflag:s9] =	ssyncadd.s32 $0xFFFFFFB0  }
0x77: {  	_ =	swait.ge [sflag:s25], $0x2800  }
0x78: {  	[sflag:s25] =	ssyncset.done $0x0  }
0x79: {  	[sflag:s25] =	ssyncadd.s32 $0xFFFFD800  }
0x7a: {  	[spmem:s1] =	stream.indirect.scatter.add.f32 [tilespmem:s30], [sflag:$0x7], $0x80, s29, s26, $0xb8;
	[tilespmem:$0x1D980] =	vst v63  }
0x7b: {  	_ =	swait.ge [sflag:s7], $0x2800  }
0x7c: {  	[sflag:s7] =	ssyncset.done $0x0  }
0x7d: {  	[sflag:s7] =	ssyncadd.s32 $0xFFFFD800  }
0x7e: {  	[tilespmem:s29], [sflag:$0x5] =	stream.linear.gather [hbm4b:s17+s2], $0x50, $0x38;
	[tilespmem:$0x1D980] =	vst v63  }
0x7f: {  	s19 =	sadd.s32 $0x140, s18  }
0x80: {  	[tilespmem:s30], [sflag:$0x2] =	stream.indirect.gather [hbm4b:s3+s26], $0x80, s19, s26, $0xb8;
	[tilespmem:$0x1D980] =	vst v63  }
0x81: {  	_ =	swait.ge [sflag:s10], $0x50  }
0x82: {  	[sflag:s10] =	ssyncset.done $0x0  }
0x83: {  	[sflag:s10] =	ssyncadd.s32 $0xFFFFFFB0  }
0x84: {  	_ =	swait.ge [sflag:s11], $0x2800  }
0x85: {  	[sflag:s11] =	ssyncset.done $0x0  }
0x86: {  	[sflag:s11] =	ssyncadd.s32 $0xFFFFD800  }
0x87: {  	[spmem:s1] =	stream.indirect.scatter.add.f32 [tilespmem:s0], [sflag:$0x7], $0x80, s31, s26, $0xb8;
	[tilespmem:$0x1D980] =	vst v63  }
.Ltmp0:
0x88: {  	_ =	swait.ge [sflag:s7], $0x2800;
	(pc) =	sbr.rel @p1 .LBB2_2-.Ltmp0, $4  }
0x89: {  	[sflag:s7] =	ssyncset.done $0x0  }
0x8a: {  	s15 =	sadd.s32 $0xF0, s15;
	[sflag:s7] =	ssyncadd.s32 $0xFFFFD800  }
0x8b: {  	[tilespmem:s31], [sflag:$0x6] =	stream.linear.gather [hbm4b:s16+s2], $0x50, $0x38;
	[tilespmem:$0x1D980] =	vst v63  }
0x8c: {  	s18 =	sadd.s32 $0x190, s18;
	s17 =	sadd.s32 $0x1E, s17;
	s16 =	sadd.s32 $0x1E, s16  }
0x8d: {  	[tilespmem:s0], [sflag:$0x3] =	stream.indirect.gather [hbm4b:s3+s26], $0x80, s18, s26, $0xb8;
	[tilespmem:$0x1D980] =	vst v63  }
0x8e: {  	_ =	swait.ge [sflag:s5], $0x50  }
0x8f: {  	[sflag:s5] =	ssyncset.done $0x0  }
0x90: {  	[sflag:s5] =	ssyncadd.s32 $0xFFFFFFB0  }
0x91: {  	_ =	swait.ge [sflag:s24], $0x2800  }
0x92: {  	[sflag:s24] =	ssyncset.done $0x0  }
0x93: {  	[sflag:s24] =	ssyncadd.s32 $0xFFFFD800  }
0x94: {  	[spmem:s1] =	stream.indirect.scatter.add.f32 [tilespmem:s28], [sflag:$0x7], $0x80, s23, s26, $0xb8;
	[tilespmem:$0x1D980] =	vst v63  }
0x95: {  	_ =	swait.ge [sflag:s7], $0x2800  }
0x96: {  	[sflag:s7] =	ssyncset.done $0x0  }
0x97: {  	s8 =	rddreg [dreg:$0xc];
	[sflag:s7] =	ssyncadd.s32 $0xFFFFD800  }
0x98: {  	[tilespmem:s23], [sflag:$0x4] =	stream.linear.gather [hbm4b:s8+s2], $0x50, $0x38;
	[tilespmem:$0x1D980] =	vst v63  }
0x99: {  	s15 =	simm.s32 $0x2670  }
0x9a: {  	[tilespmem:s28], [sflag:$0x1] =	stream.indirect.gather [hbm4b:s3+s26], $0x80, s15, s26, $0xb8;
	[tilespmem:$0x1D980] =	vst v63  }
0x9b: {  	_ =	swait.ge [sflag:s9], $0x50  }
0x9c: {  	[sflag:s9] =	ssyncset.done $0x0  }
0x9d: {  	[sflag:s9] =	ssyncadd.s32 $0xFFFFFFB0  }
0x9e: {  	_ =	swait.ge [sflag:s25], $0x2800  }
0x9f: {  	[sflag:s25] =	ssyncset.done $0x0  }
0xa0: {  	[sflag:s25] =	ssyncadd.s32 $0xFFFFD800  }
0xa1: {  	[spmem:s1] =	stream.indirect.scatter.add.f32 [tilespmem:s30], [sflag:$0x7], $0x80, s29, s26, $0xb8;
	[tilespmem:$0x1D980] =	vst v63  }
0xa2: {  	_ =	swait.ge [sflag:s7], $0x2800  }
0xa3: {  	[sflag:s7] =	ssyncset.done $0x0  }
0xa4: {  	s16 =	rddreg [dreg:$0xd];
	[sflag:s7] =	ssyncadd.s32 $0xFFFFD800  }
0xa5: {  	[tilespmem:s29], [sflag:$0x5] =	stream.linear.gather [hbm4b:s16+s2], $0x50, $0x38;
	[tilespmem:$0x1D980] =	vst v63  }
0xa6: {  	s17 =	simm.s32 $0x26C0  }
0xa7: {  	[tilespmem:s30], [sflag:$0x2] =	stream.indirect.gather [hbm4b:s3+s26], $0x80, s17, s26, $0xb8;
	[tilespmem:$0x1D980] =	vst v63  }
0xa8: {  	_ =	swait.ge [sflag:s10], $0x50  }
0xa9: {  	[sflag:s10] =	ssyncset.done $0x0  }
0xaa: {  	[sflag:s10] =	ssyncadd.s32 $0xFFFFFFB0  }
0xab: {  	_ =	swait.ge [sflag:s11], $0x2800  }
0xac: {  	[sflag:s11] =	ssyncset.done $0x0  }
0xad: {  	[sflag:s11] =	ssyncadd.s32 $0xFFFFD800  }
0xae: {  	[spmem:s1] =	stream.indirect.scatter.add.f32 [tilespmem:s0], [sflag:$0x7], $0x80, s31, s26, $0xb8;
	[tilespmem:$0x1D980] =	vst v63  }
0xaf: {  	_ =	swait.ge [sflag:s7], $0x2800  }
0xb0: {  	[sflag:s7] =	ssyncset.done $0x0  }
0xb1: {  	[sflag:s7] =	ssyncadd.s32 $0xFFFFD800  }
0xb2: {  	_ =	swait.ge [sflag:s5], $0x50  }
0xb3: {  	[sflag:s5] =	ssyncset.done $0x0  }
0xb4: {  	[sflag:s5] =	ssyncadd.s32 $0xFFFFFFB0  }
0xb5: {  	_ =	swait.ge [sflag:s24], $0x2800  }
0xb6: {  	[sflag:s24] =	ssyncset.done $0x0  }
0xb7: {  	[sflag:s24] =	ssyncadd.s32 $0xFFFFD800  }
0xb8: {  	[spmem:s1] =	stream.indirect.scatter.add.f32 [tilespmem:s28], [sflag:$0x7], $0x80, s23, s26, $0xb8;
	[tilespmem:$0x1D980] =	vst v63  }
0xb9: {  	_ =	swait.ge [sflag:s7], $0x2800  }
0xba: {  	[sflag:s7] =	ssyncset.done $0x0  }
0xbb: {  	[sflag:s7] =	ssyncadd.s32 $0xFFFFD800  }
0xbc: {  	_ =	swait.ge [sflag:s9], $0x50  }
0xbd: {  	[sflag:s9] =	ssyncset.done $0x0  }
0xbe: {  	[sflag:s9] =	ssyncadd.s32 $0xFFFFFFB0  }
0xbf: {  	_ =	swait.ge [sflag:s25], $0x2800  }
0xc0: {  	[sflag:s25] =	ssyncset.done $0x0  }
0xc1: {  	[sflag:s25] =	ssyncadd.s32 $0xFFFFD800  }
0xc2: {  	[spmem:s1] =	stream.indirect.scatter.add.f32 [tilespmem:s30], [sflag:$0x7], $0x80, s29, s26, $0xb8;
	[tilespmem:$0x1D980] =	vst v63  }
0xc3: {  	_ =	swait.ge [sflag:s7], $0x2800  }
0xc4: {  	[sflag:s7] =	ssyncset.done $0x0  }
0xc5: {  	[sflag:s7] =	ssyncadd.s32 $0xFFFFD800  }
0xc6: {  	[bflag:$0x0] =	sbarrier.arrive $0xFFFF  }
0xc7: {  	s18 =	rddreg [dreg:$0x5]  }
0xc8: {  	s15 =	rddreg [dreg:$0xe];
	s8 =	sor.u32 $0x1C07, s18  }
0xc9: {  	[hbm:s15], [sflag:s8] =	dma.local [spmem:s14], $0x2700  }
0xca: {  	_ =	swait.ge [sflag:s7], $0x2700  }
0xcb: {  	[sflag:s7] =	ssyncset.done $0x0  }
0xcc: {  	s14 =	rddreg [dreg:$0xf];
	[sflag:s7] =	ssyncadd.s32 $0xFFFFD900  }
0xcd: {  	[hbm:s14], [sflag:s8] =	dma.local @!p0 [spmem:s13], $0x100  }
0xce: {  	s8 =	simm.s32 @!p0 $0x7  }
0xcf: {  	_ =	swait.ge @!p0 [sflag:s8], $0x100  }
0xd0: {  	s12 =	sadd.s32 $0x1, s12;
	s19 =	rddreg [dreg:$0x10]  }
0xd1: {  	p1 =	sne.s32 s12, s19  }
.Ltmp1:
0xd2: {  	_ = 	snop;
	(pc) =	sbr.rel @p1 .LBB2_1-.Ltmp1, $3  }
0xd3: {  	_ =	sdelay $0x1  }
0xd4: {  	[sflag:s8] =	ssyncset.done @!p0 $0x0  }
0xd5: {  	[sflag:s8] =	ssyncadd.s32 @!p0 $0xFFFFFF00  }
0xd6: {  	_ =	sfence.sel $0x180000  }
0xd7: {  	[bflag:$0x0] =	sbarrier.arrive $0xFFFF  }
0xd8: {  	_ =	strace $0x90000050  }
0xd9: {  	[bflag:$0x2] =	sbarrier.arrive $0xFFFF  }
0xda: {  	s0 =	rddreg [dreg:$0x2]  }
0xdb: {  	s0 =	sadd.s32 @!p0 $0x100000, s0  }
0xdc: {  	[sflag:s0] =	ssyncadd.tile.s32 @!p0 $0x1;
	_ =	shalt  }
.Lfunc_end2:
_tile_overlayer_lowered:
.L_overlay_start_2:
0xdd: {  	(tag) =	ssettag $0x2  }
0xde: {  	s0 =	rddreg [dreg:$0x0];
	s2 =	stileid.u32  }
0xdf: {  	s1 =	rddreg [dreg:$0x1];
	p0 =	sne.s32 s2, $0x0  }
0xe0: {  	s3 =	rddreg [dreg:$0x2];
	[bflag:$0x3] =	sbarrier.arrive $0xFFFF;
	s2 =	simm.s32 @!p0 $0x1C07  }
0xe1: {  	[timem:s3], [sflag:s2] =	dma.local @!p0 [hbm:s0], s1  }
0xe2: {  	s0 =	simm.s32 @!p0 $0x7  }
0xe3: {  	_ =	swait.ge @!p0 [sflag:s0], s1  }
0xe4: {  	s1 =	ssub.s32 @!p0 $0x0, s1;
	[sflag:s0] =	ssyncset.done @!p0 $0x0  }
0xe5: {  	[sflag:s0] =	ssyncadd.s32 @!p0 s1  }
0xe6: {  	[bflag:$0x3] =	sbarrier.arrive $0xFFFF  }
0xe7: {  	_ =	shalt  }

// kernel: kernel.26.cloned.1.call-start
scs
__scs_entry_jumppad:
0x0: {  	(pc) =	sbr.rel $0x88, $3  }
0x1: {  	(tag) =	ssettag $0x0;
	lr =	simm.s32 $0x1  }
0x2: {  	[smem:$0x3F4F] =	sst lr;
	_ =	strace $0xD0000000  }
0x3: {  	_ = 	snop  }
0x4: {  	_ = 	snop  }
0x5: {  	_ = 	snop  }
0x6: {  	_ = 	snop  }
0x7: {  	_ = 	snop  }
__scs_overlays_trampoline_lowered:
0x8: {  	[smem:$0x3F5E] =	sst s0  }
0x9: {  	[smem:$0x3F5F] =	sst s1  }
0xa: {  	[smem:$0x3F60] =	sst s2  }
0xb: {  	[smem:$0x3F61] =	sst s3  }
0xc: {  	[smem:$0x3F62] =	sst s4  }
0xd: {  	[smem:$0x3F63] =	sst s5  }
0xe: {  	[smem:$0x3F64] =	sst s6  }
0xf: {  	[smem:$0x3F65] =	sst s7  }
0x10: {  	[smem:$0x3F66] =	sst s8  }
0x11: {  	[smem:$0x3F67] =	sst s9;
	s0 =	simm.s32 @!p0 $0x0  }
0x12: {  	s1 =	sld [smem:$0x3F4D];
	s0 =	simm.s32 @p0 $0x1  }
0x13: {  	[smem:$0x3F68] =	sst s0;
	s0 =	simm.s32 @!p1 $0x0  }
0x14: {  	s2 =	sld [smem:$0x3F4C];
	s0 =	simm.s32 @p1 $0x1  }
0x15: {  	[smem:$0x3F69] =	sst s0;
	s0 =	simm.s32 @!p2 $0x0  }
0x16: {  	s3 =	sld [smem:$0x3FDB];
	s0 =	simm.s32 @p2 $0x1  }
0x17: {  	s4 =	simm.s32 $0x1BF5;
	[smem:$0x3F6B] =	sst s0  }
0x18: {  	s0 =	sld [smem:$0x3F4E];
	_ =	swait.ge [sflag:s4], $0x0  }
0x19: {  	s7 =	sld [smem:$0x3F4F]  }
0x1a: {  	s8 =	sadd.s32 $0xFFFFE003, lr  }
0x1b: {  	s9 =	sadd.s32 $0xFFFFFEF7, lr;
	s5 =	simm.s32 $0xFFFFFFFF;
	p2 =	slt.u32 s8, $0xFFFFF086  }
0x1c: {  	p1 =	slt.u32 s9, $0xF7A;
	s5 =	simm.s32 @!p2 $0x0  }
0x1d: {  	s5 =	simm.s32 @p1 $0x1;
	p0 =	seq.s32 s7, s2  }
0x1e: {  	s7 =	smul.u32 @!p0 $0xF7A, s2;
	p2 =	seq.s32 @!p0 s5, $0x0  }
0x1f: {  	s9 =	smul.u32 $0xF7A, s1;
	s8 =	simm.s32 @!p0 $0x1BF5;
	p2 =	por !p2, p0  }
0x20: {  	[sflag:s8] =	ssyncset.s32 @!p0 $0xFFFFF086;
	s6 =	sadd.s32 @!p0 s3, s7;
	s7 =	simm.s32 @!p0 $0x108  }
0x21: {  	s3 =	sadd.s32 s3, s9;
	s6 =	sadd.s32 @!p0 $0x88, s6;
	s7 =	simm.s32 @p2 $0x1082  }
0x22: {  	[simem:s7], [sflag:s8] =	dma.local @!p0 [hbm:s6], $0xF7A  }
0x23: {  	s9 =	sor.u32 $0xD0000000, s2;
	s6 =	simm.s32 $0x108;
	_ =	swait.ge @!p0 [sflag:s8], $0x0  }
0x24: {  	s3 =	sadd.s32 $0x88, s3;
	s6 =	simm.s32 @!p1 $0x1082;
	[sflag:s4] =	ssyncset.s32 $0xFFFFF086  }
0x25: {  	[simem:s6], [sflag:s4] =	dma.local [hbm:s3], $0xF7A  }
0x26: {  	[smem:$0x3F4F] =	sst s1;
	(tag) =	ssettag s2;
	_ =	strace s9  }
0x27: {  	s1 =	sld [smem:$0x3F5F]  }
0x28: {  	s2 =	sld [smem:$0x3F60]  }
0x29: {  	s4 =	sld [smem:$0x3F62]  }
0x2a: {  	p0 =	seq.s32 s5, $0x0;
	s5 =	sld [smem:$0x3F63]  }
0x2b: {  	s6 =	sld [smem:$0x3F64]  }
0x2c: {  	s7 =	sld [smem:$0x3F65]  }
0x2d: {  	s3 =	simm.s32 $0x108;
	s8 =	sld [smem:$0x3F66]  }
0x2e: {  	s3 =	simm.s32 @!p0 $0x1082;
	s9 =	sld [smem:$0x3F67]  }
0x2f: {  	lr =	sadd.s32 s0, s3;
	s0 =	sld [smem:$0x3F5E]  }
0x30: {  	s3 =	sld [smem:$0x3F61]  }
0x31: {  	[smem:$0x3F6A] =	sst s10  }
0x32: {  	s10 =	sld [smem:$0x3F68];
	_ =	sdelay $0x3  }
0x33: {  	p0 =	seq.s32 s10, $0x1;
	s10 =	sld [smem:$0x3F6A];
	_ =	sdelay $0x3  }
0x34: {  	[smem:$0x3F6A] =	sst s10  }
0x35: {  	s10 =	sld [smem:$0x3F69];
	_ =	sdelay $0x3  }
0x36: {  	p1 =	seq.s32 s10, $0x1;
	s10 =	sld [smem:$0x3F6A];
	_ =	sdelay $0x3  }
0x37: {  	[smem:$0x3F6A] =	sst s10  }
0x38: {  	s10 =	sld [smem:$0x3F6B]  }
0x39: {  	_ = 	snop;
	(pc) =	sbr.ind lr, $3  }
0x3a: {  	_ = 	snop  }
0x3b: {  	_ = 	snop  }
0x3c: {  	p2 =	seq.s32 s10, $0x1;
	s10 =	sld [smem:$0x3F6A]  }
0x3d: {  	_ =	shalt  }
0x3e: {  	_ =	shalt  }
0x3f: {  	_ =	shalt  }
0x40: {  	_ =	shalt  }
0x41: {  	_ =	shalt  }
0x42: {  	_ =	shalt  }
0x43: {  	_ =	shalt  }
0x44: {  	_ =	shalt  }
0x45: {  	_ =	shalt  }
0x46: {  	_ =	shalt  }
0x47: {  	_ =	shalt  }
0x48: {  	_ =	shalt  }
0x49: {  	_ =	shalt  }
0x4a: {  	_ =	shalt  }
0x4b: {  	_ =	shalt  }
0x4c: {  	_ =	shalt  }
0x4d: {  	_ =	shalt  }
0x4e: {  	_ =	shalt  }
0x4f: {  	_ =	shalt  }
0x50: {  	_ =	shalt  }
0x51: {  	_ =	shalt  }
0x52: {  	_ =	shalt  }
0x53: {  	_ =	shalt  }
0x54: {  	_ =	shalt  }
0x55: {  	_ =	shalt  }
0x56: {  	_ =	shalt  }
0x57: {  	_ =	shalt  }
0x58: {  	_ =	shalt  }
0x59: {  	_ =	shalt  }
0x5a: {  	_ =	shalt  }
0x5b: {  	_ =	shalt  }
0x5c: {  	_ =	shalt  }
0x5d: {  	_ =	shalt  }
0x5e: {  	_ =	shalt  }
0x5f: {  	_ =	shalt  }
0x60: {  	_ =	shalt  }
0x61: {  	_ =	shalt  }
0x62: {  	_ =	shalt  }
0x63: {  	_ =	shalt  }
0x64: {  	_ =	shalt  }
0x65: {  	_ =	shalt  }
0x66: {  	_ =	shalt  }
0x67: {  	_ =	shalt  }
0x68: {  	_ =	shalt  }
0x69: {  	_ =	shalt  }
0x6a: {  	_ =	shalt  }
0x6b: {  	_ =	shalt  }
0x6c: {  	_ =	shalt  }
0x6d: {  	_ =	shalt  }
0x6e: {  	_ =	shalt  }
0x6f: {  	_ =	shalt  }
0x70: {  	_ =	shalt  }
0x71: {  	_ =	shalt  }
0x72: {  	_ =	shalt  }
0x73: {  	_ =	shalt  }
0x74: {  	_ =	shalt  }
0x75: {  	_ =	shalt  }
0x76: {  	_ =	shalt  }
0x77: {  	_ =	shalt  }
0x78: {  	_ =	shalt  }
0x79: {  	_ =	shalt  }
0x7a: {  	_ =	shalt  }
0x7b: {  	_ =	shalt  }
0x7c: {  	_ =	shalt  }
0x7d: {  	_ =	shalt  }
0x7e: {  	_ =	shalt  }
0x7f: {  	_ =	shalt  }
0x80: {  	_ =	shalt  }
0x81: {  	_ =	shalt  }
0x82: {  	_ =	shalt  }
0x83: {  	_ =	shalt  }
0x84: {  	_ =	shalt  }
0x85: {  	_ =	shalt  }
0x86: {  	_ =	shalt  }
0x87: {  	_ =	shalt  }
.Lfunc_end0:
.L_simem_size_0:
called_computation.4_lowered:
.L_overlay_start_0:
0x88: {  	s2 =	sld [smem:$0x3FD9]  }
0x89: {  	s3 =	sld [smem:$0x3FFE];
	_ =	sdelay $0x1  }
0x8a: {  	s1 =	srdreg.scid  }
0x8b: {  	s0 =	sand.u32 $0x1, s1  }
0x8c: {  	s16 =	sshll.u32 s0, $0xA;
	s2 =	sadd.s32 s3, s2  }
0x8d: {  	s2 =	sadd.s32 s2, s16  }
0x8e: {  	[smem:$0x3F76] =	sst s2  }
0x8f: {  	_ = 	snop  }
0x90: {  	(tm) =	ssettm $0x1  }
0x91: {  	s17 =	sld [smem:$0x3FFB];
	_ =	sdelay $0x3  }
0x92: {  	_ =	strace s17  }
0x93: {  	s2 =	sld [smem:$0x3FFC];
	_ =	sdelay $0x3  }
0x94: {  	_ =	strace s2  }
0x95: {  	s2 =	sld [smem:$0x3FFD];
	_ =	sdelay $0x3  }
0x96: {  	_ =	strace s2  }
0x97: {  	_ =	strace $0x8FFFFFFF  }
0x98: {  	s18 =	sld [smem:$0x3FDB];
	_ =	sdelay $0x1  }
0x99: {  	s19 =	simm.s32 $_scs_section_size  }
0x9a: {  	s4 =	simm.s32 $_size__tile_overlayer_lowered;
	s5 =	simm.s32 $_tile_overlayer_lowered  }
0x9b: {  	s22 =	simm.s32 $0x1BFF;
	s21 =	sshll.u32 s5, $0x1;
	s2 =	sadd.s32 s19, s18  }
0x9c: {  	s6 =	simm.s32 $0x0;
	s20 =	sshll.u32 s4, $0x1;
	s4 =	sadd.s32 s21, s2  }
0x9d: {  	[timem:s6], [sflag:s22] =	dma.local [hbm:s4], s20  }
0x9e: {  	_ =	swait.ge [sflag:s22], s20  }
0x9f: {  	s3 =	ssub.s32 $0x0, s20;
	[sflag:s22] =	ssyncset.done $0x0  }
0xa0: {  	[sflag:s22] =	ssyncadd.s32 s3;
	_ =	sdelay $0x1  }
0xa1: {  	s23 =	simm.s32 $0x1B8B  }
0xa2: {  	_ =	swait.ge [sflag:s23], $0x1  }
0xa3: {  	[sflag:s23] =	ssyncset.done $0x0  }
0xa4: {  	s25 =	simm.s32 $0x1B8E;
	s24 =	sld [smem:$0x3FFE];
	[sflag:s23] =	ssyncadd.s32 $0xFFFFFFFF  }
0xa5: {  	s26 =	simm.s32 $execute0_lowered;
	[smem:$0x3FD2] =	sst s25  }
0xa6: {  	s4 =	sshll.u32 s26, $0x1;
	_ =	strace $0x80000052;
	[dreg:$0x1] =	wrdreg $0xFFFFFFFF  }
0xa7: {  	s28 =	simm.s32 $_size_execute0_lowered;
	s2 =	sadd.s32 s2, s4;
	[dreg:$0x0] =	wrdreg $0x0  }
0xa8: {  	s4 =	sshll.u32 s28, $0x1;
	[dreg:$0x2] =	wrdreg s2  }
0xa9: {  	[dreg:$0x3] =	wrdreg s4  }
0xaa: {  	[dreg:$0x4] =	wrdreg $0xC0  }
0xab: {  	_ =	task [dreg:s6], $0x5FFFF  }
0xac: {  	[dreg:$0x1] =	wrdreg $0xFFFFFFFF  }
0xad: {  	[dreg:$0x0] =	wrdreg $0x60  }
0xae: {  	[dreg:$0x2] =	wrdreg s24  }
0xaf: {  	[dreg:$0x3] =	wrdreg $0xA1000  }
0xb0: {  	[dreg:$0x4] =	wrdreg $0x9  }
0xb1: {  	_ =	task.clear_ibuf [dreg:s6], $0x5FFFF;
	_ =	strace $0x90000052  }
0xb2: {  	s29 =	simm.s32 $0x9;
	_ =	strace $0x80000054  }
0xb3: {  	_ =	swait.ge [sflag:s29], $0x1  }
0xb4: {  	[sflag:s29] =	ssyncadd.s32 $0xFFFFFFFF  }
0xb5: {  	_ =	strace $0x90000054  }
0xb6: {  	_ =	sfence  }
0xb7: {  	s30 =	sld [smem:$0x0];
	_ =	sdelay $0x2  }
0xb8: {  	s31 =	sshll.u32 s1, $0xD;
	s1 =	sshrl.u32 s1, $0x2  }
0xb9: {  	s3 =	sand.u32 $0x4000, s31;
	s1 =	sadd.s32 s1, s30  }
0xba: {  	s0 =	sor.u32 s3, s0;
	s1 =	sshll.u32 s1, $0x11  }
0xbb: {  	s0 =	sor.u32 s1, s0  }
0xbc: {  	s0 =	sadd.s32 $0x8F2B, s0  }
0xbd: {  	[sflag:s0] =	ssyncadd.remote.s32 $0x1  }
0xbe: {  	_ =	sfence.sel $0xFFFF  }
0xbf: {  	[dreg:$0x0] =	wrdreg $0xFFFFFFFF;
	(pc) =	sbr.abs _section_cstart, $3  }
0xc0: {  	[dreg:$0x1] =	wrdreg $0xFFFFFFFF  }
0xc1: {  	_ =	task.clear_ibuf [dreg:s6], $0x2FFFF;
	_ =	strace $0x9FFFFFFF  }
0xc2: {  	(tm) =	ssettm $0x7FFFFFFF  }
0xc3: {  	_ =	shalt  }
tec
execute0_lowered:
.L_overlay_start_1:
0x0: {  	(tag) =	ssettag $0x1  }
0x1: {  	s0 =	srdreg.scid;
	s5 =	rddreg [dreg:$0x0]  }
0x2: {  	s7 =	stileid.u32;
	s1 =	rddreg [dreg:$0x1];
	s28 =	simm.s32 $0x2900  }
0x3: {  	s29 =	simm.s32 $0x2800;
	s30 =	simm.s32 $0x5100;
	s31 =	simm.s32 $0x2880  }
0x4: {  	s0 =	sand.u32 $0x1, s0;
	s4 =	sadd.s32 $0xE600, s5;
	s11 =	smul.u32 $0x4E000, s7  }
0x5: {  	s12 =	sadd.s32 $0x49400, s5;
	s23 =	smul.u32 $0x13800, s7;
	s26 =	sshll.u32 s7, $0x6  }
0x6: {  	s15 =	sadd.s32 $0x138000, s1;
	s18 =	smul.u32 $0x2710, s7;
	p0 =	sne.s32 s7, $0x0  }
0x7: {  	s2 =	sshll.u32 s0, $0x4;
	s9 =	ssub.s32 $0x2, s0;
	s14 =	smul.u32 $0x138800, s0  }
0x8: {  	s13 =	sor.u32 $0x1C01, s26;
	s0 =	smul.u32 $0x27100, s0;
	s3 =	sor.u32 s7, s2  }
0x9: {  	s2 =	simm.s32 $0x0;
	s10 =	sshrl.u32 s9, $0x1;
	s24 =	sshrl.u32 s11, $0x2  }
0xa: {  	s25 =	sshrl.u32 s23, $0x3;
	s7 =	simm.s32 $0x7;
	[smem:$0x7FF] =	sst s2  }
0xb: {  	s11 =	simm.s32 $0x3;
	_ =	strace $0x80000053;
	[dreg:$0x5] =	wrdreg s26  }
0xc: {  	s3 =	smul.u32 $0x2710, s3;
	s9 =	ssub.s32 s9, s10;
	[dreg:$0x7] =	wrdreg s13  }
0xd: {  	s10 =	sadd.s32 s23, s14;
	s0 =	sadd.s32 s18, s0;
	[dreg:$0x8] =	wrdreg s15  }
0xe: {  	s10 =	sshrl.u32 s10, $0x3;
	s9 =	smax.u32 s9, $0x1;
	s6 =	sshrl.u32 s3, $0x3  }
0xf: {  	s3 =	sadd.s32 $0x22200, s5;
	s21 =	sadd.s32 s12, s10;
	[dreg:$0x10] =	wrdreg s9  }
0x10: {  	s8 =	sadd.s32 s6, s5;
	s5 =	sadd.s32 $0x49200, s5;
	[dreg:$0xe] =	wrdreg s21  }
0x11: {  	s6 =	sadd.s32 s4, s6;
	s8 =	sadd.s32 $0x18400, s8;
	[dreg:$0x9] =	wrdreg s5  }
0x12: {  	s23 =	sadd.s32 $0x190, s0;
	s16 =	sadd.s32 $0xA, s6;
	[dreg:$0x3] =	wrdreg s8  }
0x13: {  	s9 =	simm.s32 $0x5;
	s17 =	sadd.s32 $0x14, s6;
	[dreg:$0xa] =	wrdreg s16  }
0x14: {  	s10 =	simm.s32 $0x6;
	s19 =	sadd.s32 $0x4CE, s6;
	[dreg:$0xb] =	wrdreg s17  }
0x15: {  	s20 =	sadd.s32 $0x4D8, s6;
	s8 =	sadd.s32 s24, s1;
	[dreg:$0xc] =	wrdreg s19  }
0x16: {  	[dreg:$0xd] =	wrdreg s20;
	s24 =	sshrl.u32 s23, $0x3;
	s23 =	simm.s32 $0x2780  }
0x17: {  	[dreg:$0x4] =	wrdreg s8;
	s8 =	sadd.s32 s3, s25;
	s25 =	sadd.s32 $0x140, s0  }
0x18: {  	s20 =	sadd.s32 s24, s4;
	s24 =	simm.s32 $0x1;
	[dreg:$0x6] =	wrdreg s8  }
0x19: {  	s8 =	sshrl.u32 s14, $0x3;
	s26 =	sshrl.u32 s25, $0x3;
	s25 =	simm.s32 $0x2  }
0x1a: {  	s22 =	sadd.s32 s12, s8;
	s21 =	sadd.s32 s26, s4;
	s26 =	simm.s32 $0x50  }
0x1b: {  	s12 =	simm.s32 $0x0;
	s5 =	sadd.s32 $0x27000, s22;
	s22 =	sadd.s32 $0xF0, s0  }
0x1c: {  	s0 =	simm.s32 $0x7900;
	[dreg:$0xf] =	wrdreg s5;
	s5 =	simm.s32 $0x4  }
.LBB2_1:
0x1d: {  	s8 =	rddreg [dreg:$0x3]  }
0x1e: {  	s17 =	rddreg [dreg:$0x4]  }
0x1f: {  	s18 =	rddreg [dreg:$0x6]  }
0x20: {  	[tilespmem:s2], [sflag:$0x1] =	stream.linear.gather [hbm4b:s8+s2], $0x2710, $0x38;
	[tilespmem:$0x1D980] =	vst v63  }
0x21: {  	s13 =	rddreg [dreg:$0x7];
	s14 =	sshrl.u32 s17, $0x3  }
0x22: {  	[tilespmem:s23], [sflag:$0x2] =	stream.linear.gather [hbm4b:s6+s2], $0x50, $0x38;
	[tilespmem:$0x1D980] =	vst v63  }
0x23: {  	[spmem:s14], [sflag:s13] =	dma.local [hbm:s18], $0x2700  }
0x24: {  	s8 =	rddreg [dreg:$0x8]  }
0x25: {  	s15 =	rddreg [dreg:$0x9];
	s13 =	sshrl.u32 @!p0 s8, $0x3;
	s8 =	simm.s32 @!p0 $0x1C02  }
0x26: {  	[spmem:s13], [sflag:s8] =	dma.local @!p0 [hbm:s15], $0x100  }
0x27: {  	s8 =	simm.s32 @!p0 $0x2  }
0x28: {  	_ =	swait.ge @!p0 [sflag:s8], $0x100  }
0x29: {  	[sflag:s8] =	ssyncset.done @!p0 $0x0  }
0x2a: {  	[sflag:s8] =	ssyncadd.s32 @!p0 $0xFFFFFF00  }
0x2b: {  	_ =	swait.ge [sflag:s24], $0x2710  }
0x2c: {  	[sflag:s24] =	ssyncset.done $0x0  }
0x2d: {  	[sflag:s24] =	ssyncadd.s32 $0xFFFFD8F0  }
0x2e: {  	_ =	swait.ge [sflag:s25], $0x50  }
0x2f: {  	[sflag:s25] =	ssyncset.done $0x0  }
0x30: {  	[sflag:s25] =	ssyncadd.s32 $0xFFFFFFB0  }
0x31: {  	_ =	swait.ge [sflag:s24], $0x2700  }
0x32: {  	[sflag:s24] =	ssyncset.done $0x0  }
0x33: {  	[sflag:s24] =	ssyncadd.s32 $0xFFFFD900  }
0x34: {  	[bflag:$0x0] =	sbarrier.arrive $0xFFFF  }
0x35: {  	[tilespmem:s23], [sflag:$0x4] =	stream.linear.gather [hbm4b:s6+s2], $0x50, $0x38;
	[tilespmem:$0x1D980] =	vst v63  }
0x36: {  	_ = 	snop  }
0x37: {  	[tilespmem:s28], [sflag:$0x1] =	stream.indirect.gather [hbm4b:s3+s26], $0x80, s2, s26, $0xb8;
	[tilespmem:$0x1D980] =	vst v63  }
0x38: {  	s19 =	rddreg [dreg:$0xa]  }
0x39: {  	[tilespmem:s29], [sflag:$0x5] =	stream.linear.gather [hbm4b:s19+s2], $0x50, $0x38;
	[tilespmem:$0x1D980] =	vst v63  }
0x3a: {  	_ = 	snop  }
0x3b: {  	[tilespmem:s30], [sflag:$0x2] =	stream.indirect.gather [hbm4b:s3+s26], $0x80, s26, s26, $0xb8;
	[tilespmem:$0x1D980] =	vst v63  }
0x3c: {  	s15 =	rddreg [dreg:$0xb]  }
0x3d: {  	[tilespmem:s31], [sflag:$0x6] =	stream.linear.gather [hbm4b:s15+s2], $0x50, $0x38;
	[tilespmem:$0x1D980] =	vst v63  }
0x3e: {  	s16 =	simm.s32 $0xA0  }
0x3f: {  	[tilespmem:s0], [sflag:$0x3] =	stream.indirect.gather [hbm4b:s3+s26], $0x80, s16, s26, $0xb8;
	[tilespmem:$0x1D980] =	vst v63  }
0x40: {  	_ =	swait.ge [sflag:s5], $0x50  }
0x41: {  	[sflag:s5] =	ssyncset.done $0x0  }
0x42: {  	[sflag:s5] =	ssyncadd.s32 $0xFFFFFFB0  }
0x43: {  	_ =	swait.ge [sflag:s24], $0x2800  }
0x44: {  	[sflag:s24] =	ssyncset.done $0x0  }
0x45: {  	[sflag:s24] =	ssyncadd.s32 $0xFFFFD800  }
0x46: {  	[spmem:s1] =	stream.indirect.scatter.add.f32 [tilespmem:s28], [sflag:$0x7], $0x80, s23, s26, $0xb8;
	[tilespmem:$0x1D980] =	vst v63  }
0x47: {  	_ =	swait.ge [sflag:s7], $0x2800  }
0x48: {  	s17 =	sshrl.u32 s22, $0x3;
	[sflag:s7] =	ssyncset.done $0x0  }
0x49: {  	s8 =	sadd.s32 s4, s17;
	[sflag:s7] =	ssyncadd.s32 $0xFFFFD800  }
0x4a: {  	[tilespmem:s23], [sflag:$0x4] =	stream.linear.gather [hbm4b:s8+s2], $0x50, $0x38;
	[tilespmem:$0x1D980] =	vst v63  }
0x4b: {  	s18 =	simm.s32 $0xF0  }
0x4c: {  	[tilespmem:s28], [sflag:$0x1] =	stream.indirect.gather [hbm4b:s3+s26], $0x80, s18, s26, $0xb8;
	[tilespmem:$0x1D980] =	vst v63  }
0x4d: {  	_ =	swait.ge [sflag:s9], $0x50  }
0x4e: {  	[sflag:s9] =	ssyncset.done $0x0  }
0x4f: {  	[sflag:s9] =	ssyncadd.s32 $0xFFFFFFB0  }
0x50: {  	_ =	swait.ge [sflag:s25], $0x2800  }
0x51: {  	[sflag:s25] =	ssyncset.done $0x0  }
0x52: {  	[sflag:s25] =	ssyncadd.s32 $0xFFFFD800  }
0x53: {  	[spmem:s1] =	stream.indirect.scatter.add.f32 [tilespmem:s30], [sflag:$0x7], $0x80, s29, s26, $0xb8;
	[tilespmem:$0x1D980] =	vst v63  }
0x54: {  	_ =	swait.ge [sflag:s7], $0x2800  }
0x55: {  	[sflag:s7] =	ssyncset.done $0x0  }
0x56: {  	[sflag:s7] =	ssyncadd.s32 $0xFFFFD800  }
0x57: {  	[tilespmem:s29], [sflag:$0x5] =	stream.linear.gather [hbm4b:s21+s2], $0x50, $0x38;
	[tilespmem:$0x1D980] =	vst v63  }
0x58: {  	s19 =	simm.s32 $0x140  }
0x59: {  	[tilespmem:s30], [sflag:$0x2] =	stream.indirect.gather [hbm4b:s3+s26], $0x80, s19, s26, $0xb8;
	[tilespmem:$0x1D980] =	vst v63  }
0x5a: {  	_ =	swait.ge [sflag:s10], $0x50  }
0x5b: {  	[sflag:s10] =	ssyncset.done $0x0  }
0x5c: {  	[sflag:s10] =	ssyncadd.s32 $0xFFFFFFB0  }
0x5d: {  	_ =	swait.ge [sflag:s11], $0x2800  }
0x5e: {  	[sflag:s11] =	ssyncset.done $0x0  }
0x5f: {  	[sflag:s11] =	ssyncadd.s32 $0xFFFFD800  }
0x60: {  	[spmem:s1] =	stream.indirect.scatter.add.f32 [tilespmem:s0], [sflag:$0x7], $0x80, s31, s26, $0xb8;
	[tilespmem:$0x1D980] =	vst v63  }
0x61: {  	s17 =	sadd.s32 $0x1E, s21;
	_ =	swait.ge [sflag:s7], $0x2800  }
0x62: {  	s15 =	sadd.s32 $0xF0, s22;
	s16 =	sadd.s32 $0x1E, s20;
	[sflag:s7] =	ssyncset.done $0x0  }
0x63: {  	s8 =	simm.s32 $0x3C0;
	s18 =	simm.s32 $0x190;
	[sflag:s7] =	ssyncadd.s32 $0xFFFFD800  }
0x64: {  	[tilespmem:s31], [sflag:$0x6] =	stream.linear.gather [hbm4b:s20+s2], $0x50, $0x38;
	[tilespmem:$0x1D980] =	vst v63  }
.LBB2_2:
0x65: {  	[tilespmem:s0], [sflag:$0x3] =	stream.indirect.gather [hbm4b:s3+s26], $0x80, s18, s26, $0xb8;
	[tilespmem:$0x1D980] =	vst v63  }
0x66: {  	s18 =	smov.u32 s8  }
0x67: {  	p1 =	sne.s32 s8, $0x9240;
	s8 =	sadd.s32 $0x3C0, s8;
	_ =	swait.ge [sflag:s5], $0x50  }
0x68: {  	[sflag:s5] =	ssyncset.done $0x0  }
0x69: {  	[sflag:s5] =	ssyncadd.s32 $0xFFFFFFB0  }
0x6a: {  	_ =	swait.ge [sflag:s24], $0x2800  }
0x6b: {  	[sflag:s24] =	ssyncset.done $0x0  }
0x6c: {  	[sflag:s24] =	ssyncadd.s32 $0xFFFFD800  }
0x6d: {  	[spmem:s1] =	stream.indirect.scatter.add.f32 [tilespmem:s28], [sflag:$0x7], $0x80, s23, s26, $0xb8;
	[tilespmem:$0x1D980] =	vst v63  }
0x6e: {  	_ =	swait.ge [sflag:s7], $0x2800  }
0x6f: {  	s19 =	sshrl.u32 s15, $0x3;
	[sflag:s7] =	ssyncset.done $0x0  }
0x70: {  	s19 =	sadd.s32 s4, s19;
	s18 =	sshra.s32 s18, $0x2;
	[sflag:s7] =	ssyncadd.s32 $0xFFFFD800  }
0x71: {  	[tilespmem:s23], [sflag:$0x4] =	stream.linear.gather [hbm4b:s19+s2], $0x50, $0x38;
	[tilespmem:$0x1D980] =	vst v63  }
0x72: {  	s19 =	sadd.s32 $0xF0, s18  }
0x73: {  	[tilespmem:s28], [sflag:$0x1] =	stream.indirect.gather [hbm4b:s3+s26], $0x80, s19, s26, $0xb8;
	[tilespmem:$0x1D980] =	vst v63  }
0x74: {  	_ =	swait.ge [sflag:s9], $0x50  }
0x75: {  	[sflag:s9] =	ssyncset.done $0x0  }
0x76: {  	[sflag:s9] =	ssyncadd.s32 $0xFFFFFFB0  }
0x77: {  	_ =	swait.ge [sflag:s25], $0x2800  }
0x78: {  	[sflag:s25] =	ssyncset.done $0x0  }
0x79: {  	[sflag:s25] =	ssyncadd.s32 $0xFFFFD800  }
0x7a: {  	[spmem:s1] =	stream.indirect.scatter.add.f32 [tilespmem:s30], [sflag:$0x7], $0x80, s29, s26, $0xb8;
	[tilespmem:$0x1D980] =	vst v63  }
0x7b: {  	_ =	swait.ge [sflag:s7], $0x2800  }
0x7c: {  	[sflag:s7] =	ssyncset.done $0x0  }
0x7d: {  	[sflag:s7] =	ssyncadd.s32 $0xFFFFD800  }
0x7e: {  	[tilespmem:s29], [sflag:$0x5] =	stream.linear.gather [hbm4b:s17+s2], $0x50, $0x38;
	[tilespmem:$0x1D980] =	vst v63  }
0x7f: {  	s19 =	sadd.s32 $0x140, s18  }
0x80: {  	[tilespmem:s30], [sflag:$0x2] =	stream.indirect.gather [hbm4b:s3+s26], $0x80, s19, s26, $0xb8;
	[tilespmem:$0x1D980] =	vst v63  }
0x81: {  	_ =	swait.ge [sflag:s10], $0x50  }
0x82: {  	[sflag:s10] =	ssyncset.done $0x0  }
0x83: {  	[sflag:s10] =	ssyncadd.s32 $0xFFFFFFB0  }
0x84: {  	_ =	swait.ge [sflag:s11], $0x2800  }
0x85: {  	[sflag:s11] =	ssyncset.done $0x0  }
0x86: {  	[sflag:s11] =	ssyncadd.s32 $0xFFFFD800  }
0x87: {  	[spmem:s1] =	stream.indirect.scatter.add.f32 [tilespmem:s0], [sflag:$0x7], $0x80, s31, s26, $0xb8;
	[tilespmem:$0x1D980] =	vst v63  }
.Ltmp0:
0x88: {  	_ =	swait.ge [sflag:s7], $0x2800;
	(pc) =	sbr.rel @p1 .LBB2_2-.Ltmp0, $4  }
0x89: {  	[sflag:s7] =	ssyncset.done $0x0  }
0x8a: {  	s15 =	sadd.s32 $0xF0, s15;
	[sflag:s7] =	ssyncadd.s32 $0xFFFFD800  }
0x8b: {  	[tilespmem:s31], [sflag:$0x6] =	stream.linear.gather [hbm4b:s16+s2], $0x50, $0x38;
	[tilespmem:$0x1D980] =	vst v63  }
0x8c: {  	s18 =	sadd.s32 $0x190, s18;
	s17 =	sadd.s32 $0x1E, s17;
	s16 =	sadd.s32 $0x1E, s16  }
0x8d: {  	[tilespmem:s0], [sflag:$0x3] =	stream.indirect.gather [hbm4b:s3+s26], $0x80, s18, s26, $0xb8;
	[tilespmem:$0x1D980] =	vst v63  }
0x8e: {  	_ =	swait.ge [sflag:s5], $0x50  }
0x8f: {  	[sflag:s5] =	ssyncset.done $0x0  }
0x90: {  	[sflag:s5] =	ssyncadd.s32 $0xFFFFFFB0  }
0x91: {  	_ =	swait.ge [sflag:s24], $0x2800  }
0x92: {  	[sflag:s24] =	ssyncset.done $0x0  }
0x93: {  	[sflag:s24] =	ssyncadd.s32 $0xFFFFD800  }
0x94: {  	[spmem:s1] =	stream.indirect.scatter.add.f32 [tilespmem:s28], [sflag:$0x7], $0x80, s23, s26, $0xb8;
	[tilespmem:$0x1D980] =	vst v63  }
0x95: {  	_ =	swait.ge [sflag:s7], $0x2800  }
0x96: {  	[sflag:s7] =	ssyncset.done $0x0  }
0x97: {  	s8 =	rddreg [dreg:$0xc];
	[sflag:s7] =	ssyncadd.s32 $0xFFFFD800  }
0x98: {  	[tilespmem:s23], [sflag:$0x4] =	stream.linear.gather [hbm4b:s8+s2], $0x50, $0x38;
	[tilespmem:$0x1D980] =	vst v63  }
0x99: {  	s15 =	simm.s32 $0x2670  }
0x9a: {  	[tilespmem:s28], [sflag:$0x1] =	stream.indirect.gather [hbm4b:s3+s26], $0x80, s15, s26, $0xb8;
	[tilespmem:$0x1D980] =	vst v63  }
0x9b: {  	_ =	swait.ge [sflag:s9], $0x50  }
0x9c: {  	[sflag:s9] =	ssyncset.done $0x0  }
0x9d: {  	[sflag:s9] =	ssyncadd.s32 $0xFFFFFFB0  }
0x9e: {  	_ =	swait.ge [sflag:s25], $0x2800  }
0x9f: {  	[sflag:s25] =	ssyncset.done $0x0  }
0xa0: {  	[sflag:s25] =	ssyncadd.s32 $0xFFFFD800  }
0xa1: {  	[spmem:s1] =	stream.indirect.scatter.add.f32 [tilespmem:s30], [sflag:$0x7], $0x80, s29, s26, $0xb8;
	[tilespmem:$0x1D980] =	vst v63  }
0xa2: {  	_ =	swait.ge [sflag:s7], $0x2800  }
0xa3: {  	[sflag:s7] =	ssyncset.done $0x0  }
0xa4: {  	s16 =	rddreg [dreg:$0xd];
	[sflag:s7] =	ssyncadd.s32 $0xFFFFD800  }
0xa5: {  	[tilespmem:s29], [sflag:$0x5] =	stream.linear.gather [hbm4b:s16+s2], $0x50, $0x38;
	[tilespmem:$0x1D980] =	vst v63  }
0xa6: {  	s17 =	simm.s32 $0x26C0  }
0xa7: {  	[tilespmem:s30], [sflag:$0x2] =	stream.indirect.gather [hbm4b:s3+s26], $0x80, s17, s26, $0xb8;
	[tilespmem:$0x1D980] =	vst v63  }
0xa8: {  	_ =	swait.ge [sflag:s10], $0x50  }
0xa9: {  	[sflag:s10] =	ssyncset.done $0x0  }
0xaa: {  	[sflag:s10] =	ssyncadd.s32 $0xFFFFFFB0  }
0xab: {  	_ =	swait.ge [sflag:s11], $0x2800  }
0xac: {  	[sflag:s11] =	ssyncset.done $0x0  }
0xad: {  	[sflag:s11] =	ssyncadd.s32 $0xFFFFD800  }
0xae: {  	[spmem:s1] =	stream.indirect.scatter.add.f32 [tilespmem:s0], [sflag:$0x7], $0x80, s31, s26, $0xb8;
	[tilespmem:$0x1D980] =	vst v63  }
0xaf: {  	_ =	swait.ge [sflag:s7], $0x2800  }
0xb0: {  	[sflag:s7] =	ssyncset.done $0x0  }
0xb1: {  	[sflag:s7] =	ssyncadd.s32 $0xFFFFD800  }
0xb2: {  	_ =	swait.ge [sflag:s5], $0x50  }
0xb3: {  	[sflag:s5] =	ssyncset.done $0x0  }
0xb4: {  	[sflag:s5] =	ssyncadd.s32 $0xFFFFFFB0  }
0xb5: {  	_ =	swait.ge [sflag:s24], $0x2800  }
0xb6: {  	[sflag:s24] =	ssyncset.done $0x0  }
0xb7: {  	[sflag:s24] =	ssyncadd.s32 $0xFFFFD800  }
0xb8: {  	[spmem:s1] =	stream.indirect.scatter.add.f32 [tilespmem:s28], [sflag:$0x7], $0x80, s23, s26, $0xb8;
	[tilespmem:$0x1D980] =	vst v63  }
0xb9: {  	_ =	swait.ge [sflag:s7], $0x2800  }
0xba: {  	[sflag:s7] =	ssyncset.done $0x0  }
0xbb: {  	[sflag:s7] =	ssyncadd.s32 $0xFFFFD800  }
0xbc: {  	_ =	swait.ge [sflag:s9], $0x50  }
0xbd: {  	[sflag:s9] =	ssyncset.done $0x0  }
0xbe: {  	[sflag:s9] =	ssyncadd.s32 $0xFFFFFFB0  }
0xbf: {  	_ =	swait.ge [sflag:s25], $0x2800  }
0xc0: {  	[sflag:s25] =	ssyncset.done $0x0  }
0xc1: {  	[sflag:s25] =	ssyncadd.s32 $0xFFFFD800  }
0xc2: {  	[spmem:s1] =	stream.indirect.scatter.add.f32 [tilespmem:s30], [sflag:$0x7], $0x80, s29, s26, $0xb8;
	[tilespmem:$0x1D980] =	vst v63  }
0xc3: {  	_ =	swait.ge [sflag:s7], $0x2800  }
0xc4: {  	[sflag:s7] =	ssyncset.done $0x0  }
0xc5: {  	[sflag:s7] =	ssyncadd.s32 $0xFFFFD800  }
0xc6: {  	[bflag:$0x0] =	sbarrier.arrive $0xFFFF  }
0xc7: {  	s18 =	rddreg [dreg:$0x5]  }
0xc8: {  	s15 =	rddreg [dreg:$0xe];
	s8 =	sor.u32 $0x1C07, s18  }
0xc9: {  	[hbm:s15], [sflag:s8] =	dma.local [spmem:s14], $0x2700  }
0xca: {  	_ =	swait.ge [sflag:s7], $0x2700  }
0xcb: {  	[sflag:s7] =	ssyncset.done $0x0  }
0xcc: {  	s14 =	rddreg [dreg:$0xf];
	[sflag:s7] =	ssyncadd.s32 $0xFFFFD900  }
0xcd: {  	[hbm:s14], [sflag:s8] =	dma.local @!p0 [spmem:s13], $0x100  }
0xce: {  	s8 =	simm.s32 @!p0 $0x7  }
0xcf: {  	_ =	swait.ge @!p0 [sflag:s8], $0x100  }
0xd0: {  	s12 =	sadd.s32 $0x1, s12;
	s19 =	rddreg [dreg:$0x10]  }
0xd1: {  	p1 =	sne.s32 s12, s19  }
.Ltmp1:
0xd2: {  	_ = 	snop;
	(pc) =	sbr.rel @p1 .LBB2_1-.Ltmp1, $3  }
0xd3: {  	_ =	sdelay $0x1  }
0xd4: {  	[sflag:s8] =	ssyncset.done @!p0 $0x0  }
0xd5: {  	[sflag:s8] =	ssyncadd.s32 @!p0 $0xFFFFFF00  }
0xd6: {  	_ =	sfence.sel $0x180000  }
0xd7: {  	[bflag:$0x0] =	sbarrier.arrive $0xFFFF  }
0xd8: {  	_ =	strace $0x90000053  }
0xd9: {  	[bflag:$0x2] =	sbarrier.arrive $0xFFFF  }
0xda: {  	s0 =	rddreg [dreg:$0x2]  }
0xdb: {  	s0 =	sadd.s32 @!p0 $0x100000, s0  }
0xdc: {  	[sflag:s0] =	ssyncadd.tile.s32 @!p0 $0x1;
	_ =	shalt  }
.Lfunc_end2:
_tile_overlayer_lowered:
.L_overlay_start_2:
0xdd: {  	(tag) =	ssettag $0x2  }
0xde: {  	s0 =	rddreg [dreg:$0x0];
	s2 =	stileid.u32  }
0xdf: {  	s1 =	rddreg [dreg:$0x1];
	p0 =	sne.s32 s2, $0x0  }
0xe0: {  	s3 =	rddreg [dreg:$0x2];
	[bflag:$0x3] =	sbarrier.arrive $0xFFFF;
	s2 =	simm.s32 @!p0 $0x1C07  }
0xe1: {  	[timem:s3], [sflag:s2] =	dma.local @!p0 [hbm:s0], s1  }
0xe2: {  	s0 =	simm.s32 @!p0 $0x7  }
0xe3: {  	_ =	swait.ge @!p0 [sflag:s0], s1  }
0xe4: {  	s1 =	ssub.s32 @!p0 $0x0, s1;
	[sflag:s0] =	ssyncset.done @!p0 $0x0  }
0xe5: {  	[sflag:s0] =	ssyncadd.s32 @!p0 s1  }
0xe6: {  	[bflag:$0x3] =	sbarrier.arrive $0xFFFF  }
0xe7: {  	_ =	shalt  }

</sc_bundles>
